<compile_context>
chip_gen: v7x
topology: tpu7x:2x2x1
jax: 0.10.2.dev20260603
libtpu: 0.0.44.dev20260713+nightly
codegen_flags: <defaults>
</compile_context>

<pallas_src>
import jax
import jax.numpy as jnp
from jax import lax
from jax.experimental import pallas as pl
from jax.experimental.pallas import tpu as pltpu
from jax.experimental.pallas import tpu_sc as plsc

D = 1024
NC = 2
NS = 16
NW = NC * NS
B = 4 * 8192
BPW = B // NW
C = 32
NCH = BPW // C
NBUF = 3


def _pe_body(idx_hbm, table_hbm, out_hbm, idx_v, rows_v, *sems):
    gsems, osems = sems[:NBUF], sems[NBUF:]
    wid = lax.axis_index("s") * NC + lax.axis_index("c")
    base = wid * BPW
    head = 8
    pltpu.sync_copy(idx_hbm.at[wid].at[pl.ds(0, head)],
                    idx_v.at[pl.ds(0, head)])

    def start_gather(j):
        slot = j % NBUF
        return pltpu.async_copy(
            table_hbm.at[idx_v.at[j]], rows_v.at[slot], gsems[slot])

    gather = [None] * NBUF
    outcp = [None] * NBUF
    out_waited = [True] * NBUF
    for j in range(min(NBUF - 1, NCH)):
        gather[j % NBUF] = start_gather(j)
    pltpu.sync_copy(idx_hbm.at[wid].at[pl.ds(head, NCH - head)],
                    idx_v.at[pl.ds(head, NCH - head)])
    for j in range(NCH):
        b = j % NBUF
        nj = j + NBUF - 1
        if nj < NCH:
            nb = nj % NBUF
            if not out_waited[nb]:
                outcp[nb].wait()
                out_waited[nb] = True
            gather[nb] = start_gather(nj)
        gather[b].wait()
        outcp[b] = pltpu.async_copy(
            rows_v.at[b], out_hbm.at[pl.ds(base + j * C, C)], osems[b])
        out_waited[b] = False
    for b in range(NBUF):
        if not out_waited[b]:
            outcp[b].wait()


def kernel(x, table):
    idx = x.reshape(NW, NCH, C).astype(jnp.int32)
    mesh = plsc.VectorSubcoreMesh(core_axis_name="c", subcore_axis_name="s")
    out = pl.kernel(
        _pe_body,
        mesh=mesh,
        out_type=jax.ShapeDtypeStruct((B, D), jnp.float32),
        scratch_types=[
            pltpu.VMEM((NCH, C), jnp.int32),
            pltpu.VMEM((NBUF, C, D), jnp.float32),
        ] + [pltpu.SemaphoreType.DMA] * (2 * NBUF),
    )(idx, table)
    return out.reshape(x.shape[0], x.shape[1], D)

# --- scband reference (transcript-rebuilt; emitter-appended) ---
"""Pipeline reference for scband-positional-encoding-747324309872 (READ-ONLY COPY).

The authoritative reference and input builder live on the scoring server;
editing this copy changes nothing except your own understanding.
"""

import jax, jax.numpy as jnp
import numpy as np

MAX_SEQ_LEN = 8192
OUT_D = 1024

def _make_table(max_seq_len, out_d):
    pos = np.arange(max_seq_len, dtype=np.float64)[:, None]
    j = np.arange(out_d)[None, :]
    pe = pos / np.power(10000.0, 2.0 * (j // 2) / out_d)
    pe[:, 0::2] = np.sin(pe[:, 0::2])
    pe[:, 1::2] = np.cos(pe[:, 1::2])
    return jnp.asarray(pe, dtype=jnp.float32)

def setup_inputs(seed: int = 0) -> dict:
    key = jax.random.key(seed)
    x = jax.random.randint(key, (4, 8192, 1), 0, MAX_SEQ_LEN, dtype=jnp.int64)
    table = _make_table(MAX_SEQ_LEN, OUT_D)
    return {"x": x, "table": table}

def reference(x, table):
    idx = jnp.squeeze(x, axis=-1).astype(jnp.int32)
    return jnp.take(table, idx, axis=0)

if __name__ == "__main__":
    import jax
    _d = setup_inputs()
    print(jax.jit(kernel)(*tuple(_d.values())))

</pallas_src>

<mosaic_0001>
#map = affine_map<(d0, d1) -> (0, 0, 0)>
#map1 = affine_map<(d0, d1) -> (0, 0)>
module attributes {stable_mosaic.version = 14 : i64} {
  func.func @_pe_body(%arg0: i32, %arg1: i32, %arg2: memref<32x32x32xi32, #tpu.memory_space<hbm>>, %arg3: memref<8192x1024xf32, #tpu.memory_space<hbm>>, %arg4: memref<32768x1024xf32, #tpu.memory_space<hbm>>, %arg5: memref<32x32xi32, #tpu.memory_space<vmem>>, %arg6: memref<3x32x1024xf32, #tpu.memory_space<vmem>>, %arg7: memref<!tpu.dma_semaphore, #tpu.memory_space<semaphore_mem>>, %arg8: memref<!tpu.dma_semaphore, #tpu.memory_space<semaphore_mem>>, %arg9: memref<!tpu.dma_semaphore, #tpu.memory_space<semaphore_mem>>, %arg10: memref<!tpu.dma_semaphore, #tpu.memory_space<semaphore_mem>>, %arg11: memref<!tpu.dma_semaphore, #tpu.memory_space<semaphore_mem>>, %arg12: memref<!tpu.dma_semaphore, #tpu.memory_space<semaphore_mem>>) attributes {dimension_semantics = [#tpu.dimension_semantics<core_parallel>, #tpu.dimension_semantics<subcore_parallel>], iteration_bounds = array<i64: 2, 16>, scalar_prefetch = 0 : i64, scratch_operands = 8 : i64, tpu.core_type = #tpu.core_type<sc_vector_subcore>, window_params = [{transform_indices = #map}, {transform_indices = #map1}, {transform_indices = #map1}]} {
    %mul3A = arith.constant 2 : i32
    %mul3A_0 = arith.muli %arg1, %mul3A : i32
    %add3A = arith.addi %mul3A_0, %arg0 : i32
    %mul3A_1 = arith.constant 1024 : i32
    %mul3A_2 = arith.muli %add3A, %mul3A_1 : i32
    "tpu.region"() ({
      %run_scoped3A = tpu.sem_alloc : memref<!tpu.dma_semaphore, #tpu.memory_space<semaphore_mem>>
      %dma_start3A_1665 = arith.constant 0 : i32
      %dma_start3A_1666 = arith.constant 0 : i32
      %dma_start3A_1667 = tpu.memref_slice %arg5[%dma_start3A_1665, %dma_start3A_1666] : memref<32x32xi32, #tpu.memory_space<vmem>> -> memref<8x32xi32, #tpu.memory_space<vmem>>
      %dma_start3A_1668 = arith.constant 0 : i32
      %dma_start3A_1669 = arith.constant 0 : i32
      %dma_start3A_1670 = tpu.memref_slice %arg2[%add3A, %dma_start3A_1668, %dma_start3A_1669] : memref<32x32x32xi32, #tpu.memory_space<hbm>> -> memref<1x32x32xi32, #tpu.memory_space<hbm>>
      %dma_start3A_1671 = tpu.memref_squeeze %dma_start3A_1670 : memref<1x32x32xi32, #tpu.memory_space<hbm>> -> memref<32x32xi32, #tpu.memory_space<hbm>>
      %dma_start3A_1672 = arith.constant 0 : i32
      %dma_start3A_1673 = arith.constant 0 : i32
      %dma_start3A_1674 = tpu.memref_slice %dma_start3A_1671[%dma_start3A_1672, %dma_start3A_1673] : memref<32x32xi32, #tpu.memory_space<hbm>> -> memref<8x32xi32, #tpu.memory_space<hbm>>
      %dma_start3A_1675 = arith.constant 0 : i32
      %dma_start3A_1676 = arith.constant 0 : i32
      %dma_start3A_1677 = tpu.memref_slice %arg5[%dma_start3A_1675, %dma_start3A_1676] : memref<32x32xi32, #tpu.memory_space<vmem>> -> memref<8x32xi32, #tpu.memory_space<vmem>>
      %dma_start3A_1678 = arith.constant 0 : i32
      %dma_start3A_1679 = arith.constant 0 : i32
      %dma_start3A_1680 = tpu.memref_slice %arg2[%add3A, %dma_start3A_1678, %dma_start3A_1679] : memref<32x32x32xi32, #tpu.memory_space<hbm>> -> memref<1x32x32xi32, #tpu.memory_space<hbm>>
      %dma_start3A_1681 = tpu.memref_squeeze %dma_start3A_1680 : memref<1x32x32xi32, #tpu.memory_space<hbm>> -> memref<32x32xi32, #tpu.memory_space<hbm>>
      %dma_start3A_1682 = arith.constant 0 : i32
      %dma_start3A_1683 = arith.constant 0 : i32
      %dma_start3A_1684 = tpu.memref_slice %dma_start3A_1681[%dma_start3A_1682, %dma_start3A_1683] : memref<32x32xi32, #tpu.memory_space<hbm>> -> memref<8x32xi32, #tpu.memory_space<hbm>>
      tpu.enqueue_dma source(%dma_start3A_1684 : memref<8x32xi32, #tpu.memory_space<hbm>>) target(%dma_start3A_1677 : memref<8x32xi32, #tpu.memory_space<vmem>>) target_semaphore(%run_scoped3A : memref<!tpu.dma_semaphore, #tpu.memory_space<semaphore_mem>>)
      %dma_wait3A_1685 = arith.constant 0 : i32
      %dma_wait3A_1686 = arith.constant 0 : i32
      %dma_wait3A_1687 = tpu.memref_slice %arg5[%dma_wait3A_1685, %dma_wait3A_1686] : memref<32x32xi32, #tpu.memory_space<vmem>> -> memref<8x32xi32, #tpu.memory_space<vmem>>
      %dma_wait3A_1688 = arith.constant 0 : i32
      %dma_wait3A_1689 = arith.constant 0 : i32
      %dma_wait3A_1690 = tpu.memref_slice %arg2[%add3A, %dma_wait3A_1688, %dma_wait3A_1689] : memref<32x32x32xi32, #tpu.memory_space<hbm>> -> memref<1x32x32xi32, #tpu.memory_space<hbm>>
      %dma_wait3A_1691 = tpu.memref_squeeze %dma_wait3A_1690 : memref<1x32x32xi32, #tpu.memory_space<hbm>> -> memref<32x32xi32, #tpu.memory_space<hbm>>
      %dma_wait3A_1692 = arith.constant 0 : i32
      %dma_wait3A_1693 = arith.constant 0 : i32
      %dma_wait3A_1694 = tpu.memref_slice %dma_wait3A_1691[%dma_wait3A_1692, %dma_wait3A_1693] : memref<32x32xi32, #tpu.memory_space<hbm>> -> memref<8x32xi32, #tpu.memory_space<hbm>>
      %dma_wait3A_1695 = arith.constant 0 : i32
      %dma_wait3A_1696 = arith.constant 0 : i32
      %dma_wait3A_1697 = tpu.memref_slice %arg5[%dma_wait3A_1695, %dma_wait3A_1696] : memref<32x32xi32, #tpu.memory_space<vmem>> -> memref<8x32xi32, #tpu.memory_space<vmem>>
      %dma_wait3A_1698 = arith.constant 0 : i32
      %dma_wait3A_1699 = arith.constant 0 : i32
      %dma_wait3A_1700 = tpu.memref_slice %arg2[%add3A, %dma_wait3A_1698, %dma_wait3A_1699] : memref<32x32x32xi32, #tpu.memory_space<hbm>> -> memref<1x32x32xi32, #tpu.memory_space<hbm>>
      %dma_wait3A_1701 = tpu.memref_squeeze %dma_wait3A_1700 : memref<1x32x32xi32, #tpu.memory_space<hbm>> -> memref<32x32xi32, #tpu.memory_space<hbm>>
      %dma_wait3A_1702 = arith.constant 0 : i32
      %dma_wait3A_1703 = arith.constant 0 : i32
      %dma_wait3A_1704 = tpu.memref_slice %dma_wait3A_1701[%dma_wait3A_1702, %dma_wait3A_1703] : memref<32x32xi32, #tpu.memory_space<hbm>> -> memref<8x32xi32, #tpu.memory_space<hbm>>
      tpu.wait_dma2 semaphore(%run_scoped3A : memref<!tpu.dma_semaphore, #tpu.memory_space<semaphore_mem>>) src(%dma_wait3A_1704 : memref<8x32xi32, #tpu.memory_space<hbm>>) dst(%dma_wait3A_1697 : memref<8x32xi32, #tpu.memory_space<vmem>>)
      tpu.yield
    }) : () -> ()
    %dma_start3A = arith.constant 0 : i32
    %dma_start3A_3 = arith.constant 0 : i32
    %dma_start3A_4 = arith.constant 0 : i32
    %dma_start3A_5 = arith.constant 0 : i32
    %dma_start3A_6 = tpu.memref_slice %arg6[%dma_start3A_3, %dma_start3A_4, %dma_start3A_5] : memref<3x32x1024xf32, #tpu.memory_space<vmem>> -> memref<1x32x1024xf32, #tpu.memory_space<vmem>>
    %dma_start3A_7 = tpu.memref_squeeze %dma_start3A_6 : memref<1x32x1024xf32, #tpu.memory_space<vmem>> -> memref<32x1024xf32, #tpu.memory_space<vmem>>
    %dma_start3A_8 = arith.constant 0 : i32
    %dma_start3A_9 = tpu.memref_slice %arg5[%dma_start3A, %dma_start3A_8] : memref<32x32xi32, #tpu.memory_space<vmem>> -> memref<1x32xi32, #tpu.memory_space<vmem>>
    %dma_start3A_10 = tpu.memref_squeeze %dma_start3A_9 : memref<1x32xi32, #tpu.memory_space<vmem>> -> memref<32xi32, #tpu.memory_space<vmem>>
    %dma_start3A_11 = arith.constant 0 : i32
    %dma_start3A_12 = arith.constant 0 : i32
    %dma_start3A_13 = tpu.memref_slice %arg3[%dma_start3A_11, %dma_start3A_12] : memref<8192x1024xf32, #tpu.memory_space<hbm>> -> memref<8192x1024xf32, #tpu.memory_space<hbm>>
    tpu.enqueue_indirect_dma source(%dma_start3A_13 : memref<8192x1024xf32, #tpu.memory_space<hbm>>) target(%dma_start3A_7 : memref<32x1024xf32, #tpu.memory_space<vmem>>) offsets(%dma_start3A_10 : memref<32xi32, #tpu.memory_space<vmem>>) semaphore(%arg7 : memref<!tpu.dma_semaphore, #tpu.memory_space<semaphore_mem>>)
    %dma_start3A_14 = arith.constant 1 : i32
    %dma_start3A_15 = arith.constant 1 : i32
    %dma_start3A_16 = arith.constant 0 : i32
    %dma_start3A_17 = arith.constant 0 : i32
    %dma_start3A_18 = tpu.memref_slice %arg6[%dma_start3A_15, %dma_start3A_16, %dma_start3A_17] : memref<3x32x1024xf32, #tpu.memory_space<vmem>> -> memref<1x32x1024xf32, #tpu.memory_space<vmem>>
    %dma_start3A_19 = tpu.memref_squeeze %dma_start3A_18 : memref<1x32x1024xf32, #tpu.memory_space<vmem>> -> memref<32x1024xf32, #tpu.memory_space<vmem>>
    %dma_start3A_20 = arith.constant 0 : i32
    %dma_start3A_21 = tpu.memref_slice %arg5[%dma_start3A_14, %dma_start3A_20] : memref<32x32xi32, #tpu.memory_space<vmem>> -> memref<1x32xi32, #tpu.memory_space<vmem>>
    %dma_start3A_22 = tpu.memref_squeeze %dma_start3A_21 : memref<1x32xi32, #tpu.memory_space<vmem>> -> memref<32xi32, #tpu.memory_space<vmem>>
    %dma_start3A_23 = arith.constant 0 : i32
    %dma_start3A_24 = arith.constant 0 : i32
    %dma_start3A_25 = tpu.memref_slice %arg3[%dma_start3A_23, %dma_start3A_24] : memref<8192x1024xf32, #tpu.memory_space<hbm>> -> memref<8192x1024xf32, #tpu.memory_space<hbm>>
    tpu.enqueue_indirect_dma source(%dma_start3A_25 : memref<8192x1024xf32, #tpu.memory_space<hbm>>) target(%dma_start3A_19 : memref<32x1024xf32, #tpu.memory_space<vmem>>) offsets(%dma_start3A_22 : memref<32xi32, #tpu.memory_space<vmem>>) semaphore(%arg8 : memref<!tpu.dma_semaphore, #tpu.memory_space<semaphore_mem>>)
    "tpu.region"() ({
      %run_scoped3A = tpu.sem_alloc : memref<!tpu.dma_semaphore, #tpu.memory_space<semaphore_mem>>
      %dma_start3A_1665 = arith.constant 8 : i32
      %dma_start3A_1666 = arith.constant 0 : i32
      %dma_start3A_1667 = tpu.memref_slice %arg5[%dma_start3A_1665, %dma_start3A_1666] : memref<32x32xi32, #tpu.memory_space<vmem>> -> memref<24x32xi32, #tpu.memory_space<vmem>>
      %dma_start3A_1668 = arith.constant 0 : i32
      %dma_start3A_1669 = arith.constant 0 : i32
      %dma_start3A_1670 = tpu.memref_slice %arg2[%add3A, %dma_start3A_1668, %dma_start3A_1669] : memref<32x32x32xi32, #tpu.memory_space<hbm>> -> memref<1x32x32xi32, #tpu.memory_space<hbm>>
      %dma_start3A_1671 = tpu.memref_squeeze %dma_start3A_1670 : memref<1x32x32xi32, #tpu.memory_space<hbm>> -> memref<32x32xi32, #tpu.memory_space<hbm>>
      %dma_start3A_1672 = arith.constant 8 : i32
      %dma_start3A_1673 = arith.constant 0 : i32
      %dma_start3A_1674 = tpu.memref_slice %dma_start3A_1671[%dma_start3A_1672, %dma_start3A_1673] : memref<32x32xi32, #tpu.memory_space<hbm>> -> memref<24x32xi32, #tpu.memory_space<hbm>>
      %dma_start3A_1675 = arith.constant 8 : i32
      %dma_start3A_1676 = arith.constant 0 : i32
      %dma_start3A_1677 = tpu.memref_slice %arg5[%dma_start3A_1675, %dma_start3A_1676] : memref<32x32xi32, #tpu.memory_space<vmem>> -> memref<24x32xi32, #tpu.memory_space<vmem>>
      %dma_start3A_1678 = arith.constant 0 : i32
      %dma_start3A_1679 = arith.constant 0 : i32
      %dma_start3A_1680 = tpu.memref_slice %arg2[%add3A, %dma_start3A_1678, %dma_start3A_1679] : memref<32x32x32xi32, #tpu.memory_space<hbm>> -> memref<1x32x32xi32, #tpu.memory_space<hbm>>
      %dma_start3A_1681 = tpu.memref_squeeze %dma_start3A_1680 : memref<1x32x32xi32, #tpu.memory_space<hbm>> -> memref<32x32xi32, #tpu.memory_space<hbm>>
      %dma_start3A_1682 = arith.constant 8 : i32
      %dma_start3A_1683 = arith.constant 0 : i32
      %dma_start3A_1684 = tpu.memref_slice %dma_start3A_1681[%dma_start3A_1682, %dma_start3A_1683] : memref<32x32xi32, #tpu.memory_space<hbm>> -> memref<24x32xi32, #tpu.memory_space<hbm>>
      tpu.enqueue_dma source(%dma_start3A_1684 : memref<24x32xi32, #tpu.memory_space<hbm>>) target(%dma_start3A_1677 : memref<24x32xi32, #tpu.memory_space<vmem>>) target_semaphore(%run_scoped3A : memref<!tpu.dma_semaphore, #tpu.memory_space<semaphore_mem>>)
      %dma_wait3A_1685 = arith.constant 8 : i32
      %dma_wait3A_1686 = arith.constant 0 : i32
      %dma_wait3A_1687 = tpu.memref_slice %arg5[%dma_wait3A_1685, %dma_wait3A_1686] : memref<32x32xi32, #tpu.memory_space<vmem>> -> memref<24x32xi32, #tpu.memory_space<vmem>>
      %dma_wait3A_1688 = arith.constant 0 : i32
      %dma_wait3A_1689 = arith.constant 0 : i32
      %dma_wait3A_1690 = tpu.memref_slice %arg2[%add3A, %dma_wait3A_1688, %dma_wait3A_1689] : memref<32x32x32xi32, #tpu.memory_space<hbm>> -> memref<1x32x32xi32, #tpu.memory_space<hbm>>
      %dma_wait3A_1691 = tpu.memref_squeeze %dma_wait3A_1690 : memref<1x32x32xi32, #tpu.memory_space<hbm>> -> memref<32x32xi32, #tpu.memory_space<hbm>>
      %dma_wait3A_1692 = arith.constant 8 : i32
      %dma_wait3A_1693 = arith.constant 0 : i32
      %dma_wait3A_1694 = tpu.memref_slice %dma_wait3A_1691[%dma_wait3A_1692, %dma_wait3A_1693] : memref<32x32xi32, #tpu.memory_space<hbm>> -> memref<24x32xi32, #tpu.memory_space<hbm>>
      %dma_wait3A_1695 = arith.constant 8 : i32
      %dma_wait3A_1696 = arith.constant 0 : i32
      %dma_wait3A_1697 = tpu.memref_slice %arg5[%dma_wait3A_1695, %dma_wait3A_1696] : memref<32x32xi32, #tpu.memory_space<vmem>> -> memref<24x32xi32, #tpu.memory_space<vmem>>
      %dma_wait3A_1698 = arith.constant 0 : i32
      %dma_wait3A_1699 = arith.constant 0 : i32
      %dma_wait3A_1700 = tpu.memref_slice %arg2[%add3A, %dma_wait3A_1698, %dma_wait3A_1699] : memref<32x32x32xi32, #tpu.memory_space<hbm>> -> memref<1x32x32xi32, #tpu.memory_space<hbm>>
      %dma_wait3A_1701 = tpu.memref_squeeze %dma_wait3A_1700 : memref<1x32x32xi32, #tpu.memory_space<hbm>> -> memref<32x32xi32, #tpu.memory_space<hbm>>
      %dma_wait3A_1702 = arith.constant 8 : i32
      %dma_wait3A_1703 = arith.constant 0 : i32
      %dma_wait3A_1704 = tpu.memref_slice %dma_wait3A_1701[%dma_wait3A_1702, %dma_wait3A_1703] : memref<32x32xi32, #tpu.memory_space<hbm>> -> memref<24x32xi32, #tpu.memory_space<hbm>>
      tpu.wait_dma2 semaphore(%run_scoped3A : memref<!tpu.dma_semaphore, #tpu.memory_space<semaphore_mem>>) src(%dma_wait3A_1704 : memref<24x32xi32, #tpu.memory_space<hbm>>) dst(%dma_wait3A_1697 : memref<24x32xi32, #tpu.memory_space<vmem>>)
      tpu.yield
    }) : () -> ()
    %dma_start3A_26 = arith.constant 2 : i32
    %dma_start3A_27 = arith.constant 2 : i32
    %dma_start3A_28 = arith.constant 0 : i32
    %dma_start3A_29 = arith.constant 0 : i32
    %dma_start3A_30 = tpu.memref_slice %arg6[%dma_start3A_27, %dma_start3A_28, %dma_start3A_29] : memref<3x32x1024xf32, #tpu.memory_space<vmem>> -> memref<1x32x1024xf32, #tpu.memory_space<vmem>>
    %dma_start3A_31 = tpu.memref_squeeze %dma_start3A_30 : memref<1x32x1024xf32, #tpu.memory_space<vmem>> -> memref<32x1024xf32, #tpu.memory_space<vmem>>
    %dma_start3A_32 = arith.constant 0 : i32
    %dma_start3A_33 = tpu.memref_slice %arg5[%dma_start3A_26, %dma_start3A_32] : memref<32x32xi32, #tpu.memory_space<vmem>> -> memref<1x32xi32, #tpu.memory_space<vmem>>
    %dma_start3A_34 = tpu.memref_squeeze %dma_start3A_33 : memref<1x32xi32, #tpu.memory_space<vmem>> -> memref<32xi32, #tpu.memory_space<vmem>>
    %dma_start3A_35 = arith.constant 0 : i32
    %dma_start3A_36 = arith.constant 0 : i32
    %dma_start3A_37 = tpu.memref_slice %arg3[%dma_start3A_35, %dma_start3A_36] : memref<8192x1024xf32, #tpu.memory_space<hbm>> -> memref<8192x1024xf32, #tpu.memory_space<hbm>>
    tpu.enqueue_indirect_dma source(%dma_start3A_37 : memref<8192x1024xf32, #tpu.memory_space<hbm>>) target(%dma_start3A_31 : memref<32x1024xf32, #tpu.memory_space<vmem>>) offsets(%dma_start3A_34 : memref<32xi32, #tpu.memory_space<vmem>>) semaphore(%arg9 : memref<!tpu.dma_semaphore, #tpu.memory_space<semaphore_mem>>)
    %dma_wait3A = arith.constant 0 : i32
    %dma_wait3A_38 = arith.constant 0 : i32
    %dma_wait3A_39 = arith.constant 0 : i32
    %dma_wait3A_40 = arith.constant 0 : i32
    %dma_wait3A_41 = tpu.memref_slice %arg6[%dma_wait3A_38, %dma_wait3A_39, %dma_wait3A_40] : memref<3x32x1024xf32, #tpu.memory_space<vmem>> -> memref<1x32x1024xf32, #tpu.memory_space<vmem>>
    %dma_wait3A_42 = tpu.memref_squeeze %dma_wait3A_41 : memref<1x32x1024xf32, #tpu.memory_space<vmem>> -> memref<32x1024xf32, #tpu.memory_space<vmem>>
    %dma_wait3A_43 = arith.constant 0 : i32
    %dma_wait3A_44 = tpu.memref_slice %arg5[%dma_wait3A, %dma_wait3A_43] : memref<32x32xi32, #tpu.memory_space<vmem>> -> memref<1x32xi32, #tpu.memory_space<vmem>>
    %dma_wait3A_45 = tpu.memref_squeeze %dma_wait3A_44 : memref<1x32xi32, #tpu.memory_space<vmem>> -> memref<32xi32, #tpu.memory_space<vmem>>
    %dma_wait3A_46 = arith.constant 0 : i32
    %dma_wait3A_47 = arith.constant 0 : i32
    %dma_wait3A_48 = tpu.memref_slice %arg3[%dma_wait3A_46, %dma_wait3A_47] : memref<8192x1024xf32, #tpu.memory_space<hbm>> -> memref<8192x1024xf32, #tpu.memory_space<hbm>>
    tpu.wait_indirect_dma semaphore(%arg7 : memref<!tpu.dma_semaphore, #tpu.memory_space<semaphore_mem>>) src(%dma_wait3A_48 : memref<8192x1024xf32, #tpu.memory_space<hbm>>) dst(%dma_wait3A_42 : memref<32x1024xf32, #tpu.memory_space<vmem>>)
    %add3A_49 = arith.constant 0 : i32
    %add3A_50 = arith.addi %mul3A_2, %add3A_49 : i32
    %dma_start3A_51 = arith.constant 0 : i32
    %dma_start3A_52 = arith.constant 0 : i32
    %dma_start3A_53 = arith.constant 0 : i32
    %dma_start3A_54 = tpu.memref_slice %arg6[%dma_start3A_51, %dma_start3A_52, %dma_start3A_53] : memref<3x32x1024xf32, #tpu.memory_space<vmem>> -> memref<1x32x1024xf32, #tpu.memory_space<vmem>>
    %dma_start3A_55 = tpu.memref_squeeze %dma_start3A_54 : memref<1x32x1024xf32, #tpu.memory_space<vmem>> -> memref<32x1024xf32, #tpu.memory_space<vmem>>
    %dma_start3A_56 = arith.constant 0 : i32
    %dma_start3A_57 = tpu.memref_slice %arg4[%add3A_50, %dma_start3A_56] : memref<32768x1024xf32, #tpu.memory_space<hbm>> -> memref<32x1024xf32, #tpu.memory_space<hbm>>
    %dma_start3A_58 = arith.constant 0 : i32
    %dma_start3A_59 = tpu.memref_slice %arg4[%add3A_50, %dma_start3A_58] : memref<32768x1024xf32, #tpu.memory_space<hbm>> -> memref<32x1024xf32, #tpu.memory_space<hbm>>
    %dma_start3A_60 = arith.constant 0 : i32
    %dma_start3A_61 = arith.constant 0 : i32
    %dma_start3A_62 = tpu.memref_slice %arg6[%dma_start3A_51, %dma_start3A_60, %dma_start3A_61] : memref<3x32x1024xf32, #tpu.memory_space<vmem>> -> memref<1x32x1024xf32, #tpu.memory_space<vmem>>
    %dma_start3A_63 = tpu.memref_squeeze %dma_start3A_62 : memref<1x32x1024xf32, #tpu.memory_space<vmem>> -> memref<32x1024xf32, #tpu.memory_space<vmem>>
    tpu.enqueue_dma source(%dma_start3A_63 : memref<32x1024xf32, #tpu.memory_space<vmem>>) target(%dma_start3A_59 : memref<32x1024xf32, #tpu.memory_space<hbm>>) target_semaphore(%arg10 : memref<!tpu.dma_semaphore, #tpu.memory_space<semaphore_mem>>)
    %dma_wait3A_64 = arith.constant 0 : i32
    %dma_wait3A_65 = arith.constant 0 : i32
    %dma_wait3A_66 = arith.constant 0 : i32
    %dma_wait3A_67 = tpu.memref_slice %arg6[%dma_wait3A_64, %dma_wait3A_65, %dma_wait3A_66] : memref<3x32x1024xf32, #tpu.memory_space<vmem>> -> memref<1x32x1024xf32, #tpu.memory_space<vmem>>
    %dma_wait3A_68 = tpu.memref_squeeze %dma_wait3A_67 : memref<1x32x1024xf32, #tpu.memory_space<vmem>> -> memref<32x1024xf32, #tpu.memory_space<vmem>>
    %dma_wait3A_69 = arith.constant 0 : i32
    %dma_wait3A_70 = tpu.memref_slice %arg4[%add3A_50, %dma_wait3A_69] : memref<32768x1024xf32, #tpu.memory_space<hbm>> -> memref<32x1024xf32, #tpu.memory_space<hbm>>
    %dma_wait3A_71 = arith.constant 0 : i32
    %dma_wait3A_72 = tpu.memref_slice %arg4[%add3A_50, %dma_wait3A_71] : memref<32768x1024xf32, #tpu.memory_space<hbm>> -> memref<32x1024xf32, #tpu.memory_space<hbm>>
    %dma_wait3A_73 = arith.constant 0 : i32
    %dma_wait3A_74 = arith.constant 0 : i32
    %dma_wait3A_75 = tpu.memref_slice %arg6[%dma_wait3A_64, %dma_wait3A_73, %dma_wait3A_74] : memref<3x32x1024xf32, #tpu.memory_space<vmem>> -> memref<1x32x1024xf32, #tpu.memory_space<vmem>>
    %dma_wait3A_76 = tpu.memref_squeeze %dma_wait3A_75 : memref<1x32x1024xf32, #tpu.memory_space<vmem>> -> memref<32x1024xf32, #tpu.memory_space<vmem>>
    tpu.wait_dma2 semaphore(%arg10 : memref<!tpu.dma_semaphore, #tpu.memory_space<semaphore_mem>>) src(%dma_wait3A_76 : memref<32x1024xf32, #tpu.memory_space<vmem>>) dst(%dma_wait3A_72 : memref<32x1024xf32, #tpu.memory_space<hbm>>)
    %dma_start3A_77 = arith.constant 3 : i32
    %dma_start3A_78 = arith.constant 0 : i32
    %dma_start3A_79 = arith.constant 0 : i32
    %dma_start3A_80 = arith.constant 0 : i32
    %dma_start3A_81 = tpu.memref_slice %arg6[%dma_start3A_78, %dma_start3A_79, %dma_start3A_80] : memref<3x32x1024xf32, #tpu.memory_space<vmem>> -> memref<1x32x1024xf32, #tpu.memory_space<vmem>>
    %dma_start3A_82 = tpu.memref_squeeze %dma_start3A_81 : memref<1x32x1024xf32, #tpu.memory_space<vmem>> -> memref<32x1024xf32, #tpu.memory_space<vmem>>
    %dma_start3A_83 = arith.constant 0 : i32
    %dma_start3A_84 = tpu.memref_slice %arg5[%dma_start3A_77, %dma_start3A_83] : memref<32x32xi32, #tpu.memory_space<vmem>> -> memref<1x32xi32, #tpu.memory_space<vmem>>
    %dma_start3A_85 = tpu.memref_squeeze %dma_start3A_84 : memref<1x32xi32, #tpu.memory_space<vmem>> -> memref<32xi32, #tpu.memory_space<vmem>>
    %dma_start3A_86 = arith.constant 0 : i32
    %dma_start3A_87 = arith.constant 0 : i32
    %dma_start3A_88 = tpu.memref_slice %arg3[%dma_start3A_86, %dma_start3A_87] : memref<8192x1024xf32, #tpu.memory_space<hbm>> -> memref<8192x1024xf32, #tpu.memory_space<hbm>>
    tpu.enqueue_indirect_dma source(%dma_start3A_88 : memref<8192x1024xf32, #tpu.memory_space<hbm>>) target(%dma_start3A_82 : memref<32x1024xf32, #tpu.memory_space<vmem>>) offsets(%dma_start3A_85 : memref<32xi32, #tpu.memory_space<vmem>>) semaphore(%arg7 : memref<!tpu.dma_semaphore, #tpu.memory_space<semaphore_mem>>)
    %dma_wait3A_89 = arith.constant 1 : i32
    %dma_wait3A_90 = arith.constant 1 : i32
    %dma_wait3A_91 = arith.constant 0 : i32
    %dma_wait3A_92 = arith.constant 0 : i32
    %dma_wait3A_93 = tpu.memref_slice %arg6[%dma_wait3A_90, %dma_wait3A_91, %dma_wait3A_92] : memref<3x32x1024xf32, #tpu.memory_space<vmem>> -> memref<1x32x1024xf32, #tpu.memory_space<vmem>>
    %dma_wait3A_94 = tpu.memref_squeeze %dma_wait3A_93 : memref<1x32x1024xf32, #tpu.memory_space<vmem>> -> memref<32x1024xf32, #tpu.memory_space<vmem>>
    %dma_wait3A_95 = arith.constant 0 : i32
    %dma_wait3A_96 = tpu.memref_slice %arg5[%dma_wait3A_89, %dma_wait3A_95] : memref<32x32xi32, #tpu.memory_space<vmem>> -> memref<1x32xi32, #tpu.memory_space<vmem>>
    %dma_wait3A_97 = tpu.memref_squeeze %dma_wait3A_96 : memref<1x32xi32, #tpu.memory_space<vmem>> -> memref<32xi32, #tpu.memory_space<vmem>>
    %dma_wait3A_98 = arith.constant 0 : i32
    %dma_wait3A_99 = arith.constant 0 : i32
    %dma_wait3A_100 = tpu.memref_slice %arg3[%dma_wait3A_98, %dma_wait3A_99] : memref<8192x1024xf32, #tpu.memory_space<hbm>> -> memref<8192x1024xf32, #tpu.memory_space<hbm>>
    tpu.wait_indirect_dma semaphore(%arg8 : memref<!tpu.dma_semaphore, #tpu.memory_space<semaphore_mem>>) src(%dma_wait3A_100 : memref<8192x1024xf32, #tpu.memory_space<hbm>>) dst(%dma_wait3A_94 : memref<32x1024xf32, #tpu.memory_space<vmem>>)
    %add3A_101 = arith.constant 32 : i32
    %add3A_102 = arith.addi %mul3A_2, %add3A_101 : i32
    %dma_start3A_103 = arith.constant 1 : i32
    %dma_start3A_104 = arith.constant 0 : i32
    %dma_start3A_105 = arith.constant 0 : i32
    %dma_start3A_106 = tpu.memref_slice %arg6[%dma_start3A_103, %dma_start3A_104, %dma_start3A_105] : memref<3x32x1024xf32, #tpu.memory_space<vmem>> -> memref<1x32x1024xf32, #tpu.memory_space<vmem>>
    %dma_start3A_107 = tpu.memref_squeeze %dma_start3A_106 : memref<1x32x1024xf32, #tpu.memory_space<vmem>> -> memref<32x1024xf32, #tpu.memory_space<vmem>>
    %dma_start3A_108 = arith.constant 0 : i32
    %dma_start3A_109 = tpu.memref_slice %arg4[%add3A_102, %dma_start3A_108] : memref<32768x1024xf32, #tpu.memory_space<hbm>> -> memref<32x1024xf32, #tpu.memory_space<hbm>>
    %dma_start3A_110 = arith.constant 0 : i32
    %dma_start3A_111 = tpu.memref_slice %arg4[%add3A_102, %dma_start3A_110] : memref<32768x1024xf32, #tpu.memory_space<hbm>> -> memref<32x1024xf32, #tpu.memory_space<hbm>>
    %dma_start3A_112 = arith.constant 0 : i32
    %dma_start3A_113 = arith.constant 0 : i32
    %dma_start3A_114 = tpu.memref_slice %arg6[%dma_start3A_103, %dma_start3A_112, %dma_start3A_113] : memref<3x32x1024xf32, #tpu.memory_space<vmem>> -> memref<1x32x1024xf32, #tpu.memory_space<vmem>>
    %dma_start3A_115 = tpu.memref_squeeze %dma_start3A_114 : memref<1x32x1024xf32, #tpu.memory_space<vmem>> -> memref<32x1024xf32, #tpu.memory_space<vmem>>
    tpu.enqueue_dma source(%dma_start3A_115 : memref<32x1024xf32, #tpu.memory_space<vmem>>) target(%dma_start3A_111 : memref<32x1024xf32, #tpu.memory_space<hbm>>) target_semaphore(%arg11 : memref<!tpu.dma_semaphore, #tpu.memory_space<semaphore_mem>>)
    %dma_wait3A_116 = arith.constant 1 : i32
    %dma_wait3A_117 = arith.constant 0 : i32
    %dma_wait3A_118 = arith.constant 0 : i32
    %dma_wait3A_119 = tpu.memref_slice %arg6[%dma_wait3A_116, %dma_wait3A_117, %dma_wait3A_118] : memref<3x32x1024xf32, #tpu.memory_space<vmem>> -> memref<1x32x1024xf32, #tpu.memory_space<vmem>>
    %dma_wait3A_120 = tpu.memref_squeeze %dma_wait3A_119 : memref<1x32x1024xf32, #tpu.memory_space<vmem>> -> memref<32x1024xf32, #tpu.memory_space<vmem>>
    %dma_wait3A_121 = arith.constant 0 : i32
    %dma_wait3A_122 = tpu.memref_slice %arg4[%add3A_102, %dma_wait3A_121] : memref<32768x1024xf32, #tpu.memory_space<hbm>> -> memref<32x1024xf32, #tpu.memory_space<hbm>>
    %dma_wait3A_123 = arith.constant 0 : i32
    %dma_wait3A_124 = tpu.memref_slice %arg4[%add3A_102, %dma_wait3A_123] : memref<32768x1024xf32, #tpu.memory_space<hbm>> -> memref<32x1024xf32, #tpu.memory_space<hbm>>
    %dma_wait3A_125 = arith.constant 0 : i32
    %dma_wait3A_126 = arith.constant 0 : i32
    %dma_wait3A_127 = tpu.memref_slice %arg6[%dma_wait3A_116, %dma_wait3A_125, %dma_wait3A_126] : memref<3x32x1024xf32, #tpu.memory_space<vmem>> -> memref<1x32x1024xf32, #tpu.memory_space<vmem>>
    %dma_wait3A_128 = tpu.memref_squeeze %dma_wait3A_127 : memref<1x32x1024xf32, #tpu.memory_space<vmem>> -> memref<32x1024xf32, #tpu.memory_space<vmem>>
    tpu.wait_dma2 semaphore(%arg11 : memref<!tpu.dma_semaphore, #tpu.memory_space<semaphore_mem>>) src(%dma_wait3A_128 : memref<32x1024xf32, #tpu.memory_space<vmem>>) dst(%dma_wait3A_124 : memref<32x1024xf32, #tpu.memory_space<hbm>>)
    %dma_start3A_129 = arith.constant 4 : i32
    %dma_start3A_130 = arith.constant 1 : i32
    %dma_start3A_131 = arith.constant 0 : i32
    %dma_start3A_132 = arith.constant 0 : i32
    %dma_start3A_133 = tpu.memref_slice %arg6[%dma_start3A_130, %dma_start3A_131, %dma_start3A_132] : memref<3x32x1024xf32, #tpu.memory_space<vmem>> -> memref<1x32x1024xf32, #tpu.memory_space<vmem>>
    %dma_start3A_134 = tpu.memref_squeeze %dma_start3A_133 : memref<1x32x1024xf32, #tpu.memory_space<vmem>> -> memref<32x1024xf32, #tpu.memory_space<vmem>>
    %dma_start3A_135 = arith.constant 0 : i32
    %dma_start3A_136 = tpu.memref_slice %arg5[%dma_start3A_129, %dma_start3A_135] : memref<32x32xi32, #tpu.memory_space<vmem>> -> memref<1x32xi32, #tpu.memory_space<vmem>>
    %dma_start3A_137 = tpu.memref_squeeze %dma_start3A_136 : memref<1x32xi32, #tpu.memory_space<vmem>> -> memref<32xi32, #tpu.memory_space<vmem>>
    %dma_start3A_138 = arith.constant 0 : i32
    %dma_start3A_139 = arith.constant 0 : i32
    %dma_start3A_140 = tpu.memref_slice %arg3[%dma_start3A_138, %dma_start3A_139] : memref<8192x1024xf32, #tpu.memory_space<hbm>> -> memref<8192x1024xf32, #tpu.memory_space<hbm>>
    tpu.enqueue_indirect_dma source(%dma_start3A_140 : memref<8192x1024xf32, #tpu.memory_space<hbm>>) target(%dma_start3A_134 : memref<32x1024xf32, #tpu.memory_space<vmem>>) offsets(%dma_start3A_137 : memref<32xi32, #tpu.memory_space<vmem>>) semaphore(%arg8 : memref<!tpu.dma_semaphore, #tpu.memory_space<semaphore_mem>>)
    %dma_wait3A_141 = arith.constant 2 : i32
    %dma_wait3A_142 = arith.constant 2 : i32
    %dma_wait3A_143 = arith.constant 0 : i32
    %dma_wait3A_144 = arith.constant 0 : i32
    %dma_wait3A_145 = tpu.memref_slice %arg6[%dma_wait3A_142, %dma_wait3A_143, %dma_wait3A_144] : memref<3x32x1024xf32, #tpu.memory_space<vmem>> -> memref<1x32x1024xf32, #tpu.memory_space<vmem>>
    %dma_wait3A_146 = tpu.memref_squeeze %dma_wait3A_145 : memref<1x32x1024xf32, #tpu.memory_space<vmem>> -> memref<32x1024xf32, #tpu.memory_space<vmem>>
    %dma_wait3A_147 = arith.constant 0 : i32
    %dma_wait3A_148 = tpu.memref_slice %arg5[%dma_wait3A_141, %dma_wait3A_147] : memref<32x32xi32, #tpu.memory_space<vmem>> -> memref<1x32xi32, #tpu.memory_space<vmem>>
    %dma_wait3A_149 = tpu.memref_squeeze %dma_wait3A_148 : memref<1x32xi32, #tpu.memory_space<vmem>> -> memref<32xi32, #tpu.memory_space<vmem>>
    %dma_wait3A_150 = arith.constant 0 : i32
    %dma_wait3A_151 = arith.constant 0 : i32
    %dma_wait3A_152 = tpu.memref_slice %arg3[%dma_wait3A_150, %dma_wait3A_151] : memref<8192x1024xf32, #tpu.memory_space<hbm>> -> memref<8192x1024xf32, #tpu.memory_space<hbm>>
    tpu.wait_indirect_dma semaphore(%arg9 : memref<!tpu.dma_semaphore, #tpu.memory_space<semaphore_mem>>) src(%dma_wait3A_152 : memref<8192x1024xf32, #tpu.memory_space<hbm>>) dst(%dma_wait3A_146 : memref<32x1024xf32, #tpu.memory_space<vmem>>)
    %add3A_153 = arith.constant 64 : i32
    %add3A_154 = arith.addi %mul3A_2, %add3A_153 : i32
    %dma_start3A_155 = arith.constant 2 : i32
    %dma_start3A_156 = arith.constant 0 : i32
    %dma_start3A_157 = arith.constant 0 : i32
    %dma_start3A_158 = tpu.memref_slice %arg6[%dma_start3A_155, %dma_start3A_156, %dma_start3A_157] : memref<3x32x1024xf32, #tpu.memory_space<vmem>> -> memref<1x32x1024xf32, #tpu.memory_space<vmem>>
    %dma_start3A_159 = tpu.memref_squeeze %dma_start3A_158 : memref<1x32x1024xf32, #tpu.memory_space<vmem>> -> memref<32x1024xf32, #tpu.memory_space<vmem>>
    %dma_start3A_160 = arith.constant 0 : i32
    %dma_start3A_161 = tpu.memref_slice %arg4[%add3A_154, %dma_start3A_160] : memref<32768x1024xf32, #tpu.memory_space<hbm>> -> memref<32x1024xf32, #tpu.memory_space<hbm>>
    %dma_start3A_162 = arith.constant 0 : i32
    %dma_start3A_163 = tpu.memref_slice %arg4[%add3A_154, %dma_start3A_162] : memref<32768x1024xf32, #tpu.memory_space<hbm>> -> memref<32x1024xf32, #tpu.memory_space<hbm>>
    %dma_start3A_164 = arith.constant 0 : i32
    %dma_start3A_165 = arith.constant 0 : i32
    %dma_start3A_166 = tpu.memref_slice %arg6[%dma_start3A_155, %dma_start3A_164, %dma_start3A_165] : memref<3x32x1024xf32, #tpu.memory_space<vmem>> -> memref<1x32x1024xf32, #tpu.memory_space<vmem>>
    %dma_start3A_167 = tpu.memref_squeeze %dma_start3A_166 : memref<1x32x1024xf32, #tpu.memory_space<vmem>> -> memref<32x1024xf32, #tpu.memory_space<vmem>>
    tpu.enqueue_dma source(%dma_start3A_167 : memref<32x1024xf32, #tpu.memory_space<vmem>>) target(%dma_start3A_163 : memref<32x1024xf32, #tpu.memory_space<hbm>>) target_semaphore(%arg12 : memref<!tpu.dma_semaphore, #tpu.memory_space<semaphore_mem>>)
    %dma_wait3A_168 = arith.constant 2 : i32
    %dma_wait3A_169 = arith.constant 0 : i32
    %dma_wait3A_170 = arith.constant 0 : i32
    %dma_wait3A_171 = tpu.memref_slice %arg6[%dma_wait3A_168, %dma_wait3A_169, %dma_wait3A_170] : memref<3x32x1024xf32, #tpu.memory_space<vmem>> -> memref<1x32x1024xf32, #tpu.memory_space<vmem>>
    %dma_wait3A_172 = tpu.memref_squeeze %dma_wait3A_171 : memref<1x32x1024xf32, #tpu.memory_space<vmem>> -> memref<32x1024xf32, #tpu.memory_space<vmem>>
    %dma_wait3A_173 = arith.constant 0 : i32
    %dma_wait3A_174 = tpu.memref_slice %arg4[%add3A_154, %dma_wait3A_173] : memref<32768x1024xf32, #tpu.memory_space<hbm>> -> memref<32x1024xf32, #tpu.memory_space<hbm>>
    %dma_wait3A_175 = arith.constant 0 : i32
    %dma_wait3A_176 = tpu.memref_slice %arg4[%add3A_154, %dma_wait3A_175] : memref<32768x1024xf32, #tpu.memory_space<hbm>> -> memref<32x1024xf32, #tpu.memory_space<hbm>>
    %dma_wait3A_177 = arith.constant 0 : i32
    %dma_wait3A_178 = arith.constant 0 : i32
    %dma_wait3A_179 = tpu.memref_slice %arg6[%dma_wait3A_168, %dma_wait3A_177, %dma_wait3A_178] : memref<3x32x1024xf32, #tpu.memory_space<vmem>> -> memref<1x32x1024xf32, #tpu.memory_space<vmem>>
    %dma_wait3A_180 = tpu.memref_squeeze %dma_wait3A_179 : memref<1x32x1024xf32, #tpu.memory_space<vmem>> -> memref<32x1024xf32, #tpu.memory_space<vmem>>
    tpu.wait_dma2 semaphore(%arg12 : memref<!tpu.dma_semaphore, #tpu.memory_space<semaphore_mem>>) src(%dma_wait3A_180 : memref<32x1024xf32, #tpu.memory_space<vmem>>) dst(%dma_wait3A_176 : memref<32x1024xf32, #tpu.memory_space<hbm>>)
    %dma_start3A_181 = arith.constant 5 : i32
    %dma_start3A_182 = arith.constant 2 : i32
    %dma_start3A_183 = arith.constant 0 : i32
    %dma_start3A_184 = arith.constant 0 : i32
    %dma_start3A_185 = tpu.memref_slice %arg6[%dma_start3A_182, %dma_start3A_183, %dma_start3A_184] : memref<3x32x1024xf32, #tpu.memory_space<vmem>> -> memref<1x32x1024xf32, #tpu.memory_space<vmem>>
    %dma_start3A_186 = tpu.memref_squeeze %dma_start3A_185 : memref<1x32x1024xf32, #tpu.memory_space<vmem>> -> memref<32x1024xf32, #tpu.memory_space<vmem>>
    %dma_start3A_187 = arith.constant 0 : i32
    %dma_start3A_188 = tpu.memref_slice %arg5[%dma_start3A_181, %dma_start3A_187] : memref<32x32xi32, #tpu.memory_space<vmem>> -> memref<1x32xi32, #tpu.memory_space<vmem>>
    %dma_start3A_189 = tpu.memref_squeeze %dma_start3A_188 : memref<1x32xi32, #tpu.memory_space<vmem>> -> memref<32xi32, #tpu.memory_space<vmem>>
    %dma_start3A_190 = arith.constant 0 : i32
    %dma_start3A_191 = arith.constant 0 : i32
    %dma_start3A_192 = tpu.memref_slice %arg3[%dma_start3A_190, %dma_start3A_191] : memref<8192x1024xf32, #tpu.memory_space<hbm>> -> memref<8192x1024xf32, #tpu.memory_space<hbm>>
    tpu.enqueue_indirect_dma source(%dma_start3A_192 : memref<8192x1024xf32, #tpu.memory_space<hbm>>) target(%dma_start3A_186 : memref<32x1024xf32, #tpu.memory_space<vmem>>) offsets(%dma_start3A_189 : memref<32xi32, #tpu.memory_space<vmem>>) semaphore(%arg9 : memref<!tpu.dma_semaphore, #tpu.memory_space<semaphore_mem>>)
    %dma_wait3A_193 = arith.constant 3 : i32
    %dma_wait3A_194 = arith.constant 0 : i32
    %dma_wait3A_195 = arith.constant 0 : i32
    %dma_wait3A_196 = arith.constant 0 : i32
    %dma_wait3A_197 = tpu.memref_slice %arg6[%dma_wait3A_194, %dma_wait3A_195, %dma_wait3A_196] : memref<3x32x1024xf32, #tpu.memory_space<vmem>> -> memref<1x32x1024xf32, #tpu.memory_space<vmem>>
    %dma_wait3A_198 = tpu.memref_squeeze %dma_wait3A_197 : memref<1x32x1024xf32, #tpu.memory_space<vmem>> -> memref<32x1024xf32, #tpu.memory_space<vmem>>
    %dma_wait3A_199 = arith.constant 0 : i32
    %dma_wait3A_200 = tpu.memref_slice %arg5[%dma_wait3A_193, %dma_wait3A_199] : memref<32x32xi32, #tpu.memory_space<vmem>> -> memref<1x32xi32, #tpu.memory_space<vmem>>
    %dma_wait3A_201 = tpu.memref_squeeze %dma_wait3A_200 : memref<1x32xi32, #tpu.memory_space<vmem>> -> memref<32xi32, #tpu.memory_space<vmem>>
    %dma_wait3A_202 = arith.constant 0 : i32
    %dma_wait3A_203 = arith.constant 0 : i32
    %dma_wait3A_204 = tpu.memref_slice %arg3[%dma_wait3A_202, %dma_wait3A_203] : memref<8192x1024xf32, #tpu.memory_space<hbm>> -> memref<8192x1024xf32, #tpu.memory_space<hbm>>
    tpu.wait_indirect_dma semaphore(%arg7 : memref<!tpu.dma_semaphore, #tpu.memory_space<semaphore_mem>>) src(%dma_wait3A_204 : memref<8192x1024xf32, #tpu.memory_space<hbm>>) dst(%dma_wait3A_198 : memref<32x1024xf32, #tpu.memory_space<vmem>>)
    %add3A_205 = arith.constant 96 : i32
    %add3A_206 = arith.addi %mul3A_2, %add3A_205 : i32
    %dma_start3A_207 = arith.constant 0 : i32
    %dma_start3A_208 = arith.constant 0 : i32
    %dma_start3A_209 = arith.constant 0 : i32
    %dma_start3A_210 = tpu.memref_slice %arg6[%dma_start3A_207, %dma_start3A_208, %dma_start3A_209] : memref<3x32x1024xf32, #tpu.memory_space<vmem>> -> memref<1x32x1024xf32, #tpu.memory_space<vmem>>
    %dma_start3A_211 = tpu.memref_squeeze %dma_start3A_210 : memref<1x32x1024xf32, #tpu.memory_space<vmem>> -> memref<32x1024xf32, #tpu.memory_space<vmem>>
    %dma_start3A_212 = arith.constant 0 : i32
    %dma_start3A_213 = tpu.memref_slice %arg4[%add3A_206, %dma_start3A_212] : memref<32768x1024xf32, #tpu.memory_space<hbm>> -> memref<32x1024xf32, #tpu.memory_space<hbm>>
    %dma_start3A_214 = arith.constant 0 : i32
    %dma_start3A_215 = tpu.memref_slice %arg4[%add3A_206, %dma_start3A_214] : memref<32768x1024xf32, #tpu.memory_space<hbm>> -> memref<32x1024xf32, #tpu.memory_space<hbm>>
    %dma_start3A_216 = arith.constant 0 : i32
    %dma_start3A_217 = arith.constant 0 : i32
    %dma_start3A_218 = tpu.memref_slice %arg6[%dma_start3A_207, %dma_start3A_216, %dma_start3A_217] : memref<3x32x1024xf32, #tpu.memory_space<vmem>> -> memref<1x32x1024xf32, #tpu.memory_space<vmem>>
    %dma_start3A_219 = tpu.memref_squeeze %dma_start3A_218 : memref<1x32x1024xf32, #tpu.memory_space<vmem>> -> memref<32x1024xf32, #tpu.memory_space<vmem>>
    tpu.enqueue_dma source(%dma_start3A_219 : memref<32x1024xf32, #tpu.memory_space<vmem>>) target(%dma_start3A_215 : memref<32x1024xf32, #tpu.memory_space<hbm>>) target_semaphore(%arg10 : memref<!tpu.dma_semaphore, #tpu.memory_space<semaphore_mem>>)
    %dma_wait3A_220 = arith.constant 0 : i32
    %dma_wait3A_221 = arith.constant 0 : i32
    %dma_wait3A_222 = arith.constant 0 : i32
    %dma_wait3A_223 = tpu.memref_slice %arg6[%dma_wait3A_220, %dma_wait3A_221, %dma_wait3A_222] : memref<3x32x1024xf32, #tpu.memory_space<vmem>> -> memref<1x32x1024xf32, #tpu.memory_space<vmem>>
    %dma_wait3A_224 = tpu.memref_squeeze %dma_wait3A_223 : memref<1x32x1024xf32, #tpu.memory_space<vmem>> -> memref<32x1024xf32, #tpu.memory_space<vmem>>
    %dma_wait3A_225 = arith.constant 0 : i32
    %dma_wait3A_226 = tpu.memref_slice %arg4[%add3A_206, %dma_wait3A_225] : memref<32768x1024xf32, #tpu.memory_space<hbm>> -> memref<32x1024xf32, #tpu.memory_space<hbm>>
    %dma_wait3A_227 = arith.constant 0 : i32
    %dma_wait3A_228 = tpu.memref_slice %arg4[%add3A_206, %dma_wait3A_227] : memref<32768x1024xf32, #tpu.memory_space<hbm>> -> memref<32x1024xf32, #tpu.memory_space<hbm>>
    %dma_wait3A_229 = arith.constant 0 : i32
    %dma_wait3A_230 = arith.constant 0 : i32
    %dma_wait3A_231 = tpu.memref_slice %arg6[%dma_wait3A_220, %dma_wait3A_229, %dma_wait3A_230] : memref<3x32x1024xf32, #tpu.memory_space<vmem>> -> memref<1x32x1024xf32, #tpu.memory_space<vmem>>
    %dma_wait3A_232 = tpu.memref_squeeze %dma_wait3A_231 : memref<1x32x1024xf32, #tpu.memory_space<vmem>> -> memref<32x1024xf32, #tpu.memory_space<vmem>>
    tpu.wait_dma2 semaphore(%arg10 : memref<!tpu.dma_semaphore, #tpu.memory_space<semaphore_mem>>) src(%dma_wait3A_232 : memref<32x1024xf32, #tpu.memory_space<vmem>>) dst(%dma_wait3A_228 : memref<32x1024xf32, #tpu.memory_space<hbm>>)
    %dma_start3A_233 = arith.constant 6 : i32
    %dma_start3A_234 = arith.constant 0 : i32
    %dma_start3A_235 = arith.constant 0 : i32
    %dma_start3A_236 = arith.constant 0 : i32
    %dma_start3A_237 = tpu.memref_slice %arg6[%dma_start3A_234, %dma_start3A_235, %dma_start3A_236] : memref<3x32x1024xf32, #tpu.memory_space<vmem>> -> memref<1x32x1024xf32, #tpu.memory_space<vmem>>
    %dma_start3A_238 = tpu.memref_squeeze %dma_start3A_237 : memref<1x32x1024xf32, #tpu.memory_space<vmem>> -> memref<32x1024xf32, #tpu.memory_space<vmem>>
    %dma_start3A_239 = arith.constant 0 : i32
    %dma_start3A_240 = tpu.memref_slice %arg5[%dma_start3A_233, %dma_start3A_239] : memref<32x32xi32, #tpu.memory_space<vmem>> -> memref<1x32xi32, #tpu.memory_space<vmem>>
    %dma_start3A_241 = tpu.memref_squeeze %dma_start3A_240 : memref<1x32xi32, #tpu.memory_space<vmem>> -> memref<32xi32, #tpu.memory_space<vmem>>
    %dma_start3A_242 = arith.constant 0 : i32
    %dma_start3A_243 = arith.constant 0 : i32
    %dma_start3A_244 = tpu.memref_slice %arg3[%dma_start3A_242, %dma_start3A_243] : memref<8192x1024xf32, #tpu.memory_space<hbm>> -> memref<8192x1024xf32, #tpu.memory_space<hbm>>
    tpu.enqueue_indirect_dma source(%dma_start3A_244 : memref<8192x1024xf32, #tpu.memory_space<hbm>>) target(%dma_start3A_238 : memref<32x1024xf32, #tpu.memory_space<vmem>>) offsets(%dma_start3A_241 : memref<32xi32, #tpu.memory_space<vmem>>) semaphore(%arg7 : memref<!tpu.dma_semaphore, #tpu.memory_space<semaphore_mem>>)
    %dma_wait3A_245 = arith.constant 4 : i32
    %dma_wait3A_246 = arith.constant 1 : i32
    %dma_wait3A_247 = arith.constant 0 : i32
    %dma_wait3A_248 = arith.constant 0 : i32
    %dma_wait3A_249 = tpu.memref_slice %arg6[%dma_wait3A_246, %dma_wait3A_247, %dma_wait3A_248] : memref<3x32x1024xf32, #tpu.memory_space<vmem>> -> memref<1x32x1024xf32, #tpu.memory_space<vmem>>
    %dma_wait3A_250 = tpu.memref_squeeze %dma_wait3A_249 : memref<1x32x1024xf32, #tpu.memory_space<vmem>> -> memref<32x1024xf32, #tpu.memory_space<vmem>>
    %dma_wait3A_251 = arith.constant 0 : i32
    %dma_wait3A_252 = tpu.memref_slice %arg5[%dma_wait3A_245, %dma_wait3A_251] : memref<32x32xi32, #tpu.memory_space<vmem>> -> memref<1x32xi32, #tpu.memory_space<vmem>>
    %dma_wait3A_253 = tpu.memref_squeeze %dma_wait3A_252 : memref<1x32xi32, #tpu.memory_space<vmem>> -> memref<32xi32, #tpu.memory_space<vmem>>
    %dma_wait3A_254 = arith.constant 0 : i32
    %dma_wait3A_255 = arith.constant 0 : i32
    %dma_wait3A_256 = tpu.memref_slice %arg3[%dma_wait3A_254, %dma_wait3A_255] : memref<8192x1024xf32, #tpu.memory_space<hbm>> -> memref<8192x1024xf32, #tpu.memory_space<hbm>>
    tpu.wait_indirect_dma semaphore(%arg8 : memref<!tpu.dma_semaphore, #tpu.memory_space<semaphore_mem>>) src(%dma_wait3A_256 : memref<8192x1024xf32, #tpu.memory_space<hbm>>) dst(%dma_wait3A_250 : memref<32x1024xf32, #tpu.memory_space<vmem>>)
    %add3A_257 = arith.constant 128 : i32
    %add3A_258 = arith.addi %mul3A_2, %add3A_257 : i32
    %dma_start3A_259 = arith.constant 1 : i32
    %dma_start3A_260 = arith.constant 0 : i32
    %dma_start3A_261 = arith.constant 0 : i32
    %dma_start3A_262 = tpu.memref_slice %arg6[%dma_start3A_259, %dma_start3A_260, %dma_start3A_261] : memref<3x32x1024xf32, #tpu.memory_space<vmem>> -> memref<1x32x1024xf32, #tpu.memory_space<vmem>>
    %dma_start3A_263 = tpu.memref_squeeze %dma_start3A_262 : memref<1x32x1024xf32, #tpu.memory_space<vmem>> -> memref<32x1024xf32, #tpu.memory_space<vmem>>
    %dma_start3A_264 = arith.constant 0 : i32
    %dma_start3A_265 = tpu.memref_slice %arg4[%add3A_258, %dma_start3A_264] : memref<32768x1024xf32, #tpu.memory_space<hbm>> -> memref<32x1024xf32, #tpu.memory_space<hbm>>
    %dma_start3A_266 = arith.constant 0 : i32
    %dma_start3A_267 = tpu.memref_slice %arg4[%add3A_258, %dma_start3A_266] : memref<32768x1024xf32, #tpu.memory_space<hbm>> -> memref<32x1024xf32, #tpu.memory_space<hbm>>
    %dma_start3A_268 = arith.constant 0 : i32
    %dma_start3A_269 = arith.constant 0 : i32
    %dma_start3A_270 = tpu.memref_slice %arg6[%dma_start3A_259, %dma_start3A_268, %dma_start3A_269] : memref<3x32x1024xf32, #tpu.memory_space<vmem>> -> memref<1x32x1024xf32, #tpu.memory_space<vmem>>
    %dma_start3A_271 = tpu.memref_squeeze %dma_start3A_270 : memref<1x32x1024xf32, #tpu.memory_space<vmem>> -> memref<32x1024xf32, #tpu.memory_space<vmem>>
    tpu.enqueue_dma source(%dma_start3A_271 : memref<32x1024xf32, #tpu.memory_space<vmem>>) target(%dma_start3A_267 : memref<32x1024xf32, #tpu.memory_space<hbm>>) target_semaphore(%arg11 : memref<!tpu.dma_semaphore, #tpu.memory_space<semaphore_mem>>)
    %dma_wait3A_272 = arith.constant 1 : i32
    %dma_wait3A_273 = arith.constant 0 : i32
    %dma_wait3A_274 = arith.constant 0 : i32
    %dma_wait3A_275 = tpu.memref_slice %arg6[%dma_wait3A_272, %dma_wait3A_273, %dma_wait3A_274] : memref<3x32x1024xf32, #tpu.memory_space<vmem>> -> memref<1x32x1024xf32, #tpu.memory_space<vmem>>
    %dma_wait3A_276 = tpu.memref_squeeze %dma_wait3A_275 : memref<1x32x1024xf32, #tpu.memory_space<vmem>> -> memref<32x1024xf32, #tpu.memory_space<vmem>>
    %dma_wait3A_277 = arith.constant 0 : i32
    %dma_wait3A_278 = tpu.memref_slice %arg4[%add3A_258, %dma_wait3A_277] : memref<32768x1024xf32, #tpu.memory_space<hbm>> -> memref<32x1024xf32, #tpu.memory_space<hbm>>
    %dma_wait3A_279 = arith.constant 0 : i32
    %dma_wait3A_280 = tpu.memref_slice %arg4[%add3A_258, %dma_wait3A_279] : memref<32768x1024xf32, #tpu.memory_space<hbm>> -> memref<32x1024xf32, #tpu.memory_space<hbm>>
    %dma_wait3A_281 = arith.constant 0 : i32
    %dma_wait3A_282 = arith.constant 0 : i32
    %dma_wait3A_283 = tpu.memref_slice %arg6[%dma_wait3A_272, %dma_wait3A_281, %dma_wait3A_282] : memref<3x32x1024xf32, #tpu.memory_space<vmem>> -> memref<1x32x1024xf32, #tpu.memory_space<vmem>>
    %dma_wait3A_284 = tpu.memref_squeeze %dma_wait3A_283 : memref<1x32x1024xf32, #tpu.memory_space<vmem>> -> memref<32x1024xf32, #tpu.memory_space<vmem>>
    tpu.wait_dma2 semaphore(%arg11 : memref<!tpu.dma_semaphore, #tpu.memory_space<semaphore_mem>>) src(%dma_wait3A_284 : memref<32x1024xf32, #tpu.memory_space<vmem>>) dst(%dma_wait3A_280 : memref<32x1024xf32, #tpu.memory_space<hbm>>)
    %dma_start3A_285 = arith.constant 7 : i32
    %dma_start3A_286 = arith.constant 1 : i32
    %dma_start3A_287 = arith.constant 0 : i32
    %dma_start3A_288 = arith.constant 0 : i32
    %dma_start3A_289 = tpu.memref_slice %arg6[%dma_start3A_286, %dma_start3A_287, %dma_start3A_288] : memref<3x32x1024xf32, #tpu.memory_space<vmem>> -> memref<1x32x1024xf32, #tpu.memory_space<vmem>>
    %dma_start3A_290 = tpu.memref_squeeze %dma_start3A_289 : memref<1x32x1024xf32, #tpu.memory_space<vmem>> -> memref<32x1024xf32, #tpu.memory_space<vmem>>
    %dma_start3A_291 = arith.constant 0 : i32
    %dma_start3A_292 = tpu.memref_slice %arg5[%dma_start3A_285, %dma_start3A_291] : memref<32x32xi32, #tpu.memory_space<vmem>> -> memref<1x32xi32, #tpu.memory_space<vmem>>
    %dma_start3A_293 = tpu.memref_squeeze %dma_start3A_292 : memref<1x32xi32, #tpu.memory_space<vmem>> -> memref<32xi32, #tpu.memory_space<vmem>>
    %dma_start3A_294 = arith.constant 0 : i32
    %dma_start3A_295 = arith.constant 0 : i32
    %dma_start3A_296 = tpu.memref_slice %arg3[%dma_start3A_294, %dma_start3A_295] : memref<8192x1024xf32, #tpu.memory_space<hbm>> -> memref<8192x1024xf32, #tpu.memory_space<hbm>>
    tpu.enqueue_indirect_dma source(%dma_start3A_296 : memref<8192x1024xf32, #tpu.memory_space<hbm>>) target(%dma_start3A_290 : memref<32x1024xf32, #tpu.memory_space<vmem>>) offsets(%dma_start3A_293 : memref<32xi32, #tpu.memory_space<vmem>>) semaphore(%arg8 : memref<!tpu.dma_semaphore, #tpu.memory_space<semaphore_mem>>)
    %dma_wait3A_297 = arith.constant 5 : i32
    %dma_wait3A_298 = arith.constant 2 : i32
    %dma_wait3A_299 = arith.constant 0 : i32
    %dma_wait3A_300 = arith.constant 0 : i32
    %dma_wait3A_301 = tpu.memref_slice %arg6[%dma_wait3A_298, %dma_wait3A_299, %dma_wait3A_300] : memref<3x32x1024xf32, #tpu.memory_space<vmem>> -> memref<1x32x1024xf32, #tpu.memory_space<vmem>>
    %dma_wait3A_302 = tpu.memref_squeeze %dma_wait3A_301 : memref<1x32x1024xf32, #tpu.memory_space<vmem>> -> memref<32x1024xf32, #tpu.memory_space<vmem>>
    %dma_wait3A_303 = arith.constant 0 : i32
    %dma_wait3A_304 = tpu.memref_slice %arg5[%dma_wait3A_297, %dma_wait3A_303] : memref<32x32xi32, #tpu.memory_space<vmem>> -> memref<1x32xi32, #tpu.memory_space<vmem>>
    %dma_wait3A_305 = tpu.memref_squeeze %dma_wait3A_304 : memref<1x32xi32, #tpu.memory_space<vmem>> -> memref<32xi32, #tpu.memory_space<vmem>>
    %dma_wait3A_306 = arith.constant 0 : i32
    %dma_wait3A_307 = arith.constant 0 : i32
    %dma_wait3A_308 = tpu.memref_slice %arg3[%dma_wait3A_306, %dma_wait3A_307] : memref<8192x1024xf32, #tpu.memory_space<hbm>> -> memref<8192x1024xf32, #tpu.memory_space<hbm>>
    tpu.wait_indirect_dma semaphore(%arg9 : memref<!tpu.dma_semaphore, #tpu.memory_space<semaphore_mem>>) src(%dma_wait3A_308 : memref<8192x1024xf32, #tpu.memory_space<hbm>>) dst(%dma_wait3A_302 : memref<32x1024xf32, #tpu.memory_space<vmem>>)
    %add3A_309 = arith.constant 160 : i32
    %add3A_310 = arith.addi %mul3A_2, %add3A_309 : i32
    %dma_start3A_311 = arith.constant 2 : i32
    %dma_start3A_312 = arith.constant 0 : i32
    %dma_start3A_313 = arith.constant 0 : i32
    %dma_start3A_314 = tpu.memref_slice %arg6[%dma_start3A_311, %dma_start3A_312, %dma_start3A_313] : memref<3x32x1024xf32, #tpu.memory_space<vmem>> -> memref<1x32x1024xf32, #tpu.memory_space<vmem>>
    %dma_start3A_315 = tpu.memref_squeeze %dma_start3A_314 : memref<1x32x1024xf32, #tpu.memory_space<vmem>> -> memref<32x1024xf32, #tpu.memory_space<vmem>>
    %dma_start3A_316 = arith.constant 0 : i32
    %dma_start3A_317 = tpu.memref_slice %arg4[%add3A_310, %dma_start3A_316] : memref<32768x1024xf32, #tpu.memory_space<hbm>> -> memref<32x1024xf32, #tpu.memory_space<hbm>>
    %dma_start3A_318 = arith.constant 0 : i32
    %dma_start3A_319 = tpu.memref_slice %arg4[%add3A_310, %dma_start3A_318] : memref<32768x1024xf32, #tpu.memory_space<hbm>> -> memref<32x1024xf32, #tpu.memory_space<hbm>>
    %dma_start3A_320 = arith.constant 0 : i32
    %dma_start3A_321 = arith.constant 0 : i32
    %dma_start3A_322 = tpu.memref_slice %arg6[%dma_start3A_311, %dma_start3A_320, %dma_start3A_321] : memref<3x32x1024xf32, #tpu.memory_space<vmem>> -> memref<1x32x1024xf32, #tpu.memory_space<vmem>>
    %dma_start3A_323 = tpu.memref_squeeze %dma_start3A_322 : memref<1x32x1024xf32, #tpu.memory_space<vmem>> -> memref<32x1024xf32, #tpu.memory_space<vmem>>
    tpu.enqueue_dma source(%dma_start3A_323 : memref<32x1024xf32, #tpu.memory_space<vmem>>) target(%dma_start3A_319 : memref<32x1024xf32, #tpu.memory_space<hbm>>) target_semaphore(%arg12 : memref<!tpu.dma_semaphore, #tpu.memory_space<semaphore_mem>>)
    %dma_wait3A_324 = arith.constant 2 : i32
    %dma_wait3A_325 = arith.constant 0 : i32
    %dma_wait3A_326 = arith.constant 0 : i32
    %dma_wait3A_327 = tpu.memref_slice %arg6[%dma_wait3A_324, %dma_wait3A_325, %dma_wait3A_326] : memref<3x32x1024xf32, #tpu.memory_space<vmem>> -> memref<1x32x1024xf32, #tpu.memory_space<vmem>>
    %dma_wait3A_328 = tpu.memref_squeeze %dma_wait3A_327 : memref<1x32x1024xf32, #tpu.memory_space<vmem>> -> memref<32x1024xf32, #tpu.memory_space<vmem>>
    %dma_wait3A_329 = arith.constant 0 : i32
    %dma_wait3A_330 = tpu.memref_slice %arg4[%add3A_310, %dma_wait3A_329] : memref<32768x1024xf32, #tpu.memory_space<hbm>> -> memref<32x1024xf32, #tpu.memory_space<hbm>>
    %dma_wait3A_331 = arith.constant 0 : i32
    %dma_wait3A_332 = tpu.memref_slice %arg4[%add3A_310, %dma_wait3A_331] : memref<32768x1024xf32, #tpu.memory_space<hbm>> -> memref<32x1024xf32, #tpu.memory_space<hbm>>
    %dma_wait3A_333 = arith.constant 0 : i32
    %dma_wait3A_334 = arith.constant 0 : i32
    %dma_wait3A_335 = tpu.memref_slice %arg6[%dma_wait3A_324, %dma_wait3A_333, %dma_wait3A_334] : memref<3x32x1024xf32, #tpu.memory_space<vmem>> -> memref<1x32x1024xf32, #tpu.memory_space<vmem>>
    %dma_wait3A_336 = tpu.memref_squeeze %dma_wait3A_335 : memref<1x32x1024xf32, #tpu.memory_space<vmem>> -> memref<32x1024xf32, #tpu.memory_space<vmem>>
    tpu.wait_dma2 semaphore(%arg12 : memref<!tpu.dma_semaphore, #tpu.memory_space<semaphore_mem>>) src(%dma_wait3A_336 : memref<32x1024xf32, #tpu.memory_space<vmem>>) dst(%dma_wait3A_332 : memref<32x1024xf32, #tpu.memory_space<hbm>>)
    %dma_start3A_337 = arith.constant 8 : i32
    %dma_start3A_338 = arith.constant 2 : i32
    %dma_start3A_339 = arith.constant 0 : i32
    %dma_start3A_340 = arith.constant 0 : i32
    %dma_start3A_341 = tpu.memref_slice %arg6[%dma_start3A_338, %dma_start3A_339, %dma_start3A_340] : memref<3x32x1024xf32, #tpu.memory_space<vmem>> -> memref<1x32x1024xf32, #tpu.memory_space<vmem>>
    %dma_start3A_342 = tpu.memref_squeeze %dma_start3A_341 : memref<1x32x1024xf32, #tpu.memory_space<vmem>> -> memref<32x1024xf32, #tpu.memory_space<vmem>>
    %dma_start3A_343 = arith.constant 0 : i32
    %dma_start3A_344 = tpu.memref_slice %arg5[%dma_start3A_337, %dma_start3A_343] : memref<32x32xi32, #tpu.memory_space<vmem>> -> memref<1x32xi32, #tpu.memory_space<vmem>>
    %dma_start3A_345 = tpu.memref_squeeze %dma_start3A_344 : memref<1x32xi32, #tpu.memory_space<vmem>> -> memref<32xi32, #tpu.memory_space<vmem>>
    %dma_start3A_346 = arith.constant 0 : i32
    %dma_start3A_347 = arith.constant 0 : i32
    %dma_start3A_348 = tpu.memref_slice %arg3[%dma_start3A_346, %dma_start3A_347] : memref<8192x1024xf32, #tpu.memory_space<hbm>> -> memref<8192x1024xf32, #tpu.memory_space<hbm>>
    tpu.enqueue_indirect_dma source(%dma_start3A_348 : memref<8192x1024xf32, #tpu.memory_space<hbm>>) target(%dma_start3A_342 : memref<32x1024xf32, #tpu.memory_space<vmem>>) offsets(%dma_start3A_345 : memref<32xi32, #tpu.memory_space<vmem>>) semaphore(%arg9 : memref<!tpu.dma_semaphore, #tpu.memory_space<semaphore_mem>>)
    %dma_wait3A_349 = arith.constant 6 : i32
    %dma_wait3A_350 = arith.constant 0 : i32
    %dma_wait3A_351 = arith.constant 0 : i32
    %dma_wait3A_352 = arith.constant 0 : i32
    %dma_wait3A_353 = tpu.memref_slice %arg6[%dma_wait3A_350, %dma_wait3A_351, %dma_wait3A_352] : memref<3x32x1024xf32, #tpu.memory_space<vmem>> -> memref<1x32x1024xf32, #tpu.memory_space<vmem>>
    %dma_wait3A_354 = tpu.memref_squeeze %dma_wait3A_353 : memref<1x32x1024xf32, #tpu.memory_space<vmem>> -> memref<32x1024xf32, #tpu.memory_space<vmem>>
    %dma_wait3A_355 = arith.constant 0 : i32
    %dma_wait3A_356 = tpu.memref_slice %arg5[%dma_wait3A_349, %dma_wait3A_355] : memref<32x32xi32, #tpu.memory_space<vmem>> -> memref<1x32xi32, #tpu.memory_space<vmem>>
    %dma_wait3A_357 = tpu.memref_squeeze %dma_wait3A_356 : memref<1x32xi32, #tpu.memory_space<vmem>> -> memref<32xi32, #tpu.memory_space<vmem>>
    %dma_wait3A_358 = arith.constant 0 : i32
    %dma_wait3A_359 = arith.constant 0 : i32
    %dma_wait3A_360 = tpu.memref_slice %arg3[%dma_wait3A_358, %dma_wait3A_359] : memref<8192x1024xf32, #tpu.memory_space<hbm>> -> memref<8192x1024xf32, #tpu.memory_space<hbm>>
    tpu.wait_indirect_dma semaphore(%arg7 : memref<!tpu.dma_semaphore, #tpu.memory_space<semaphore_mem>>) src(%dma_wait3A_360 : memref<8192x1024xf32, #tpu.memory_space<hbm>>) dst(%dma_wait3A_354 : memref<32x1024xf32, #tpu.memory_space<vmem>>)
    %add3A_361 = arith.constant 192 : i32
    %add3A_362 = arith.addi %mul3A_2, %add3A_361 : i32
    %dma_start3A_363 = arith.constant 0 : i32
    %dma_start3A_364 = arith.constant 0 : i32
    %dma_start3A_365 = arith.constant 0 : i32
    %dma_start3A_366 = tpu.memref_slice %arg6[%dma_start3A_363, %dma_start3A_364, %dma_start3A_365] : memref<3x32x1024xf32, #tpu.memory_space<vmem>> -> memref<1x32x1024xf32, #tpu.memory_space<vmem>>
    %dma_start3A_367 = tpu.memref_squeeze %dma_start3A_366 : memref<1x32x1024xf32, #tpu.memory_space<vmem>> -> memref<32x1024xf32, #tpu.memory_space<vmem>>
    %dma_start3A_368 = arith.constant 0 : i32
    %dma_start3A_369 = tpu.memref_slice %arg4[%add3A_362, %dma_start3A_368] : memref<32768x1024xf32, #tpu.memory_space<hbm>> -> memref<32x1024xf32, #tpu.memory_space<hbm>>
    %dma_start3A_370 = arith.constant 0 : i32
    %dma_start3A_371 = tpu.memref_slice %arg4[%add3A_362, %dma_start3A_370] : memref<32768x1024xf32, #tpu.memory_space<hbm>> -> memref<32x1024xf32, #tpu.memory_space<hbm>>
    %dma_start3A_372 = arith.constant 0 : i32
    %dma_start3A_373 = arith.constant 0 : i32
    %dma_start3A_374 = tpu.memref_slice %arg6[%dma_start3A_363, %dma_start3A_372, %dma_start3A_373] : memref<3x32x1024xf32, #tpu.memory_space<vmem>> -> memref<1x32x1024xf32, #tpu.memory_space<vmem>>
    %dma_start3A_375 = tpu.memref_squeeze %dma_start3A_374 : memref<1x32x1024xf32, #tpu.memory_space<vmem>> -> memref<32x1024xf32, #tpu.memory_space<vmem>>
    tpu.enqueue_dma source(%dma_start3A_375 : memref<32x1024xf32, #tpu.memory_space<vmem>>) target(%dma_start3A_371 : memref<32x1024xf32, #tpu.memory_space<hbm>>) target_semaphore(%arg10 : memref<!tpu.dma_semaphore, #tpu.memory_space<semaphore_mem>>)
    %dma_wait3A_376 = arith.constant 0 : i32
    %dma_wait3A_377 = arith.constant 0 : i32
    %dma_wait3A_378 = arith.constant 0 : i32
    %dma_wait3A_379 = tpu.memref_slice %arg6[%dma_wait3A_376, %dma_wait3A_377, %dma_wait3A_378] : memref<3x32x1024xf32, #tpu.memory_space<vmem>> -> memref<1x32x1024xf32, #tpu.memory_space<vmem>>
    %dma_wait3A_380 = tpu.memref_squeeze %dma_wait3A_379 : memref<1x32x1024xf32, #tpu.memory_space<vmem>> -> memref<32x1024xf32, #tpu.memory_space<vmem>>
    %dma_wait3A_381 = arith.constant 0 : i32
    %dma_wait3A_382 = tpu.memref_slice %arg4[%add3A_362, %dma_wait3A_381] : memref<32768x1024xf32, #tpu.memory_space<hbm>> -> memref<32x1024xf32, #tpu.memory_space<hbm>>
    %dma_wait3A_383 = arith.constant 0 : i32
    %dma_wait3A_384 = tpu.memref_slice %arg4[%add3A_362, %dma_wait3A_383] : memref<32768x1024xf32, #tpu.memory_space<hbm>> -> memref<32x1024xf32, #tpu.memory_space<hbm>>
    %dma_wait3A_385 = arith.constant 0 : i32
    %dma_wait3A_386 = arith.constant 0 : i32
    %dma_wait3A_387 = tpu.memref_slice %arg6[%dma_wait3A_376, %dma_wait3A_385, %dma_wait3A_386] : memref<3x32x1024xf32, #tpu.memory_space<vmem>> -> memref<1x32x1024xf32, #tpu.memory_space<vmem>>
    %dma_wait3A_388 = tpu.memref_squeeze %dma_wait3A_387 : memref<1x32x1024xf32, #tpu.memory_space<vmem>> -> memref<32x1024xf32, #tpu.memory_space<vmem>>
    tpu.wait_dma2 semaphore(%arg10 : memref<!tpu.dma_semaphore, #tpu.memory_space<semaphore_mem>>) src(%dma_wait3A_388 : memref<32x1024xf32, #tpu.memory_space<vmem>>) dst(%dma_wait3A_384 : memref<32x1024xf32, #tpu.memory_space<hbm>>)
    %dma_start3A_389 = arith.constant 9 : i32
    %dma_start3A_390 = arith.constant 0 : i32
    %dma_start3A_391 = arith.constant 0 : i32
    %dma_start3A_392 = arith.constant 0 : i32
    %dma_start3A_393 = tpu.memref_slice %arg6[%dma_start3A_390, %dma_start3A_391, %dma_start3A_392] : memref<3x32x1024xf32, #tpu.memory_space<vmem>> -> memref<1x32x1024xf32, #tpu.memory_space<vmem>>
    %dma_start3A_394 = tpu.memref_squeeze %dma_start3A_393 : memref<1x32x1024xf32, #tpu.memory_space<vmem>> -> memref<32x1024xf32, #tpu.memory_space<vmem>>
    %dma_start3A_395 = arith.constant 0 : i32
    %dma_start3A_396 = tpu.memref_slice %arg5[%dma_start3A_389, %dma_start3A_395] : memref<32x32xi32, #tpu.memory_space<vmem>> -> memref<1x32xi32, #tpu.memory_space<vmem>>
    %dma_start3A_397 = tpu.memref_squeeze %dma_start3A_396 : memref<1x32xi32, #tpu.memory_space<vmem>> -> memref<32xi32, #tpu.memory_space<vmem>>
    %dma_start3A_398 = arith.constant 0 : i32
    %dma_start3A_399 = arith.constant 0 : i32
    %dma_start3A_400 = tpu.memref_slice %arg3[%dma_start3A_398, %dma_start3A_399] : memref<8192x1024xf32, #tpu.memory_space<hbm>> -> memref<8192x1024xf32, #tpu.memory_space<hbm>>
    tpu.enqueue_indirect_dma source(%dma_start3A_400 : memref<8192x1024xf32, #tpu.memory_space<hbm>>) target(%dma_start3A_394 : memref<32x1024xf32, #tpu.memory_space<vmem>>) offsets(%dma_start3A_397 : memref<32xi32, #tpu.memory_space<vmem>>) semaphore(%arg7 : memref<!tpu.dma_semaphore, #tpu.memory_space<semaphore_mem>>)
    %dma_wait3A_401 = arith.constant 7 : i32
    %dma_wait3A_402 = arith.constant 1 : i32
    %dma_wait3A_403 = arith.constant 0 : i32
    %dma_wait3A_404 = arith.constant 0 : i32
    %dma_wait3A_405 = tpu.memref_slice %arg6[%dma_wait3A_402, %dma_wait3A_403, %dma_wait3A_404] : memref<3x32x1024xf32, #tpu.memory_space<vmem>> -> memref<1x32x1024xf32, #tpu.memory_space<vmem>>
    %dma_wait3A_406 = tpu.memref_squeeze %dma_wait3A_405 : memref<1x32x1024xf32, #tpu.memory_space<vmem>> -> memref<32x1024xf32, #tpu.memory_space<vmem>>
    %dma_wait3A_407 = arith.constant 0 : i32
    %dma_wait3A_408 = tpu.memref_slice %arg5[%dma_wait3A_401, %dma_wait3A_407] : memref<32x32xi32, #tpu.memory_space<vmem>> -> memref<1x32xi32, #tpu.memory_space<vmem>>
    %dma_wait3A_409 = tpu.memref_squeeze %dma_wait3A_408 : memref<1x32xi32, #tpu.memory_space<vmem>> -> memref<32xi32, #tpu.memory_space<vmem>>
    %dma_wait3A_410 = arith.constant 0 : i32
    %dma_wait3A_411 = arith.constant 0 : i32
    %dma_wait3A_412 = tpu.memref_slice %arg3[%dma_wait3A_410, %dma_wait3A_411] : memref<8192x1024xf32, #tpu.memory_space<hbm>> -> memref<8192x1024xf32, #tpu.memory_space<hbm>>
    tpu.wait_indirect_dma semaphore(%arg8 : memref<!tpu.dma_semaphore, #tpu.memory_space<semaphore_mem>>) src(%dma_wait3A_412 : memref<8192x1024xf32, #tpu.memory_space<hbm>>) dst(%dma_wait3A_406 : memref<32x1024xf32, #tpu.memory_space<vmem>>)
    %add3A_413 = arith.constant 224 : i32
    %add3A_414 = arith.addi %mul3A_2, %add3A_413 : i32
    %dma_start3A_415 = arith.constant 1 : i32
    %dma_start3A_416 = arith.constant 0 : i32
    %dma_start3A_417 = arith.constant 0 : i32
    %dma_start3A_418 = tpu.memref_slice %arg6[%dma_start3A_415, %dma_start3A_416, %dma_start3A_417] : memref<3x32x1024xf32, #tpu.memory_space<vmem>> -> memref<1x32x1024xf32, #tpu.memory_space<vmem>>
    %dma_start3A_419 = tpu.memref_squeeze %dma_start3A_418 : memref<1x32x1024xf32, #tpu.memory_space<vmem>> -> memref<32x1024xf32, #tpu.memory_space<vmem>>
    %dma_start3A_420 = arith.constant 0 : i32
    %dma_start3A_421 = tpu.memref_slice %arg4[%add3A_414, %dma_start3A_420] : memref<32768x1024xf32, #tpu.memory_space<hbm>> -> memref<32x1024xf32, #tpu.memory_space<hbm>>
    %dma_start3A_422 = arith.constant 0 : i32
    %dma_start3A_423 = tpu.memref_slice %arg4[%add3A_414, %dma_start3A_422] : memref<32768x1024xf32, #tpu.memory_space<hbm>> -> memref<32x1024xf32, #tpu.memory_space<hbm>>
    %dma_start3A_424 = arith.constant 0 : i32
    %dma_start3A_425 = arith.constant 0 : i32
    %dma_start3A_426 = tpu.memref_slice %arg6[%dma_start3A_415, %dma_start3A_424, %dma_start3A_425] : memref<3x32x1024xf32, #tpu.memory_space<vmem>> -> memref<1x32x1024xf32, #tpu.memory_space<vmem>>
    %dma_start3A_427 = tpu.memref_squeeze %dma_start3A_426 : memref<1x32x1024xf32, #tpu.memory_space<vmem>> -> memref<32x1024xf32, #tpu.memory_space<vmem>>
    tpu.enqueue_dma source(%dma_start3A_427 : memref<32x1024xf32, #tpu.memory_space<vmem>>) target(%dma_start3A_423 : memref<32x1024xf32, #tpu.memory_space<hbm>>) target_semaphore(%arg11 : memref<!tpu.dma_semaphore, #tpu.memory_space<semaphore_mem>>)
    %dma_wait3A_428 = arith.constant 1 : i32
    %dma_wait3A_429 = arith.constant 0 : i32
    %dma_wait3A_430 = arith.constant 0 : i32
    %dma_wait3A_431 = tpu.memref_slice %arg6[%dma_wait3A_428, %dma_wait3A_429, %dma_wait3A_430] : memref<3x32x1024xf32, #tpu.memory_space<vmem>> -> memref<1x32x1024xf32, #tpu.memory_space<vmem>>
    %dma_wait3A_432 = tpu.memref_squeeze %dma_wait3A_431 : memref<1x32x1024xf32, #tpu.memory_space<vmem>> -> memref<32x1024xf32, #tpu.memory_space<vmem>>
    %dma_wait3A_433 = arith.constant 0 : i32
    %dma_wait3A_434 = tpu.memref_slice %arg4[%add3A_414, %dma_wait3A_433] : memref<32768x1024xf32, #tpu.memory_space<hbm>> -> memref<32x1024xf32, #tpu.memory_space<hbm>>
    %dma_wait3A_435 = arith.constant 0 : i32
    %dma_wait3A_436 = tpu.memref_slice %arg4[%add3A_414, %dma_wait3A_435] : memref<32768x1024xf32, #tpu.memory_space<hbm>> -> memref<32x1024xf32, #tpu.memory_space<hbm>>
    %dma_wait3A_437 = arith.constant 0 : i32
    %dma_wait3A_438 = arith.constant 0 : i32
    %dma_wait3A_439 = tpu.memref_slice %arg6[%dma_wait3A_428, %dma_wait3A_437, %dma_wait3A_438] : memref<3x32x1024xf32, #tpu.memory_space<vmem>> -> memref<1x32x1024xf32, #tpu.memory_space<vmem>>
    %dma_wait3A_440 = tpu.memref_squeeze %dma_wait3A_439 : memref<1x32x1024xf32, #tpu.memory_space<vmem>> -> memref<32x1024xf32, #tpu.memory_space<vmem>>
    tpu.wait_dma2 semaphore(%arg11 : memref<!tpu.dma_semaphore, #tpu.memory_space<semaphore_mem>>) src(%dma_wait3A_440 : memref<32x1024xf32, #tpu.memory_space<vmem>>) dst(%dma_wait3A_436 : memref<32x1024xf32, #tpu.memory_space<hbm>>)
    %dma_start3A_441 = arith.constant 10 : i32
    %dma_start3A_442 = arith.constant 1 : i32
    %dma_start3A_443 = arith.constant 0 : i32
    %dma_start3A_444 = arith.constant 0 : i32
    %dma_start3A_445 = tpu.memref_slice %arg6[%dma_start3A_442, %dma_start3A_443, %dma_start3A_444] : memref<3x32x1024xf32, #tpu.memory_space<vmem>> -> memref<1x32x1024xf32, #tpu.memory_space<vmem>>
    %dma_start3A_446 = tpu.memref_squeeze %dma_start3A_445 : memref<1x32x1024xf32, #tpu.memory_space<vmem>> -> memref<32x1024xf32, #tpu.memory_space<vmem>>
    %dma_start3A_447 = arith.constant 0 : i32
    %dma_start3A_448 = tpu.memref_slice %arg5[%dma_start3A_441, %dma_start3A_447] : memref<32x32xi32, #tpu.memory_space<vmem>> -> memref<1x32xi32, #tpu.memory_space<vmem>>
    %dma_start3A_449 = tpu.memref_squeeze %dma_start3A_448 : memref<1x32xi32, #tpu.memory_space<vmem>> -> memref<32xi32, #tpu.memory_space<vmem>>
    %dma_start3A_450 = arith.constant 0 : i32
    %dma_start3A_451 = arith.constant 0 : i32
    %dma_start3A_452 = tpu.memref_slice %arg3[%dma_start3A_450, %dma_start3A_451] : memref<8192x1024xf32, #tpu.memory_space<hbm>> -> memref<8192x1024xf32, #tpu.memory_space<hbm>>
    tpu.enqueue_indirect_dma source(%dma_start3A_452 : memref<8192x1024xf32, #tpu.memory_space<hbm>>) target(%dma_start3A_446 : memref<32x1024xf32, #tpu.memory_space<vmem>>) offsets(%dma_start3A_449 : memref<32xi32, #tpu.memory_space<vmem>>) semaphore(%arg8 : memref<!tpu.dma_semaphore, #tpu.memory_space<semaphore_mem>>)
    %dma_wait3A_453 = arith.constant 8 : i32
    %dma_wait3A_454 = arith.constant 2 : i32
    %dma_wait3A_455 = arith.constant 0 : i32
    %dma_wait3A_456 = arith.constant 0 : i32
    %dma_wait3A_457 = tpu.memref_slice %arg6[%dma_wait3A_454, %dma_wait3A_455, %dma_wait3A_456] : memref<3x32x1024xf32, #tpu.memory_space<vmem>> -> memref<1x32x1024xf32, #tpu.memory_space<vmem>>
    %dma_wait3A_458 = tpu.memref_squeeze %dma_wait3A_457 : memref<1x32x1024xf32, #tpu.memory_space<vmem>> -> memref<32x1024xf32, #tpu.memory_space<vmem>>
    %dma_wait3A_459 = arith.constant 0 : i32
    %dma_wait3A_460 = tpu.memref_slice %arg5[%dma_wait3A_453, %dma_wait3A_459] : memref<32x32xi32, #tpu.memory_space<vmem>> -> memref<1x32xi32, #tpu.memory_space<vmem>>
    %dma_wait3A_461 = tpu.memref_squeeze %dma_wait3A_460 : memref<1x32xi32, #tpu.memory_space<vmem>> -> memref<32xi32, #tpu.memory_space<vmem>>
    %dma_wait3A_462 = arith.constant 0 : i32
    %dma_wait3A_463 = arith.constant 0 : i32
    %dma_wait3A_464 = tpu.memref_slice %arg3[%dma_wait3A_462, %dma_wait3A_463] : memref<8192x1024xf32, #tpu.memory_space<hbm>> -> memref<8192x1024xf32, #tpu.memory_space<hbm>>
    tpu.wait_indirect_dma semaphore(%arg9 : memref<!tpu.dma_semaphore, #tpu.memory_space<semaphore_mem>>) src(%dma_wait3A_464 : memref<8192x1024xf32, #tpu.memory_space<hbm>>) dst(%dma_wait3A_458 : memref<32x1024xf32, #tpu.memory_space<vmem>>)
    %add3A_465 = arith.constant 256 : i32
    %add3A_466 = arith.addi %mul3A_2, %add3A_465 : i32
    %dma_start3A_467 = arith.constant 2 : i32
    %dma_start3A_468 = arith.constant 0 : i32
    %dma_start3A_469 = arith.constant 0 : i32
    %dma_start3A_470 = tpu.memref_slice %arg6[%dma_start3A_467, %dma_start3A_468, %dma_start3A_469] : memref<3x32x1024xf32, #tpu.memory_space<vmem>> -> memref<1x32x1024xf32, #tpu.memory_space<vmem>>
    %dma_start3A_471 = tpu.memref_squeeze %dma_start3A_470 : memref<1x32x1024xf32, #tpu.memory_space<vmem>> -> memref<32x1024xf32, #tpu.memory_space<vmem>>
    %dma_start3A_472 = arith.constant 0 : i32
    %dma_start3A_473 = tpu.memref_slice %arg4[%add3A_466, %dma_start3A_472] : memref<32768x1024xf32, #tpu.memory_space<hbm>> -> memref<32x1024xf32, #tpu.memory_space<hbm>>
    %dma_start3A_474 = arith.constant 0 : i32
    %dma_start3A_475 = tpu.memref_slice %arg4[%add3A_466, %dma_start3A_474] : memref<32768x1024xf32, #tpu.memory_space<hbm>> -> memref<32x1024xf32, #tpu.memory_space<hbm>>
    %dma_start3A_476 = arith.constant 0 : i32
    %dma_start3A_477 = arith.constant 0 : i32
    %dma_start3A_478 = tpu.memref_slice %arg6[%dma_start3A_467, %dma_start3A_476, %dma_start3A_477] : memref<3x32x1024xf32, #tpu.memory_space<vmem>> -> memref<1x32x1024xf32, #tpu.memory_space<vmem>>
    %dma_start3A_479 = tpu.memref_squeeze %dma_start3A_478 : memref<1x32x1024xf32, #tpu.memory_space<vmem>> -> memref<32x1024xf32, #tpu.memory_space<vmem>>
    tpu.enqueue_dma source(%dma_start3A_479 : memref<32x1024xf32, #tpu.memory_space<vmem>>) target(%dma_start3A_475 : memref<32x1024xf32, #tpu.memory_space<hbm>>) target_semaphore(%arg12 : memref<!tpu.dma_semaphore, #tpu.memory_space<semaphore_mem>>)
    %dma_wait3A_480 = arith.constant 2 : i32
    %dma_wait3A_481 = arith.constant 0 : i32
    %dma_wait3A_482 = arith.constant 0 : i32
    %dma_wait3A_483 = tpu.memref_slice %arg6[%dma_wait3A_480, %dma_wait3A_481, %dma_wait3A_482] : memref<3x32x1024xf32, #tpu.memory_space<vmem>> -> memref<1x32x1024xf32, #tpu.memory_space<vmem>>
    %dma_wait3A_484 = tpu.memref_squeeze %dma_wait3A_483 : memref<1x32x1024xf32, #tpu.memory_space<vmem>> -> memref<32x1024xf32, #tpu.memory_space<vmem>>
    %dma_wait3A_485 = arith.constant 0 : i32
    %dma_wait3A_486 = tpu.memref_slice %arg4[%add3A_466, %dma_wait3A_485] : memref<32768x1024xf32, #tpu.memory_space<hbm>> -> memref<32x1024xf32, #tpu.memory_space<hbm>>
    %dma_wait3A_487 = arith.constant 0 : i32
    %dma_wait3A_488 = tpu.memref_slice %arg4[%add3A_466, %dma_wait3A_487] : memref<32768x1024xf32, #tpu.memory_space<hbm>> -> memref<32x1024xf32, #tpu.memory_space<hbm>>
    %dma_wait3A_489 = arith.constant 0 : i32
    %dma_wait3A_490 = arith.constant 0 : i32
    %dma_wait3A_491 = tpu.memref_slice %arg6[%dma_wait3A_480, %dma_wait3A_489, %dma_wait3A_490] : memref<3x32x1024xf32, #tpu.memory_space<vmem>> -> memref<1x32x1024xf32, #tpu.memory_space<vmem>>
    %dma_wait3A_492 = tpu.memref_squeeze %dma_wait3A_491 : memref<1x32x1024xf32, #tpu.memory_space<vmem>> -> memref<32x1024xf32, #tpu.memory_space<vmem>>
    tpu.wait_dma2 semaphore(%arg12 : memref<!tpu.dma_semaphore, #tpu.memory_space<semaphore_mem>>) src(%dma_wait3A_492 : memref<32x1024xf32, #tpu.memory_space<vmem>>) dst(%dma_wait3A_488 : memref<32x1024xf32, #tpu.memory_space<hbm>>)
    %dma_start3A_493 = arith.constant 11 : i32
    %dma_start3A_494 = arith.constant 2 : i32
    %dma_start3A_495 = arith.constant 0 : i32
    %dma_start3A_496 = arith.constant 0 : i32
    %dma_start3A_497 = tpu.memref_slice %arg6[%dma_start3A_494, %dma_start3A_495, %dma_start3A_496] : memref<3x32x1024xf32, #tpu.memory_space<vmem>> -> memref<1x32x1024xf32, #tpu.memory_space<vmem>>
    %dma_start3A_498 = tpu.memref_squeeze %dma_start3A_497 : memref<1x32x1024xf32, #tpu.memory_space<vmem>> -> memref<32x1024xf32, #tpu.memory_space<vmem>>
    %dma_start3A_499 = arith.constant 0 : i32
    %dma_start3A_500 = tpu.memref_slice %arg5[%dma_start3A_493, %dma_start3A_499] : memref<32x32xi32, #tpu.memory_space<vmem>> -> memref<1x32xi32, #tpu.memory_space<vmem>>
    %dma_start3A_501 = tpu.memref_squeeze %dma_start3A_500 : memref<1x32xi32, #tpu.memory_space<vmem>> -> memref<32xi32, #tpu.memory_space<vmem>>
    %dma_start3A_502 = arith.constant 0 : i32
    %dma_start3A_503 = arith.constant 0 : i32
    %dma_start3A_504 = tpu.memref_slice %arg3[%dma_start3A_502, %dma_start3A_503] : memref<8192x1024xf32, #tpu.memory_space<hbm>> -> memref<8192x1024xf32, #tpu.memory_space<hbm>>
    tpu.enqueue_indirect_dma source(%dma_start3A_504 : memref<8192x1024xf32, #tpu.memory_space<hbm>>) target(%dma_start3A_498 : memref<32x1024xf32, #tpu.memory_space<vmem>>) offsets(%dma_start3A_501 : memref<32xi32, #tpu.memory_space<vmem>>) semaphore(%arg9 : memref<!tpu.dma_semaphore, #tpu.memory_space<semaphore_mem>>)
    %dma_wait3A_505 = arith.constant 9 : i32
    %dma_wait3A_506 = arith.constant 0 : i32
    %dma_wait3A_507 = arith.constant 0 : i32
    %dma_wait3A_508 = arith.constant 0 : i32
    %dma_wait3A_509 = tpu.memref_slice %arg6[%dma_wait3A_506, %dma_wait3A_507, %dma_wait3A_508] : memref<3x32x1024xf32, #tpu.memory_space<vmem>> -> memref<1x32x1024xf32, #tpu.memory_space<vmem>>
    %dma_wait3A_510 = tpu.memref_squeeze %dma_wait3A_509 : memref<1x32x1024xf32, #tpu.memory_space<vmem>> -> memref<32x1024xf32, #tpu.memory_space<vmem>>
    %dma_wait3A_511 = arith.constant 0 : i32
    %dma_wait3A_512 = tpu.memref_slice %arg5[%dma_wait3A_505, %dma_wait3A_511] : memref<32x32xi32, #tpu.memory_space<vmem>> -> memref<1x32xi32, #tpu.memory_space<vmem>>
    %dma_wait3A_513 = tpu.memref_squeeze %dma_wait3A_512 : memref<1x32xi32, #tpu.memory_space<vmem>> -> memref<32xi32, #tpu.memory_space<vmem>>
    %dma_wait3A_514 = arith.constant 0 : i32
    %dma_wait3A_515 = arith.constant 0 : i32
    %dma_wait3A_516 = tpu.memref_slice %arg3[%dma_wait3A_514, %dma_wait3A_515] : memref<8192x1024xf32, #tpu.memory_space<hbm>> -> memref<8192x1024xf32, #tpu.memory_space<hbm>>
    tpu.wait_indirect_dma semaphore(%arg7 : memref<!tpu.dma_semaphore, #tpu.memory_space<semaphore_mem>>) src(%dma_wait3A_516 : memref<8192x1024xf32, #tpu.memory_space<hbm>>) dst(%dma_wait3A_510 : memref<32x1024xf32, #tpu.memory_space<vmem>>)
    %add3A_517 = arith.constant 288 : i32
    %add3A_518 = arith.addi %mul3A_2, %add3A_517 : i32
    %dma_start3A_519 = arith.constant 0 : i32
    %dma_start3A_520 = arith.constant 0 : i32
    %dma_start3A_521 = arith.constant 0 : i32
    %dma_start3A_522 = tpu.memref_slice %arg6[%dma_start3A_519, %dma_start3A_520, %dma_start3A_521] : memref<3x32x1024xf32, #tpu.memory_space<vmem>> -> memref<1x32x1024xf32, #tpu.memory_space<vmem>>
    %dma_start3A_523 = tpu.memref_squeeze %dma_start3A_522 : memref<1x32x1024xf32, #tpu.memory_space<vmem>> -> memref<32x1024xf32, #tpu.memory_space<vmem>>
    %dma_start3A_524 = arith.constant 0 : i32
    %dma_start3A_525 = tpu.memref_slice %arg4[%add3A_518, %dma_start3A_524] : memref<32768x1024xf32, #tpu.memory_space<hbm>> -> memref<32x1024xf32, #tpu.memory_space<hbm>>
    %dma_start3A_526 = arith.constant 0 : i32
    %dma_start3A_527 = tpu.memref_slice %arg4[%add3A_518, %dma_start3A_526] : memref<32768x1024xf32, #tpu.memory_space<hbm>> -> memref<32x1024xf32, #tpu.memory_space<hbm>>
    %dma_start3A_528 = arith.constant 0 : i32
    %dma_start3A_529 = arith.constant 0 : i32
    %dma_start3A_530 = tpu.memref_slice %arg6[%dma_start3A_519, %dma_start3A_528, %dma_start3A_529] : memref<3x32x1024xf32, #tpu.memory_space<vmem>> -> memref<1x32x1024xf32, #tpu.memory_space<vmem>>
    %dma_start3A_531 = tpu.memref_squeeze %dma_start3A_530 : memref<1x32x1024xf32, #tpu.memory_space<vmem>> -> memref<32x1024xf32, #tpu.memory_space<vmem>>
    tpu.enqueue_dma source(%dma_start3A_531 : memref<32x1024xf32, #tpu.memory_space<vmem>>) target(%dma_start3A_527 : memref<32x1024xf32, #tpu.memory_space<hbm>>) target_semaphore(%arg10 : memref<!tpu.dma_semaphore, #tpu.memory_space<semaphore_mem>>)
    %dma_wait3A_532 = arith.constant 0 : i32
    %dma_wait3A_533 = arith.constant 0 : i32
    %dma_wait3A_534 = arith.constant 0 : i32
    %dma_wait3A_535 = tpu.memref_slice %arg6[%dma_wait3A_532, %dma_wait3A_533, %dma_wait3A_534] : memref<3x32x1024xf32, #tpu.memory_space<vmem>> -> memref<1x32x1024xf32, #tpu.memory_space<vmem>>
    %dma_wait3A_536 = tpu.memref_squeeze %dma_wait3A_535 : memref<1x32x1024xf32, #tpu.memory_space<vmem>> -> memref<32x1024xf32, #tpu.memory_space<vmem>>
    %dma_wait3A_537 = arith.constant 0 : i32
    %dma_wait3A_538 = tpu.memref_slice %arg4[%add3A_518, %dma_wait3A_537] : memref<32768x1024xf32, #tpu.memory_space<hbm>> -> memref<32x1024xf32, #tpu.memory_space<hbm>>
    %dma_wait3A_539 = arith.constant 0 : i32
    %dma_wait3A_540 = tpu.memref_slice %arg4[%add3A_518, %dma_wait3A_539] : memref<32768x1024xf32, #tpu.memory_space<hbm>> -> memref<32x1024xf32, #tpu.memory_space<hbm>>
    %dma_wait3A_541 = arith.constant 0 : i32
    %dma_wait3A_542 = arith.constant 0 : i32
    %dma_wait3A_543 = tpu.memref_slice %arg6[%dma_wait3A_532, %dma_wait3A_541, %dma_wait3A_542] : memref<3x32x1024xf32, #tpu.memory_space<vmem>> -> memref<1x32x1024xf32, #tpu.memory_space<vmem>>
    %dma_wait3A_544 = tpu.memref_squeeze %dma_wait3A_543 : memref<1x32x1024xf32, #tpu.memory_space<vmem>> -> memref<32x1024xf32, #tpu.memory_space<vmem>>
    tpu.wait_dma2 semaphore(%arg10 : memref<!tpu.dma_semaphore, #tpu.memory_space<semaphore_mem>>) src(%dma_wait3A_544 : memref<32x1024xf32, #tpu.memory_space<vmem>>) dst(%dma_wait3A_540 : memref<32x1024xf32, #tpu.memory_space<hbm>>)
    %dma_start3A_545 = arith.constant 12 : i32
    %dma_start3A_546 = arith.constant 0 : i32
    %dma_start3A_547 = arith.constant 0 : i32
    %dma_start3A_548 = arith.constant 0 : i32
    %dma_start3A_549 = tpu.memref_slice %arg6[%dma_start3A_546, %dma_start3A_547, %dma_start3A_548] : memref<3x32x1024xf32, #tpu.memory_space<vmem>> -> memref<1x32x1024xf32, #tpu.memory_space<vmem>>
    %dma_start3A_550 = tpu.memref_squeeze %dma_start3A_549 : memref<1x32x1024xf32, #tpu.memory_space<vmem>> -> memref<32x1024xf32, #tpu.memory_space<vmem>>
    %dma_start3A_551 = arith.constant 0 : i32
    %dma_start3A_552 = tpu.memref_slice %arg5[%dma_start3A_545, %dma_start3A_551] : memref<32x32xi32, #tpu.memory_space<vmem>> -> memref<1x32xi32, #tpu.memory_space<vmem>>
    %dma_start3A_553 = tpu.memref_squeeze %dma_start3A_552 : memref<1x32xi32, #tpu.memory_space<vmem>> -> memref<32xi32, #tpu.memory_space<vmem>>
    %dma_start3A_554 = arith.constant 0 : i32
    %dma_start3A_555 = arith.constant 0 : i32
    %dma_start3A_556 = tpu.memref_slice %arg3[%dma_start3A_554, %dma_start3A_555] : memref<8192x1024xf32, #tpu.memory_space<hbm>> -> memref<8192x1024xf32, #tpu.memory_space<hbm>>
    tpu.enqueue_indirect_dma source(%dma_start3A_556 : memref<8192x1024xf32, #tpu.memory_space<hbm>>) target(%dma_start3A_550 : memref<32x1024xf32, #tpu.memory_space<vmem>>) offsets(%dma_start3A_553 : memref<32xi32, #tpu.memory_space<vmem>>) semaphore(%arg7 : memref<!tpu.dma_semaphore, #tpu.memory_space<semaphore_mem>>)
    %dma_wait3A_557 = arith.constant 10 : i32
    %dma_wait3A_558 = arith.constant 1 : i32
    %dma_wait3A_559 = arith.constant 0 : i32
    %dma_wait3A_560 = arith.constant 0 : i32
    %dma_wait3A_561 = tpu.memref_slice %arg6[%dma_wait3A_558, %dma_wait3A_559, %dma_wait3A_560] : memref<3x32x1024xf32, #tpu.memory_space<vmem>> -> memref<1x32x1024xf32, #tpu.memory_space<vmem>>
    %dma_wait3A_562 = tpu.memref_squeeze %dma_wait3A_561 : memref<1x32x1024xf32, #tpu.memory_space<vmem>> -> memref<32x1024xf32, #tpu.memory_space<vmem>>
    %dma_wait3A_563 = arith.constant 0 : i32
    %dma_wait3A_564 = tpu.memref_slice %arg5[%dma_wait3A_557, %dma_wait3A_563] : memref<32x32xi32, #tpu.memory_space<vmem>> -> memref<1x32xi32, #tpu.memory_space<vmem>>
    %dma_wait3A_565 = tpu.memref_squeeze %dma_wait3A_564 : memref<1x32xi32, #tpu.memory_space<vmem>> -> memref<32xi32, #tpu.memory_space<vmem>>
    %dma_wait3A_566 = arith.constant 0 : i32
    %dma_wait3A_567 = arith.constant 0 : i32
    %dma_wait3A_568 = tpu.memref_slice %arg3[%dma_wait3A_566, %dma_wait3A_567] : memref<8192x1024xf32, #tpu.memory_space<hbm>> -> memref<8192x1024xf32, #tpu.memory_space<hbm>>
    tpu.wait_indirect_dma semaphore(%arg8 : memref<!tpu.dma_semaphore, #tpu.memory_space<semaphore_mem>>) src(%dma_wait3A_568 : memref<8192x1024xf32, #tpu.memory_space<hbm>>) dst(%dma_wait3A_562 : memref<32x1024xf32, #tpu.memory_space<vmem>>)
    %add3A_569 = arith.constant 320 : i32
    %add3A_570 = arith.addi %mul3A_2, %add3A_569 : i32
    %dma_start3A_571 = arith.constant 1 : i32
    %dma_start3A_572 = arith.constant 0 : i32
    %dma_start3A_573 = arith.constant 0 : i32
    %dma_start3A_574 = tpu.memref_slice %arg6[%dma_start3A_571, %dma_start3A_572, %dma_start3A_573] : memref<3x32x1024xf32, #tpu.memory_space<vmem>> -> memref<1x32x1024xf32, #tpu.memory_space<vmem>>
    %dma_start3A_575 = tpu.memref_squeeze %dma_start3A_574 : memref<1x32x1024xf32, #tpu.memory_space<vmem>> -> memref<32x1024xf32, #tpu.memory_space<vmem>>
    %dma_start3A_576 = arith.constant 0 : i32
    %dma_start3A_577 = tpu.memref_slice %arg4[%add3A_570, %dma_start3A_576] : memref<32768x1024xf32, #tpu.memory_space<hbm>> -> memref<32x1024xf32, #tpu.memory_space<hbm>>
    %dma_start3A_578 = arith.constant 0 : i32
    %dma_start3A_579 = tpu.memref_slice %arg4[%add3A_570, %dma_start3A_578] : memref<32768x1024xf32, #tpu.memory_space<hbm>> -> memref<32x1024xf32, #tpu.memory_space<hbm>>
    %dma_start3A_580 = arith.constant 0 : i32
    %dma_start3A_581 = arith.constant 0 : i32
    %dma_start3A_582 = tpu.memref_slice %arg6[%dma_start3A_571, %dma_start3A_580, %dma_start3A_581] : memref<3x32x1024xf32, #tpu.memory_space<vmem>> -> memref<1x32x1024xf32, #tpu.memory_space<vmem>>
    %dma_start3A_583 = tpu.memref_squeeze %dma_start3A_582 : memref<1x32x1024xf32, #tpu.memory_space<vmem>> -> memref<32x1024xf32, #tpu.memory_space<vmem>>
    tpu.enqueue_dma source(%dma_start3A_583 : memref<32x1024xf32, #tpu.memory_space<vmem>>) target(%dma_start3A_579 : memref<32x1024xf32, #tpu.memory_space<hbm>>) target_semaphore(%arg11 : memref<!tpu.dma_semaphore, #tpu.memory_space<semaphore_mem>>)
    %dma_wait3A_584 = arith.constant 1 : i32
    %dma_wait3A_585 = arith.constant 0 : i32
    %dma_wait3A_586 = arith.constant 0 : i32
    %dma_wait3A_587 = tpu.memref_slice %arg6[%dma_wait3A_584, %dma_wait3A_585, %dma_wait3A_586] : memref<3x32x1024xf32, #tpu.memory_space<vmem>> -> memref<1x32x1024xf32, #tpu.memory_space<vmem>>
    %dma_wait3A_588 = tpu.memref_squeeze %dma_wait3A_587 : memref<1x32x1024xf32, #tpu.memory_space<vmem>> -> memref<32x1024xf32, #tpu.memory_space<vmem>>
    %dma_wait3A_589 = arith.constant 0 : i32
    %dma_wait3A_590 = tpu.memref_slice %arg4[%add3A_570, %dma_wait3A_589] : memref<32768x1024xf32, #tpu.memory_space<hbm>> -> memref<32x1024xf32, #tpu.memory_space<hbm>>
    %dma_wait3A_591 = arith.constant 0 : i32
    %dma_wait3A_592 = tpu.memref_slice %arg4[%add3A_570, %dma_wait3A_591] : memref<32768x1024xf32, #tpu.memory_space<hbm>> -> memref<32x1024xf32, #tpu.memory_space<hbm>>
    %dma_wait3A_593 = arith.constant 0 : i32
    %dma_wait3A_594 = arith.constant 0 : i32
    %dma_wait3A_595 = tpu.memref_slice %arg6[%dma_wait3A_584, %dma_wait3A_593, %dma_wait3A_594] : memref<3x32x1024xf32, #tpu.memory_space<vmem>> -> memref<1x32x1024xf32, #tpu.memory_space<vmem>>
    %dma_wait3A_596 = tpu.memref_squeeze %dma_wait3A_595 : memref<1x32x1024xf32, #tpu.memory_space<vmem>> -> memref<32x1024xf32, #tpu.memory_space<vmem>>
    tpu.wait_dma2 semaphore(%arg11 : memref<!tpu.dma_semaphore, #tpu.memory_space<semaphore_mem>>) src(%dma_wait3A_596 : memref<32x1024xf32, #tpu.memory_space<vmem>>) dst(%dma_wait3A_592 : memref<32x1024xf32, #tpu.memory_space<hbm>>)
    %dma_start3A_597 = arith.constant 13 : i32
    %dma_start3A_598 = arith.constant 1 : i32
    %dma_start3A_599 = arith.constant 0 : i32
    %dma_start3A_600 = arith.constant 0 : i32
    %dma_start3A_601 = tpu.memref_slice %arg6[%dma_start3A_598, %dma_start3A_599, %dma_start3A_600] : memref<3x32x1024xf32, #tpu.memory_space<vmem>> -> memref<1x32x1024xf32, #tpu.memory_space<vmem>>
    %dma_start3A_602 = tpu.memref_squeeze %dma_start3A_601 : memref<1x32x1024xf32, #tpu.memory_space<vmem>> -> memref<32x1024xf32, #tpu.memory_space<vmem>>
    %dma_start3A_603 = arith.constant 0 : i32
    %dma_start3A_604 = tpu.memref_slice %arg5[%dma_start3A_597, %dma_start3A_603] : memref<32x32xi32, #tpu.memory_space<vmem>> -> memref<1x32xi32, #tpu.memory_space<vmem>>
    %dma_start3A_605 = tpu.memref_squeeze %dma_start3A_604 : memref<1x32xi32, #tpu.memory_space<vmem>> -> memref<32xi32, #tpu.memory_space<vmem>>
    %dma_start3A_606 = arith.constant 0 : i32
    %dma_start3A_607 = arith.constant 0 : i32
    %dma_start3A_608 = tpu.memref_slice %arg3[%dma_start3A_606, %dma_start3A_607] : memref<8192x1024xf32, #tpu.memory_space<hbm>> -> memref<8192x1024xf32, #tpu.memory_space<hbm>>
    tpu.enqueue_indirect_dma source(%dma_start3A_608 : memref<8192x1024xf32, #tpu.memory_space<hbm>>) target(%dma_start3A_602 : memref<32x1024xf32, #tpu.memory_space<vmem>>) offsets(%dma_start3A_605 : memref<32xi32, #tpu.memory_space<vmem>>) semaphore(%arg8 : memref<!tpu.dma_semaphore, #tpu.memory_space<semaphore_mem>>)
    %dma_wait3A_609 = arith.constant 11 : i32
    %dma_wait3A_610 = arith.constant 2 : i32
    %dma_wait3A_611 = arith.constant 0 : i32
    %dma_wait3A_612 = arith.constant 0 : i32
    %dma_wait3A_613 = tpu.memref_slice %arg6[%dma_wait3A_610, %dma_wait3A_611, %dma_wait3A_612] : memref<3x32x1024xf32, #tpu.memory_space<vmem>> -> memref<1x32x1024xf32, #tpu.memory_space<vmem>>
    %dma_wait3A_614 = tpu.memref_squeeze %dma_wait3A_613 : memref<1x32x1024xf32, #tpu.memory_space<vmem>> -> memref<32x1024xf32, #tpu.memory_space<vmem>>
    %dma_wait3A_615 = arith.constant 0 : i32
    %dma_wait3A_616 = tpu.memref_slice %arg5[%dma_wait3A_609, %dma_wait3A_615] : memref<32x32xi32, #tpu.memory_space<vmem>> -> memref<1x32xi32, #tpu.memory_space<vmem>>
    %dma_wait3A_617 = tpu.memref_squeeze %dma_wait3A_616 : memref<1x32xi32, #tpu.memory_space<vmem>> -> memref<32xi32, #tpu.memory_space<vmem>>
    %dma_wait3A_618 = arith.constant 0 : i32
    %dma_wait3A_619 = arith.constant 0 : i32
    %dma_wait3A_620 = tpu.memref_slice %arg3[%dma_wait3A_618, %dma_wait3A_619] : memref<8192x1024xf32, #tpu.memory_space<hbm>> -> memref<8192x1024xf32, #tpu.memory_space<hbm>>
    tpu.wait_indirect_dma semaphore(%arg9 : memref<!tpu.dma_semaphore, #tpu.memory_space<semaphore_mem>>) src(%dma_wait3A_620 : memref<8192x1024xf32, #tpu.memory_space<hbm>>) dst(%dma_wait3A_614 : memref<32x1024xf32, #tpu.memory_space<vmem>>)
    %add3A_621 = arith.constant 352 : i32
    %add3A_622 = arith.addi %mul3A_2, %add3A_621 : i32
    %dma_start3A_623 = arith.constant 2 : i32
    %dma_start3A_624 = arith.constant 0 : i32
    %dma_start3A_625 = arith.constant 0 : i32
    %dma_start3A_626 = tpu.memref_slice %arg6[%dma_start3A_623, %dma_start3A_624, %dma_start3A_625] : memref<3x32x1024xf32, #tpu.memory_space<vmem>> -> memref<1x32x1024xf32, #tpu.memory_space<vmem>>
    %dma_start3A_627 = tpu.memref_squeeze %dma_start3A_626 : memref<1x32x1024xf32, #tpu.memory_space<vmem>> -> memref<32x1024xf32, #tpu.memory_space<vmem>>
    %dma_start3A_628 = arith.constant 0 : i32
    %dma_start3A_629 = tpu.memref_slice %arg4[%add3A_622, %dma_start3A_628] : memref<32768x1024xf32, #tpu.memory_space<hbm>> -> memref<32x1024xf32, #tpu.memory_space<hbm>>
    %dma_start3A_630 = arith.constant 0 : i32
    %dma_start3A_631 = tpu.memref_slice %arg4[%add3A_622, %dma_start3A_630] : memref<32768x1024xf32, #tpu.memory_space<hbm>> -> memref<32x1024xf32, #tpu.memory_space<hbm>>
    %dma_start3A_632 = arith.constant 0 : i32
    %dma_start3A_633 = arith.constant 0 : i32
    %dma_start3A_634 = tpu.memref_slice %arg6[%dma_start3A_623, %dma_start3A_632, %dma_start3A_633] : memref<3x32x1024xf32, #tpu.memory_space<vmem>> -> memref<1x32x1024xf32, #tpu.memory_space<vmem>>
    %dma_start3A_635 = tpu.memref_squeeze %dma_start3A_634 : memref<1x32x1024xf32, #tpu.memory_space<vmem>> -> memref<32x1024xf32, #tpu.memory_space<vmem>>
    tpu.enqueue_dma source(%dma_start3A_635 : memref<32x1024xf32, #tpu.memory_space<vmem>>) target(%dma_start3A_631 : memref<32x1024xf32, #tpu.memory_space<hbm>>) target_semaphore(%arg12 : memref<!tpu.dma_semaphore, #tpu.memory_space<semaphore_mem>>)
    %dma_wait3A_636 = arith.constant 2 : i32
    %dma_wait3A_637 = arith.constant 0 : i32
    %dma_wait3A_638 = arith.constant 0 : i32
    %dma_wait3A_639 = tpu.memref_slice %arg6[%dma_wait3A_636, %dma_wait3A_637, %dma_wait3A_638] : memref<3x32x1024xf32, #tpu.memory_space<vmem>> -> memref<1x32x1024xf32, #tpu.memory_space<vmem>>
    %dma_wait3A_640 = tpu.memref_squeeze %dma_wait3A_639 : memref<1x32x1024xf32, #tpu.memory_space<vmem>> -> memref<32x1024xf32, #tpu.memory_space<vmem>>
    %dma_wait3A_641 = arith.constant 0 : i32
    %dma_wait3A_642 = tpu.memref_slice %arg4[%add3A_622, %dma_wait3A_641] : memref<32768x1024xf32, #tpu.memory_space<hbm>> -> memref<32x1024xf32, #tpu.memory_space<hbm>>
    %dma_wait3A_643 = arith.constant 0 : i32
    %dma_wait3A_644 = tpu.memref_slice %arg4[%add3A_622, %dma_wait3A_643] : memref<32768x1024xf32, #tpu.memory_space<hbm>> -> memref<32x1024xf32, #tpu.memory_space<hbm>>
    %dma_wait3A_645 = arith.constant 0 : i32
    %dma_wait3A_646 = arith.constant 0 : i32
    %dma_wait3A_647 = tpu.memref_slice %arg6[%dma_wait3A_636, %dma_wait3A_645, %dma_wait3A_646] : memref<3x32x1024xf32, #tpu.memory_space<vmem>> -> memref<1x32x1024xf32, #tpu.memory_space<vmem>>
    %dma_wait3A_648 = tpu.memref_squeeze %dma_wait3A_647 : memref<1x32x1024xf32, #tpu.memory_space<vmem>> -> memref<32x1024xf32, #tpu.memory_space<vmem>>
    tpu.wait_dma2 semaphore(%arg12 : memref<!tpu.dma_semaphore, #tpu.memory_space<semaphore_mem>>) src(%dma_wait3A_648 : memref<32x1024xf32, #tpu.memory_space<vmem>>) dst(%dma_wait3A_644 : memref<32x1024xf32, #tpu.memory_space<hbm>>)
    %dma_start3A_649 = arith.constant 14 : i32
    %dma_start3A_650 = arith.constant 2 : i32
    %dma_start3A_651 = arith.constant 0 : i32
    %dma_start3A_652 = arith.constant 0 : i32
    %dma_start3A_653 = tpu.memref_slice %arg6[%dma_start3A_650, %dma_start3A_651, %dma_start3A_652] : memref<3x32x1024xf32, #tpu.memory_space<vmem>> -> memref<1x32x1024xf32, #tpu.memory_space<vmem>>
    %dma_start3A_654 = tpu.memref_squeeze %dma_start3A_653 : memref<1x32x1024xf32, #tpu.memory_space<vmem>> -> memref<32x1024xf32, #tpu.memory_space<vmem>>
    %dma_start3A_655 = arith.constant 0 : i32
    %dma_start3A_656 = tpu.memref_slice %arg5[%dma_start3A_649, %dma_start3A_655] : memref<32x32xi32, #tpu.memory_space<vmem>> -> memref<1x32xi32, #tpu.memory_space<vmem>>
    %dma_start3A_657 = tpu.memref_squeeze %dma_start3A_656 : memref<1x32xi32, #tpu.memory_space<vmem>> -> memref<32xi32, #tpu.memory_space<vmem>>
    %dma_start3A_658 = arith.constant 0 : i32
    %dma_start3A_659 = arith.constant 0 : i32
    %dma_start3A_660 = tpu.memref_slice %arg3[%dma_start3A_658, %dma_start3A_659] : memref<8192x1024xf32, #tpu.memory_space<hbm>> -> memref<8192x1024xf32, #tpu.memory_space<hbm>>
    tpu.enqueue_indirect_dma source(%dma_start3A_660 : memref<8192x1024xf32, #tpu.memory_space<hbm>>) target(%dma_start3A_654 : memref<32x1024xf32, #tpu.memory_space<vmem>>) offsets(%dma_start3A_657 : memref<32xi32, #tpu.memory_space<vmem>>) semaphore(%arg9 : memref<!tpu.dma_semaphore, #tpu.memory_space<semaphore_mem>>)
    %dma_wait3A_661 = arith.constant 12 : i32
    %dma_wait3A_662 = arith.constant 0 : i32
    %dma_wait3A_663 = arith.constant 0 : i32
    %dma_wait3A_664 = arith.constant 0 : i32
    %dma_wait3A_665 = tpu.memref_slice %arg6[%dma_wait3A_662, %dma_wait3A_663, %dma_wait3A_664] : memref<3x32x1024xf32, #tpu.memory_space<vmem>> -> memref<1x32x1024xf32, #tpu.memory_space<vmem>>
    %dma_wait3A_666 = tpu.memref_squeeze %dma_wait3A_665 : memref<1x32x1024xf32, #tpu.memory_space<vmem>> -> memref<32x1024xf32, #tpu.memory_space<vmem>>
    %dma_wait3A_667 = arith.constant 0 : i32
    %dma_wait3A_668 = tpu.memref_slice %arg5[%dma_wait3A_661, %dma_wait3A_667] : memref<32x32xi32, #tpu.memory_space<vmem>> -> memref<1x32xi32, #tpu.memory_space<vmem>>
    %dma_wait3A_669 = tpu.memref_squeeze %dma_wait3A_668 : memref<1x32xi32, #tpu.memory_space<vmem>> -> memref<32xi32, #tpu.memory_space<vmem>>
    %dma_wait3A_670 = arith.constant 0 : i32
    %dma_wait3A_671 = arith.constant 0 : i32
    %dma_wait3A_672 = tpu.memref_slice %arg3[%dma_wait3A_670, %dma_wait3A_671] : memref<8192x1024xf32, #tpu.memory_space<hbm>> -> memref<8192x1024xf32, #tpu.memory_space<hbm>>
    tpu.wait_indirect_dma semaphore(%arg7 : memref<!tpu.dma_semaphore, #tpu.memory_space<semaphore_mem>>) src(%dma_wait3A_672 : memref<8192x1024xf32, #tpu.memory_space<hbm>>) dst(%dma_wait3A_666 : memref<32x1024xf32, #tpu.memory_space<vmem>>)
    %add3A_673 = arith.constant 384 : i32
    %add3A_674 = arith.addi %mul3A_2, %add3A_673 : i32
    %dma_start3A_675 = arith.constant 0 : i32
    %dma_start3A_676 = arith.constant 0 : i32
    %dma_start3A_677 = arith.constant 0 : i32
    %dma_start3A_678 = tpu.memref_slice %arg6[%dma_start3A_675, %dma_start3A_676, %dma_start3A_677] : memref<3x32x1024xf32, #tpu.memory_space<vmem>> -> memref<1x32x1024xf32, #tpu.memory_space<vmem>>
    %dma_start3A_679 = tpu.memref_squeeze %dma_start3A_678 : memref<1x32x1024xf32, #tpu.memory_space<vmem>> -> memref<32x1024xf32, #tpu.memory_space<vmem>>
    %dma_start3A_680 = arith.constant 0 : i32
    %dma_start3A_681 = tpu.memref_slice %arg4[%add3A_674, %dma_start3A_680] : memref<32768x1024xf32, #tpu.memory_space<hbm>> -> memref<32x1024xf32, #tpu.memory_space<hbm>>
    %dma_start3A_682 = arith.constant 0 : i32
    %dma_start3A_683 = tpu.memref_slice %arg4[%add3A_674, %dma_start3A_682] : memref<32768x1024xf32, #tpu.memory_space<hbm>> -> memref<32x1024xf32, #tpu.memory_space<hbm>>
    %dma_start3A_684 = arith.constant 0 : i32
    %dma_start3A_685 = arith.constant 0 : i32
    %dma_start3A_686 = tpu.memref_slice %arg6[%dma_start3A_675, %dma_start3A_684, %dma_start3A_685] : memref<3x32x1024xf32, #tpu.memory_space<vmem>> -> memref<1x32x1024xf32, #tpu.memory_space<vmem>>
    %dma_start3A_687 = tpu.memref_squeeze %dma_start3A_686 : memref<1x32x1024xf32, #tpu.memory_space<vmem>> -> memref<32x1024xf32, #tpu.memory_space<vmem>>
    tpu.enqueue_dma source(%dma_start3A_687 : memref<32x1024xf32, #tpu.memory_space<vmem>>) target(%dma_start3A_683 : memref<32x1024xf32, #tpu.memory_space<hbm>>) target_semaphore(%arg10 : memref<!tpu.dma_semaphore, #tpu.memory_space<semaphore_mem>>)
    %dma_wait3A_688 = arith.constant 0 : i32
    %dma_wait3A_689 = arith.constant 0 : i32
    %dma_wait3A_690 = arith.constant 0 : i32
    %dma_wait3A_691 = tpu.memref_slice %arg6[%dma_wait3A_688, %dma_wait3A_689, %dma_wait3A_690] : memref<3x32x1024xf32, #tpu.memory_space<vmem>> -> memref<1x32x1024xf32, #tpu.memory_space<vmem>>
    %dma_wait3A_692 = tpu.memref_squeeze %dma_wait3A_691 : memref<1x32x1024xf32, #tpu.memory_space<vmem>> -> memref<32x1024xf32, #tpu.memory_space<vmem>>
    %dma_wait3A_693 = arith.constant 0 : i32
    %dma_wait3A_694 = tpu.memref_slice %arg4[%add3A_674, %dma_wait3A_693] : memref<32768x1024xf32, #tpu.memory_space<hbm>> -> memref<32x1024xf32, #tpu.memory_space<hbm>>
    %dma_wait3A_695 = arith.constant 0 : i32
    %dma_wait3A_696 = tpu.memref_slice %arg4[%add3A_674, %dma_wait3A_695] : memref<32768x1024xf32, #tpu.memory_space<hbm>> -> memref<32x1024xf32, #tpu.memory_space<hbm>>
    %dma_wait3A_697 = arith.constant 0 : i32
    %dma_wait3A_698 = arith.constant 0 : i32
    %dma_wait3A_699 = tpu.memref_slice %arg6[%dma_wait3A_688, %dma_wait3A_697, %dma_wait3A_698] : memref<3x32x1024xf32, #tpu.memory_space<vmem>> -> memref<1x32x1024xf32, #tpu.memory_space<vmem>>
    %dma_wait3A_700 = tpu.memref_squeeze %dma_wait3A_699 : memref<1x32x1024xf32, #tpu.memory_space<vmem>> -> memref<32x1024xf32, #tpu.memory_space<vmem>>
    tpu.wait_dma2 semaphore(%arg10 : memref<!tpu.dma_semaphore, #tpu.memory_space<semaphore_mem>>) src(%dma_wait3A_700 : memref<32x1024xf32, #tpu.memory_space<vmem>>) dst(%dma_wait3A_696 : memref<32x1024xf32, #tpu.memory_space<hbm>>)
    %dma_start3A_701 = arith.constant 15 : i32
    %dma_start3A_702 = arith.constant 0 : i32
    %dma_start3A_703 = arith.constant 0 : i32
    %dma_start3A_704 = arith.constant 0 : i32
    %dma_start3A_705 = tpu.memref_slice %arg6[%dma_start3A_702, %dma_start3A_703, %dma_start3A_704] : memref<3x32x1024xf32, #tpu.memory_space<vmem>> -> memref<1x32x1024xf32, #tpu.memory_space<vmem>>
    %dma_start3A_706 = tpu.memref_squeeze %dma_start3A_705 : memref<1x32x1024xf32, #tpu.memory_space<vmem>> -> memref<32x1024xf32, #tpu.memory_space<vmem>>
    %dma_start3A_707 = arith.constant 0 : i32
    %dma_start3A_708 = tpu.memref_slice %arg5[%dma_start3A_701, %dma_start3A_707] : memref<32x32xi32, #tpu.memory_space<vmem>> -> memref<1x32xi32, #tpu.memory_space<vmem>>
    %dma_start3A_709 = tpu.memref_squeeze %dma_start3A_708 : memref<1x32xi32, #tpu.memory_space<vmem>> -> memref<32xi32, #tpu.memory_space<vmem>>
    %dma_start3A_710 = arith.constant 0 : i32
    %dma_start3A_711 = arith.constant 0 : i32
    %dma_start3A_712 = tpu.memref_slice %arg3[%dma_start3A_710, %dma_start3A_711] : memref<8192x1024xf32, #tpu.memory_space<hbm>> -> memref<8192x1024xf32, #tpu.memory_space<hbm>>
    tpu.enqueue_indirect_dma source(%dma_start3A_712 : memref<8192x1024xf32, #tpu.memory_space<hbm>>) target(%dma_start3A_706 : memref<32x1024xf32, #tpu.memory_space<vmem>>) offsets(%dma_start3A_709 : memref<32xi32, #tpu.memory_space<vmem>>) semaphore(%arg7 : memref<!tpu.dma_semaphore, #tpu.memory_space<semaphore_mem>>)
    %dma_wait3A_713 = arith.constant 13 : i32
    %dma_wait3A_714 = arith.constant 1 : i32
    %dma_wait3A_715 = arith.constant 0 : i32
    %dma_wait3A_716 = arith.constant 0 : i32
    %dma_wait3A_717 = tpu.memref_slice %arg6[%dma_wait3A_714, %dma_wait3A_715, %dma_wait3A_716] : memref<3x32x1024xf32, #tpu.memory_space<vmem>> -> memref<1x32x1024xf32, #tpu.memory_space<vmem>>
    %dma_wait3A_718 = tpu.memref_squeeze %dma_wait3A_717 : memref<1x32x1024xf32, #tpu.memory_space<vmem>> -> memref<32x1024xf32, #tpu.memory_space<vmem>>
    %dma_wait3A_719 = arith.constant 0 : i32
    %dma_wait3A_720 = tpu.memref_slice %arg5[%dma_wait3A_713, %dma_wait3A_719] : memref<32x32xi32, #tpu.memory_space<vmem>> -> memref<1x32xi32, #tpu.memory_space<vmem>>
    %dma_wait3A_721 = tpu.memref_squeeze %dma_wait3A_720 : memref<1x32xi32, #tpu.memory_space<vmem>> -> memref<32xi32, #tpu.memory_space<vmem>>
    %dma_wait3A_722 = arith.constant 0 : i32
    %dma_wait3A_723 = arith.constant 0 : i32
    %dma_wait3A_724 = tpu.memref_slice %arg3[%dma_wait3A_722, %dma_wait3A_723] : memref<8192x1024xf32, #tpu.memory_space<hbm>> -> memref<8192x1024xf32, #tpu.memory_space<hbm>>
    tpu.wait_indirect_dma semaphore(%arg8 : memref<!tpu.dma_semaphore, #tpu.memory_space<semaphore_mem>>) src(%dma_wait3A_724 : memref<8192x1024xf32, #tpu.memory_space<hbm>>) dst(%dma_wait3A_718 : memref<32x1024xf32, #tpu.memory_space<vmem>>)
    %add3A_725 = arith.constant 416 : i32
    %add3A_726 = arith.addi %mul3A_2, %add3A_725 : i32
    %dma_start3A_727 = arith.constant 1 : i32
    %dma_start3A_728 = arith.constant 0 : i32
    %dma_start3A_729 = arith.constant 0 : i32
    %dma_start3A_730 = tpu.memref_slice %arg6[%dma_start3A_727, %dma_start3A_728, %dma_start3A_729] : memref<3x32x1024xf32, #tpu.memory_space<vmem>> -> memref<1x32x1024xf32, #tpu.memory_space<vmem>>
    %dma_start3A_731 = tpu.memref_squeeze %dma_start3A_730 : memref<1x32x1024xf32, #tpu.memory_space<vmem>> -> memref<32x1024xf32, #tpu.memory_space<vmem>>
    %dma_start3A_732 = arith.constant 0 : i32
    %dma_start3A_733 = tpu.memref_slice %arg4[%add3A_726, %dma_start3A_732] : memref<32768x1024xf32, #tpu.memory_space<hbm>> -> memref<32x1024xf32, #tpu.memory_space<hbm>>
    %dma_start3A_734 = arith.constant 0 : i32
    %dma_start3A_735 = tpu.memref_slice %arg4[%add3A_726, %dma_start3A_734] : memref<32768x1024xf32, #tpu.memory_space<hbm>> -> memref<32x1024xf32, #tpu.memory_space<hbm>>
    %dma_start3A_736 = arith.constant 0 : i32
    %dma_start3A_737 = arith.constant 0 : i32
    %dma_start3A_738 = tpu.memref_slice %arg6[%dma_start3A_727, %dma_start3A_736, %dma_start3A_737] : memref<3x32x1024xf32, #tpu.memory_space<vmem>> -> memref<1x32x1024xf32, #tpu.memory_space<vmem>>
    %dma_start3A_739 = tpu.memref_squeeze %dma_start3A_738 : memref<1x32x1024xf32, #tpu.memory_space<vmem>> -> memref<32x1024xf32, #tpu.memory_space<vmem>>
    tpu.enqueue_dma source(%dma_start3A_739 : memref<32x1024xf32, #tpu.memory_space<vmem>>) target(%dma_start3A_735 : memref<32x1024xf32, #tpu.memory_space<hbm>>) target_semaphore(%arg11 : memref<!tpu.dma_semaphore, #tpu.memory_space<semaphore_mem>>)
    %dma_wait3A_740 = arith.constant 1 : i32
    %dma_wait3A_741 = arith.constant 0 : i32
    %dma_wait3A_742 = arith.constant 0 : i32
    %dma_wait3A_743 = tpu.memref_slice %arg6[%dma_wait3A_740, %dma_wait3A_741, %dma_wait3A_742] : memref<3x32x1024xf32, #tpu.memory_space<vmem>> -> memref<1x32x1024xf32, #tpu.memory_space<vmem>>
    %dma_wait3A_744 = tpu.memref_squeeze %dma_wait3A_743 : memref<1x32x1024xf32, #tpu.memory_space<vmem>> -> memref<32x1024xf32, #tpu.memory_space<vmem>>
    %dma_wait3A_745 = arith.constant 0 : i32
    %dma_wait3A_746 = tpu.memref_slice %arg4[%add3A_726, %dma_wait3A_745] : memref<32768x1024xf32, #tpu.memory_space<hbm>> -> memref<32x1024xf32, #tpu.memory_space<hbm>>
    %dma_wait3A_747 = arith.constant 0 : i32
    %dma_wait3A_748 = tpu.memref_slice %arg4[%add3A_726, %dma_wait3A_747] : memref<32768x1024xf32, #tpu.memory_space<hbm>> -> memref<32x1024xf32, #tpu.memory_space<hbm>>
    %dma_wait3A_749 = arith.constant 0 : i32
    %dma_wait3A_750 = arith.constant 0 : i32
    %dma_wait3A_751 = tpu.memref_slice %arg6[%dma_wait3A_740, %dma_wait3A_749, %dma_wait3A_750] : memref<3x32x1024xf32, #tpu.memory_space<vmem>> -> memref<1x32x1024xf32, #tpu.memory_space<vmem>>
    %dma_wait3A_752 = tpu.memref_squeeze %dma_wait3A_751 : memref<1x32x1024xf32, #tpu.memory_space<vmem>> -> memref<32x1024xf32, #tpu.memory_space<vmem>>
    tpu.wait_dma2 semaphore(%arg11 : memref<!tpu.dma_semaphore, #tpu.memory_space<semaphore_mem>>) src(%dma_wait3A_752 : memref<32x1024xf32, #tpu.memory_space<vmem>>) dst(%dma_wait3A_748 : memref<32x1024xf32, #tpu.memory_space<hbm>>)
    %dma_start3A_753 = arith.constant 16 : i32
    %dma_start3A_754 = arith.constant 1 : i32
    %dma_start3A_755 = arith.constant 0 : i32
    %dma_start3A_756 = arith.constant 0 : i32
    %dma_start3A_757 = tpu.memref_slice %arg6[%dma_start3A_754, %dma_start3A_755, %dma_start3A_756] : memref<3x32x1024xf32, #tpu.memory_space<vmem>> -> memref<1x32x1024xf32, #tpu.memory_space<vmem>>
    %dma_start3A_758 = tpu.memref_squeeze %dma_start3A_757 : memref<1x32x1024xf32, #tpu.memory_space<vmem>> -> memref<32x1024xf32, #tpu.memory_space<vmem>>
    %dma_start3A_759 = arith.constant 0 : i32
    %dma_start3A_760 = tpu.memref_slice %arg5[%dma_start3A_753, %dma_start3A_759] : memref<32x32xi32, #tpu.memory_space<vmem>> -> memref<1x32xi32, #tpu.memory_space<vmem>>
    %dma_start3A_761 = tpu.memref_squeeze %dma_start3A_760 : memref<1x32xi32, #tpu.memory_space<vmem>> -> memref<32xi32, #tpu.memory_space<vmem>>
    %dma_start3A_762 = arith.constant 0 : i32
    %dma_start3A_763 = arith.constant 0 : i32
    %dma_start3A_764 = tpu.memref_slice %arg3[%dma_start3A_762, %dma_start3A_763] : memref<8192x1024xf32, #tpu.memory_space<hbm>> -> memref<8192x1024xf32, #tpu.memory_space<hbm>>
    tpu.enqueue_indirect_dma source(%dma_start3A_764 : memref<8192x1024xf32, #tpu.memory_space<hbm>>) target(%dma_start3A_758 : memref<32x1024xf32, #tpu.memory_space<vmem>>) offsets(%dma_start3A_761 : memref<32xi32, #tpu.memory_space<vmem>>) semaphore(%arg8 : memref<!tpu.dma_semaphore, #tpu.memory_space<semaphore_mem>>)
    %dma_wait3A_765 = arith.constant 14 : i32
    %dma_wait3A_766 = arith.constant 2 : i32
    %dma_wait3A_767 = arith.constant 0 : i32
    %dma_wait3A_768 = arith.constant 0 : i32
    %dma_wait3A_769 = tpu.memref_slice %arg6[%dma_wait3A_766, %dma_wait3A_767, %dma_wait3A_768] : memref<3x32x1024xf32, #tpu.memory_space<vmem>> -> memref<1x32x1024xf32, #tpu.memory_space<vmem>>
    %dma_wait3A_770 = tpu.memref_squeeze %dma_wait3A_769 : memref<1x32x1024xf32, #tpu.memory_space<vmem>> -> memref<32x1024xf32, #tpu.memory_space<vmem>>
    %dma_wait3A_771 = arith.constant 0 : i32
    %dma_wait3A_772 = tpu.memref_slice %arg5[%dma_wait3A_765, %dma_wait3A_771] : memref<32x32xi32, #tpu.memory_space<vmem>> -> memref<1x32xi32, #tpu.memory_space<vmem>>
    %dma_wait3A_773 = tpu.memref_squeeze %dma_wait3A_772 : memref<1x32xi32, #tpu.memory_space<vmem>> -> memref<32xi32, #tpu.memory_space<vmem>>
    %dma_wait3A_774 = arith.constant 0 : i32
    %dma_wait3A_775 = arith.constant 0 : i32
    %dma_wait3A_776 = tpu.memref_slice %arg3[%dma_wait3A_774, %dma_wait3A_775] : memref<8192x1024xf32, #tpu.memory_space<hbm>> -> memref<8192x1024xf32, #tpu.memory_space<hbm>>
    tpu.wait_indirect_dma semaphore(%arg9 : memref<!tpu.dma_semaphore, #tpu.memory_space<semaphore_mem>>) src(%dma_wait3A_776 : memref<8192x1024xf32, #tpu.memory_space<hbm>>) dst(%dma_wait3A_770 : memref<32x1024xf32, #tpu.memory_space<vmem>>)
    %add3A_777 = arith.constant 448 : i32
    %add3A_778 = arith.addi %mul3A_2, %add3A_777 : i32
    %dma_start3A_779 = arith.constant 2 : i32
    %dma_start3A_780 = arith.constant 0 : i32
    %dma_start3A_781 = arith.constant 0 : i32
    %dma_start3A_782 = tpu.memref_slice %arg6[%dma_start3A_779, %dma_start3A_780, %dma_start3A_781] : memref<3x32x1024xf32, #tpu.memory_space<vmem>> -> memref<1x32x1024xf32, #tpu.memory_space<vmem>>
    %dma_start3A_783 = tpu.memref_squeeze %dma_start3A_782 : memref<1x32x1024xf32, #tpu.memory_space<vmem>> -> memref<32x1024xf32, #tpu.memory_space<vmem>>
    %dma_start3A_784 = arith.constant 0 : i32
    %dma_start3A_785 = tpu.memref_slice %arg4[%add3A_778, %dma_start3A_784] : memref<32768x1024xf32, #tpu.memory_space<hbm>> -> memref<32x1024xf32, #tpu.memory_space<hbm>>
    %dma_start3A_786 = arith.constant 0 : i32
    %dma_start3A_787 = tpu.memref_slice %arg4[%add3A_778, %dma_start3A_786] : memref<32768x1024xf32, #tpu.memory_space<hbm>> -> memref<32x1024xf32, #tpu.memory_space<hbm>>
    %dma_start3A_788 = arith.constant 0 : i32
    %dma_start3A_789 = arith.constant 0 : i32
    %dma_start3A_790 = tpu.memref_slice %arg6[%dma_start3A_779, %dma_start3A_788, %dma_start3A_789] : memref<3x32x1024xf32, #tpu.memory_space<vmem>> -> memref<1x32x1024xf32, #tpu.memory_space<vmem>>
    %dma_start3A_791 = tpu.memref_squeeze %dma_start3A_790 : memref<1x32x1024xf32, #tpu.memory_space<vmem>> -> memref<32x1024xf32, #tpu.memory_space<vmem>>
    tpu.enqueue_dma source(%dma_start3A_791 : memref<32x1024xf32, #tpu.memory_space<vmem>>) target(%dma_start3A_787 : memref<32x1024xf32, #tpu.memory_space<hbm>>) target_semaphore(%arg12 : memref<!tpu.dma_semaphore, #tpu.memory_space<semaphore_mem>>)
    %dma_wait3A_792 = arith.constant 2 : i32
    %dma_wait3A_793 = arith.constant 0 : i32
    %dma_wait3A_794 = arith.constant 0 : i32
    %dma_wait3A_795 = tpu.memref_slice %arg6[%dma_wait3A_792, %dma_wait3A_793, %dma_wait3A_794] : memref<3x32x1024xf32, #tpu.memory_space<vmem>> -> memref<1x32x1024xf32, #tpu.memory_space<vmem>>
    %dma_wait3A_796 = tpu.memref_squeeze %dma_wait3A_795 : memref<1x32x1024xf32, #tpu.memory_space<vmem>> -> memref<32x1024xf32, #tpu.memory_space<vmem>>
    %dma_wait3A_797 = arith.constant 0 : i32
    %dma_wait3A_798 = tpu.memref_slice %arg4[%add3A_778, %dma_wait3A_797] : memref<32768x1024xf32, #tpu.memory_space<hbm>> -> memref<32x1024xf32, #tpu.memory_space<hbm>>
    %dma_wait3A_799 = arith.constant 0 : i32
    %dma_wait3A_800 = tpu.memref_slice %arg4[%add3A_778, %dma_wait3A_799] : memref<32768x1024xf32, #tpu.memory_space<hbm>> -> memref<32x1024xf32, #tpu.memory_space<hbm>>
    %dma_wait3A_801 = arith.constant 0 : i32
    %dma_wait3A_802 = arith.constant 0 : i32
    %dma_wait3A_803 = tpu.memref_slice %arg6[%dma_wait3A_792, %dma_wait3A_801, %dma_wait3A_802] : memref<3x32x1024xf32, #tpu.memory_space<vmem>> -> memref<1x32x1024xf32, #tpu.memory_space<vmem>>
    %dma_wait3A_804 = tpu.memref_squeeze %dma_wait3A_803 : memref<1x32x1024xf32, #tpu.memory_space<vmem>> -> memref<32x1024xf32, #tpu.memory_space<vmem>>
    tpu.wait_dma2 semaphore(%arg12 : memref<!tpu.dma_semaphore, #tpu.memory_space<semaphore_mem>>) src(%dma_wait3A_804 : memref<32x1024xf32, #tpu.memory_space<vmem>>) dst(%dma_wait3A_800 : memref<32x1024xf32, #tpu.memory_space<hbm>>)
    %dma_start3A_805 = arith.constant 17 : i32
    %dma_start3A_806 = arith.constant 2 : i32
    %dma_start3A_807 = arith.constant 0 : i32
    %dma_start3A_808 = arith.constant 0 : i32
    %dma_start3A_809 = tpu.memref_slice %arg6[%dma_start3A_806, %dma_start3A_807, %dma_start3A_808] : memref<3x32x1024xf32, #tpu.memory_space<vmem>> -> memref<1x32x1024xf32, #tpu.memory_space<vmem>>
    %dma_start3A_810 = tpu.memref_squeeze %dma_start3A_809 : memref<1x32x1024xf32, #tpu.memory_space<vmem>> -> memref<32x1024xf32, #tpu.memory_space<vmem>>
    %dma_start3A_811 = arith.constant 0 : i32
    %dma_start3A_812 = tpu.memref_slice %arg5[%dma_start3A_805, %dma_start3A_811] : memref<32x32xi32, #tpu.memory_space<vmem>> -> memref<1x32xi32, #tpu.memory_space<vmem>>
    %dma_start3A_813 = tpu.memref_squeeze %dma_start3A_812 : memref<1x32xi32, #tpu.memory_space<vmem>> -> memref<32xi32, #tpu.memory_space<vmem>>
    %dma_start3A_814 = arith.constant 0 : i32
    %dma_start3A_815 = arith.constant 0 : i32
    %dma_start3A_816 = tpu.memref_slice %arg3[%dma_start3A_814, %dma_start3A_815] : memref<8192x1024xf32, #tpu.memory_space<hbm>> -> memref<8192x1024xf32, #tpu.memory_space<hbm>>
    tpu.enqueue_indirect_dma source(%dma_start3A_816 : memref<8192x1024xf32, #tpu.memory_space<hbm>>) target(%dma_start3A_810 : memref<32x1024xf32, #tpu.memory_space<vmem>>) offsets(%dma_start3A_813 : memref<32xi32, #tpu.memory_space<vmem>>) semaphore(%arg9 : memref<!tpu.dma_semaphore, #tpu.memory_space<semaphore_mem>>)
    %dma_wait3A_817 = arith.constant 15 : i32
    %dma_wait3A_818 = arith.constant 0 : i32
    %dma_wait3A_819 = arith.constant 0 : i32
    %dma_wait3A_820 = arith.constant 0 : i32
    %dma_wait3A_821 = tpu.memref_slice %arg6[%dma_wait3A_818, %dma_wait3A_819, %dma_wait3A_820] : memref<3x32x1024xf32, #tpu.memory_space<vmem>> -> memref<1x32x1024xf32, #tpu.memory_space<vmem>>
    %dma_wait3A_822 = tpu.memref_squeeze %dma_wait3A_821 : memref<1x32x1024xf32, #tpu.memory_space<vmem>> -> memref<32x1024xf32, #tpu.memory_space<vmem>>
    %dma_wait3A_823 = arith.constant 0 : i32
    %dma_wait3A_824 = tpu.memref_slice %arg5[%dma_wait3A_817, %dma_wait3A_823] : memref<32x32xi32, #tpu.memory_space<vmem>> -> memref<1x32xi32, #tpu.memory_space<vmem>>
    %dma_wait3A_825 = tpu.memref_squeeze %dma_wait3A_824 : memref<1x32xi32, #tpu.memory_space<vmem>> -> memref<32xi32, #tpu.memory_space<vmem>>
    %dma_wait3A_826 = arith.constant 0 : i32
    %dma_wait3A_827 = arith.constant 0 : i32
    %dma_wait3A_828 = tpu.memref_slice %arg3[%dma_wait3A_826, %dma_wait3A_827] : memref<8192x1024xf32, #tpu.memory_space<hbm>> -> memref<8192x1024xf32, #tpu.memory_space<hbm>>
    tpu.wait_indirect_dma semaphore(%arg7 : memref<!tpu.dma_semaphore, #tpu.memory_space<semaphore_mem>>) src(%dma_wait3A_828 : memref<8192x1024xf32, #tpu.memory_space<hbm>>) dst(%dma_wait3A_822 : memref<32x1024xf32, #tpu.memory_space<vmem>>)
    %add3A_829 = arith.constant 480 : i32
    %add3A_830 = arith.addi %mul3A_2, %add3A_829 : i32
    %dma_start3A_831 = arith.constant 0 : i32
    %dma_start3A_832 = arith.constant 0 : i32
    %dma_start3A_833 = arith.constant 0 : i32
    %dma_start3A_834 = tpu.memref_slice %arg6[%dma_start3A_831, %dma_start3A_832, %dma_start3A_833] : memref<3x32x1024xf32, #tpu.memory_space<vmem>> -> memref<1x32x1024xf32, #tpu.memory_space<vmem>>
    %dma_start3A_835 = tpu.memref_squeeze %dma_start3A_834 : memref<1x32x1024xf32, #tpu.memory_space<vmem>> -> memref<32x1024xf32, #tpu.memory_space<vmem>>
    %dma_start3A_836 = arith.constant 0 : i32
    %dma_start3A_837 = tpu.memref_slice %arg4[%add3A_830, %dma_start3A_836] : memref<32768x1024xf32, #tpu.memory_space<hbm>> -> memref<32x1024xf32, #tpu.memory_space<hbm>>
    %dma_start3A_838 = arith.constant 0 : i32
    %dma_start3A_839 = tpu.memref_slice %arg4[%add3A_830, %dma_start3A_838] : memref<32768x1024xf32, #tpu.memory_space<hbm>> -> memref<32x1024xf32, #tpu.memory_space<hbm>>
    %dma_start3A_840 = arith.constant 0 : i32
    %dma_start3A_841 = arith.constant 0 : i32
    %dma_start3A_842 = tpu.memref_slice %arg6[%dma_start3A_831, %dma_start3A_840, %dma_start3A_841] : memref<3x32x1024xf32, #tpu.memory_space<vmem>> -> memref<1x32x1024xf32, #tpu.memory_space<vmem>>
    %dma_start3A_843 = tpu.memref_squeeze %dma_start3A_842 : memref<1x32x1024xf32, #tpu.memory_space<vmem>> -> memref<32x1024xf32, #tpu.memory_space<vmem>>
    tpu.enqueue_dma source(%dma_start3A_843 : memref<32x1024xf32, #tpu.memory_space<vmem>>) target(%dma_start3A_839 : memref<32x1024xf32, #tpu.memory_space<hbm>>) target_semaphore(%arg10 : memref<!tpu.dma_semaphore, #tpu.memory_space<semaphore_mem>>)
    %dma_wait3A_844 = arith.constant 0 : i32
    %dma_wait3A_845 = arith.constant 0 : i32
    %dma_wait3A_846 = arith.constant 0 : i32
    %dma_wait3A_847 = tpu.memref_slice %arg6[%dma_wait3A_844, %dma_wait3A_845, %dma_wait3A_846] : memref<3x32x1024xf32, #tpu.memory_space<vmem>> -> memref<1x32x1024xf32, #tpu.memory_space<vmem>>
    %dma_wait3A_848 = tpu.memref_squeeze %dma_wait3A_847 : memref<1x32x1024xf32, #tpu.memory_space<vmem>> -> memref<32x1024xf32, #tpu.memory_space<vmem>>
    %dma_wait3A_849 = arith.constant 0 : i32
    %dma_wait3A_850 = tpu.memref_slice %arg4[%add3A_830, %dma_wait3A_849] : memref<32768x1024xf32, #tpu.memory_space<hbm>> -> memref<32x1024xf32, #tpu.memory_space<hbm>>
    %dma_wait3A_851 = arith.constant 0 : i32
    %dma_wait3A_852 = tpu.memref_slice %arg4[%add3A_830, %dma_wait3A_851] : memref<32768x1024xf32, #tpu.memory_space<hbm>> -> memref<32x1024xf32, #tpu.memory_space<hbm>>
    %dma_wait3A_853 = arith.constant 0 : i32
    %dma_wait3A_854 = arith.constant 0 : i32
    %dma_wait3A_855 = tpu.memref_slice %arg6[%dma_wait3A_844, %dma_wait3A_853, %dma_wait3A_854] : memref<3x32x1024xf32, #tpu.memory_space<vmem>> -> memref<1x32x1024xf32, #tpu.memory_space<vmem>>
    %dma_wait3A_856 = tpu.memref_squeeze %dma_wait3A_855 : memref<1x32x1024xf32, #tpu.memory_space<vmem>> -> memref<32x1024xf32, #tpu.memory_space<vmem>>
    tpu.wait_dma2 semaphore(%arg10 : memref<!tpu.dma_semaphore, #tpu.memory_space<semaphore_mem>>) src(%dma_wait3A_856 : memref<32x1024xf32, #tpu.memory_space<vmem>>) dst(%dma_wait3A_852 : memref<32x1024xf32, #tpu.memory_space<hbm>>)
    %dma_start3A_857 = arith.constant 18 : i32
    %dma_start3A_858 = arith.constant 0 : i32
    %dma_start3A_859 = arith.constant 0 : i32
    %dma_start3A_860 = arith.constant 0 : i32
    %dma_start3A_861 = tpu.memref_slice %arg6[%dma_start3A_858, %dma_start3A_859, %dma_start3A_860] : memref<3x32x1024xf32, #tpu.memory_space<vmem>> -> memref<1x32x1024xf32, #tpu.memory_space<vmem>>
    %dma_start3A_862 = tpu.memref_squeeze %dma_start3A_861 : memref<1x32x1024xf32, #tpu.memory_space<vmem>> -> memref<32x1024xf32, #tpu.memory_space<vmem>>
    %dma_start3A_863 = arith.constant 0 : i32
    %dma_start3A_864 = tpu.memref_slice %arg5[%dma_start3A_857, %dma_start3A_863] : memref<32x32xi32, #tpu.memory_space<vmem>> -> memref<1x32xi32, #tpu.memory_space<vmem>>
    %dma_start3A_865 = tpu.memref_squeeze %dma_start3A_864 : memref<1x32xi32, #tpu.memory_space<vmem>> -> memref<32xi32, #tpu.memory_space<vmem>>
    %dma_start3A_866 = arith.constant 0 : i32
    %dma_start3A_867 = arith.constant 0 : i32
    %dma_start3A_868 = tpu.memref_slice %arg3[%dma_start3A_866, %dma_start3A_867] : memref<8192x1024xf32, #tpu.memory_space<hbm>> -> memref<8192x1024xf32, #tpu.memory_space<hbm>>
    tpu.enqueue_indirect_dma source(%dma_start3A_868 : memref<8192x1024xf32, #tpu.memory_space<hbm>>) target(%dma_start3A_862 : memref<32x1024xf32, #tpu.memory_space<vmem>>) offsets(%dma_start3A_865 : memref<32xi32, #tpu.memory_space<vmem>>) semaphore(%arg7 : memref<!tpu.dma_semaphore, #tpu.memory_space<semaphore_mem>>)
    %dma_wait3A_869 = arith.constant 16 : i32
    %dma_wait3A_870 = arith.constant 1 : i32
    %dma_wait3A_871 = arith.constant 0 : i32
    %dma_wait3A_872 = arith.constant 0 : i32
    %dma_wait3A_873 = tpu.memref_slice %arg6[%dma_wait3A_870, %dma_wait3A_871, %dma_wait3A_872] : memref<3x32x1024xf32, #tpu.memory_space<vmem>> -> memref<1x32x1024xf32, #tpu.memory_space<vmem>>
    %dma_wait3A_874 = tpu.memref_squeeze %dma_wait3A_873 : memref<1x32x1024xf32, #tpu.memory_space<vmem>> -> memref<32x1024xf32, #tpu.memory_space<vmem>>
    %dma_wait3A_875 = arith.constant 0 : i32
    %dma_wait3A_876 = tpu.memref_slice %arg5[%dma_wait3A_869, %dma_wait3A_875] : memref<32x32xi32, #tpu.memory_space<vmem>> -> memref<1x32xi32, #tpu.memory_space<vmem>>
    %dma_wait3A_877 = tpu.memref_squeeze %dma_wait3A_876 : memref<1x32xi32, #tpu.memory_space<vmem>> -> memref<32xi32, #tpu.memory_space<vmem>>
    %dma_wait3A_878 = arith.constant 0 : i32
    %dma_wait3A_879 = arith.constant 0 : i32
    %dma_wait3A_880 = tpu.memref_slice %arg3[%dma_wait3A_878, %dma_wait3A_879] : memref<8192x1024xf32, #tpu.memory_space<hbm>> -> memref<8192x1024xf32, #tpu.memory_space<hbm>>
    tpu.wait_indirect_dma semaphore(%arg8 : memref<!tpu.dma_semaphore, #tpu.memory_space<semaphore_mem>>) src(%dma_wait3A_880 : memref<8192x1024xf32, #tpu.memory_space<hbm>>) dst(%dma_wait3A_874 : memref<32x1024xf32, #tpu.memory_space<vmem>>)
    %add3A_881 = arith.constant 512 : i32
    %add3A_882 = arith.addi %mul3A_2, %add3A_881 : i32
    %dma_start3A_883 = arith.constant 1 : i32
    %dma_start3A_884 = arith.constant 0 : i32
    %dma_start3A_885 = arith.constant 0 : i32
    %dma_start3A_886 = tpu.memref_slice %arg6[%dma_start3A_883, %dma_start3A_884, %dma_start3A_885] : memref<3x32x1024xf32, #tpu.memory_space<vmem>> -> memref<1x32x1024xf32, #tpu.memory_space<vmem>>
    %dma_start3A_887 = tpu.memref_squeeze %dma_start3A_886 : memref<1x32x1024xf32, #tpu.memory_space<vmem>> -> memref<32x1024xf32, #tpu.memory_space<vmem>>
    %dma_start3A_888 = arith.constant 0 : i32
    %dma_start3A_889 = tpu.memref_slice %arg4[%add3A_882, %dma_start3A_888] : memref<32768x1024xf32, #tpu.memory_space<hbm>> -> memref<32x1024xf32, #tpu.memory_space<hbm>>
    %dma_start3A_890 = arith.constant 0 : i32
    %dma_start3A_891 = tpu.memref_slice %arg4[%add3A_882, %dma_start3A_890] : memref<32768x1024xf32, #tpu.memory_space<hbm>> -> memref<32x1024xf32, #tpu.memory_space<hbm>>
    %dma_start3A_892 = arith.constant 0 : i32
    %dma_start3A_893 = arith.constant 0 : i32
    %dma_start3A_894 = tpu.memref_slice %arg6[%dma_start3A_883, %dma_start3A_892, %dma_start3A_893] : memref<3x32x1024xf32, #tpu.memory_space<vmem>> -> memref<1x32x1024xf32, #tpu.memory_space<vmem>>
    %dma_start3A_895 = tpu.memref_squeeze %dma_start3A_894 : memref<1x32x1024xf32, #tpu.memory_space<vmem>> -> memref<32x1024xf32, #tpu.memory_space<vmem>>
    tpu.enqueue_dma source(%dma_start3A_895 : memref<32x1024xf32, #tpu.memory_space<vmem>>) target(%dma_start3A_891 : memref<32x1024xf32, #tpu.memory_space<hbm>>) target_semaphore(%arg11 : memref<!tpu.dma_semaphore, #tpu.memory_space<semaphore_mem>>)
    %dma_wait3A_896 = arith.constant 1 : i32
    %dma_wait3A_897 = arith.constant 0 : i32
    %dma_wait3A_898 = arith.constant 0 : i32
    %dma_wait3A_899 = tpu.memref_slice %arg6[%dma_wait3A_896, %dma_wait3A_897, %dma_wait3A_898] : memref<3x32x1024xf32, #tpu.memory_space<vmem>> -> memref<1x32x1024xf32, #tpu.memory_space<vmem>>
    %dma_wait3A_900 = tpu.memref_squeeze %dma_wait3A_899 : memref<1x32x1024xf32, #tpu.memory_space<vmem>> -> memref<32x1024xf32, #tpu.memory_space<vmem>>
    %dma_wait3A_901 = arith.constant 0 : i32
    %dma_wait3A_902 = tpu.memref_slice %arg4[%add3A_882, %dma_wait3A_901] : memref<32768x1024xf32, #tpu.memory_space<hbm>> -> memref<32x1024xf32, #tpu.memory_space<hbm>>
    %dma_wait3A_903 = arith.constant 0 : i32
    %dma_wait3A_904 = tpu.memref_slice %arg4[%add3A_882, %dma_wait3A_903] : memref<32768x1024xf32, #tpu.memory_space<hbm>> -> memref<32x1024xf32, #tpu.memory_space<hbm>>
    %dma_wait3A_905 = arith.constant 0 : i32
    %dma_wait3A_906 = arith.constant 0 : i32
    %dma_wait3A_907 = tpu.memref_slice %arg6[%dma_wait3A_896, %dma_wait3A_905, %dma_wait3A_906] : memref<3x32x1024xf32, #tpu.memory_space<vmem>> -> memref<1x32x1024xf32, #tpu.memory_space<vmem>>
    %dma_wait3A_908 = tpu.memref_squeeze %dma_wait3A_907 : memref<1x32x1024xf32, #tpu.memory_space<vmem>> -> memref<32x1024xf32, #tpu.memory_space<vmem>>
    tpu.wait_dma2 semaphore(%arg11 : memref<!tpu.dma_semaphore, #tpu.memory_space<semaphore_mem>>) src(%dma_wait3A_908 : memref<32x1024xf32, #tpu.memory_space<vmem>>) dst(%dma_wait3A_904 : memref<32x1024xf32, #tpu.memory_space<hbm>>)
    %dma_start3A_909 = arith.constant 19 : i32
    %dma_start3A_910 = arith.constant 1 : i32
    %dma_start3A_911 = arith.constant 0 : i32
    %dma_start3A_912 = arith.constant 0 : i32
    %dma_start3A_913 = tpu.memref_slice %arg6[%dma_start3A_910, %dma_start3A_911, %dma_start3A_912] : memref<3x32x1024xf32, #tpu.memory_space<vmem>> -> memref<1x32x1024xf32, #tpu.memory_space<vmem>>
    %dma_start3A_914 = tpu.memref_squeeze %dma_start3A_913 : memref<1x32x1024xf32, #tpu.memory_space<vmem>> -> memref<32x1024xf32, #tpu.memory_space<vmem>>
    %dma_start3A_915 = arith.constant 0 : i32
    %dma_start3A_916 = tpu.memref_slice %arg5[%dma_start3A_909, %dma_start3A_915] : memref<32x32xi32, #tpu.memory_space<vmem>> -> memref<1x32xi32, #tpu.memory_space<vmem>>
    %dma_start3A_917 = tpu.memref_squeeze %dma_start3A_916 : memref<1x32xi32, #tpu.memory_space<vmem>> -> memref<32xi32, #tpu.memory_space<vmem>>
    %dma_start3A_918 = arith.constant 0 : i32
    %dma_start3A_919 = arith.constant 0 : i32
    %dma_start3A_920 = tpu.memref_slice %arg3[%dma_start3A_918, %dma_start3A_919] : memref<8192x1024xf32, #tpu.memory_space<hbm>> -> memref<8192x1024xf32, #tpu.memory_space<hbm>>
    tpu.enqueue_indirect_dma source(%dma_start3A_920 : memref<8192x1024xf32, #tpu.memory_space<hbm>>) target(%dma_start3A_914 : memref<32x1024xf32, #tpu.memory_space<vmem>>) offsets(%dma_start3A_917 : memref<32xi32, #tpu.memory_space<vmem>>) semaphore(%arg8 : memref<!tpu.dma_semaphore, #tpu.memory_space<semaphore_mem>>)
    %dma_wait3A_921 = arith.constant 17 : i32
    %dma_wait3A_922 = arith.constant 2 : i32
    %dma_wait3A_923 = arith.constant 0 : i32
    %dma_wait3A_924 = arith.constant 0 : i32
    %dma_wait3A_925 = tpu.memref_slice %arg6[%dma_wait3A_922, %dma_wait3A_923, %dma_wait3A_924] : memref<3x32x1024xf32, #tpu.memory_space<vmem>> -> memref<1x32x1024xf32, #tpu.memory_space<vmem>>
    %dma_wait3A_926 = tpu.memref_squeeze %dma_wait3A_925 : memref<1x32x1024xf32, #tpu.memory_space<vmem>> -> memref<32x1024xf32, #tpu.memory_space<vmem>>
    %dma_wait3A_927 = arith.constant 0 : i32
    %dma_wait3A_928 = tpu.memref_slice %arg5[%dma_wait3A_921, %dma_wait3A_927] : memref<32x32xi32, #tpu.memory_space<vmem>> -> memref<1x32xi32, #tpu.memory_space<vmem>>
    %dma_wait3A_929 = tpu.memref_squeeze %dma_wait3A_928 : memref<1x32xi32, #tpu.memory_space<vmem>> -> memref<32xi32, #tpu.memory_space<vmem>>
    %dma_wait3A_930 = arith.constant 0 : i32
    %dma_wait3A_931 = arith.constant 0 : i32
    %dma_wait3A_932 = tpu.memref_slice %arg3[%dma_wait3A_930, %dma_wait3A_931] : memref<8192x1024xf32, #tpu.memory_space<hbm>> -> memref<8192x1024xf32, #tpu.memory_space<hbm>>
    tpu.wait_indirect_dma semaphore(%arg9 : memref<!tpu.dma_semaphore, #tpu.memory_space<semaphore_mem>>) src(%dma_wait3A_932 : memref<8192x1024xf32, #tpu.memory_space<hbm>>) dst(%dma_wait3A_926 : memref<32x1024xf32, #tpu.memory_space<vmem>>)
    %add3A_933 = arith.constant 544 : i32
    %add3A_934 = arith.addi %mul3A_2, %add3A_933 : i32
    %dma_start3A_935 = arith.constant 2 : i32
    %dma_start3A_936 = arith.constant 0 : i32
    %dma_start3A_937 = arith.constant 0 : i32
    %dma_start3A_938 = tpu.memref_slice %arg6[%dma_start3A_935, %dma_start3A_936, %dma_start3A_937] : memref<3x32x1024xf32, #tpu.memory_space<vmem>> -> memref<1x32x1024xf32, #tpu.memory_space<vmem>>
    %dma_start3A_939 = tpu.memref_squeeze %dma_start3A_938 : memref<1x32x1024xf32, #tpu.memory_space<vmem>> -> memref<32x1024xf32, #tpu.memory_space<vmem>>
    %dma_start3A_940 = arith.constant 0 : i32
    %dma_start3A_941 = tpu.memref_slice %arg4[%add3A_934, %dma_start3A_940] : memref<32768x1024xf32, #tpu.memory_space<hbm>> -> memref<32x1024xf32, #tpu.memory_space<hbm>>
    %dma_start3A_942 = arith.constant 0 : i32
    %dma_start3A_943 = tpu.memref_slice %arg4[%add3A_934, %dma_start3A_942] : memref<32768x1024xf32, #tpu.memory_space<hbm>> -> memref<32x1024xf32, #tpu.memory_space<hbm>>
    %dma_start3A_944 = arith.constant 0 : i32
    %dma_start3A_945 = arith.constant 0 : i32
    %dma_start3A_946 = tpu.memref_slice %arg6[%dma_start3A_935, %dma_start3A_944, %dma_start3A_945] : memref<3x32x1024xf32, #tpu.memory_space<vmem>> -> memref<1x32x1024xf32, #tpu.memory_space<vmem>>
    %dma_start3A_947 = tpu.memref_squeeze %dma_start3A_946 : memref<1x32x1024xf32, #tpu.memory_space<vmem>> -> memref<32x1024xf32, #tpu.memory_space<vmem>>
    tpu.enqueue_dma source(%dma_start3A_947 : memref<32x1024xf32, #tpu.memory_space<vmem>>) target(%dma_start3A_943 : memref<32x1024xf32, #tpu.memory_space<hbm>>) target_semaphore(%arg12 : memref<!tpu.dma_semaphore, #tpu.memory_space<semaphore_mem>>)
    %dma_wait3A_948 = arith.constant 2 : i32
    %dma_wait3A_949 = arith.constant 0 : i32
    %dma_wait3A_950 = arith.constant 0 : i32
    %dma_wait3A_951 = tpu.memref_slice %arg6[%dma_wait3A_948, %dma_wait3A_949, %dma_wait3A_950] : memref<3x32x1024xf32, #tpu.memory_space<vmem>> -> memref<1x32x1024xf32, #tpu.memory_space<vmem>>
    %dma_wait3A_952 = tpu.memref_squeeze %dma_wait3A_951 : memref<1x32x1024xf32, #tpu.memory_space<vmem>> -> memref<32x1024xf32, #tpu.memory_space<vmem>>
    %dma_wait3A_953 = arith.constant 0 : i32
    %dma_wait3A_954 = tpu.memref_slice %arg4[%add3A_934, %dma_wait3A_953] : memref<32768x1024xf32, #tpu.memory_space<hbm>> -> memref<32x1024xf32, #tpu.memory_space<hbm>>
    %dma_wait3A_955 = arith.constant 0 : i32
    %dma_wait3A_956 = tpu.memref_slice %arg4[%add3A_934, %dma_wait3A_955] : memref<32768x1024xf32, #tpu.memory_space<hbm>> -> memref<32x1024xf32, #tpu.memory_space<hbm>>
    %dma_wait3A_957 = arith.constant 0 : i32
    %dma_wait3A_958 = arith.constant 0 : i32
    %dma_wait3A_959 = tpu.memref_slice %arg6[%dma_wait3A_948, %dma_wait3A_957, %dma_wait3A_958] : memref<3x32x1024xf32, #tpu.memory_space<vmem>> -> memref<1x32x1024xf32, #tpu.memory_space<vmem>>
    %dma_wait3A_960 = tpu.memref_squeeze %dma_wait3A_959 : memref<1x32x1024xf32, #tpu.memory_space<vmem>> -> memref<32x1024xf32, #tpu.memory_space<vmem>>
    tpu.wait_dma2 semaphore(%arg12 : memref<!tpu.dma_semaphore, #tpu.memory_space<semaphore_mem>>) src(%dma_wait3A_960 : memref<32x1024xf32, #tpu.memory_space<vmem>>) dst(%dma_wait3A_956 : memref<32x1024xf32, #tpu.memory_space<hbm>>)
    %dma_start3A_961 = arith.constant 20 : i32
    %dma_start3A_962 = arith.constant 2 : i32
    %dma_start3A_963 = arith.constant 0 : i32
    %dma_start3A_964 = arith.constant 0 : i32
    %dma_start3A_965 = tpu.memref_slice %arg6[%dma_start3A_962, %dma_start3A_963, %dma_start3A_964] : memref<3x32x1024xf32, #tpu.memory_space<vmem>> -> memref<1x32x1024xf32, #tpu.memory_space<vmem>>
    %dma_start3A_966 = tpu.memref_squeeze %dma_start3A_965 : memref<1x32x1024xf32, #tpu.memory_space<vmem>> -> memref<32x1024xf32, #tpu.memory_space<vmem>>
    %dma_start3A_967 = arith.constant 0 : i32
    %dma_start3A_968 = tpu.memref_slice %arg5[%dma_start3A_961, %dma_start3A_967] : memref<32x32xi32, #tpu.memory_space<vmem>> -> memref<1x32xi32, #tpu.memory_space<vmem>>
    %dma_start3A_969 = tpu.memref_squeeze %dma_start3A_968 : memref<1x32xi32, #tpu.memory_space<vmem>> -> memref<32xi32, #tpu.memory_space<vmem>>
    %dma_start3A_970 = arith.constant 0 : i32
    %dma_start3A_971 = arith.constant 0 : i32
    %dma_start3A_972 = tpu.memref_slice %arg3[%dma_start3A_970, %dma_start3A_971] : memref<8192x1024xf32, #tpu.memory_space<hbm>> -> memref<8192x1024xf32, #tpu.memory_space<hbm>>
    tpu.enqueue_indirect_dma source(%dma_start3A_972 : memref<8192x1024xf32, #tpu.memory_space<hbm>>) target(%dma_start3A_966 : memref<32x1024xf32, #tpu.memory_space<vmem>>) offsets(%dma_start3A_969 : memref<32xi32, #tpu.memory_space<vmem>>) semaphore(%arg9 : memref<!tpu.dma_semaphore, #tpu.memory_space<semaphore_mem>>)
    %dma_wait3A_973 = arith.constant 18 : i32
    %dma_wait3A_974 = arith.constant 0 : i32
    %dma_wait3A_975 = arith.constant 0 : i32
    %dma_wait3A_976 = arith.constant 0 : i32
    %dma_wait3A_977 = tpu.memref_slice %arg6[%dma_wait3A_974, %dma_wait3A_975, %dma_wait3A_976] : memref<3x32x1024xf32, #tpu.memory_space<vmem>> -> memref<1x32x1024xf32, #tpu.memory_space<vmem>>
    %dma_wait3A_978 = tpu.memref_squeeze %dma_wait3A_977 : memref<1x32x1024xf32, #tpu.memory_space<vmem>> -> memref<32x1024xf32, #tpu.memory_space<vmem>>
    %dma_wait3A_979 = arith.constant 0 : i32
    %dma_wait3A_980 = tpu.memref_slice %arg5[%dma_wait3A_973, %dma_wait3A_979] : memref<32x32xi32, #tpu.memory_space<vmem>> -> memref<1x32xi32, #tpu.memory_space<vmem>>
    %dma_wait3A_981 = tpu.memref_squeeze %dma_wait3A_980 : memref<1x32xi32, #tpu.memory_space<vmem>> -> memref<32xi32, #tpu.memory_space<vmem>>
    %dma_wait3A_982 = arith.constant 0 : i32
    %dma_wait3A_983 = arith.constant 0 : i32
    %dma_wait3A_984 = tpu.memref_slice %arg3[%dma_wait3A_982, %dma_wait3A_983] : memref<8192x1024xf32, #tpu.memory_space<hbm>> -> memref<8192x1024xf32, #tpu.memory_space<hbm>>
    tpu.wait_indirect_dma semaphore(%arg7 : memref<!tpu.dma_semaphore, #tpu.memory_space<semaphore_mem>>) src(%dma_wait3A_984 : memref<8192x1024xf32, #tpu.memory_space<hbm>>) dst(%dma_wait3A_978 : memref<32x1024xf32, #tpu.memory_space<vmem>>)
    %add3A_985 = arith.constant 576 : i32
    %add3A_986 = arith.addi %mul3A_2, %add3A_985 : i32
    %dma_start3A_987 = arith.constant 0 : i32
    %dma_start3A_988 = arith.constant 0 : i32
    %dma_start3A_989 = arith.constant 0 : i32
    %dma_start3A_990 = tpu.memref_slice %arg6[%dma_start3A_987, %dma_start3A_988, %dma_start3A_989] : memref<3x32x1024xf32, #tpu.memory_space<vmem>> -> memref<1x32x1024xf32, #tpu.memory_space<vmem>>
    %dma_start3A_991 = tpu.memref_squeeze %dma_start3A_990 : memref<1x32x1024xf32, #tpu.memory_space<vmem>> -> memref<32x1024xf32, #tpu.memory_space<vmem>>
    %dma_start3A_992 = arith.constant 0 : i32
    %dma_start3A_993 = tpu.memref_slice %arg4[%add3A_986, %dma_start3A_992] : memref<32768x1024xf32, #tpu.memory_space<hbm>> -> memref<32x1024xf32, #tpu.memory_space<hbm>>
    %dma_start3A_994 = arith.constant 0 : i32
    %dma_start3A_995 = tpu.memref_slice %arg4[%add3A_986, %dma_start3A_994] : memref<32768x1024xf32, #tpu.memory_space<hbm>> -> memref<32x1024xf32, #tpu.memory_space<hbm>>
    %dma_start3A_996 = arith.constant 0 : i32
    %dma_start3A_997 = arith.constant 0 : i32
    %dma_start3A_998 = tpu.memref_slice %arg6[%dma_start3A_987, %dma_start3A_996, %dma_start3A_997] : memref<3x32x1024xf32, #tpu.memory_space<vmem>> -> memref<1x32x1024xf32, #tpu.memory_space<vmem>>
    %dma_start3A_999 = tpu.memref_squeeze %dma_start3A_998 : memref<1x32x1024xf32, #tpu.memory_space<vmem>> -> memref<32x1024xf32, #tpu.memory_space<vmem>>
    tpu.enqueue_dma source(%dma_start3A_999 : memref<32x1024xf32, #tpu.memory_space<vmem>>) target(%dma_start3A_995 : memref<32x1024xf32, #tpu.memory_space<hbm>>) target_semaphore(%arg10 : memref<!tpu.dma_semaphore, #tpu.memory_space<semaphore_mem>>)
    %dma_wait3A_1000 = arith.constant 0 : i32
    %dma_wait3A_1001 = arith.constant 0 : i32
    %dma_wait3A_1002 = arith.constant 0 : i32
    %dma_wait3A_1003 = tpu.memref_slice %arg6[%dma_wait3A_1000, %dma_wait3A_1001, %dma_wait3A_1002] : memref<3x32x1024xf32, #tpu.memory_space<vmem>> -> memref<1x32x1024xf32, #tpu.memory_space<vmem>>
    %dma_wait3A_1004 = tpu.memref_squeeze %dma_wait3A_1003 : memref<1x32x1024xf32, #tpu.memory_space<vmem>> -> memref<32x1024xf32, #tpu.memory_space<vmem>>
    %dma_wait3A_1005 = arith.constant 0 : i32
    %dma_wait3A_1006 = tpu.memref_slice %arg4[%add3A_986, %dma_wait3A_1005] : memref<32768x1024xf32, #tpu.memory_space<hbm>> -> memref<32x1024xf32, #tpu.memory_space<hbm>>
    %dma_wait3A_1007 = arith.constant 0 : i32
    %dma_wait3A_1008 = tpu.memref_slice %arg4[%add3A_986, %dma_wait3A_1007] : memref<32768x1024xf32, #tpu.memory_space<hbm>> -> memref<32x1024xf32, #tpu.memory_space<hbm>>
    %dma_wait3A_1009 = arith.constant 0 : i32
    %dma_wait3A_1010 = arith.constant 0 : i32
    %dma_wait3A_1011 = tpu.memref_slice %arg6[%dma_wait3A_1000, %dma_wait3A_1009, %dma_wait3A_1010] : memref<3x32x1024xf32, #tpu.memory_space<vmem>> -> memref<1x32x1024xf32, #tpu.memory_space<vmem>>
    %dma_wait3A_1012 = tpu.memref_squeeze %dma_wait3A_1011 : memref<1x32x1024xf32, #tpu.memory_space<vmem>> -> memref<32x1024xf32, #tpu.memory_space<vmem>>
    tpu.wait_dma2 semaphore(%arg10 : memref<!tpu.dma_semaphore, #tpu.memory_space<semaphore_mem>>) src(%dma_wait3A_1012 : memref<32x1024xf32, #tpu.memory_space<vmem>>) dst(%dma_wait3A_1008 : memref<32x1024xf32, #tpu.memory_space<hbm>>)
    %dma_start3A_1013 = arith.constant 21 : i32
    %dma_start3A_1014 = arith.constant 0 : i32
    %dma_start3A_1015 = arith.constant 0 : i32
    %dma_start3A_1016 = arith.constant 0 : i32
    %dma_start3A_1017 = tpu.memref_slice %arg6[%dma_start3A_1014, %dma_start3A_1015, %dma_start3A_1016] : memref<3x32x1024xf32, #tpu.memory_space<vmem>> -> memref<1x32x1024xf32, #tpu.memory_space<vmem>>
    %dma_start3A_1018 = tpu.memref_squeeze %dma_start3A_1017 : memref<1x32x1024xf32, #tpu.memory_space<vmem>> -> memref<32x1024xf32, #tpu.memory_space<vmem>>
    %dma_start3A_1019 = arith.constant 0 : i32
    %dma_start3A_1020 = tpu.memref_slice %arg5[%dma_start3A_1013, %dma_start3A_1019] : memref<32x32xi32, #tpu.memory_space<vmem>> -> memref<1x32xi32, #tpu.memory_space<vmem>>
    %dma_start3A_1021 = tpu.memref_squeeze %dma_start3A_1020 : memref<1x32xi32, #tpu.memory_space<vmem>> -> memref<32xi32, #tpu.memory_space<vmem>>
    %dma_start3A_1022 = arith.constant 0 : i32
    %dma_start3A_1023 = arith.constant 0 : i32
    %dma_start3A_1024 = tpu.memref_slice %arg3[%dma_start3A_1022, %dma_start3A_1023] : memref<8192x1024xf32, #tpu.memory_space<hbm>> -> memref<8192x1024xf32, #tpu.memory_space<hbm>>
    tpu.enqueue_indirect_dma source(%dma_start3A_1024 : memref<8192x1024xf32, #tpu.memory_space<hbm>>) target(%dma_start3A_1018 : memref<32x1024xf32, #tpu.memory_space<vmem>>) offsets(%dma_start3A_1021 : memref<32xi32, #tpu.memory_space<vmem>>) semaphore(%arg7 : memref<!tpu.dma_semaphore, #tpu.memory_space<semaphore_mem>>)
    %dma_wait3A_1025 = arith.constant 19 : i32
    %dma_wait3A_1026 = arith.constant 1 : i32
    %dma_wait3A_1027 = arith.constant 0 : i32
    %dma_wait3A_1028 = arith.constant 0 : i32
    %dma_wait3A_1029 = tpu.memref_slice %arg6[%dma_wait3A_1026, %dma_wait3A_1027, %dma_wait3A_1028] : memref<3x32x1024xf32, #tpu.memory_space<vmem>> -> memref<1x32x1024xf32, #tpu.memory_space<vmem>>
    %dma_wait3A_1030 = tpu.memref_squeeze %dma_wait3A_1029 : memref<1x32x1024xf32, #tpu.memory_space<vmem>> -> memref<32x1024xf32, #tpu.memory_space<vmem>>
    %dma_wait3A_1031 = arith.constant 0 : i32
    %dma_wait3A_1032 = tpu.memref_slice %arg5[%dma_wait3A_1025, %dma_wait3A_1031] : memref<32x32xi32, #tpu.memory_space<vmem>> -> memref<1x32xi32, #tpu.memory_space<vmem>>
    %dma_wait3A_1033 = tpu.memref_squeeze %dma_wait3A_1032 : memref<1x32xi32, #tpu.memory_space<vmem>> -> memref<32xi32, #tpu.memory_space<vmem>>
    %dma_wait3A_1034 = arith.constant 0 : i32
    %dma_wait3A_1035 = arith.constant 0 : i32
    %dma_wait3A_1036 = tpu.memref_slice %arg3[%dma_wait3A_1034, %dma_wait3A_1035] : memref<8192x1024xf32, #tpu.memory_space<hbm>> -> memref<8192x1024xf32, #tpu.memory_space<hbm>>
    tpu.wait_indirect_dma semaphore(%arg8 : memref<!tpu.dma_semaphore, #tpu.memory_space<semaphore_mem>>) src(%dma_wait3A_1036 : memref<8192x1024xf32, #tpu.memory_space<hbm>>) dst(%dma_wait3A_1030 : memref<32x1024xf32, #tpu.memory_space<vmem>>)
    %add3A_1037 = arith.constant 608 : i32
    %add3A_1038 = arith.addi %mul3A_2, %add3A_1037 : i32
    %dma_start3A_1039 = arith.constant 1 : i32
    %dma_start3A_1040 = arith.constant 0 : i32
    %dma_start3A_1041 = arith.constant 0 : i32
    %dma_start3A_1042 = tpu.memref_slice %arg6[%dma_start3A_1039, %dma_start3A_1040, %dma_start3A_1041] : memref<3x32x1024xf32, #tpu.memory_space<vmem>> -> memref<1x32x1024xf32, #tpu.memory_space<vmem>>
    %dma_start3A_1043 = tpu.memref_squeeze %dma_start3A_1042 : memref<1x32x1024xf32, #tpu.memory_space<vmem>> -> memref<32x1024xf32, #tpu.memory_space<vmem>>
    %dma_start3A_1044 = arith.constant 0 : i32
    %dma_start3A_1045 = tpu.memref_slice %arg4[%add3A_1038, %dma_start3A_1044] : memref<32768x1024xf32, #tpu.memory_space<hbm>> -> memref<32x1024xf32, #tpu.memory_space<hbm>>
    %dma_start3A_1046 = arith.constant 0 : i32
    %dma_start3A_1047 = tpu.memref_slice %arg4[%add3A_1038, %dma_start3A_1046] : memref<32768x1024xf32, #tpu.memory_space<hbm>> -> memref<32x1024xf32, #tpu.memory_space<hbm>>
    %dma_start3A_1048 = arith.constant 0 : i32
    %dma_start3A_1049 = arith.constant 0 : i32
    %dma_start3A_1050 = tpu.memref_slice %arg6[%dma_start3A_1039, %dma_start3A_1048, %dma_start3A_1049] : memref<3x32x1024xf32, #tpu.memory_space<vmem>> -> memref<1x32x1024xf32, #tpu.memory_space<vmem>>
    %dma_start3A_1051 = tpu.memref_squeeze %dma_start3A_1050 : memref<1x32x1024xf32, #tpu.memory_space<vmem>> -> memref<32x1024xf32, #tpu.memory_space<vmem>>
    tpu.enqueue_dma source(%dma_start3A_1051 : memref<32x1024xf32, #tpu.memory_space<vmem>>) target(%dma_start3A_1047 : memref<32x1024xf32, #tpu.memory_space<hbm>>) target_semaphore(%arg11 : memref<!tpu.dma_semaphore, #tpu.memory_space<semaphore_mem>>)
    %dma_wait3A_1052 = arith.constant 1 : i32
    %dma_wait3A_1053 = arith.constant 0 : i32
    %dma_wait3A_1054 = arith.constant 0 : i32
    %dma_wait3A_1055 = tpu.memref_slice %arg6[%dma_wait3A_1052, %dma_wait3A_1053, %dma_wait3A_1054] : memref<3x32x1024xf32, #tpu.memory_space<vmem>> -> memref<1x32x1024xf32, #tpu.memory_space<vmem>>
    %dma_wait3A_1056 = tpu.memref_squeeze %dma_wait3A_1055 : memref<1x32x1024xf32, #tpu.memory_space<vmem>> -> memref<32x1024xf32, #tpu.memory_space<vmem>>
    %dma_wait3A_1057 = arith.constant 0 : i32
    %dma_wait3A_1058 = tpu.memref_slice %arg4[%add3A_1038, %dma_wait3A_1057] : memref<32768x1024xf32, #tpu.memory_space<hbm>> -> memref<32x1024xf32, #tpu.memory_space<hbm>>
    %dma_wait3A_1059 = arith.constant 0 : i32
    %dma_wait3A_1060 = tpu.memref_slice %arg4[%add3A_1038, %dma_wait3A_1059] : memref<32768x1024xf32, #tpu.memory_space<hbm>> -> memref<32x1024xf32, #tpu.memory_space<hbm>>
    %dma_wait3A_1061 = arith.constant 0 : i32
    %dma_wait3A_1062 = arith.constant 0 : i32
    %dma_wait3A_1063 = tpu.memref_slice %arg6[%dma_wait3A_1052, %dma_wait3A_1061, %dma_wait3A_1062] : memref<3x32x1024xf32, #tpu.memory_space<vmem>> -> memref<1x32x1024xf32, #tpu.memory_space<vmem>>
    %dma_wait3A_1064 = tpu.memref_squeeze %dma_wait3A_1063 : memref<1x32x1024xf32, #tpu.memory_space<vmem>> -> memref<32x1024xf32, #tpu.memory_space<vmem>>
    tpu.wait_dma2 semaphore(%arg11 : memref<!tpu.dma_semaphore, #tpu.memory_space<semaphore_mem>>) src(%dma_wait3A_1064 : memref<32x1024xf32, #tpu.memory_space<vmem>>) dst(%dma_wait3A_1060 : memref<32x1024xf32, #tpu.memory_space<hbm>>)
    %dma_start3A_1065 = arith.constant 22 : i32
    %dma_start3A_1066 = arith.constant 1 : i32
    %dma_start3A_1067 = arith.constant 0 : i32
    %dma_start3A_1068 = arith.constant 0 : i32
    %dma_start3A_1069 = tpu.memref_slice %arg6[%dma_start3A_1066, %dma_start3A_1067, %dma_start3A_1068] : memref<3x32x1024xf32, #tpu.memory_space<vmem>> -> memref<1x32x1024xf32, #tpu.memory_space<vmem>>
    %dma_start3A_1070 = tpu.memref_squeeze %dma_start3A_1069 : memref<1x32x1024xf32, #tpu.memory_space<vmem>> -> memref<32x1024xf32, #tpu.memory_space<vmem>>
    %dma_start3A_1071 = arith.constant 0 : i32
    %dma_start3A_1072 = tpu.memref_slice %arg5[%dma_start3A_1065, %dma_start3A_1071] : memref<32x32xi32, #tpu.memory_space<vmem>> -> memref<1x32xi32, #tpu.memory_space<vmem>>
    %dma_start3A_1073 = tpu.memref_squeeze %dma_start3A_1072 : memref<1x32xi32, #tpu.memory_space<vmem>> -> memref<32xi32, #tpu.memory_space<vmem>>
    %dma_start3A_1074 = arith.constant 0 : i32
    %dma_start3A_1075 = arith.constant 0 : i32
    %dma_start3A_1076 = tpu.memref_slice %arg3[%dma_start3A_1074, %dma_start3A_1075] : memref<8192x1024xf32, #tpu.memory_space<hbm>> -> memref<8192x1024xf32, #tpu.memory_space<hbm>>
    tpu.enqueue_indirect_dma source(%dma_start3A_1076 : memref<8192x1024xf32, #tpu.memory_space<hbm>>) target(%dma_start3A_1070 : memref<32x1024xf32, #tpu.memory_space<vmem>>) offsets(%dma_start3A_1073 : memref<32xi32, #tpu.memory_space<vmem>>) semaphore(%arg8 : memref<!tpu.dma_semaphore, #tpu.memory_space<semaphore_mem>>)
    %dma_wait3A_1077 = arith.constant 20 : i32
    %dma_wait3A_1078 = arith.constant 2 : i32
    %dma_wait3A_1079 = arith.constant 0 : i32
    %dma_wait3A_1080 = arith.constant 0 : i32
    %dma_wait3A_1081 = tpu.memref_slice %arg6[%dma_wait3A_1078, %dma_wait3A_1079, %dma_wait3A_1080] : memref<3x32x1024xf32, #tpu.memory_space<vmem>> -> memref<1x32x1024xf32, #tpu.memory_space<vmem>>
    %dma_wait3A_1082 = tpu.memref_squeeze %dma_wait3A_1081 : memref<1x32x1024xf32, #tpu.memory_space<vmem>> -> memref<32x1024xf32, #tpu.memory_space<vmem>>
    %dma_wait3A_1083 = arith.constant 0 : i32
    %dma_wait3A_1084 = tpu.memref_slice %arg5[%dma_wait3A_1077, %dma_wait3A_1083] : memref<32x32xi32, #tpu.memory_space<vmem>> -> memref<1x32xi32, #tpu.memory_space<vmem>>
    %dma_wait3A_1085 = tpu.memref_squeeze %dma_wait3A_1084 : memref<1x32xi32, #tpu.memory_space<vmem>> -> memref<32xi32, #tpu.memory_space<vmem>>
    %dma_wait3A_1086 = arith.constant 0 : i32
    %dma_wait3A_1087 = arith.constant 0 : i32
    %dma_wait3A_1088 = tpu.memref_slice %arg3[%dma_wait3A_1086, %dma_wait3A_1087] : memref<8192x1024xf32, #tpu.memory_space<hbm>> -> memref<8192x1024xf32, #tpu.memory_space<hbm>>
    tpu.wait_indirect_dma semaphore(%arg9 : memref<!tpu.dma_semaphore, #tpu.memory_space<semaphore_mem>>) src(%dma_wait3A_1088 : memref<8192x1024xf32, #tpu.memory_space<hbm>>) dst(%dma_wait3A_1082 : memref<32x1024xf32, #tpu.memory_space<vmem>>)
    %add3A_1089 = arith.constant 640 : i32
    %add3A_1090 = arith.addi %mul3A_2, %add3A_1089 : i32
    %dma_start3A_1091 = arith.constant 2 : i32
    %dma_start3A_1092 = arith.constant 0 : i32
    %dma_start3A_1093 = arith.constant 0 : i32
    %dma_start3A_1094 = tpu.memref_slice %arg6[%dma_start3A_1091, %dma_start3A_1092, %dma_start3A_1093] : memref<3x32x1024xf32, #tpu.memory_space<vmem>> -> memref<1x32x1024xf32, #tpu.memory_space<vmem>>
    %dma_start3A_1095 = tpu.memref_squeeze %dma_start3A_1094 : memref<1x32x1024xf32, #tpu.memory_space<vmem>> -> memref<32x1024xf32, #tpu.memory_space<vmem>>
    %dma_start3A_1096 = arith.constant 0 : i32
    %dma_start3A_1097 = tpu.memref_slice %arg4[%add3A_1090, %dma_start3A_1096] : memref<32768x1024xf32, #tpu.memory_space<hbm>> -> memref<32x1024xf32, #tpu.memory_space<hbm>>
    %dma_start3A_1098 = arith.constant 0 : i32
    %dma_start3A_1099 = tpu.memref_slice %arg4[%add3A_1090, %dma_start3A_1098] : memref<32768x1024xf32, #tpu.memory_space<hbm>> -> memref<32x1024xf32, #tpu.memory_space<hbm>>
    %dma_start3A_1100 = arith.constant 0 : i32
    %dma_start3A_1101 = arith.constant 0 : i32
    %dma_start3A_1102 = tpu.memref_slice %arg6[%dma_start3A_1091, %dma_start3A_1100, %dma_start3A_1101] : memref<3x32x1024xf32, #tpu.memory_space<vmem>> -> memref<1x32x1024xf32, #tpu.memory_space<vmem>>
    %dma_start3A_1103 = tpu.memref_squeeze %dma_start3A_1102 : memref<1x32x1024xf32, #tpu.memory_space<vmem>> -> memref<32x1024xf32, #tpu.memory_space<vmem>>
    tpu.enqueue_dma source(%dma_start3A_1103 : memref<32x1024xf32, #tpu.memory_space<vmem>>) target(%dma_start3A_1099 : memref<32x1024xf32, #tpu.memory_space<hbm>>) target_semaphore(%arg12 : memref<!tpu.dma_semaphore, #tpu.memory_space<semaphore_mem>>)
    %dma_wait3A_1104 = arith.constant 2 : i32
    %dma_wait3A_1105 = arith.constant 0 : i32
    %dma_wait3A_1106 = arith.constant 0 : i32
    %dma_wait3A_1107 = tpu.memref_slice %arg6[%dma_wait3A_1104, %dma_wait3A_1105, %dma_wait3A_1106] : memref<3x32x1024xf32, #tpu.memory_space<vmem>> -> memref<1x32x1024xf32, #tpu.memory_space<vmem>>
    %dma_wait3A_1108 = tpu.memref_squeeze %dma_wait3A_1107 : memref<1x32x1024xf32, #tpu.memory_space<vmem>> -> memref<32x1024xf32, #tpu.memory_space<vmem>>
    %dma_wait3A_1109 = arith.constant 0 : i32
    %dma_wait3A_1110 = tpu.memref_slice %arg4[%add3A_1090, %dma_wait3A_1109] : memref<32768x1024xf32, #tpu.memory_space<hbm>> -> memref<32x1024xf32, #tpu.memory_space<hbm>>
    %dma_wait3A_1111 = arith.constant 0 : i32
    %dma_wait3A_1112 = tpu.memref_slice %arg4[%add3A_1090, %dma_wait3A_1111] : memref<32768x1024xf32, #tpu.memory_space<hbm>> -> memref<32x1024xf32, #tpu.memory_space<hbm>>
    %dma_wait3A_1113 = arith.constant 0 : i32
    %dma_wait3A_1114 = arith.constant 0 : i32
    %dma_wait3A_1115 = tpu.memref_slice %arg6[%dma_wait3A_1104, %dma_wait3A_1113, %dma_wait3A_1114] : memref<3x32x1024xf32, #tpu.memory_space<vmem>> -> memref<1x32x1024xf32, #tpu.memory_space<vmem>>
    %dma_wait3A_1116 = tpu.memref_squeeze %dma_wait3A_1115 : memref<1x32x1024xf32, #tpu.memory_space<vmem>> -> memref<32x1024xf32, #tpu.memory_space<vmem>>
    tpu.wait_dma2 semaphore(%arg12 : memref<!tpu.dma_semaphore, #tpu.memory_space<semaphore_mem>>) src(%dma_wait3A_1116 : memref<32x1024xf32, #tpu.memory_space<vmem>>) dst(%dma_wait3A_1112 : memref<32x1024xf32, #tpu.memory_space<hbm>>)
    %dma_start3A_1117 = arith.constant 23 : i32
    %dma_start3A_1118 = arith.constant 2 : i32
    %dma_start3A_1119 = arith.constant 0 : i32
    %dma_start3A_1120 = arith.constant 0 : i32
    %dma_start3A_1121 = tpu.memref_slice %arg6[%dma_start3A_1118, %dma_start3A_1119, %dma_start3A_1120] : memref<3x32x1024xf32, #tpu.memory_space<vmem>> -> memref<1x32x1024xf32, #tpu.memory_space<vmem>>
    %dma_start3A_1122 = tpu.memref_squeeze %dma_start3A_1121 : memref<1x32x1024xf32, #tpu.memory_space<vmem>> -> memref<32x1024xf32, #tpu.memory_space<vmem>>
    %dma_start3A_1123 = arith.constant 0 : i32
    %dma_start3A_1124 = tpu.memref_slice %arg5[%dma_start3A_1117, %dma_start3A_1123] : memref<32x32xi32, #tpu.memory_space<vmem>> -> memref<1x32xi32, #tpu.memory_space<vmem>>
    %dma_start3A_1125 = tpu.memref_squeeze %dma_start3A_1124 : memref<1x32xi32, #tpu.memory_space<vmem>> -> memref<32xi32, #tpu.memory_space<vmem>>
    %dma_start3A_1126 = arith.constant 0 : i32
    %dma_start3A_1127 = arith.constant 0 : i32
    %dma_start3A_1128 = tpu.memref_slice %arg3[%dma_start3A_1126, %dma_start3A_1127] : memref<8192x1024xf32, #tpu.memory_space<hbm>> -> memref<8192x1024xf32, #tpu.memory_space<hbm>>
    tpu.enqueue_indirect_dma source(%dma_start3A_1128 : memref<8192x1024xf32, #tpu.memory_space<hbm>>) target(%dma_start3A_1122 : memref<32x1024xf32, #tpu.memory_space<vmem>>) offsets(%dma_start3A_1125 : memref<32xi32, #tpu.memory_space<vmem>>) semaphore(%arg9 : memref<!tpu.dma_semaphore, #tpu.memory_space<semaphore_mem>>)
    %dma_wait3A_1129 = arith.constant 21 : i32
    %dma_wait3A_1130 = arith.constant 0 : i32
    %dma_wait3A_1131 = arith.constant 0 : i32
    %dma_wait3A_1132 = arith.constant 0 : i32
    %dma_wait3A_1133 = tpu.memref_slice %arg6[%dma_wait3A_1130, %dma_wait3A_1131, %dma_wait3A_1132] : memref<3x32x1024xf32, #tpu.memory_space<vmem>> -> memref<1x32x1024xf32, #tpu.memory_space<vmem>>
    %dma_wait3A_1134 = tpu.memref_squeeze %dma_wait3A_1133 : memref<1x32x1024xf32, #tpu.memory_space<vmem>> -> memref<32x1024xf32, #tpu.memory_space<vmem>>
    %dma_wait3A_1135 = arith.constant 0 : i32
    %dma_wait3A_1136 = tpu.memref_slice %arg5[%dma_wait3A_1129, %dma_wait3A_1135] : memref<32x32xi32, #tpu.memory_space<vmem>> -> memref<1x32xi32, #tpu.memory_space<vmem>>
    %dma_wait3A_1137 = tpu.memref_squeeze %dma_wait3A_1136 : memref<1x32xi32, #tpu.memory_space<vmem>> -> memref<32xi32, #tpu.memory_space<vmem>>
    %dma_wait3A_1138 = arith.constant 0 : i32
    %dma_wait3A_1139 = arith.constant 0 : i32
    %dma_wait3A_1140 = tpu.memref_slice %arg3[%dma_wait3A_1138, %dma_wait3A_1139] : memref<8192x1024xf32, #tpu.memory_space<hbm>> -> memref<8192x1024xf32, #tpu.memory_space<hbm>>
    tpu.wait_indirect_dma semaphore(%arg7 : memref<!tpu.dma_semaphore, #tpu.memory_space<semaphore_mem>>) src(%dma_wait3A_1140 : memref<8192x1024xf32, #tpu.memory_space<hbm>>) dst(%dma_wait3A_1134 : memref<32x1024xf32, #tpu.memory_space<vmem>>)
    %add3A_1141 = arith.constant 672 : i32
    %add3A_1142 = arith.addi %mul3A_2, %add3A_1141 : i32
    %dma_start3A_1143 = arith.constant 0 : i32
    %dma_start3A_1144 = arith.constant 0 : i32
    %dma_start3A_1145 = arith.constant 0 : i32
    %dma_start3A_1146 = tpu.memref_slice %arg6[%dma_start3A_1143, %dma_start3A_1144, %dma_start3A_1145] : memref<3x32x1024xf32, #tpu.memory_space<vmem>> -> memref<1x32x1024xf32, #tpu.memory_space<vmem>>
    %dma_start3A_1147 = tpu.memref_squeeze %dma_start3A_1146 : memref<1x32x1024xf32, #tpu.memory_space<vmem>> -> memref<32x1024xf32, #tpu.memory_space<vmem>>
    %dma_start3A_1148 = arith.constant 0 : i32
    %dma_start3A_1149 = tpu.memref_slice %arg4[%add3A_1142, %dma_start3A_1148] : memref<32768x1024xf32, #tpu.memory_space<hbm>> -> memref<32x1024xf32, #tpu.memory_space<hbm>>
    %dma_start3A_1150 = arith.constant 0 : i32
    %dma_start3A_1151 = tpu.memref_slice %arg4[%add3A_1142, %dma_start3A_1150] : memref<32768x1024xf32, #tpu.memory_space<hbm>> -> memref<32x1024xf32, #tpu.memory_space<hbm>>
    %dma_start3A_1152 = arith.constant 0 : i32
    %dma_start3A_1153 = arith.constant 0 : i32
    %dma_start3A_1154 = tpu.memref_slice %arg6[%dma_start3A_1143, %dma_start3A_1152, %dma_start3A_1153] : memref<3x32x1024xf32, #tpu.memory_space<vmem>> -> memref<1x32x1024xf32, #tpu.memory_space<vmem>>
    %dma_start3A_1155 = tpu.memref_squeeze %dma_start3A_1154 : memref<1x32x1024xf32, #tpu.memory_space<vmem>> -> memref<32x1024xf32, #tpu.memory_space<vmem>>
    tpu.enqueue_dma source(%dma_start3A_1155 : memref<32x1024xf32, #tpu.memory_space<vmem>>) target(%dma_start3A_1151 : memref<32x1024xf32, #tpu.memory_space<hbm>>) target_semaphore(%arg10 : memref<!tpu.dma_semaphore, #tpu.memory_space<semaphore_mem>>)
    %dma_wait3A_1156 = arith.constant 0 : i32
    %dma_wait3A_1157 = arith.constant 0 : i32
    %dma_wait3A_1158 = arith.constant 0 : i32
    %dma_wait3A_1159 = tpu.memref_slice %arg6[%dma_wait3A_1156, %dma_wait3A_1157, %dma_wait3A_1158] : memref<3x32x1024xf32, #tpu.memory_space<vmem>> -> memref<1x32x1024xf32, #tpu.memory_space<vmem>>
    %dma_wait3A_1160 = tpu.memref_squeeze %dma_wait3A_1159 : memref<1x32x1024xf32, #tpu.memory_space<vmem>> -> memref<32x1024xf32, #tpu.memory_space<vmem>>
    %dma_wait3A_1161 = arith.constant 0 : i32
    %dma_wait3A_1162 = tpu.memref_slice %arg4[%add3A_1142, %dma_wait3A_1161] : memref<32768x1024xf32, #tpu.memory_space<hbm>> -> memref<32x1024xf32, #tpu.memory_space<hbm>>
    %dma_wait3A_1163 = arith.constant 0 : i32
    %dma_wait3A_1164 = tpu.memref_slice %arg4[%add3A_1142, %dma_wait3A_1163] : memref<32768x1024xf32, #tpu.memory_space<hbm>> -> memref<32x1024xf32, #tpu.memory_space<hbm>>
    %dma_wait3A_1165 = arith.constant 0 : i32
    %dma_wait3A_1166 = arith.constant 0 : i32
    %dma_wait3A_1167 = tpu.memref_slice %arg6[%dma_wait3A_1156, %dma_wait3A_1165, %dma_wait3A_1166] : memref<3x32x1024xf32, #tpu.memory_space<vmem>> -> memref<1x32x1024xf32, #tpu.memory_space<vmem>>
    %dma_wait3A_1168 = tpu.memref_squeeze %dma_wait3A_1167 : memref<1x32x1024xf32, #tpu.memory_space<vmem>> -> memref<32x1024xf32, #tpu.memory_space<vmem>>
    tpu.wait_dma2 semaphore(%arg10 : memref<!tpu.dma_semaphore, #tpu.memory_space<semaphore_mem>>) src(%dma_wait3A_1168 : memref<32x1024xf32, #tpu.memory_space<vmem>>) dst(%dma_wait3A_1164 : memref<32x1024xf32, #tpu.memory_space<hbm>>)
    %dma_start3A_1169 = arith.constant 24 : i32
    %dma_start3A_1170 = arith.constant 0 : i32
    %dma_start3A_1171 = arith.constant 0 : i32
    %dma_start3A_1172 = arith.constant 0 : i32
    %dma_start3A_1173 = tpu.memref_slice %arg6[%dma_start3A_1170, %dma_start3A_1171, %dma_start3A_1172] : memref<3x32x1024xf32, #tpu.memory_space<vmem>> -> memref<1x32x1024xf32, #tpu.memory_space<vmem>>
    %dma_start3A_1174 = tpu.memref_squeeze %dma_start3A_1173 : memref<1x32x1024xf32, #tpu.memory_space<vmem>> -> memref<32x1024xf32, #tpu.memory_space<vmem>>
    %dma_start3A_1175 = arith.constant 0 : i32
    %dma_start3A_1176 = tpu.memref_slice %arg5[%dma_start3A_1169, %dma_start3A_1175] : memref<32x32xi32, #tpu.memory_space<vmem>> -> memref<1x32xi32, #tpu.memory_space<vmem>>
    %dma_start3A_1177 = tpu.memref_squeeze %dma_start3A_1176 : memref<1x32xi32, #tpu.memory_space<vmem>> -> memref<32xi32, #tpu.memory_space<vmem>>
    %dma_start3A_1178 = arith.constant 0 : i32
    %dma_start3A_1179 = arith.constant 0 : i32
    %dma_start3A_1180 = tpu.memref_slice %arg3[%dma_start3A_1178, %dma_start3A_1179] : memref<8192x1024xf32, #tpu.memory_space<hbm>> -> memref<8192x1024xf32, #tpu.memory_space<hbm>>
    tpu.enqueue_indirect_dma source(%dma_start3A_1180 : memref<8192x1024xf32, #tpu.memory_space<hbm>>) target(%dma_start3A_1174 : memref<32x1024xf32, #tpu.memory_space<vmem>>) offsets(%dma_start3A_1177 : memref<32xi32, #tpu.memory_space<vmem>>) semaphore(%arg7 : memref<!tpu.dma_semaphore, #tpu.memory_space<semaphore_mem>>)
    %dma_wait3A_1181 = arith.constant 22 : i32
    %dma_wait3A_1182 = arith.constant 1 : i32
    %dma_wait3A_1183 = arith.constant 0 : i32
    %dma_wait3A_1184 = arith.constant 0 : i32
    %dma_wait3A_1185 = tpu.memref_slice %arg6[%dma_wait3A_1182, %dma_wait3A_1183, %dma_wait3A_1184] : memref<3x32x1024xf32, #tpu.memory_space<vmem>> -> memref<1x32x1024xf32, #tpu.memory_space<vmem>>
    %dma_wait3A_1186 = tpu.memref_squeeze %dma_wait3A_1185 : memref<1x32x1024xf32, #tpu.memory_space<vmem>> -> memref<32x1024xf32, #tpu.memory_space<vmem>>
    %dma_wait3A_1187 = arith.constant 0 : i32
    %dma_wait3A_1188 = tpu.memref_slice %arg5[%dma_wait3A_1181, %dma_wait3A_1187] : memref<32x32xi32, #tpu.memory_space<vmem>> -> memref<1x32xi32, #tpu.memory_space<vmem>>
    %dma_wait3A_1189 = tpu.memref_squeeze %dma_wait3A_1188 : memref<1x32xi32, #tpu.memory_space<vmem>> -> memref<32xi32, #tpu.memory_space<vmem>>
    %dma_wait3A_1190 = arith.constant 0 : i32
    %dma_wait3A_1191 = arith.constant 0 : i32
    %dma_wait3A_1192 = tpu.memref_slice %arg3[%dma_wait3A_1190, %dma_wait3A_1191] : memref<8192x1024xf32, #tpu.memory_space<hbm>> -> memref<8192x1024xf32, #tpu.memory_space<hbm>>
    tpu.wait_indirect_dma semaphore(%arg8 : memref<!tpu.dma_semaphore, #tpu.memory_space<semaphore_mem>>) src(%dma_wait3A_1192 : memref<8192x1024xf32, #tpu.memory_space<hbm>>) dst(%dma_wait3A_1186 : memref<32x1024xf32, #tpu.memory_space<vmem>>)
    %add3A_1193 = arith.constant 704 : i32
    %add3A_1194 = arith.addi %mul3A_2, %add3A_1193 : i32
    %dma_start3A_1195 = arith.constant 1 : i32
    %dma_start3A_1196 = arith.constant 0 : i32
    %dma_start3A_1197 = arith.constant 0 : i32
    %dma_start3A_1198 = tpu.memref_slice %arg6[%dma_start3A_1195, %dma_start3A_1196, %dma_start3A_1197] : memref<3x32x1024xf32, #tpu.memory_space<vmem>> -> memref<1x32x1024xf32, #tpu.memory_space<vmem>>
    %dma_start3A_1199 = tpu.memref_squeeze %dma_start3A_1198 : memref<1x32x1024xf32, #tpu.memory_space<vmem>> -> memref<32x1024xf32, #tpu.memory_space<vmem>>
    %dma_start3A_1200 = arith.constant 0 : i32
    %dma_start3A_1201 = tpu.memref_slice %arg4[%add3A_1194, %dma_start3A_1200] : memref<32768x1024xf32, #tpu.memory_space<hbm>> -> memref<32x1024xf32, #tpu.memory_space<hbm>>
    %dma_start3A_1202 = arith.constant 0 : i32
    %dma_start3A_1203 = tpu.memref_slice %arg4[%add3A_1194, %dma_start3A_1202] : memref<32768x1024xf32, #tpu.memory_space<hbm>> -> memref<32x1024xf32, #tpu.memory_space<hbm>>
    %dma_start3A_1204 = arith.constant 0 : i32
    %dma_start3A_1205 = arith.constant 0 : i32
    %dma_start3A_1206 = tpu.memref_slice %arg6[%dma_start3A_1195, %dma_start3A_1204, %dma_start3A_1205] : memref<3x32x1024xf32, #tpu.memory_space<vmem>> -> memref<1x32x1024xf32, #tpu.memory_space<vmem>>
    %dma_start3A_1207 = tpu.memref_squeeze %dma_start3A_1206 : memref<1x32x1024xf32, #tpu.memory_space<vmem>> -> memref<32x1024xf32, #tpu.memory_space<vmem>>
    tpu.enqueue_dma source(%dma_start3A_1207 : memref<32x1024xf32, #tpu.memory_space<vmem>>) target(%dma_start3A_1203 : memref<32x1024xf32, #tpu.memory_space<hbm>>) target_semaphore(%arg11 : memref<!tpu.dma_semaphore, #tpu.memory_space<semaphore_mem>>)
    %dma_wait3A_1208 = arith.constant 1 : i32
    %dma_wait3A_1209 = arith.constant 0 : i32
    %dma_wait3A_1210 = arith.constant 0 : i32
    %dma_wait3A_1211 = tpu.memref_slice %arg6[%dma_wait3A_1208, %dma_wait3A_1209, %dma_wait3A_1210] : memref<3x32x1024xf32, #tpu.memory_space<vmem>> -> memref<1x32x1024xf32, #tpu.memory_space<vmem>>
    %dma_wait3A_1212 = tpu.memref_squeeze %dma_wait3A_1211 : memref<1x32x1024xf32, #tpu.memory_space<vmem>> -> memref<32x1024xf32, #tpu.memory_space<vmem>>
    %dma_wait3A_1213 = arith.constant 0 : i32
    %dma_wait3A_1214 = tpu.memref_slice %arg4[%add3A_1194, %dma_wait3A_1213] : memref<32768x1024xf32, #tpu.memory_space<hbm>> -> memref<32x1024xf32, #tpu.memory_space<hbm>>
    %dma_wait3A_1215 = arith.constant 0 : i32
    %dma_wait3A_1216 = tpu.memref_slice %arg4[%add3A_1194, %dma_wait3A_1215] : memref<32768x1024xf32, #tpu.memory_space<hbm>> -> memref<32x1024xf32, #tpu.memory_space<hbm>>
    %dma_wait3A_1217 = arith.constant 0 : i32
    %dma_wait3A_1218 = arith.constant 0 : i32
    %dma_wait3A_1219 = tpu.memref_slice %arg6[%dma_wait3A_1208, %dma_wait3A_1217, %dma_wait3A_1218] : memref<3x32x1024xf32, #tpu.memory_space<vmem>> -> memref<1x32x1024xf32, #tpu.memory_space<vmem>>
    %dma_wait3A_1220 = tpu.memref_squeeze %dma_wait3A_1219 : memref<1x32x1024xf32, #tpu.memory_space<vmem>> -> memref<32x1024xf32, #tpu.memory_space<vmem>>
    tpu.wait_dma2 semaphore(%arg11 : memref<!tpu.dma_semaphore, #tpu.memory_space<semaphore_mem>>) src(%dma_wait3A_1220 : memref<32x1024xf32, #tpu.memory_space<vmem>>) dst(%dma_wait3A_1216 : memref<32x1024xf32, #tpu.memory_space<hbm>>)
    %dma_start3A_1221 = arith.constant 25 : i32
    %dma_start3A_1222 = arith.constant 1 : i32
    %dma_start3A_1223 = arith.constant 0 : i32
    %dma_start3A_1224 = arith.constant 0 : i32
    %dma_start3A_1225 = tpu.memref_slice %arg6[%dma_start3A_1222, %dma_start3A_1223, %dma_start3A_1224] : memref<3x32x1024xf32, #tpu.memory_space<vmem>> -> memref<1x32x1024xf32, #tpu.memory_space<vmem>>
    %dma_start3A_1226 = tpu.memref_squeeze %dma_start3A_1225 : memref<1x32x1024xf32, #tpu.memory_space<vmem>> -> memref<32x1024xf32, #tpu.memory_space<vmem>>
    %dma_start3A_1227 = arith.constant 0 : i32
    %dma_start3A_1228 = tpu.memref_slice %arg5[%dma_start3A_1221, %dma_start3A_1227] : memref<32x32xi32, #tpu.memory_space<vmem>> -> memref<1x32xi32, #tpu.memory_space<vmem>>
    %dma_start3A_1229 = tpu.memref_squeeze %dma_start3A_1228 : memref<1x32xi32, #tpu.memory_space<vmem>> -> memref<32xi32, #tpu.memory_space<vmem>>
    %dma_start3A_1230 = arith.constant 0 : i32
    %dma_start3A_1231 = arith.constant 0 : i32
    %dma_start3A_1232 = tpu.memref_slice %arg3[%dma_start3A_1230, %dma_start3A_1231] : memref<8192x1024xf32, #tpu.memory_space<hbm>> -> memref<8192x1024xf32, #tpu.memory_space<hbm>>
    tpu.enqueue_indirect_dma source(%dma_start3A_1232 : memref<8192x1024xf32, #tpu.memory_space<hbm>>) target(%dma_start3A_1226 : memref<32x1024xf32, #tpu.memory_space<vmem>>) offsets(%dma_start3A_1229 : memref<32xi32, #tpu.memory_space<vmem>>) semaphore(%arg8 : memref<!tpu.dma_semaphore, #tpu.memory_space<semaphore_mem>>)
    %dma_wait3A_1233 = arith.constant 23 : i32
    %dma_wait3A_1234 = arith.constant 2 : i32
    %dma_wait3A_1235 = arith.constant 0 : i32
    %dma_wait3A_1236 = arith.constant 0 : i32
    %dma_wait3A_1237 = tpu.memref_slice %arg6[%dma_wait3A_1234, %dma_wait3A_1235, %dma_wait3A_1236] : memref<3x32x1024xf32, #tpu.memory_space<vmem>> -> memref<1x32x1024xf32, #tpu.memory_space<vmem>>
    %dma_wait3A_1238 = tpu.memref_squeeze %dma_wait3A_1237 : memref<1x32x1024xf32, #tpu.memory_space<vmem>> -> memref<32x1024xf32, #tpu.memory_space<vmem>>
    %dma_wait3A_1239 = arith.constant 0 : i32
    %dma_wait3A_1240 = tpu.memref_slice %arg5[%dma_wait3A_1233, %dma_wait3A_1239] : memref<32x32xi32, #tpu.memory_space<vmem>> -> memref<1x32xi32, #tpu.memory_space<vmem>>
    %dma_wait3A_1241 = tpu.memref_squeeze %dma_wait3A_1240 : memref<1x32xi32, #tpu.memory_space<vmem>> -> memref<32xi32, #tpu.memory_space<vmem>>
    %dma_wait3A_1242 = arith.constant 0 : i32
    %dma_wait3A_1243 = arith.constant 0 : i32
    %dma_wait3A_1244 = tpu.memref_slice %arg3[%dma_wait3A_1242, %dma_wait3A_1243] : memref<8192x1024xf32, #tpu.memory_space<hbm>> -> memref<8192x1024xf32, #tpu.memory_space<hbm>>
    tpu.wait_indirect_dma semaphore(%arg9 : memref<!tpu.dma_semaphore, #tpu.memory_space<semaphore_mem>>) src(%dma_wait3A_1244 : memref<8192x1024xf32, #tpu.memory_space<hbm>>) dst(%dma_wait3A_1238 : memref<32x1024xf32, #tpu.memory_space<vmem>>)
    %add3A_1245 = arith.constant 736 : i32
    %add3A_1246 = arith.addi %mul3A_2, %add3A_1245 : i32
    %dma_start3A_1247 = arith.constant 2 : i32
    %dma_start3A_1248 = arith.constant 0 : i32
    %dma_start3A_1249 = arith.constant 0 : i32
    %dma_start3A_1250 = tpu.memref_slice %arg6[%dma_start3A_1247, %dma_start3A_1248, %dma_start3A_1249] : memref<3x32x1024xf32, #tpu.memory_space<vmem>> -> memref<1x32x1024xf32, #tpu.memory_space<vmem>>
    %dma_start3A_1251 = tpu.memref_squeeze %dma_start3A_1250 : memref<1x32x1024xf32, #tpu.memory_space<vmem>> -> memref<32x1024xf32, #tpu.memory_space<vmem>>
    %dma_start3A_1252 = arith.constant 0 : i32
    %dma_start3A_1253 = tpu.memref_slice %arg4[%add3A_1246, %dma_start3A_1252] : memref<32768x1024xf32, #tpu.memory_space<hbm>> -> memref<32x1024xf32, #tpu.memory_space<hbm>>
    %dma_start3A_1254 = arith.constant 0 : i32
    %dma_start3A_1255 = tpu.memref_slice %arg4[%add3A_1246, %dma_start3A_1254] : memref<32768x1024xf32, #tpu.memory_space<hbm>> -> memref<32x1024xf32, #tpu.memory_space<hbm>>
    %dma_start3A_1256 = arith.constant 0 : i32
    %dma_start3A_1257 = arith.constant 0 : i32
    %dma_start3A_1258 = tpu.memref_slice %arg6[%dma_start3A_1247, %dma_start3A_1256, %dma_start3A_1257] : memref<3x32x1024xf32, #tpu.memory_space<vmem>> -> memref<1x32x1024xf32, #tpu.memory_space<vmem>>
    %dma_start3A_1259 = tpu.memref_squeeze %dma_start3A_1258 : memref<1x32x1024xf32, #tpu.memory_space<vmem>> -> memref<32x1024xf32, #tpu.memory_space<vmem>>
    tpu.enqueue_dma source(%dma_start3A_1259 : memref<32x1024xf32, #tpu.memory_space<vmem>>) target(%dma_start3A_1255 : memref<32x1024xf32, #tpu.memory_space<hbm>>) target_semaphore(%arg12 : memref<!tpu.dma_semaphore, #tpu.memory_space<semaphore_mem>>)
    %dma_wait3A_1260 = arith.constant 2 : i32
    %dma_wait3A_1261 = arith.constant 0 : i32
    %dma_wait3A_1262 = arith.constant 0 : i32
    %dma_wait3A_1263 = tpu.memref_slice %arg6[%dma_wait3A_1260, %dma_wait3A_1261, %dma_wait3A_1262] : memref<3x32x1024xf32, #tpu.memory_space<vmem>> -> memref<1x32x1024xf32, #tpu.memory_space<vmem>>
    %dma_wait3A_1264 = tpu.memref_squeeze %dma_wait3A_1263 : memref<1x32x1024xf32, #tpu.memory_space<vmem>> -> memref<32x1024xf32, #tpu.memory_space<vmem>>
    %dma_wait3A_1265 = arith.constant 0 : i32
    %dma_wait3A_1266 = tpu.memref_slice %arg4[%add3A_1246, %dma_wait3A_1265] : memref<32768x1024xf32, #tpu.memory_space<hbm>> -> memref<32x1024xf32, #tpu.memory_space<hbm>>
    %dma_wait3A_1267 = arith.constant 0 : i32
    %dma_wait3A_1268 = tpu.memref_slice %arg4[%add3A_1246, %dma_wait3A_1267] : memref<32768x1024xf32, #tpu.memory_space<hbm>> -> memref<32x1024xf32, #tpu.memory_space<hbm>>
    %dma_wait3A_1269 = arith.constant 0 : i32
    %dma_wait3A_1270 = arith.constant 0 : i32
    %dma_wait3A_1271 = tpu.memref_slice %arg6[%dma_wait3A_1260, %dma_wait3A_1269, %dma_wait3A_1270] : memref<3x32x1024xf32, #tpu.memory_space<vmem>> -> memref<1x32x1024xf32, #tpu.memory_space<vmem>>
    %dma_wait3A_1272 = tpu.memref_squeeze %dma_wait3A_1271 : memref<1x32x1024xf32, #tpu.memory_space<vmem>> -> memref<32x1024xf32, #tpu.memory_space<vmem>>
    tpu.wait_dma2 semaphore(%arg12 : memref<!tpu.dma_semaphore, #tpu.memory_space<semaphore_mem>>) src(%dma_wait3A_1272 : memref<32x1024xf32, #tpu.memory_space<vmem>>) dst(%dma_wait3A_1268 : memref<32x1024xf32, #tpu.memory_space<hbm>>)
    %dma_start3A_1273 = arith.constant 26 : i32
    %dma_start3A_1274 = arith.constant 2 : i32
    %dma_start3A_1275 = arith.constant 0 : i32
    %dma_start3A_1276 = arith.constant 0 : i32
    %dma_start3A_1277 = tpu.memref_slice %arg6[%dma_start3A_1274, %dma_start3A_1275, %dma_start3A_1276] : memref<3x32x1024xf32, #tpu.memory_space<vmem>> -> memref<1x32x1024xf32, #tpu.memory_space<vmem>>
    %dma_start3A_1278 = tpu.memref_squeeze %dma_start3A_1277 : memref<1x32x1024xf32, #tpu.memory_space<vmem>> -> memref<32x1024xf32, #tpu.memory_space<vmem>>
    %dma_start3A_1279 = arith.constant 0 : i32
    %dma_start3A_1280 = tpu.memref_slice %arg5[%dma_start3A_1273, %dma_start3A_1279] : memref<32x32xi32, #tpu.memory_space<vmem>> -> memref<1x32xi32, #tpu.memory_space<vmem>>
    %dma_start3A_1281 = tpu.memref_squeeze %dma_start3A_1280 : memref<1x32xi32, #tpu.memory_space<vmem>> -> memref<32xi32, #tpu.memory_space<vmem>>
    %dma_start3A_1282 = arith.constant 0 : i32
    %dma_start3A_1283 = arith.constant 0 : i32
    %dma_start3A_1284 = tpu.memref_slice %arg3[%dma_start3A_1282, %dma_start3A_1283] : memref<8192x1024xf32, #tpu.memory_space<hbm>> -> memref<8192x1024xf32, #tpu.memory_space<hbm>>
    tpu.enqueue_indirect_dma source(%dma_start3A_1284 : memref<8192x1024xf32, #tpu.memory_space<hbm>>) target(%dma_start3A_1278 : memref<32x1024xf32, #tpu.memory_space<vmem>>) offsets(%dma_start3A_1281 : memref<32xi32, #tpu.memory_space<vmem>>) semaphore(%arg9 : memref<!tpu.dma_semaphore, #tpu.memory_space<semaphore_mem>>)
    %dma_wait3A_1285 = arith.constant 24 : i32
    %dma_wait3A_1286 = arith.constant 0 : i32
    %dma_wait3A_1287 = arith.constant 0 : i32
    %dma_wait3A_1288 = arith.constant 0 : i32
    %dma_wait3A_1289 = tpu.memref_slice %arg6[%dma_wait3A_1286, %dma_wait3A_1287, %dma_wait3A_1288] : memref<3x32x1024xf32, #tpu.memory_space<vmem>> -> memref<1x32x1024xf32, #tpu.memory_space<vmem>>
    %dma_wait3A_1290 = tpu.memref_squeeze %dma_wait3A_1289 : memref<1x32x1024xf32, #tpu.memory_space<vmem>> -> memref<32x1024xf32, #tpu.memory_space<vmem>>
    %dma_wait3A_1291 = arith.constant 0 : i32
    %dma_wait3A_1292 = tpu.memref_slice %arg5[%dma_wait3A_1285, %dma_wait3A_1291] : memref<32x32xi32, #tpu.memory_space<vmem>> -> memref<1x32xi32, #tpu.memory_space<vmem>>
    %dma_wait3A_1293 = tpu.memref_squeeze %dma_wait3A_1292 : memref<1x32xi32, #tpu.memory_space<vmem>> -> memref<32xi32, #tpu.memory_space<vmem>>
    %dma_wait3A_1294 = arith.constant 0 : i32
    %dma_wait3A_1295 = arith.constant 0 : i32
    %dma_wait3A_1296 = tpu.memref_slice %arg3[%dma_wait3A_1294, %dma_wait3A_1295] : memref<8192x1024xf32, #tpu.memory_space<hbm>> -> memref<8192x1024xf32, #tpu.memory_space<hbm>>
    tpu.wait_indirect_dma semaphore(%arg7 : memref<!tpu.dma_semaphore, #tpu.memory_space<semaphore_mem>>) src(%dma_wait3A_1296 : memref<8192x1024xf32, #tpu.memory_space<hbm>>) dst(%dma_wait3A_1290 : memref<32x1024xf32, #tpu.memory_space<vmem>>)
    %add3A_1297 = arith.constant 768 : i32
    %add3A_1298 = arith.addi %mul3A_2, %add3A_1297 : i32
    %dma_start3A_1299 = arith.constant 0 : i32
    %dma_start3A_1300 = arith.constant 0 : i32
    %dma_start3A_1301 = arith.constant 0 : i32
    %dma_start3A_1302 = tpu.memref_slice %arg6[%dma_start3A_1299, %dma_start3A_1300, %dma_start3A_1301] : memref<3x32x1024xf32, #tpu.memory_space<vmem>> -> memref<1x32x1024xf32, #tpu.memory_space<vmem>>
    %dma_start3A_1303 = tpu.memref_squeeze %dma_start3A_1302 : memref<1x32x1024xf32, #tpu.memory_space<vmem>> -> memref<32x1024xf32, #tpu.memory_space<vmem>>
    %dma_start3A_1304 = arith.constant 0 : i32
    %dma_start3A_1305 = tpu.memref_slice %arg4[%add3A_1298, %dma_start3A_1304] : memref<32768x1024xf32, #tpu.memory_space<hbm>> -> memref<32x1024xf32, #tpu.memory_space<hbm>>
    %dma_start3A_1306 = arith.constant 0 : i32
    %dma_start3A_1307 = tpu.memref_slice %arg4[%add3A_1298, %dma_start3A_1306] : memref<32768x1024xf32, #tpu.memory_space<hbm>> -> memref<32x1024xf32, #tpu.memory_space<hbm>>
    %dma_start3A_1308 = arith.constant 0 : i32
    %dma_start3A_1309 = arith.constant 0 : i32
    %dma_start3A_1310 = tpu.memref_slice %arg6[%dma_start3A_1299, %dma_start3A_1308, %dma_start3A_1309] : memref<3x32x1024xf32, #tpu.memory_space<vmem>> -> memref<1x32x1024xf32, #tpu.memory_space<vmem>>
    %dma_start3A_1311 = tpu.memref_squeeze %dma_start3A_1310 : memref<1x32x1024xf32, #tpu.memory_space<vmem>> -> memref<32x1024xf32, #tpu.memory_space<vmem>>
    tpu.enqueue_dma source(%dma_start3A_1311 : memref<32x1024xf32, #tpu.memory_space<vmem>>) target(%dma_start3A_1307 : memref<32x1024xf32, #tpu.memory_space<hbm>>) target_semaphore(%arg10 : memref<!tpu.dma_semaphore, #tpu.memory_space<semaphore_mem>>)
    %dma_wait3A_1312 = arith.constant 0 : i32
    %dma_wait3A_1313 = arith.constant 0 : i32
    %dma_wait3A_1314 = arith.constant 0 : i32
    %dma_wait3A_1315 = tpu.memref_slice %arg6[%dma_wait3A_1312, %dma_wait3A_1313, %dma_wait3A_1314] : memref<3x32x1024xf32, #tpu.memory_space<vmem>> -> memref<1x32x1024xf32, #tpu.memory_space<vmem>>
    %dma_wait3A_1316 = tpu.memref_squeeze %dma_wait3A_1315 : memref<1x32x1024xf32, #tpu.memory_space<vmem>> -> memref<32x1024xf32, #tpu.memory_space<vmem>>
    %dma_wait3A_1317 = arith.constant 0 : i32
    %dma_wait3A_1318 = tpu.memref_slice %arg4[%add3A_1298, %dma_wait3A_1317] : memref<32768x1024xf32, #tpu.memory_space<hbm>> -> memref<32x1024xf32, #tpu.memory_space<hbm>>
    %dma_wait3A_1319 = arith.constant 0 : i32
    %dma_wait3A_1320 = tpu.memref_slice %arg4[%add3A_1298, %dma_wait3A_1319] : memref<32768x1024xf32, #tpu.memory_space<hbm>> -> memref<32x1024xf32, #tpu.memory_space<hbm>>
    %dma_wait3A_1321 = arith.constant 0 : i32
    %dma_wait3A_1322 = arith.constant 0 : i32
    %dma_wait3A_1323 = tpu.memref_slice %arg6[%dma_wait3A_1312, %dma_wait3A_1321, %dma_wait3A_1322] : memref<3x32x1024xf32, #tpu.memory_space<vmem>> -> memref<1x32x1024xf32, #tpu.memory_space<vmem>>
    %dma_wait3A_1324 = tpu.memref_squeeze %dma_wait3A_1323 : memref<1x32x1024xf32, #tpu.memory_space<vmem>> -> memref<32x1024xf32, #tpu.memory_space<vmem>>
    tpu.wait_dma2 semaphore(%arg10 : memref<!tpu.dma_semaphore, #tpu.memory_space<semaphore_mem>>) src(%dma_wait3A_1324 : memref<32x1024xf32, #tpu.memory_space<vmem>>) dst(%dma_wait3A_1320 : memref<32x1024xf32, #tpu.memory_space<hbm>>)
    %dma_start3A_1325 = arith.constant 27 : i32
    %dma_start3A_1326 = arith.constant 0 : i32
    %dma_start3A_1327 = arith.constant 0 : i32
    %dma_start3A_1328 = arith.constant 0 : i32
    %dma_start3A_1329 = tpu.memref_slice %arg6[%dma_start3A_1326, %dma_start3A_1327, %dma_start3A_1328] : memref<3x32x1024xf32, #tpu.memory_space<vmem>> -> memref<1x32x1024xf32, #tpu.memory_space<vmem>>
    %dma_start3A_1330 = tpu.memref_squeeze %dma_start3A_1329 : memref<1x32x1024xf32, #tpu.memory_space<vmem>> -> memref<32x1024xf32, #tpu.memory_space<vmem>>
    %dma_start3A_1331 = arith.constant 0 : i32
    %dma_start3A_1332 = tpu.memref_slice %arg5[%dma_start3A_1325, %dma_start3A_1331] : memref<32x32xi32, #tpu.memory_space<vmem>> -> memref<1x32xi32, #tpu.memory_space<vmem>>
    %dma_start3A_1333 = tpu.memref_squeeze %dma_start3A_1332 : memref<1x32xi32, #tpu.memory_space<vmem>> -> memref<32xi32, #tpu.memory_space<vmem>>
    %dma_start3A_1334 = arith.constant 0 : i32
    %dma_start3A_1335 = arith.constant 0 : i32
    %dma_start3A_1336 = tpu.memref_slice %arg3[%dma_start3A_1334, %dma_start3A_1335] : memref<8192x1024xf32, #tpu.memory_space<hbm>> -> memref<8192x1024xf32, #tpu.memory_space<hbm>>
    tpu.enqueue_indirect_dma source(%dma_start3A_1336 : memref<8192x1024xf32, #tpu.memory_space<hbm>>) target(%dma_start3A_1330 : memref<32x1024xf32, #tpu.memory_space<vmem>>) offsets(%dma_start3A_1333 : memref<32xi32, #tpu.memory_space<vmem>>) semaphore(%arg7 : memref<!tpu.dma_semaphore, #tpu.memory_space<semaphore_mem>>)
    %dma_wait3A_1337 = arith.constant 25 : i32
    %dma_wait3A_1338 = arith.constant 1 : i32
    %dma_wait3A_1339 = arith.constant 0 : i32
    %dma_wait3A_1340 = arith.constant 0 : i32
    %dma_wait3A_1341 = tpu.memref_slice %arg6[%dma_wait3A_1338, %dma_wait3A_1339, %dma_wait3A_1340] : memref<3x32x1024xf32, #tpu.memory_space<vmem>> -> memref<1x32x1024xf32, #tpu.memory_space<vmem>>
    %dma_wait3A_1342 = tpu.memref_squeeze %dma_wait3A_1341 : memref<1x32x1024xf32, #tpu.memory_space<vmem>> -> memref<32x1024xf32, #tpu.memory_space<vmem>>
    %dma_wait3A_1343 = arith.constant 0 : i32
    %dma_wait3A_1344 = tpu.memref_slice %arg5[%dma_wait3A_1337, %dma_wait3A_1343] : memref<32x32xi32, #tpu.memory_space<vmem>> -> memref<1x32xi32, #tpu.memory_space<vmem>>
    %dma_wait3A_1345 = tpu.memref_squeeze %dma_wait3A_1344 : memref<1x32xi32, #tpu.memory_space<vmem>> -> memref<32xi32, #tpu.memory_space<vmem>>
    %dma_wait3A_1346 = arith.constant 0 : i32
    %dma_wait3A_1347 = arith.constant 0 : i32
    %dma_wait3A_1348 = tpu.memref_slice %arg3[%dma_wait3A_1346, %dma_wait3A_1347] : memref<8192x1024xf32, #tpu.memory_space<hbm>> -> memref<8192x1024xf32, #tpu.memory_space<hbm>>
    tpu.wait_indirect_dma semaphore(%arg8 : memref<!tpu.dma_semaphore, #tpu.memory_space<semaphore_mem>>) src(%dma_wait3A_1348 : memref<8192x1024xf32, #tpu.memory_space<hbm>>) dst(%dma_wait3A_1342 : memref<32x1024xf32, #tpu.memory_space<vmem>>)
    %add3A_1349 = arith.constant 800 : i32
    %add3A_1350 = arith.addi %mul3A_2, %add3A_1349 : i32
    %dma_start3A_1351 = arith.constant 1 : i32
    %dma_start3A_1352 = arith.constant 0 : i32
    %dma_start3A_1353 = arith.constant 0 : i32
    %dma_start3A_1354 = tpu.memref_slice %arg6[%dma_start3A_1351, %dma_start3A_1352, %dma_start3A_1353] : memref<3x32x1024xf32, #tpu.memory_space<vmem>> -> memref<1x32x1024xf32, #tpu.memory_space<vmem>>
    %dma_start3A_1355 = tpu.memref_squeeze %dma_start3A_1354 : memref<1x32x1024xf32, #tpu.memory_space<vmem>> -> memref<32x1024xf32, #tpu.memory_space<vmem>>
    %dma_start3A_1356 = arith.constant 0 : i32
    %dma_start3A_1357 = tpu.memref_slice %arg4[%add3A_1350, %dma_start3A_1356] : memref<32768x1024xf32, #tpu.memory_space<hbm>> -> memref<32x1024xf32, #tpu.memory_space<hbm>>
    %dma_start3A_1358 = arith.constant 0 : i32
    %dma_start3A_1359 = tpu.memref_slice %arg4[%add3A_1350, %dma_start3A_1358] : memref<32768x1024xf32, #tpu.memory_space<hbm>> -> memref<32x1024xf32, #tpu.memory_space<hbm>>
    %dma_start3A_1360 = arith.constant 0 : i32
    %dma_start3A_1361 = arith.constant 0 : i32
    %dma_start3A_1362 = tpu.memref_slice %arg6[%dma_start3A_1351, %dma_start3A_1360, %dma_start3A_1361] : memref<3x32x1024xf32, #tpu.memory_space<vmem>> -> memref<1x32x1024xf32, #tpu.memory_space<vmem>>
    %dma_start3A_1363 = tpu.memref_squeeze %dma_start3A_1362 : memref<1x32x1024xf32, #tpu.memory_space<vmem>> -> memref<32x1024xf32, #tpu.memory_space<vmem>>
    tpu.enqueue_dma source(%dma_start3A_1363 : memref<32x1024xf32, #tpu.memory_space<vmem>>) target(%dma_start3A_1359 : memref<32x1024xf32, #tpu.memory_space<hbm>>) target_semaphore(%arg11 : memref<!tpu.dma_semaphore, #tpu.memory_space<semaphore_mem>>)
    %dma_wait3A_1364 = arith.constant 1 : i32
    %dma_wait3A_1365 = arith.constant 0 : i32
    %dma_wait3A_1366 = arith.constant 0 : i32
    %dma_wait3A_1367 = tpu.memref_slice %arg6[%dma_wait3A_1364, %dma_wait3A_1365, %dma_wait3A_1366] : memref<3x32x1024xf32, #tpu.memory_space<vmem>> -> memref<1x32x1024xf32, #tpu.memory_space<vmem>>
    %dma_wait3A_1368 = tpu.memref_squeeze %dma_wait3A_1367 : memref<1x32x1024xf32, #tpu.memory_space<vmem>> -> memref<32x1024xf32, #tpu.memory_space<vmem>>
    %dma_wait3A_1369 = arith.constant 0 : i32
    %dma_wait3A_1370 = tpu.memref_slice %arg4[%add3A_1350, %dma_wait3A_1369] : memref<32768x1024xf32, #tpu.memory_space<hbm>> -> memref<32x1024xf32, #tpu.memory_space<hbm>>
    %dma_wait3A_1371 = arith.constant 0 : i32
    %dma_wait3A_1372 = tpu.memref_slice %arg4[%add3A_1350, %dma_wait3A_1371] : memref<32768x1024xf32, #tpu.memory_space<hbm>> -> memref<32x1024xf32, #tpu.memory_space<hbm>>
    %dma_wait3A_1373 = arith.constant 0 : i32
    %dma_wait3A_1374 = arith.constant 0 : i32
    %dma_wait3A_1375 = tpu.memref_slice %arg6[%dma_wait3A_1364, %dma_wait3A_1373, %dma_wait3A_1374] : memref<3x32x1024xf32, #tpu.memory_space<vmem>> -> memref<1x32x1024xf32, #tpu.memory_space<vmem>>
    %dma_wait3A_1376 = tpu.memref_squeeze %dma_wait3A_1375 : memref<1x32x1024xf32, #tpu.memory_space<vmem>> -> memref<32x1024xf32, #tpu.memory_space<vmem>>
    tpu.wait_dma2 semaphore(%arg11 : memref<!tpu.dma_semaphore, #tpu.memory_space<semaphore_mem>>) src(%dma_wait3A_1376 : memref<32x1024xf32, #tpu.memory_space<vmem>>) dst(%dma_wait3A_1372 : memref<32x1024xf32, #tpu.memory_space<hbm>>)
    %dma_start3A_1377 = arith.constant 28 : i32
    %dma_start3A_1378 = arith.constant 1 : i32
    %dma_start3A_1379 = arith.constant 0 : i32
    %dma_start3A_1380 = arith.constant 0 : i32
    %dma_start3A_1381 = tpu.memref_slice %arg6[%dma_start3A_1378, %dma_start3A_1379, %dma_start3A_1380] : memref<3x32x1024xf32, #tpu.memory_space<vmem>> -> memref<1x32x1024xf32, #tpu.memory_space<vmem>>
    %dma_start3A_1382 = tpu.memref_squeeze %dma_start3A_1381 : memref<1x32x1024xf32, #tpu.memory_space<vmem>> -> memref<32x1024xf32, #tpu.memory_space<vmem>>
    %dma_start3A_1383 = arith.constant 0 : i32
    %dma_start3A_1384 = tpu.memref_slice %arg5[%dma_start3A_1377, %dma_start3A_1383] : memref<32x32xi32, #tpu.memory_space<vmem>> -> memref<1x32xi32, #tpu.memory_space<vmem>>
    %dma_start3A_1385 = tpu.memref_squeeze %dma_start3A_1384 : memref<1x32xi32, #tpu.memory_space<vmem>> -> memref<32xi32, #tpu.memory_space<vmem>>
    %dma_start3A_1386 = arith.constant 0 : i32
    %dma_start3A_1387 = arith.constant 0 : i32
    %dma_start3A_1388 = tpu.memref_slice %arg3[%dma_start3A_1386, %dma_start3A_1387] : memref<8192x1024xf32, #tpu.memory_space<hbm>> -> memref<8192x1024xf32, #tpu.memory_space<hbm>>
    tpu.enqueue_indirect_dma source(%dma_start3A_1388 : memref<8192x1024xf32, #tpu.memory_space<hbm>>) target(%dma_start3A_1382 : memref<32x1024xf32, #tpu.memory_space<vmem>>) offsets(%dma_start3A_1385 : memref<32xi32, #tpu.memory_space<vmem>>) semaphore(%arg8 : memref<!tpu.dma_semaphore, #tpu.memory_space<semaphore_mem>>)
    %dma_wait3A_1389 = arith.constant 26 : i32
    %dma_wait3A_1390 = arith.constant 2 : i32
    %dma_wait3A_1391 = arith.constant 0 : i32
    %dma_wait3A_1392 = arith.constant 0 : i32
    %dma_wait3A_1393 = tpu.memref_slice %arg6[%dma_wait3A_1390, %dma_wait3A_1391, %dma_wait3A_1392] : memref<3x32x1024xf32, #tpu.memory_space<vmem>> -> memref<1x32x1024xf32, #tpu.memory_space<vmem>>
    %dma_wait3A_1394 = tpu.memref_squeeze %dma_wait3A_1393 : memref<1x32x1024xf32, #tpu.memory_space<vmem>> -> memref<32x1024xf32, #tpu.memory_space<vmem>>
    %dma_wait3A_1395 = arith.constant 0 : i32
    %dma_wait3A_1396 = tpu.memref_slice %arg5[%dma_wait3A_1389, %dma_wait3A_1395] : memref<32x32xi32, #tpu.memory_space<vmem>> -> memref<1x32xi32, #tpu.memory_space<vmem>>
    %dma_wait3A_1397 = tpu.memref_squeeze %dma_wait3A_1396 : memref<1x32xi32, #tpu.memory_space<vmem>> -> memref<32xi32, #tpu.memory_space<vmem>>
    %dma_wait3A_1398 = arith.constant 0 : i32
    %dma_wait3A_1399 = arith.constant 0 : i32
    %dma_wait3A_1400 = tpu.memref_slice %arg3[%dma_wait3A_1398, %dma_wait3A_1399] : memref<8192x1024xf32, #tpu.memory_space<hbm>> -> memref<8192x1024xf32, #tpu.memory_space<hbm>>
    tpu.wait_indirect_dma semaphore(%arg9 : memref<!tpu.dma_semaphore, #tpu.memory_space<semaphore_mem>>) src(%dma_wait3A_1400 : memref<8192x1024xf32, #tpu.memory_space<hbm>>) dst(%dma_wait3A_1394 : memref<32x1024xf32, #tpu.memory_space<vmem>>)
    %add3A_1401 = arith.constant 832 : i32
    %add3A_1402 = arith.addi %mul3A_2, %add3A_1401 : i32
    %dma_start3A_1403 = arith.constant 2 : i32
    %dma_start3A_1404 = arith.constant 0 : i32
    %dma_start3A_1405 = arith.constant 0 : i32
    %dma_start3A_1406 = tpu.memref_slice %arg6[%dma_start3A_1403, %dma_start3A_1404, %dma_start3A_1405] : memref<3x32x1024xf32, #tpu.memory_space<vmem>> -> memref<1x32x1024xf32, #tpu.memory_space<vmem>>
    %dma_start3A_1407 = tpu.memref_squeeze %dma_start3A_1406 : memref<1x32x1024xf32, #tpu.memory_space<vmem>> -> memref<32x1024xf32, #tpu.memory_space<vmem>>
    %dma_start3A_1408 = arith.constant 0 : i32
    %dma_start3A_1409 = tpu.memref_slice %arg4[%add3A_1402, %dma_start3A_1408] : memref<32768x1024xf32, #tpu.memory_space<hbm>> -> memref<32x1024xf32, #tpu.memory_space<hbm>>
    %dma_start3A_1410 = arith.constant 0 : i32
    %dma_start3A_1411 = tpu.memref_slice %arg4[%add3A_1402, %dma_start3A_1410] : memref<32768x1024xf32, #tpu.memory_space<hbm>> -> memref<32x1024xf32, #tpu.memory_space<hbm>>
    %dma_start3A_1412 = arith.constant 0 : i32
    %dma_start3A_1413 = arith.constant 0 : i32
    %dma_start3A_1414 = tpu.memref_slice %arg6[%dma_start3A_1403, %dma_start3A_1412, %dma_start3A_1413] : memref<3x32x1024xf32, #tpu.memory_space<vmem>> -> memref<1x32x1024xf32, #tpu.memory_space<vmem>>
    %dma_start3A_1415 = tpu.memref_squeeze %dma_start3A_1414 : memref<1x32x1024xf32, #tpu.memory_space<vmem>> -> memref<32x1024xf32, #tpu.memory_space<vmem>>
    tpu.enqueue_dma source(%dma_start3A_1415 : memref<32x1024xf32, #tpu.memory_space<vmem>>) target(%dma_start3A_1411 : memref<32x1024xf32, #tpu.memory_space<hbm>>) target_semaphore(%arg12 : memref<!tpu.dma_semaphore, #tpu.memory_space<semaphore_mem>>)
    %dma_wait3A_1416 = arith.constant 2 : i32
    %dma_wait3A_1417 = arith.constant 0 : i32
    %dma_wait3A_1418 = arith.constant 0 : i32
    %dma_wait3A_1419 = tpu.memref_slice %arg6[%dma_wait3A_1416, %dma_wait3A_1417, %dma_wait3A_1418] : memref<3x32x1024xf32, #tpu.memory_space<vmem>> -> memref<1x32x1024xf32, #tpu.memory_space<vmem>>
    %dma_wait3A_1420 = tpu.memref_squeeze %dma_wait3A_1419 : memref<1x32x1024xf32, #tpu.memory_space<vmem>> -> memref<32x1024xf32, #tpu.memory_space<vmem>>
    %dma_wait3A_1421 = arith.constant 0 : i32
    %dma_wait3A_1422 = tpu.memref_slice %arg4[%add3A_1402, %dma_wait3A_1421] : memref<32768x1024xf32, #tpu.memory_space<hbm>> -> memref<32x1024xf32, #tpu.memory_space<hbm>>
    %dma_wait3A_1423 = arith.constant 0 : i32
    %dma_wait3A_1424 = tpu.memref_slice %arg4[%add3A_1402, %dma_wait3A_1423] : memref<32768x1024xf32, #tpu.memory_space<hbm>> -> memref<32x1024xf32, #tpu.memory_space<hbm>>
    %dma_wait3A_1425 = arith.constant 0 : i32
    %dma_wait3A_1426 = arith.constant 0 : i32
    %dma_wait3A_1427 = tpu.memref_slice %arg6[%dma_wait3A_1416, %dma_wait3A_1425, %dma_wait3A_1426] : memref<3x32x1024xf32, #tpu.memory_space<vmem>> -> memref<1x32x1024xf32, #tpu.memory_space<vmem>>
    %dma_wait3A_1428 = tpu.memref_squeeze %dma_wait3A_1427 : memref<1x32x1024xf32, #tpu.memory_space<vmem>> -> memref<32x1024xf32, #tpu.memory_space<vmem>>
    tpu.wait_dma2 semaphore(%arg12 : memref<!tpu.dma_semaphore, #tpu.memory_space<semaphore_mem>>) src(%dma_wait3A_1428 : memref<32x1024xf32, #tpu.memory_space<vmem>>) dst(%dma_wait3A_1424 : memref<32x1024xf32, #tpu.memory_space<hbm>>)
    %dma_start3A_1429 = arith.constant 29 : i32
    %dma_start3A_1430 = arith.constant 2 : i32
    %dma_start3A_1431 = arith.constant 0 : i32
    %dma_start3A_1432 = arith.constant 0 : i32
    %dma_start3A_1433 = tpu.memref_slice %arg6[%dma_start3A_1430, %dma_start3A_1431, %dma_start3A_1432] : memref<3x32x1024xf32, #tpu.memory_space<vmem>> -> memref<1x32x1024xf32, #tpu.memory_space<vmem>>
    %dma_start3A_1434 = tpu.memref_squeeze %dma_start3A_1433 : memref<1x32x1024xf32, #tpu.memory_space<vmem>> -> memref<32x1024xf32, #tpu.memory_space<vmem>>
    %dma_start3A_1435 = arith.constant 0 : i32
    %dma_start3A_1436 = tpu.memref_slice %arg5[%dma_start3A_1429, %dma_start3A_1435] : memref<32x32xi32, #tpu.memory_space<vmem>> -> memref<1x32xi32, #tpu.memory_space<vmem>>
    %dma_start3A_1437 = tpu.memref_squeeze %dma_start3A_1436 : memref<1x32xi32, #tpu.memory_space<vmem>> -> memref<32xi32, #tpu.memory_space<vmem>>
    %dma_start3A_1438 = arith.constant 0 : i32
    %dma_start3A_1439 = arith.constant 0 : i32
    %dma_start3A_1440 = tpu.memref_slice %arg3[%dma_start3A_1438, %dma_start3A_1439] : memref<8192x1024xf32, #tpu.memory_space<hbm>> -> memref<8192x1024xf32, #tpu.memory_space<hbm>>
    tpu.enqueue_indirect_dma source(%dma_start3A_1440 : memref<8192x1024xf32, #tpu.memory_space<hbm>>) target(%dma_start3A_1434 : memref<32x1024xf32, #tpu.memory_space<vmem>>) offsets(%dma_start3A_1437 : memref<32xi32, #tpu.memory_space<vmem>>) semaphore(%arg9 : memref<!tpu.dma_semaphore, #tpu.memory_space<semaphore_mem>>)
    %dma_wait3A_1441 = arith.constant 27 : i32
    %dma_wait3A_1442 = arith.constant 0 : i32
    %dma_wait3A_1443 = arith.constant 0 : i32
    %dma_wait3A_1444 = arith.constant 0 : i32
    %dma_wait3A_1445 = tpu.memref_slice %arg6[%dma_wait3A_1442, %dma_wait3A_1443, %dma_wait3A_1444] : memref<3x32x1024xf32, #tpu.memory_space<vmem>> -> memref<1x32x1024xf32, #tpu.memory_space<vmem>>
    %dma_wait3A_1446 = tpu.memref_squeeze %dma_wait3A_1445 : memref<1x32x1024xf32, #tpu.memory_space<vmem>> -> memref<32x1024xf32, #tpu.memory_space<vmem>>
    %dma_wait3A_1447 = arith.constant 0 : i32
    %dma_wait3A_1448 = tpu.memref_slice %arg5[%dma_wait3A_1441, %dma_wait3A_1447] : memref<32x32xi32, #tpu.memory_space<vmem>> -> memref<1x32xi32, #tpu.memory_space<vmem>>
    %dma_wait3A_1449 = tpu.memref_squeeze %dma_wait3A_1448 : memref<1x32xi32, #tpu.memory_space<vmem>> -> memref<32xi32, #tpu.memory_space<vmem>>
    %dma_wait3A_1450 = arith.constant 0 : i32
    %dma_wait3A_1451 = arith.constant 0 : i32
    %dma_wait3A_1452 = tpu.memref_slice %arg3[%dma_wait3A_1450, %dma_wait3A_1451] : memref<8192x1024xf32, #tpu.memory_space<hbm>> -> memref<8192x1024xf32, #tpu.memory_space<hbm>>
    tpu.wait_indirect_dma semaphore(%arg7 : memref<!tpu.dma_semaphore, #tpu.memory_space<semaphore_mem>>) src(%dma_wait3A_1452 : memref<8192x1024xf32, #tpu.memory_space<hbm>>) dst(%dma_wait3A_1446 : memref<32x1024xf32, #tpu.memory_space<vmem>>)
    %add3A_1453 = arith.constant 864 : i32
    %add3A_1454 = arith.addi %mul3A_2, %add3A_1453 : i32
    %dma_start3A_1455 = arith.constant 0 : i32
    %dma_start3A_1456 = arith.constant 0 : i32
    %dma_start3A_1457 = arith.constant 0 : i32
    %dma_start3A_1458 = tpu.memref_slice %arg6[%dma_start3A_1455, %dma_start3A_1456, %dma_start3A_1457] : memref<3x32x1024xf32, #tpu.memory_space<vmem>> -> memref<1x32x1024xf32, #tpu.memory_space<vmem>>
    %dma_start3A_1459 = tpu.memref_squeeze %dma_start3A_1458 : memref<1x32x1024xf32, #tpu.memory_space<vmem>> -> memref<32x1024xf32, #tpu.memory_space<vmem>>
    %dma_start3A_1460 = arith.constant 0 : i32
    %dma_start3A_1461 = tpu.memref_slice %arg4[%add3A_1454, %dma_start3A_1460] : memref<32768x1024xf32, #tpu.memory_space<hbm>> -> memref<32x1024xf32, #tpu.memory_space<hbm>>
    %dma_start3A_1462 = arith.constant 0 : i32
    %dma_start3A_1463 = tpu.memref_slice %arg4[%add3A_1454, %dma_start3A_1462] : memref<32768x1024xf32, #tpu.memory_space<hbm>> -> memref<32x1024xf32, #tpu.memory_space<hbm>>
    %dma_start3A_1464 = arith.constant 0 : i32
    %dma_start3A_1465 = arith.constant 0 : i32
    %dma_start3A_1466 = tpu.memref_slice %arg6[%dma_start3A_1455, %dma_start3A_1464, %dma_start3A_1465] : memref<3x32x1024xf32, #tpu.memory_space<vmem>> -> memref<1x32x1024xf32, #tpu.memory_space<vmem>>
    %dma_start3A_1467 = tpu.memref_squeeze %dma_start3A_1466 : memref<1x32x1024xf32, #tpu.memory_space<vmem>> -> memref<32x1024xf32, #tpu.memory_space<vmem>>
    tpu.enqueue_dma source(%dma_start3A_1467 : memref<32x1024xf32, #tpu.memory_space<vmem>>) target(%dma_start3A_1463 : memref<32x1024xf32, #tpu.memory_space<hbm>>) target_semaphore(%arg10 : memref<!tpu.dma_semaphore, #tpu.memory_space<semaphore_mem>>)
    %dma_wait3A_1468 = arith.constant 0 : i32
    %dma_wait3A_1469 = arith.constant 0 : i32
    %dma_wait3A_1470 = arith.constant 0 : i32
    %dma_wait3A_1471 = tpu.memref_slice %arg6[%dma_wait3A_1468, %dma_wait3A_1469, %dma_wait3A_1470] : memref<3x32x1024xf32, #tpu.memory_space<vmem>> -> memref<1x32x1024xf32, #tpu.memory_space<vmem>>
    %dma_wait3A_1472 = tpu.memref_squeeze %dma_wait3A_1471 : memref<1x32x1024xf32, #tpu.memory_space<vmem>> -> memref<32x1024xf32, #tpu.memory_space<vmem>>
    %dma_wait3A_1473 = arith.constant 0 : i32
    %dma_wait3A_1474 = tpu.memref_slice %arg4[%add3A_1454, %dma_wait3A_1473] : memref<32768x1024xf32, #tpu.memory_space<hbm>> -> memref<32x1024xf32, #tpu.memory_space<hbm>>
    %dma_wait3A_1475 = arith.constant 0 : i32
    %dma_wait3A_1476 = tpu.memref_slice %arg4[%add3A_1454, %dma_wait3A_1475] : memref<32768x1024xf32, #tpu.memory_space<hbm>> -> memref<32x1024xf32, #tpu.memory_space<hbm>>
    %dma_wait3A_1477 = arith.constant 0 : i32
    %dma_wait3A_1478 = arith.constant 0 : i32
    %dma_wait3A_1479 = tpu.memref_slice %arg6[%dma_wait3A_1468, %dma_wait3A_1477, %dma_wait3A_1478] : memref<3x32x1024xf32, #tpu.memory_space<vmem>> -> memref<1x32x1024xf32, #tpu.memory_space<vmem>>
    %dma_wait3A_1480 = tpu.memref_squeeze %dma_wait3A_1479 : memref<1x32x1024xf32, #tpu.memory_space<vmem>> -> memref<32x1024xf32, #tpu.memory_space<vmem>>
    tpu.wait_dma2 semaphore(%arg10 : memref<!tpu.dma_semaphore, #tpu.memory_space<semaphore_mem>>) src(%dma_wait3A_1480 : memref<32x1024xf32, #tpu.memory_space<vmem>>) dst(%dma_wait3A_1476 : memref<32x1024xf32, #tpu.memory_space<hbm>>)
    %dma_start3A_1481 = arith.constant 30 : i32
    %dma_start3A_1482 = arith.constant 0 : i32
    %dma_start3A_1483 = arith.constant 0 : i32
    %dma_start3A_1484 = arith.constant 0 : i32
    %dma_start3A_1485 = tpu.memref_slice %arg6[%dma_start3A_1482, %dma_start3A_1483, %dma_start3A_1484] : memref<3x32x1024xf32, #tpu.memory_space<vmem>> -> memref<1x32x1024xf32, #tpu.memory_space<vmem>>
    %dma_start3A_1486 = tpu.memref_squeeze %dma_start3A_1485 : memref<1x32x1024xf32, #tpu.memory_space<vmem>> -> memref<32x1024xf32, #tpu.memory_space<vmem>>
    %dma_start3A_1487 = arith.constant 0 : i32
    %dma_start3A_1488 = tpu.memref_slice %arg5[%dma_start3A_1481, %dma_start3A_1487] : memref<32x32xi32, #tpu.memory_space<vmem>> -> memref<1x32xi32, #tpu.memory_space<vmem>>
    %dma_start3A_1489 = tpu.memref_squeeze %dma_start3A_1488 : memref<1x32xi32, #tpu.memory_space<vmem>> -> memref<32xi32, #tpu.memory_space<vmem>>
    %dma_start3A_1490 = arith.constant 0 : i32
    %dma_start3A_1491 = arith.constant 0 : i32
    %dma_start3A_1492 = tpu.memref_slice %arg3[%dma_start3A_1490, %dma_start3A_1491] : memref<8192x1024xf32, #tpu.memory_space<hbm>> -> memref<8192x1024xf32, #tpu.memory_space<hbm>>
    tpu.enqueue_indirect_dma source(%dma_start3A_1492 : memref<8192x1024xf32, #tpu.memory_space<hbm>>) target(%dma_start3A_1486 : memref<32x1024xf32, #tpu.memory_space<vmem>>) offsets(%dma_start3A_1489 : memref<32xi32, #tpu.memory_space<vmem>>) semaphore(%arg7 : memref<!tpu.dma_semaphore, #tpu.memory_space<semaphore_mem>>)
    %dma_wait3A_1493 = arith.constant 28 : i32
    %dma_wait3A_1494 = arith.constant 1 : i32
    %dma_wait3A_1495 = arith.constant 0 : i32
    %dma_wait3A_1496 = arith.constant 0 : i32
    %dma_wait3A_1497 = tpu.memref_slice %arg6[%dma_wait3A_1494, %dma_wait3A_1495, %dma_wait3A_1496] : memref<3x32x1024xf32, #tpu.memory_space<vmem>> -> memref<1x32x1024xf32, #tpu.memory_space<vmem>>
    %dma_wait3A_1498 = tpu.memref_squeeze %dma_wait3A_1497 : memref<1x32x1024xf32, #tpu.memory_space<vmem>> -> memref<32x1024xf32, #tpu.memory_space<vmem>>
    %dma_wait3A_1499 = arith.constant 0 : i32
    %dma_wait3A_1500 = tpu.memref_slice %arg5[%dma_wait3A_1493, %dma_wait3A_1499] : memref<32x32xi32, #tpu.memory_space<vmem>> -> memref<1x32xi32, #tpu.memory_space<vmem>>
    %dma_wait3A_1501 = tpu.memref_squeeze %dma_wait3A_1500 : memref<1x32xi32, #tpu.memory_space<vmem>> -> memref<32xi32, #tpu.memory_space<vmem>>
    %dma_wait3A_1502 = arith.constant 0 : i32
    %dma_wait3A_1503 = arith.constant 0 : i32
    %dma_wait3A_1504 = tpu.memref_slice %arg3[%dma_wait3A_1502, %dma_wait3A_1503] : memref<8192x1024xf32, #tpu.memory_space<hbm>> -> memref<8192x1024xf32, #tpu.memory_space<hbm>>
    tpu.wait_indirect_dma semaphore(%arg8 : memref<!tpu.dma_semaphore, #tpu.memory_space<semaphore_mem>>) src(%dma_wait3A_1504 : memref<8192x1024xf32, #tpu.memory_space<hbm>>) dst(%dma_wait3A_1498 : memref<32x1024xf32, #tpu.memory_space<vmem>>)
    %add3A_1505 = arith.constant 896 : i32
    %add3A_1506 = arith.addi %mul3A_2, %add3A_1505 : i32
    %dma_start3A_1507 = arith.constant 1 : i32
    %dma_start3A_1508 = arith.constant 0 : i32
    %dma_start3A_1509 = arith.constant 0 : i32
    %dma_start3A_1510 = tpu.memref_slice %arg6[%dma_start3A_1507, %dma_start3A_1508, %dma_start3A_1509] : memref<3x32x1024xf32, #tpu.memory_space<vmem>> -> memref<1x32x1024xf32, #tpu.memory_space<vmem>>
    %dma_start3A_1511 = tpu.memref_squeeze %dma_start3A_1510 : memref<1x32x1024xf32, #tpu.memory_space<vmem>> -> memref<32x1024xf32, #tpu.memory_space<vmem>>
    %dma_start3A_1512 = arith.constant 0 : i32
    %dma_start3A_1513 = tpu.memref_slice %arg4[%add3A_1506, %dma_start3A_1512] : memref<32768x1024xf32, #tpu.memory_space<hbm>> -> memref<32x1024xf32, #tpu.memory_space<hbm>>
    %dma_start3A_1514 = arith.constant 0 : i32
    %dma_start3A_1515 = tpu.memref_slice %arg4[%add3A_1506, %dma_start3A_1514] : memref<32768x1024xf32, #tpu.memory_space<hbm>> -> memref<32x1024xf32, #tpu.memory_space<hbm>>
    %dma_start3A_1516 = arith.constant 0 : i32
    %dma_start3A_1517 = arith.constant 0 : i32
    %dma_start3A_1518 = tpu.memref_slice %arg6[%dma_start3A_1507, %dma_start3A_1516, %dma_start3A_1517] : memref<3x32x1024xf32, #tpu.memory_space<vmem>> -> memref<1x32x1024xf32, #tpu.memory_space<vmem>>
    %dma_start3A_1519 = tpu.memref_squeeze %dma_start3A_1518 : memref<1x32x1024xf32, #tpu.memory_space<vmem>> -> memref<32x1024xf32, #tpu.memory_space<vmem>>
    tpu.enqueue_dma source(%dma_start3A_1519 : memref<32x1024xf32, #tpu.memory_space<vmem>>) target(%dma_start3A_1515 : memref<32x1024xf32, #tpu.memory_space<hbm>>) target_semaphore(%arg11 : memref<!tpu.dma_semaphore, #tpu.memory_space<semaphore_mem>>)
    %dma_wait3A_1520 = arith.constant 1 : i32
    %dma_wait3A_1521 = arith.constant 0 : i32
    %dma_wait3A_1522 = arith.constant 0 : i32
    %dma_wait3A_1523 = tpu.memref_slice %arg6[%dma_wait3A_1520, %dma_wait3A_1521, %dma_wait3A_1522] : memref<3x32x1024xf32, #tpu.memory_space<vmem>> -> memref<1x32x1024xf32, #tpu.memory_space<vmem>>
    %dma_wait3A_1524 = tpu.memref_squeeze %dma_wait3A_1523 : memref<1x32x1024xf32, #tpu.memory_space<vmem>> -> memref<32x1024xf32, #tpu.memory_space<vmem>>
    %dma_wait3A_1525 = arith.constant 0 : i32
    %dma_wait3A_1526 = tpu.memref_slice %arg4[%add3A_1506, %dma_wait3A_1525] : memref<32768x1024xf32, #tpu.memory_space<hbm>> -> memref<32x1024xf32, #tpu.memory_space<hbm>>
    %dma_wait3A_1527 = arith.constant 0 : i32
    %dma_wait3A_1528 = tpu.memref_slice %arg4[%add3A_1506, %dma_wait3A_1527] : memref<32768x1024xf32, #tpu.memory_space<hbm>> -> memref<32x1024xf32, #tpu.memory_space<hbm>>
    %dma_wait3A_1529 = arith.constant 0 : i32
    %dma_wait3A_1530 = arith.constant 0 : i32
    %dma_wait3A_1531 = tpu.memref_slice %arg6[%dma_wait3A_1520, %dma_wait3A_1529, %dma_wait3A_1530] : memref<3x32x1024xf32, #tpu.memory_space<vmem>> -> memref<1x32x1024xf32, #tpu.memory_space<vmem>>
    %dma_wait3A_1532 = tpu.memref_squeeze %dma_wait3A_1531 : memref<1x32x1024xf32, #tpu.memory_space<vmem>> -> memref<32x1024xf32, #tpu.memory_space<vmem>>
    tpu.wait_dma2 semaphore(%arg11 : memref<!tpu.dma_semaphore, #tpu.memory_space<semaphore_mem>>) src(%dma_wait3A_1532 : memref<32x1024xf32, #tpu.memory_space<vmem>>) dst(%dma_wait3A_1528 : memref<32x1024xf32, #tpu.memory_space<hbm>>)
    %dma_start3A_1533 = arith.constant 31 : i32
    %dma_start3A_1534 = arith.constant 1 : i32
    %dma_start3A_1535 = arith.constant 0 : i32
    %dma_start3A_1536 = arith.constant 0 : i32
    %dma_start3A_1537 = tpu.memref_slice %arg6[%dma_start3A_1534, %dma_start3A_1535, %dma_start3A_1536] : memref<3x32x1024xf32, #tpu.memory_space<vmem>> -> memref<1x32x1024xf32, #tpu.memory_space<vmem>>
    %dma_start3A_1538 = tpu.memref_squeeze %dma_start3A_1537 : memref<1x32x1024xf32, #tpu.memory_space<vmem>> -> memref<32x1024xf32, #tpu.memory_space<vmem>>
    %dma_start3A_1539 = arith.constant 0 : i32
    %dma_start3A_1540 = tpu.memref_slice %arg5[%dma_start3A_1533, %dma_start3A_1539] : memref<32x32xi32, #tpu.memory_space<vmem>> -> memref<1x32xi32, #tpu.memory_space<vmem>>
    %dma_start3A_1541 = tpu.memref_squeeze %dma_start3A_1540 : memref<1x32xi32, #tpu.memory_space<vmem>> -> memref<32xi32, #tpu.memory_space<vmem>>
    %dma_start3A_1542 = arith.constant 0 : i32
    %dma_start3A_1543 = arith.constant 0 : i32
    %dma_start3A_1544 = tpu.memref_slice %arg3[%dma_start3A_1542, %dma_start3A_1543] : memref<8192x1024xf32, #tpu.memory_space<hbm>> -> memref<8192x1024xf32, #tpu.memory_space<hbm>>
    tpu.enqueue_indirect_dma source(%dma_start3A_1544 : memref<8192x1024xf32, #tpu.memory_space<hbm>>) target(%dma_start3A_1538 : memref<32x1024xf32, #tpu.memory_space<vmem>>) offsets(%dma_start3A_1541 : memref<32xi32, #tpu.memory_space<vmem>>) semaphore(%arg8 : memref<!tpu.dma_semaphore, #tpu.memory_space<semaphore_mem>>)
    %dma_wait3A_1545 = arith.constant 29 : i32
    %dma_wait3A_1546 = arith.constant 2 : i32
    %dma_wait3A_1547 = arith.constant 0 : i32
    %dma_wait3A_1548 = arith.constant 0 : i32
    %dma_wait3A_1549 = tpu.memref_slice %arg6[%dma_wait3A_1546, %dma_wait3A_1547, %dma_wait3A_1548] : memref<3x32x1024xf32, #tpu.memory_space<vmem>> -> memref<1x32x1024xf32, #tpu.memory_space<vmem>>
    %dma_wait3A_1550 = tpu.memref_squeeze %dma_wait3A_1549 : memref<1x32x1024xf32, #tpu.memory_space<vmem>> -> memref<32x1024xf32, #tpu.memory_space<vmem>>
    %dma_wait3A_1551 = arith.constant 0 : i32
    %dma_wait3A_1552 = tpu.memref_slice %arg5[%dma_wait3A_1545, %dma_wait3A_1551] : memref<32x32xi32, #tpu.memory_space<vmem>> -> memref<1x32xi32, #tpu.memory_space<vmem>>
    %dma_wait3A_1553 = tpu.memref_squeeze %dma_wait3A_1552 : memref<1x32xi32, #tpu.memory_space<vmem>> -> memref<32xi32, #tpu.memory_space<vmem>>
    %dma_wait3A_1554 = arith.constant 0 : i32
    %dma_wait3A_1555 = arith.constant 0 : i32
    %dma_wait3A_1556 = tpu.memref_slice %arg3[%dma_wait3A_1554, %dma_wait3A_1555] : memref<8192x1024xf32, #tpu.memory_space<hbm>> -> memref<8192x1024xf32, #tpu.memory_space<hbm>>
    tpu.wait_indirect_dma semaphore(%arg9 : memref<!tpu.dma_semaphore, #tpu.memory_space<semaphore_mem>>) src(%dma_wait3A_1556 : memref<8192x1024xf32, #tpu.memory_space<hbm>>) dst(%dma_wait3A_1550 : memref<32x1024xf32, #tpu.memory_space<vmem>>)
    %add3A_1557 = arith.constant 928 : i32
    %add3A_1558 = arith.addi %mul3A_2, %add3A_1557 : i32
    %dma_start3A_1559 = arith.constant 2 : i32
    %dma_start3A_1560 = arith.constant 0 : i32
    %dma_start3A_1561 = arith.constant 0 : i32
    %dma_start3A_1562 = tpu.memref_slice %arg6[%dma_start3A_1559, %dma_start3A_1560, %dma_start3A_1561] : memref<3x32x1024xf32, #tpu.memory_space<vmem>> -> memref<1x32x1024xf32, #tpu.memory_space<vmem>>
    %dma_start3A_1563 = tpu.memref_squeeze %dma_start3A_1562 : memref<1x32x1024xf32, #tpu.memory_space<vmem>> -> memref<32x1024xf32, #tpu.memory_space<vmem>>
    %dma_start3A_1564 = arith.constant 0 : i32
    %dma_start3A_1565 = tpu.memref_slice %arg4[%add3A_1558, %dma_start3A_1564] : memref<32768x1024xf32, #tpu.memory_space<hbm>> -> memref<32x1024xf32, #tpu.memory_space<hbm>>
    %dma_start3A_1566 = arith.constant 0 : i32
    %dma_start3A_1567 = tpu.memref_slice %arg4[%add3A_1558, %dma_start3A_1566] : memref<32768x1024xf32, #tpu.memory_space<hbm>> -> memref<32x1024xf32, #tpu.memory_space<hbm>>
    %dma_start3A_1568 = arith.constant 0 : i32
    %dma_start3A_1569 = arith.constant 0 : i32
    %dma_start3A_1570 = tpu.memref_slice %arg6[%dma_start3A_1559, %dma_start3A_1568, %dma_start3A_1569] : memref<3x32x1024xf32, #tpu.memory_space<vmem>> -> memref<1x32x1024xf32, #tpu.memory_space<vmem>>
    %dma_start3A_1571 = tpu.memref_squeeze %dma_start3A_1570 : memref<1x32x1024xf32, #tpu.memory_space<vmem>> -> memref<32x1024xf32, #tpu.memory_space<vmem>>
    tpu.enqueue_dma source(%dma_start3A_1571 : memref<32x1024xf32, #tpu.memory_space<vmem>>) target(%dma_start3A_1567 : memref<32x1024xf32, #tpu.memory_space<hbm>>) target_semaphore(%arg12 : memref<!tpu.dma_semaphore, #tpu.memory_space<semaphore_mem>>)
    %dma_wait3A_1572 = arith.constant 30 : i32
    %dma_wait3A_1573 = arith.constant 0 : i32
    %dma_wait3A_1574 = arith.constant 0 : i32
    %dma_wait3A_1575 = arith.constant 0 : i32
    %dma_wait3A_1576 = tpu.memref_slice %arg6[%dma_wait3A_1573, %dma_wait3A_1574, %dma_wait3A_1575] : memref<3x32x1024xf32, #tpu.memory_space<vmem>> -> memref<1x32x1024xf32, #tpu.memory_space<vmem>>
    %dma_wait3A_1577 = tpu.memref_squeeze %dma_wait3A_1576 : memref<1x32x1024xf32, #tpu.memory_space<vmem>> -> memref<32x1024xf32, #tpu.memory_space<vmem>>
    %dma_wait3A_1578 = arith.constant 0 : i32
    %dma_wait3A_1579 = tpu.memref_slice %arg5[%dma_wait3A_1572, %dma_wait3A_1578] : memref<32x32xi32, #tpu.memory_space<vmem>> -> memref<1x32xi32, #tpu.memory_space<vmem>>
    %dma_wait3A_1580 = tpu.memref_squeeze %dma_wait3A_1579 : memref<1x32xi32, #tpu.memory_space<vmem>> -> memref<32xi32, #tpu.memory_space<vmem>>
    %dma_wait3A_1581 = arith.constant 0 : i32
    %dma_wait3A_1582 = arith.constant 0 : i32
    %dma_wait3A_1583 = tpu.memref_slice %arg3[%dma_wait3A_1581, %dma_wait3A_1582] : memref<8192x1024xf32, #tpu.memory_space<hbm>> -> memref<8192x1024xf32, #tpu.memory_space<hbm>>
    tpu.wait_indirect_dma semaphore(%arg7 : memref<!tpu.dma_semaphore, #tpu.memory_space<semaphore_mem>>) src(%dma_wait3A_1583 : memref<8192x1024xf32, #tpu.memory_space<hbm>>) dst(%dma_wait3A_1577 : memref<32x1024xf32, #tpu.memory_space<vmem>>)
    %add3A_1584 = arith.constant 960 : i32
    %add3A_1585 = arith.addi %mul3A_2, %add3A_1584 : i32
    %dma_start3A_1586 = arith.constant 0 : i32
    %dma_start3A_1587 = arith.constant 0 : i32
    %dma_start3A_1588 = arith.constant 0 : i32
    %dma_start3A_1589 = tpu.memref_slice %arg6[%dma_start3A_1586, %dma_start3A_1587, %dma_start3A_1588] : memref<3x32x1024xf32, #tpu.memory_space<vmem>> -> memref<1x32x1024xf32, #tpu.memory_space<vmem>>
    %dma_start3A_1590 = tpu.memref_squeeze %dma_start3A_1589 : memref<1x32x1024xf32, #tpu.memory_space<vmem>> -> memref<32x1024xf32, #tpu.memory_space<vmem>>
    %dma_start3A_1591 = arith.constant 0 : i32
    %dma_start3A_1592 = tpu.memref_slice %arg4[%add3A_1585, %dma_start3A_1591] : memref<32768x1024xf32, #tpu.memory_space<hbm>> -> memref<32x1024xf32, #tpu.memory_space<hbm>>
    %dma_start3A_1593 = arith.constant 0 : i32
    %dma_start3A_1594 = tpu.memref_slice %arg4[%add3A_1585, %dma_start3A_1593] : memref<32768x1024xf32, #tpu.memory_space<hbm>> -> memref<32x1024xf32, #tpu.memory_space<hbm>>
    %dma_start3A_1595 = arith.constant 0 : i32
    %dma_start3A_1596 = arith.constant 0 : i32
    %dma_start3A_1597 = tpu.memref_slice %arg6[%dma_start3A_1586, %dma_start3A_1595, %dma_start3A_1596] : memref<3x32x1024xf32, #tpu.memory_space<vmem>> -> memref<1x32x1024xf32, #tpu.memory_space<vmem>>
    %dma_start3A_1598 = tpu.memref_squeeze %dma_start3A_1597 : memref<1x32x1024xf32, #tpu.memory_space<vmem>> -> memref<32x1024xf32, #tpu.memory_space<vmem>>
    tpu.enqueue_dma source(%dma_start3A_1598 : memref<32x1024xf32, #tpu.memory_space<vmem>>) target(%dma_start3A_1594 : memref<32x1024xf32, #tpu.memory_space<hbm>>) target_semaphore(%arg10 : memref<!tpu.dma_semaphore, #tpu.memory_space<semaphore_mem>>)
    %dma_wait3A_1599 = arith.constant 31 : i32
    %dma_wait3A_1600 = arith.constant 1 : i32
    %dma_wait3A_1601 = arith.constant 0 : i32
    %dma_wait3A_1602 = arith.constant 0 : i32
    %dma_wait3A_1603 = tpu.memref_slice %arg6[%dma_wait3A_1600, %dma_wait3A_1601, %dma_wait3A_1602] : memref<3x32x1024xf32, #tpu.memory_space<vmem>> -> memref<1x32x1024xf32, #tpu.memory_space<vmem>>
    %dma_wait3A_1604 = tpu.memref_squeeze %dma_wait3A_1603 : memref<1x32x1024xf32, #tpu.memory_space<vmem>> -> memref<32x1024xf32, #tpu.memory_space<vmem>>
    %dma_wait3A_1605 = arith.constant 0 : i32
    %dma_wait3A_1606 = tpu.memref_slice %arg5[%dma_wait3A_1599, %dma_wait3A_1605] : memref<32x32xi32, #tpu.memory_space<vmem>> -> memref<1x32xi32, #tpu.memory_space<vmem>>
    %dma_wait3A_1607 = tpu.memref_squeeze %dma_wait3A_1606 : memref<1x32xi32, #tpu.memory_space<vmem>> -> memref<32xi32, #tpu.memory_space<vmem>>
    %dma_wait3A_1608 = arith.constant 0 : i32
    %dma_wait3A_1609 = arith.constant 0 : i32
    %dma_wait3A_1610 = tpu.memref_slice %arg3[%dma_wait3A_1608, %dma_wait3A_1609] : memref<8192x1024xf32, #tpu.memory_space<hbm>> -> memref<8192x1024xf32, #tpu.memory_space<hbm>>
    tpu.wait_indirect_dma semaphore(%arg8 : memref<!tpu.dma_semaphore, #tpu.memory_space<semaphore_mem>>) src(%dma_wait3A_1610 : memref<8192x1024xf32, #tpu.memory_space<hbm>>) dst(%dma_wait3A_1604 : memref<32x1024xf32, #tpu.memory_space<vmem>>)
    %add3A_1611 = arith.constant 992 : i32
    %add3A_1612 = arith.addi %mul3A_2, %add3A_1611 : i32
    %dma_start3A_1613 = arith.constant 1 : i32
    %dma_start3A_1614 = arith.constant 0 : i32
    %dma_start3A_1615 = arith.constant 0 : i32
    %dma_start3A_1616 = tpu.memref_slice %arg6[%dma_start3A_1613, %dma_start3A_1614, %dma_start3A_1615] : memref<3x32x1024xf32, #tpu.memory_space<vmem>> -> memref<1x32x1024xf32, #tpu.memory_space<vmem>>
    %dma_start3A_1617 = tpu.memref_squeeze %dma_start3A_1616 : memref<1x32x1024xf32, #tpu.memory_space<vmem>> -> memref<32x1024xf32, #tpu.memory_space<vmem>>
    %dma_start3A_1618 = arith.constant 0 : i32
    %dma_start3A_1619 = tpu.memref_slice %arg4[%add3A_1612, %dma_start3A_1618] : memref<32768x1024xf32, #tpu.memory_space<hbm>> -> memref<32x1024xf32, #tpu.memory_space<hbm>>
    %dma_start3A_1620 = arith.constant 0 : i32
    %dma_start3A_1621 = tpu.memref_slice %arg4[%add3A_1612, %dma_start3A_1620] : memref<32768x1024xf32, #tpu.memory_space<hbm>> -> memref<32x1024xf32, #tpu.memory_space<hbm>>
    %dma_start3A_1622 = arith.constant 0 : i32
    %dma_start3A_1623 = arith.constant 0 : i32
    %dma_start3A_1624 = tpu.memref_slice %arg6[%dma_start3A_1613, %dma_start3A_1622, %dma_start3A_1623] : memref<3x32x1024xf32, #tpu.memory_space<vmem>> -> memref<1x32x1024xf32, #tpu.memory_space<vmem>>
    %dma_start3A_1625 = tpu.memref_squeeze %dma_start3A_1624 : memref<1x32x1024xf32, #tpu.memory_space<vmem>> -> memref<32x1024xf32, #tpu.memory_space<vmem>>
    tpu.enqueue_dma source(%dma_start3A_1625 : memref<32x1024xf32, #tpu.memory_space<vmem>>) target(%dma_start3A_1621 : memref<32x1024xf32, #tpu.memory_space<hbm>>) target_semaphore(%arg11 : memref<!tpu.dma_semaphore, #tpu.memory_space<semaphore_mem>>)
    %dma_wait3A_1626 = arith.constant 0 : i32
    %dma_wait3A_1627 = arith.constant 0 : i32
    %dma_wait3A_1628 = arith.constant 0 : i32
    %dma_wait3A_1629 = tpu.memref_slice %arg6[%dma_wait3A_1626, %dma_wait3A_1627, %dma_wait3A_1628] : memref<3x32x1024xf32, #tpu.memory_space<vmem>> -> memref<1x32x1024xf32, #tpu.memory_space<vmem>>
    %dma_wait3A_1630 = tpu.memref_squeeze %dma_wait3A_1629 : memref<1x32x1024xf32, #tpu.memory_space<vmem>> -> memref<32x1024xf32, #tpu.memory_space<vmem>>
    %dma_wait3A_1631 = arith.constant 0 : i32
    %dma_wait3A_1632 = tpu.memref_slice %arg4[%add3A_1585, %dma_wait3A_1631] : memref<32768x1024xf32, #tpu.memory_space<hbm>> -> memref<32x1024xf32, #tpu.memory_space<hbm>>
    %dma_wait3A_1633 = arith.constant 0 : i32
    %dma_wait3A_1634 = tpu.memref_slice %arg4[%add3A_1585, %dma_wait3A_1633] : memref<32768x1024xf32, #tpu.memory_space<hbm>> -> memref<32x1024xf32, #tpu.memory_space<hbm>>
    %dma_wait3A_1635 = arith.constant 0 : i32
    %dma_wait3A_1636 = arith.constant 0 : i32
    %dma_wait3A_1637 = tpu.memref_slice %arg6[%dma_wait3A_1626, %dma_wait3A_1635, %dma_wait3A_1636] : memref<3x32x1024xf32, #tpu.memory_space<vmem>> -> memref<1x32x1024xf32, #tpu.memory_space<vmem>>
    %dma_wait3A_1638 = tpu.memref_squeeze %dma_wait3A_1637 : memref<1x32x1024xf32, #tpu.memory_space<vmem>> -> memref<32x1024xf32, #tpu.memory_space<vmem>>
    tpu.wait_dma2 semaphore(%arg10 : memref<!tpu.dma_semaphore, #tpu.memory_space<semaphore_mem>>) src(%dma_wait3A_1638 : memref<32x1024xf32, #tpu.memory_space<vmem>>) dst(%dma_wait3A_1634 : memref<32x1024xf32, #tpu.memory_space<hbm>>)
    %dma_wait3A_1639 = arith.constant 1 : i32
    %dma_wait3A_1640 = arith.constant 0 : i32
    %dma_wait3A_1641 = arith.constant 0 : i32
    %dma_wait3A_1642 = tpu.memref_slice %arg6[%dma_wait3A_1639, %dma_wait3A_1640, %dma_wait3A_1641] : memref<3x32x1024xf32, #tpu.memory_space<vmem>> -> memref<1x32x1024xf32, #tpu.memory_space<vmem>>
    %dma_wait3A_1643 = tpu.memref_squeeze %dma_wait3A_1642 : memref<1x32x1024xf32, #tpu.memory_space<vmem>> -> memref<32x1024xf32, #tpu.memory_space<vmem>>
    %dma_wait3A_1644 = arith.constant 0 : i32
    %dma_wait3A_1645 = tpu.memref_slice %arg4[%add3A_1612, %dma_wait3A_1644] : memref<32768x1024xf32, #tpu.memory_space<hbm>> -> memref<32x1024xf32, #tpu.memory_space<hbm>>
    %dma_wait3A_1646 = arith.constant 0 : i32
    %dma_wait3A_1647 = tpu.memref_slice %arg4[%add3A_1612, %dma_wait3A_1646] : memref<32768x1024xf32, #tpu.memory_space<hbm>> -> memref<32x1024xf32, #tpu.memory_space<hbm>>
    %dma_wait3A_1648 = arith.constant 0 : i32
    %dma_wait3A_1649 = arith.constant 0 : i32
    %dma_wait3A_1650 = tpu.memref_slice %arg6[%dma_wait3A_1639, %dma_wait3A_1648, %dma_wait3A_1649] : memref<3x32x1024xf32, #tpu.memory_space<vmem>> -> memref<1x32x1024xf32, #tpu.memory_space<vmem>>
    %dma_wait3A_1651 = tpu.memref_squeeze %dma_wait3A_1650 : memref<1x32x1024xf32, #tpu.memory_space<vmem>> -> memref<32x1024xf32, #tpu.memory_space<vmem>>
    tpu.wait_dma2 semaphore(%arg11 : memref<!tpu.dma_semaphore, #tpu.memory_space<semaphore_mem>>) src(%dma_wait3A_1651 : memref<32x1024xf32, #tpu.memory_space<vmem>>) dst(%dma_wait3A_1647 : memref<32x1024xf32, #tpu.memory_space<hbm>>)
    %dma_wait3A_1652 = arith.constant 2 : i32
    %dma_wait3A_1653 = arith.constant 0 : i32
    %dma_wait3A_1654 = arith.constant 0 : i32
    %dma_wait3A_1655 = tpu.memref_slice %arg6[%dma_wait3A_1652, %dma_wait3A_1653, %dma_wait3A_1654] : memref<3x32x1024xf32, #tpu.memory_space<vmem>> -> memref<1x32x1024xf32, #tpu.memory_space<vmem>>
    %dma_wait3A_1656 = tpu.memref_squeeze %dma_wait3A_1655 : memref<1x32x1024xf32, #tpu.memory_space<vmem>> -> memref<32x1024xf32, #tpu.memory_space<vmem>>
    %dma_wait3A_1657 = arith.constant 0 : i32
    %dma_wait3A_1658 = tpu.memref_slice %arg4[%add3A_1558, %dma_wait3A_1657] : memref<32768x1024xf32, #tpu.memory_space<hbm>> -> memref<32x1024xf32, #tpu.memory_space<hbm>>
    %dma_wait3A_1659 = arith.constant 0 : i32
    %dma_wait3A_1660 = tpu.memref_slice %arg4[%add3A_1558, %dma_wait3A_1659] : memref<32768x1024xf32, #tpu.memory_space<hbm>> -> memref<32x1024xf32, #tpu.memory_space<hbm>>
    %dma_wait3A_1661 = arith.constant 0 : i32
    %dma_wait3A_1662 = arith.constant 0 : i32
    %dma_wait3A_1663 = tpu.memref_slice %arg6[%dma_wait3A_1652, %dma_wait3A_1661, %dma_wait3A_1662] : memref<3x32x1024xf32, #tpu.memory_space<vmem>> -> memref<1x32x1024xf32, #tpu.memory_space<vmem>>
    %dma_wait3A_1664 = tpu.memref_squeeze %dma_wait3A_1663 : memref<1x32x1024xf32, #tpu.memory_space<vmem>> -> memref<32x1024xf32, #tpu.memory_space<vmem>>
    tpu.wait_dma2 semaphore(%arg12 : memref<!tpu.dma_semaphore, #tpu.memory_space<semaphore_mem>>) src(%dma_wait3A_1664 : memref<32x1024xf32, #tpu.memory_space<vmem>>) dst(%dma_wait3A_1660 : memref<32x1024xf32, #tpu.memory_space<hbm>>)
    return
  }
}

</mosaic_0001>

<sc_bundles>
// kernel: kernel.3.cloned.1.call-start
scs
__scs_entry_jumppad:
0x0: {  	(pc) =	sbr.rel $0x88, $3  }
0x1: {  	(tag) =	ssettag $0x0;
	lr =	simm.s32 $0x1  }
0x2: {  	[smem:$0x3F9F] =	sst lr;
	_ =	strace $0xD0000000  }
0x3: {  	_ = 	snop  }
0x4: {  	_ = 	snop  }
0x5: {  	_ = 	snop  }
0x6: {  	_ = 	snop  }
0x7: {  	_ = 	snop  }
__scs_overlays_trampoline_lowered:
0x8: {  	[smem:$0x3FAE] =	sst s0  }
0x9: {  	[smem:$0x3FAF] =	sst s1  }
0xa: {  	[smem:$0x3FB0] =	sst s2  }
0xb: {  	[smem:$0x3FB1] =	sst s3  }
0xc: {  	[smem:$0x3FB2] =	sst s4  }
0xd: {  	[smem:$0x3FB3] =	sst s5  }
0xe: {  	[smem:$0x3FB4] =	sst s6  }
0xf: {  	[smem:$0x3FB5] =	sst s7  }
0x10: {  	[smem:$0x3FB6] =	sst s8  }
0x11: {  	[smem:$0x3FB7] =	sst s9;
	s0 =	simm.s32 @!p0 $0x0  }
0x12: {  	s1 =	sld [smem:$0x3F9D];
	s0 =	simm.s32 @p0 $0x1  }
0x13: {  	[smem:$0x3FB8] =	sst s0;
	s0 =	simm.s32 @!p1 $0x0  }
0x14: {  	s2 =	sld [smem:$0x3F9C];
	s0 =	simm.s32 @p1 $0x1  }
0x15: {  	[smem:$0x3FB9] =	sst s0;
	s0 =	simm.s32 @!p2 $0x0  }
0x16: {  	s3 =	sld [smem:$0x3FDB];
	s0 =	simm.s32 @p2 $0x1  }
0x17: {  	s4 =	simm.s32 $0x1BF5;
	[smem:$0x3FBB] =	sst s0  }
0x18: {  	s0 =	sld [smem:$0x3F9E];
	_ =	swait.ge [sflag:s4], $0x0  }
0x19: {  	s7 =	sld [smem:$0x3F9F]  }
0x1a: {  	s8 =	sadd.s32 $0xFFFFE003, lr  }
0x1b: {  	s9 =	sadd.s32 $0xFFFFFEF7, lr;
	s5 =	simm.s32 $0xFFFFFFFF;
	p2 =	slt.u32 s8, $0xFFFFF086  }
0x1c: {  	p1 =	slt.u32 s9, $0xF7A;
	s5 =	simm.s32 @!p2 $0x0  }
0x1d: {  	s5 =	simm.s32 @p1 $0x1;
	p0 =	seq.s32 s7, s2  }
0x1e: {  	s7 =	smul.u32 @!p0 $0xF7A, s2;
	p2 =	seq.s32 @!p0 s5, $0x0  }
0x1f: {  	s9 =	smul.u32 $0xF7A, s1;
	s8 =	simm.s32 @!p0 $0x1BF5;
	p2 =	por !p2, p0  }
0x20: {  	[sflag:s8] =	ssyncset.s32 @!p0 $0xFFFFF086;
	s6 =	sadd.s32 @!p0 s3, s7;
	s7 =	simm.s32 @!p0 $0x108  }
0x21: {  	s3 =	sadd.s32 s3, s9;
	s6 =	sadd.s32 @!p0 $0x88, s6;
	s7 =	simm.s32 @p2 $0x1082  }
0x22: {  	[simem:s7], [sflag:s8] =	dma.local @!p0 [hbm:s6], $0xF7A  }
0x23: {  	s9 =	sor.u32 $0xD0000000, s2;
	s6 =	simm.s32 $0x108;
	_ =	swait.ge @!p0 [sflag:s8], $0x0  }
0x24: {  	s3 =	sadd.s32 $0x88, s3;
	s6 =	simm.s32 @!p1 $0x1082;
	[sflag:s4] =	ssyncset.s32 $0xFFFFF086  }
0x25: {  	[simem:s6], [sflag:s4] =	dma.local [hbm:s3], $0xF7A  }
0x26: {  	[smem:$0x3F9F] =	sst s1;
	(tag) =	ssettag s2;
	_ =	strace s9  }
0x27: {  	s1 =	sld [smem:$0x3FAF]  }
0x28: {  	s2 =	sld [smem:$0x3FB0]  }
0x29: {  	s4 =	sld [smem:$0x3FB2]  }
0x2a: {  	p0 =	seq.s32 s5, $0x0;
	s5 =	sld [smem:$0x3FB3]  }
0x2b: {  	s6 =	sld [smem:$0x3FB4]  }
0x2c: {  	s7 =	sld [smem:$0x3FB5]  }
0x2d: {  	s3 =	simm.s32 $0x108;
	s8 =	sld [smem:$0x3FB6]  }
0x2e: {  	s3 =	simm.s32 @!p0 $0x1082;
	s9 =	sld [smem:$0x3FB7]  }
0x2f: {  	lr =	sadd.s32 s0, s3;
	s0 =	sld [smem:$0x3FAE]  }
0x30: {  	s3 =	sld [smem:$0x3FB1]  }
0x31: {  	[smem:$0x3FBA] =	sst s10  }
0x32: {  	s10 =	sld [smem:$0x3FB8];
	_ =	sdelay $0x3  }
0x33: {  	p0 =	seq.s32 s10, $0x1;
	s10 =	sld [smem:$0x3FBA];
	_ =	sdelay $0x3  }
0x34: {  	[smem:$0x3FBA] =	sst s10  }
0x35: {  	s10 =	sld [smem:$0x3FB9];
	_ =	sdelay $0x3  }
0x36: {  	p1 =	seq.s32 s10, $0x1;
	s10 =	sld [smem:$0x3FBA];
	_ =	sdelay $0x3  }
0x37: {  	[smem:$0x3FBA] =	sst s10  }
0x38: {  	s10 =	sld [smem:$0x3FBB]  }
0x39: {  	_ = 	snop;
	(pc) =	sbr.ind lr, $3  }
0x3a: {  	_ = 	snop  }
0x3b: {  	_ = 	snop  }
0x3c: {  	p2 =	seq.s32 s10, $0x1;
	s10 =	sld [smem:$0x3FBA]  }
0x3d: {  	_ =	shalt  }
0x3e: {  	_ =	shalt  }
0x3f: {  	_ =	shalt  }
0x40: {  	_ =	shalt  }
0x41: {  	_ =	shalt  }
0x42: {  	_ =	shalt  }
0x43: {  	_ =	shalt  }
0x44: {  	_ =	shalt  }
0x45: {  	_ =	shalt  }
0x46: {  	_ =	shalt  }
0x47: {  	_ =	shalt  }
0x48: {  	_ =	shalt  }
0x49: {  	_ =	shalt  }
0x4a: {  	_ =	shalt  }
0x4b: {  	_ =	shalt  }
0x4c: {  	_ =	shalt  }
0x4d: {  	_ =	shalt  }
0x4e: {  	_ =	shalt  }
0x4f: {  	_ =	shalt  }
0x50: {  	_ =	shalt  }
0x51: {  	_ =	shalt  }
0x52: {  	_ =	shalt  }
0x53: {  	_ =	shalt  }
0x54: {  	_ =	shalt  }
0x55: {  	_ =	shalt  }
0x56: {  	_ =	shalt  }
0x57: {  	_ =	shalt  }
0x58: {  	_ =	shalt  }
0x59: {  	_ =	shalt  }
0x5a: {  	_ =	shalt  }
0x5b: {  	_ =	shalt  }
0x5c: {  	_ =	shalt  }
0x5d: {  	_ =	shalt  }
0x5e: {  	_ =	shalt  }
0x5f: {  	_ =	shalt  }
0x60: {  	_ =	shalt  }
0x61: {  	_ =	shalt  }
0x62: {  	_ =	shalt  }
0x63: {  	_ =	shalt  }
0x64: {  	_ =	shalt  }
0x65: {  	_ =	shalt  }
0x66: {  	_ =	shalt  }
0x67: {  	_ =	shalt  }
0x68: {  	_ =	shalt  }
0x69: {  	_ =	shalt  }
0x6a: {  	_ =	shalt  }
0x6b: {  	_ =	shalt  }
0x6c: {  	_ =	shalt  }
0x6d: {  	_ =	shalt  }
0x6e: {  	_ =	shalt  }
0x6f: {  	_ =	shalt  }
0x70: {  	_ =	shalt  }
0x71: {  	_ =	shalt  }
0x72: {  	_ =	shalt  }
0x73: {  	_ =	shalt  }
0x74: {  	_ =	shalt  }
0x75: {  	_ =	shalt  }
0x76: {  	_ =	shalt  }
0x77: {  	_ =	shalt  }
0x78: {  	_ =	shalt  }
0x79: {  	_ =	shalt  }
0x7a: {  	_ =	shalt  }
0x7b: {  	_ =	shalt  }
0x7c: {  	_ =	shalt  }
0x7d: {  	_ =	shalt  }
0x7e: {  	_ =	shalt  }
0x7f: {  	_ =	shalt  }
0x80: {  	_ =	shalt  }
0x81: {  	_ =	shalt  }
0x82: {  	_ =	shalt  }
0x83: {  	_ =	shalt  }
0x84: {  	_ =	shalt  }
0x85: {  	_ =	shalt  }
0x86: {  	_ =	shalt  }
0x87: {  	_ =	shalt  }
.Lfunc_end0:
.L_simem_size_0:
called_computation_lowered:
.L_overlay_start_0:
0x88: {  	s2 =	sld [smem:$0x3FD9]  }
0x89: {  	s3 =	sld [smem:$0x3FFE];
	_ =	sdelay $0x1  }
0x8a: {  	s1 =	srdreg.scid  }
0x8b: {  	s0 =	sand.u32 $0x1, s1  }
0x8c: {  	s17 =	sshll.u32 s0, $0xA;
	s2 =	sadd.s32 s3, s2  }
0x8d: {  	s2 =	sadd.s32 s2, s17  }
0x8e: {  	[smem:$0x3FC6] =	sst s2  }
0x8f: {  	_ = 	snop  }
0x90: {  	s2 =	sld [smem:$0x3FC8]  }
0x91: {  	s18 =	sld [smem:$0x3FD0];
	(tm) =	ssettm $0x1  }
0x92: {  	s4 =	sld [smem:$0x3FFB];
	_ =	sdelay $0x3  }
0x93: {  	_ =	strace s4  }
0x94: {  	s4 =	sld [smem:$0x3FFC];
	_ =	sdelay $0x3  }
0x95: {  	_ =	strace s4  }
0x96: {  	s4 =	sld [smem:$0x3FFD];
	_ =	sdelay $0x3  }
0x97: {  	_ =	strace s4  }
0x98: {  	_ =	strace $0x8FFFFFFF  }
0x99: {  	s19 =	sld [smem:$0x3FDB];
	_ =	sdelay $0x1  }
0x9a: {  	s5 =	simm.s32 $_scs_section_size  }
0x9b: {  	s6 =	simm.s32 $_size__tile_overlayer_lowered;
	s7 =	simm.s32 $_tile_overlayer_lowered  }
0x9c: {  	s22 =	simm.s32 $0x1BFF;
	s21 =	sshll.u32 s7, $0x1;
	s4 =	sadd.s32 s5, s19  }
0x9d: {  	s8 =	simm.s32 $0x0;
	s20 =	sshll.u32 s6, $0x1;
	s6 =	sadd.s32 s21, s4  }
0x9e: {  	[timem:s8], [sflag:s22] =	dma.local [hbm:s6], s20  }
0x9f: {  	_ =	swait.ge [sflag:s22], s20  }
0xa0: {  	s5 =	ssub.s32 $0x0, s20;
	[sflag:s22] =	ssyncset.done $0x0  }
0xa1: {  	[sflag:s22] =	ssyncadd.s32 s5;
	_ =	sdelay $0x1  }
0xa2: {  	s23 =	simm.s32 $0x1B8B  }
0xa3: {  	_ =	swait.ge [sflag:s23], $0x1  }
0xa4: {  	[sflag:s23] =	ssyncset.done $0x0  }
0xa5: {  	s25 =	simm.s32 $0x1B8E;
	s24 =	sld [smem:$0x3FFE];
	[sflag:s23] =	ssyncadd.s32 $0xFFFFFFFF  }
0xa6: {  	s26 =	simm.s32 $execute0_lowered;
	[smem:$0x3FD2] =	sst s25  }
0xa7: {  	s6 =	sshll.u32 s26, $0x1;
	_ =	strace $0x80000046;
	[dreg:$0x1] =	wrdreg $0xFFFFFFFF  }
0xa8: {  	s28 =	simm.s32 $_size_execute0_lowered;
	s4 =	sadd.s32 s4, s6;
	[dreg:$0x0] =	wrdreg $0x0  }
0xa9: {  	s6 =	sshll.u32 s28, $0x1;
	[dreg:$0x2] =	wrdreg s4  }
0xaa: {  	[dreg:$0x3] =	wrdreg s6  }
0xab: {  	[dreg:$0x4] =	wrdreg $0xC0  }
0xac: {  	_ =	task [dreg:s8], $0x5FFFF  }
0xad: {  	[dreg:$0x1] =	wrdreg $0xFFFFFFFF  }
0xae: {  	[dreg:$0x0] =	wrdreg $0x60  }
0xaf: {  	[dreg:$0x2] =	wrdreg s24  }
0xb0: {  	[dreg:$0x3] =	wrdreg s2  }
0xb1: {  	[dreg:$0x4] =	wrdreg s18  }
0xb2: {  	[dreg:$0x5] =	wrdreg $0x9  }
0xb3: {  	_ =	task.clear_ibuf [dreg:s8], $0x6FFFF;
	_ =	strace $0x90000046  }
0xb4: {  	s29 =	simm.s32 $0x9;
	_ =	strace $0x80000048  }
0xb5: {  	_ =	swait.ge [sflag:s29], $0x1  }
0xb6: {  	[sflag:s29] =	ssyncadd.s32 $0xFFFFFFFF  }
0xb7: {  	_ =	strace $0x90000048  }
0xb8: {  	_ =	sfence  }
0xb9: {  	s30 =	sld [smem:$0x0];
	_ =	sdelay $0x2  }
0xba: {  	s31 =	sshll.u32 s1, $0xD;
	s1 =	sshrl.u32 s1, $0x2  }
0xbb: {  	s3 =	sand.u32 $0x4000, s31;
	s1 =	sadd.s32 s1, s30  }
0xbc: {  	s0 =	sor.u32 s3, s0;
	s1 =	sshll.u32 s1, $0x11  }
0xbd: {  	s0 =	sor.u32 s1, s0  }
0xbe: {  	s0 =	sadd.s32 $0x8F2B, s0  }
0xbf: {  	[sflag:s0] =	ssyncadd.remote.s32 $0x1  }
0xc0: {  	_ =	sfence.sel $0xFFFF  }
0xc1: {  	[dreg:$0x0] =	wrdreg $0xFFFFFFFF;
	(pc) =	sbr.abs _section_cstart, $3  }
0xc2: {  	[dreg:$0x1] =	wrdreg $0xFFFFFFFF  }
0xc3: {  	_ =	task.clear_ibuf [dreg:s8], $0x2FFFF;
	_ =	strace $0x9FFFFFFF  }
0xc4: {  	(tm) =	ssettm $0x7FFFFFFF  }
0xc5: {  	_ =	shalt  }
tec
execute0_lowered:
.L_overlay_start_1:
0x0: {  	(tag) =	ssettag $0x1  }
0x1: {  	s0 =	srdreg.scid;
	s3 =	stileid.u32  }
0x2: {  	s1 =	rddreg [dreg:$0x0];
	s0 =	sand.u32 $0x1, s0;
	s3 =	sshll.u32 s3, $0x1  }
0x3: {  	s2 =	rddreg [dreg:$0x1];
	s5 =	sor.u32 s0, s3  }
0x4: {  	s4 =	rddreg [dreg:$0x2];
	s3 =	simm.s32 $0x0;
	s6 =	sshll.u32 s5, $0x9  }
0x5: {  	[smem:$0x7FF] =	sst s3;
	s23 =	sshll.u32 s5, $0x11;
	s6 =	sadd.s32 s1, s6  }
0x6: {  	_ =	strace $0x80000047;
	s8 =	sadd.s32 s4, s23;
	[smem:$0x7F7] =	sst s6  }
0x7: {  	s24 =	sadd.s32 $0x80, s6;
	[smem:$0x7FB] =	sst s8  }
0x8: {  	s1 =	sadd.s32 $0x1000, s8;
	[dreg:$0x4] =	wrdreg s24  }
0x9: {  	s25 =	sadd.s32 $0x2000, s8;
	[dreg:$0x5] =	wrdreg s1  }
0xa: {  	s26 =	sadd.s32 $0x3000, s8;
	[dreg:$0x6] =	wrdreg s25  }
0xb: {  	s28 =	sadd.s32 $0x4000, s8;
	[dreg:$0x7] =	wrdreg s26  }
0xc: {  	s29 =	sadd.s32 $0x5000, s8;
	[dreg:$0x8] =	wrdreg s28  }
0xd: {  	s30 =	sadd.s32 $0x6000, s8;
	[dreg:$0x9] =	wrdreg s29  }
0xe: {  	s31 =	sadd.s32 $0x7000, s8;
	[dreg:$0xa] =	wrdreg s30  }
0xf: {  	s4 =	sadd.s32 $0x8000, s8;
	[dreg:$0xb] =	wrdreg s31  }
0x10: {  	s5 =	sadd.s32 $0x9000, s8;
	[dreg:$0xc] =	wrdreg s4  }
0x11: {  	s6 =	sadd.s32 $0xA000, s8;
	[dreg:$0xd] =	wrdreg s5  }
0x12: {  	s7 =	sadd.s32 $0xB000, s8;
	[dreg:$0xe] =	wrdreg s6  }
0x13: {  	s9 =	sadd.s32 $0xC000, s8;
	[dreg:$0xf] =	wrdreg s7  }
0x14: {  	s10 =	sadd.s32 $0xD000, s8;
	[dreg:$0x10] =	wrdreg s9  }
0x15: {  	s11 =	sadd.s32 $0xE000, s8;
	[dreg:$0x11] =	wrdreg s10  }
0x16: {  	s12 =	sadd.s32 $0xF000, s8;
	[dreg:$0x12] =	wrdreg s11  }
0x17: {  	s13 =	sadd.s32 $0x10000, s8;
	[dreg:$0x13] =	wrdreg s12  }
0x18: {  	s14 =	sadd.s32 $0x11000, s8;
	[dreg:$0x14] =	wrdreg s13  }
0x19: {  	s15 =	sadd.s32 $0x12000, s8;
	[dreg:$0x15] =	wrdreg s14  }
0x1a: {  	s16 =	sadd.s32 $0x13000, s8;
	[dreg:$0x16] =	wrdreg s15  }
0x1b: {  	s17 =	sadd.s32 $0x14000, s8;
	[dreg:$0x17] =	wrdreg s16  }
0x1c: {  	s18 =	sadd.s32 $0x15000, s8;
	[dreg:$0x18] =	wrdreg s17  }
0x1d: {  	s19 =	sadd.s32 $0x16000, s8;
	[dreg:$0x19] =	wrdreg s18  }
0x1e: {  	s20 =	sadd.s32 $0x17000, s8;
	[dreg:$0x1a] =	wrdreg s19  }
0x1f: {  	s21 =	sadd.s32 $0x18000, s8;
	[dreg:$0x1b] =	wrdreg s20  }
0x20: {  	s22 =	sadd.s32 $0x19000, s8;
	[dreg:$0x1c] =	wrdreg s21  }
0x21: {  	s23 =	sadd.s32 $0x1A000, s8;
	[dreg:$0x1d] =	wrdreg s22  }
0x22: {  	s0 =	ssub.s32 $0x2, s0;
	[dreg:$0x1e] =	wrdreg s23  }
0x23: {  	s24 =	sadd.s32 $0x1B000, s8;
	s25 =	sshrl.u32 s0, $0x1;
	s26 =	sadd.s32 $0x1C000, s8  }
0x24: {  	s28 =	sadd.s32 $0x1D000, s8;
	s6 =	sadd.s32 $0x100, s2;
	[dreg:$0x1f] =	wrdreg s24  }
0x25: {  	s29 =	sadd.s32 $0x1E000, s8;
	s7 =	sadd.s32 $0x200, s2;
	[smem:$0x7F8] =	sst s26  }
0x26: {  	s30 =	sadd.s32 $0x1F000, s8;
	s8 =	sadd.s32 $0x300, s2;
	[smem:$0x7F9] =	sst s28  }
0x27: {  	s31 =	simm.s32 $0x400;
	s20 =	simm.s32 $0x1;
	[smem:$0x7FA] =	sst s29  }
0x28: {  	v2 =	vlaneseq.u32;
	s21 =	simm.s32 $0x4;
	s22 =	simm.s32 $0x2;
	[smem:$0x7FC] =	sst s30  }
0x29: {  	vm0 =	vmmov $0xffff;
	v1 =	vshrl.u32 v2, $0x3;
	s23 =	simm.s32 $0x5;
	s0 =	ssub.s32 s0, s25;
	[smem:$0x7FD] =	sst s31  }
0x2a: {  	v0 =	vand.u32 $0x7, v2;
	v2 =	vor.u32 $0x8, v2;
	v1 =	vmul.u32 $0x8, v1;
	s24 =	simm.s32 $0x3;
	s25 =	simm.s32 $0x6;
	s1 =	smax.u32 s0, $0x1  }
.LBB2_1:
0x2b: {  	s26 =	sld [smem:$0x7F7];
	_ =	sdelay $0x1  }
0x2c: {  	[smem:$0x7F6] =	sst s1;
	s30 =	simm.s32 $0x7  }
0x2d: {  	[tilespmem:s3], [sflag:$0x7] =	stream.linear.gather [hbm4b:s26+s3], $0x400, $0x38;
	[tilespmem:$0x19000] =	vst v63  }
0x2e: {  	_ =	swait.ge [sflag:s30], $0x400  }
0x2f: {  	[sflag:s30] =	ssyncset.done $0x0  }
0x30: {  	[sflag:s30] =	ssyncadd.s32 $0xFFFFFC00  }
0x31: {  	v3 =	vld [tilespmem:$0x0];
	_ =	sdelay $0x4  }
0x32: {  	v4 =	vshll.u32 v3, $0x3  }
0x33: {  	v3 =	vand.u32 $0x7, v3;
	v4 =	vand.u32 $0xFFFFFFC0, v4  }
0x34: {  	v3 =	vor.u32 v3, v4  }
0x35: {  	v4 =	vperm.xlane v3, v0;
	_ =	sdelay $0x1  }
0x36: {  	v4 =	vadd.s32 v1, v4;
	_ =	sdelay $0x3  }
0x37: {  	s0 =	simm.s32 $0x1000  }
0x38: {  	[tilespmem:s0], [sflag:$0x1] =	stream.indirect_vreg.gather [hbm4b:s2+s3], $0x80, v4, vm0, $0xb8;
	[tilespmem:$0x19000] =	vst v63  }
0x39: {  	s17 =	simm.s32 $0x1800;
	v3 =	vperm.xlane v3, v2  }
0x3a: {  	[tilespmem:s17], [sflag:$0x1] =	stream.indirect_vreg.gather [hbm4b:s6+s3], $0x80, v4, vm0, $0xb8;
	[tilespmem:$0x19000] =	vst v63  }
0x3b: {  	s18 =	simm.s32 $0x2000;
	v3 =	vadd.s32 v1, v3  }
0x3c: {  	[tilespmem:s18], [sflag:$0x1] =	stream.indirect_vreg.gather [hbm4b:s7+s3], $0x80, v4, vm0, $0xb8;
	[tilespmem:$0x19000] =	vst v63  }
0x3d: {  	s19 =	simm.s32 $0x2800  }
0x3e: {  	[tilespmem:s19], [sflag:$0x1] =	stream.indirect_vreg.gather [hbm4b:s8+s3], $0x80, v4, vm0, $0xb8;
	[tilespmem:$0x19000] =	vst v63  }
0x3f: {  	s26 =	simm.s32 $0x3000  }
0x40: {  	[tilespmem:s26], [sflag:$0x1] =	stream.indirect_vreg.gather [hbm4b:s2+s3], $0x80, v3, vm0, $0xb8;
	[tilespmem:$0x19000] =	vst v63  }
0x41: {  	s28 =	simm.s32 $0x3800  }
0x42: {  	[tilespmem:s28], [sflag:$0x1] =	stream.indirect_vreg.gather [hbm4b:s6+s3], $0x80, v3, vm0, $0xb8;
	[tilespmem:$0x19000] =	vst v63  }
0x43: {  	s29 =	simm.s32 $0x4000  }
0x44: {  	[tilespmem:s29], [sflag:$0x1] =	stream.indirect_vreg.gather [hbm4b:s7+s3], $0x80, v3, vm0, $0xb8;
	[tilespmem:$0x19000] =	vst v63  }
0x45: {  	s31 =	simm.s32 $0x4800  }
0x46: {  	[tilespmem:s31], [sflag:$0x1] =	stream.indirect_vreg.gather [hbm4b:s8+s3], $0x80, v3, vm0, $0xb8;
	[tilespmem:$0x19000] =	vst v63  }
0x47: {  	v3 =	vld [tilespmem:$0x10];
	_ =	sdelay $0x4  }
0x48: {  	v57 =	vshll.u32 v3, $0x3  }
0x49: {  	v3 =	vand.u32 $0x7, v3;
	v4 =	vand.u32 $0xFFFFFFC0, v57  }
0x4a: {  	v3 =	vor.u32 v3, v4  }
0x4b: {  	v4 =	vperm.xlane v3, v0;
	_ =	sdelay $0x1  }
0x4c: {  	v4 =	vadd.s32 v1, v4;
	_ =	sdelay $0x3  }
0x4d: {  	s11 =	simm.s32 $0x5000  }
0x4e: {  	[tilespmem:s11], [sflag:$0x1] =	stream.indirect_vreg.gather [hbm4b:s2+s3], $0x80, v4, vm0, $0xb8;
	[tilespmem:$0x19000] =	vst v63  }
0x4f: {  	s12 =	simm.s32 $0x5800;
	v3 =	vperm.xlane v3, v2  }
0x50: {  	[tilespmem:s12], [sflag:$0x1] =	stream.indirect_vreg.gather [hbm4b:s6+s3], $0x80, v4, vm0, $0xb8;
	[tilespmem:$0x19000] =	vst v63  }
0x51: {  	s13 =	simm.s32 $0x6000;
	v3 =	vadd.s32 v1, v3  }
0x52: {  	[tilespmem:s13], [sflag:$0x1] =	stream.indirect_vreg.gather [hbm4b:s7+s3], $0x80, v4, vm0, $0xb8;
	[tilespmem:$0x19000] =	vst v63  }
0x53: {  	s14 =	simm.s32 $0x6800  }
0x54: {  	[tilespmem:s14], [sflag:$0x1] =	stream.indirect_vreg.gather [hbm4b:s8+s3], $0x80, v4, vm0, $0xb8;
	[tilespmem:$0x19000] =	vst v63  }
0x55: {  	s15 =	simm.s32 $0x7000  }
0x56: {  	[tilespmem:s15], [sflag:$0x1] =	stream.indirect_vreg.gather [hbm4b:s2+s3], $0x80, v3, vm0, $0xb8;
	[tilespmem:$0x19000] =	vst v63  }
0x57: {  	s16 =	simm.s32 $0x7800  }
0x58: {  	[tilespmem:s16], [sflag:$0x1] =	stream.indirect_vreg.gather [hbm4b:s6+s3], $0x80, v3, vm0, $0xb8;
	[tilespmem:$0x19000] =	vst v63  }
0x59: {  	s26 =	simm.s32 $0x8000  }
0x5a: {  	[tilespmem:s26], [sflag:$0x1] =	stream.indirect_vreg.gather [hbm4b:s7+s3], $0x80, v3, vm0, $0xb8;
	[tilespmem:$0x19000] =	vst v63  }
0x5b: {  	s28 =	simm.s32 $0x8800  }
0x5c: {  	[tilespmem:s28], [sflag:$0x1] =	stream.indirect_vreg.gather [hbm4b:s8+s3], $0x80, v3, vm0, $0xb8;
	[tilespmem:$0x19000] =	vst v63  }
0x5d: {  	v3 =	vld [tilespmem:$0x80];
	_ =	sdelay $0x4  }
0x5e: {  	v58 =	vshll.u32 v3, $0x3  }
0x5f: {  	v3 =	vand.u32 $0x7, v3;
	v4 =	vand.u32 $0xFFFFFFC0, v58  }
0x60: {  	v3 =	vor.u32 v3, v4  }
0x61: {  	v4 =	vperm.xlane v3, v0;
	_ =	sdelay $0x1  }
0x62: {  	v4 =	vadd.s32 v1, v4;
	_ =	sdelay $0x3  }
0x63: {  	s29 =	simm.s32 $0x9000  }
0x64: {  	[tilespmem:s29], [sflag:$0x2] =	stream.indirect_vreg.gather [hbm4b:s2+s3], $0x80, v4, vm0, $0xb8;
	[tilespmem:$0x19000] =	vst v63  }
0x65: {  	s11 =	simm.s32 $0x9800;
	v3 =	vperm.xlane v3, v2  }
0x66: {  	[tilespmem:s11], [sflag:$0x2] =	stream.indirect_vreg.gather [hbm4b:s6+s3], $0x80, v4, vm0, $0xb8;
	[tilespmem:$0x19000] =	vst v63  }
0x67: {  	s26 =	simm.s32 $0xA000;
	v3 =	vadd.s32 v1, v3  }
0x68: {  	[tilespmem:s26], [sflag:$0x2] =	stream.indirect_vreg.gather [hbm4b:s7+s3], $0x80, v4, vm0, $0xb8;
	[tilespmem:$0x19000] =	vst v63  }
0x69: {  	s28 =	simm.s32 $0xA800  }
0x6a: {  	[tilespmem:s28], [sflag:$0x2] =	stream.indirect_vreg.gather [hbm4b:s8+s3], $0x80, v4, vm0, $0xb8;
	[tilespmem:$0x19000] =	vst v63  }
0x6b: {  	s29 =	simm.s32 $0xB000  }
0x6c: {  	[tilespmem:s29], [sflag:$0x2] =	stream.indirect_vreg.gather [hbm4b:s2+s3], $0x80, v3, vm0, $0xb8;
	[tilespmem:$0x19000] =	vst v63  }
0x6d: {  	s11 =	simm.s32 $0xB800  }
0x6e: {  	[tilespmem:s11], [sflag:$0x2] =	stream.indirect_vreg.gather [hbm4b:s6+s3], $0x80, v3, vm0, $0xb8;
	[tilespmem:$0x19000] =	vst v63  }
0x6f: {  	s26 =	simm.s32 $0xC000  }
0x70: {  	[tilespmem:s26], [sflag:$0x2] =	stream.indirect_vreg.gather [hbm4b:s7+s3], $0x80, v3, vm0, $0xb8;
	[tilespmem:$0x19000] =	vst v63  }
0x71: {  	s28 =	simm.s32 $0xC800  }
0x72: {  	[tilespmem:s28], [sflag:$0x2] =	stream.indirect_vreg.gather [hbm4b:s8+s3], $0x80, v3, vm0, $0xb8;
	[tilespmem:$0x19000] =	vst v63  }
0x73: {  	v3 =	vld [tilespmem:$0x90];
	_ =	sdelay $0x4  }
0x74: {  	v59 =	vshll.u32 v3, $0x3  }
0x75: {  	v3 =	vand.u32 $0x7, v3;
	v4 =	vand.u32 $0xFFFFFFC0, v59  }
0x76: {  	v3 =	vor.u32 v3, v4  }
0x77: {  	v4 =	vperm.xlane v3, v0;
	_ =	sdelay $0x1  }
0x78: {  	v4 =	vadd.s32 v1, v4;
	_ =	sdelay $0x3  }
0x79: {  	s29 =	simm.s32 $0xD000  }
0x7a: {  	[tilespmem:s29], [sflag:$0x2] =	stream.indirect_vreg.gather [hbm4b:s2+s3], $0x80, v4, vm0, $0xb8;
	[tilespmem:$0x19000] =	vst v63  }
0x7b: {  	s11 =	simm.s32 $0xD800;
	v3 =	vperm.xlane v3, v2  }
0x7c: {  	[tilespmem:s11], [sflag:$0x2] =	stream.indirect_vreg.gather [hbm4b:s6+s3], $0x80, v4, vm0, $0xb8;
	[tilespmem:$0x19000] =	vst v63  }
0x7d: {  	s26 =	simm.s32 $0xE000;
	v3 =	vadd.s32 v1, v3  }
0x7e: {  	[tilespmem:s26], [sflag:$0x2] =	stream.indirect_vreg.gather [hbm4b:s7+s3], $0x80, v4, vm0, $0xb8;
	[tilespmem:$0x19000] =	vst v63  }
0x7f: {  	s28 =	simm.s32 $0xE800  }
0x80: {  	[tilespmem:s28], [sflag:$0x2] =	stream.indirect_vreg.gather [hbm4b:s8+s3], $0x80, v4, vm0, $0xb8;
	[tilespmem:$0x19000] =	vst v63  }
0x81: {  	s29 =	simm.s32 $0xF000  }
0x82: {  	[tilespmem:s29], [sflag:$0x2] =	stream.indirect_vreg.gather [hbm4b:s2+s3], $0x80, v3, vm0, $0xb8;
	[tilespmem:$0x19000] =	vst v63  }
0x83: {  	s11 =	simm.s32 $0xF800  }
0x84: {  	[tilespmem:s11], [sflag:$0x2] =	stream.indirect_vreg.gather [hbm4b:s6+s3], $0x80, v3, vm0, $0xb8;
	[tilespmem:$0x19000] =	vst v63  }
0x85: {  	s26 =	simm.s32 $0x10000  }
0x86: {  	[tilespmem:s26], [sflag:$0x2] =	stream.indirect_vreg.gather [hbm4b:s7+s3], $0x80, v3, vm0, $0xb8;
	[tilespmem:$0x19000] =	vst v63  }
0x87: {  	s29 =	sld [smem:$0x7FD];
	s11 =	simm.s32 $0x10800  }
0x88: {  	[tilespmem:s11], [sflag:$0x2] =	stream.indirect_vreg.gather [hbm4b:s8+s3], $0x80, v3, vm0, $0xb8;
	[tilespmem:$0x19000] =	vst v63  }
0x89: {  	s28 =	rddreg [dreg:$0x4]  }
0x8a: {  	[tilespmem:s29], [sflag:$0x7] =	stream.linear.gather [hbm4b:s28+s3], $0xC00, $0x38;
	[tilespmem:$0x19000] =	vst v63  }
0x8b: {  	_ =	swait.ge [sflag:s30], $0xC00  }
0x8c: {  	[sflag:s30] =	ssyncset.done $0x0  }
0x8d: {  	[sflag:s30] =	ssyncadd.s32 $0xFFFFF400  }
0x8e: {  	v3 =	vld [tilespmem:$0x100];
	_ =	sdelay $0x4  }
0x8f: {  	v60 =	vshll.u32 v3, $0x3  }
0x90: {  	v3 =	vand.u32 $0x7, v3;
	v4 =	vand.u32 $0xFFFFFFC0, v60  }
0x91: {  	v3 =	vor.u32 v3, v4  }
0x92: {  	v4 =	vperm.xlane v3, v0;
	_ =	sdelay $0x1  }
0x93: {  	v4 =	vadd.s32 v1, v4;
	_ =	sdelay $0x3  }
0x94: {  	s28 =	simm.s32 $0x11000  }
0x95: {  	[tilespmem:s28], [sflag:$0x3] =	stream.indirect_vreg.gather [hbm4b:s2+s3], $0x80, v4, vm0, $0xb8;
	[tilespmem:$0x19000] =	vst v63  }
0x96: {  	s29 =	simm.s32 $0x11800;
	v3 =	vperm.xlane v3, v2  }
0x97: {  	[tilespmem:s29], [sflag:$0x3] =	stream.indirect_vreg.gather [hbm4b:s6+s3], $0x80, v4, vm0, $0xb8;
	[tilespmem:$0x19000] =	vst v63  }
0x98: {  	s30 =	simm.s32 $0x12000;
	v3 =	vadd.s32 v1, v3  }
0x99: {  	[tilespmem:s30], [sflag:$0x3] =	stream.indirect_vreg.gather [hbm4b:s7+s3], $0x80, v4, vm0, $0xb8;
	[tilespmem:$0x19000] =	vst v63  }
0x9a: {  	s11 =	simm.s32 $0x12800  }
0x9b: {  	[tilespmem:s11], [sflag:$0x3] =	stream.indirect_vreg.gather [hbm4b:s8+s3], $0x80, v4, vm0, $0xb8;
	[tilespmem:$0x19000] =	vst v63  }
0x9c: {  	s26 =	simm.s32 $0x13000  }
0x9d: {  	[tilespmem:s26], [sflag:$0x3] =	stream.indirect_vreg.gather [hbm4b:s2+s3], $0x80, v3, vm0, $0xb8;
	[tilespmem:$0x19000] =	vst v63  }
0x9e: {  	s29 =	simm.s32 $0x13800  }
0x9f: {  	[tilespmem:s29], [sflag:$0x3] =	stream.indirect_vreg.gather [hbm4b:s6+s3], $0x80, v3, vm0, $0xb8;
	[tilespmem:$0x19000] =	vst v63  }
0xa0: {  	s30 =	simm.s32 $0x14000  }
0xa1: {  	[tilespmem:s30], [sflag:$0x3] =	stream.indirect_vreg.gather [hbm4b:s7+s3], $0x80, v3, vm0, $0xb8;
	[tilespmem:$0x19000] =	vst v63  }
0xa2: {  	s11 =	simm.s32 $0x14800  }
0xa3: {  	[tilespmem:s11], [sflag:$0x3] =	stream.indirect_vreg.gather [hbm4b:s8+s3], $0x80, v3, vm0, $0xb8;
	[tilespmem:$0x19000] =	vst v63  }
0xa4: {  	v3 =	vld [tilespmem:$0x110];
	_ =	sdelay $0x4  }
0xa5: {  	v61 =	vshll.u32 v3, $0x3  }
0xa6: {  	v3 =	vand.u32 $0x7, v3;
	v4 =	vand.u32 $0xFFFFFFC0, v61  }
0xa7: {  	v3 =	vor.u32 v3, v4  }
0xa8: {  	v4 =	vperm.xlane v3, v0;
	_ =	sdelay $0x1  }
0xa9: {  	v4 =	vadd.s32 v1, v4;
	_ =	sdelay $0x3  }
0xaa: {  	s26 =	simm.s32 $0x15000  }
0xab: {  	[tilespmem:s26], [sflag:$0x3] =	stream.indirect_vreg.gather [hbm4b:s2+s3], $0x80, v4, vm0, $0xb8;
	[tilespmem:$0x19000] =	vst v63  }
0xac: {  	s29 =	simm.s32 $0x15800;
	v3 =	vperm.xlane v3, v2  }
0xad: {  	[tilespmem:s29], [sflag:$0x3] =	stream.indirect_vreg.gather [hbm4b:s6+s3], $0x80, v4, vm0, $0xb8;
	[tilespmem:$0x19000] =	vst v63  }
0xae: {  	s11 =	simm.s32 $0x16000;
	v3 =	vadd.s32 v1, v3  }
0xaf: {  	[tilespmem:s11], [sflag:$0x3] =	stream.indirect_vreg.gather [hbm4b:s7+s3], $0x80, v4, vm0, $0xb8;
	[tilespmem:$0x19000] =	vst v63  }
0xb0: {  	s26 =	simm.s32 $0x16800  }
0xb1: {  	[tilespmem:s26], [sflag:$0x3] =	stream.indirect_vreg.gather [hbm4b:s8+s3], $0x80, v4, vm0, $0xb8;
	[tilespmem:$0x19000] =	vst v63  }
0xb2: {  	s29 =	simm.s32 $0x17000  }
0xb3: {  	[tilespmem:s29], [sflag:$0x3] =	stream.indirect_vreg.gather [hbm4b:s2+s3], $0x80, v3, vm0, $0xb8;
	[tilespmem:$0x19000] =	vst v63  }
0xb4: {  	s11 =	simm.s32 $0x17800  }
0xb5: {  	[tilespmem:s11], [sflag:$0x3] =	stream.indirect_vreg.gather [hbm4b:s6+s3], $0x80, v3, vm0, $0xb8;
	[tilespmem:$0x19000] =	vst v63  }
0xb6: {  	s26 =	simm.s32 $0x18000  }
0xb7: {  	[tilespmem:s26], [sflag:$0x3] =	stream.indirect_vreg.gather [hbm4b:s7+s3], $0x80, v3, vm0, $0xb8;
	[tilespmem:$0x19000] =	vst v63  }
0xb8: {  	s29 =	simm.s32 $0x18800  }
0xb9: {  	[tilespmem:s29], [sflag:$0x3] =	stream.indirect_vreg.gather [hbm4b:s8+s3], $0x80, v3, vm0, $0xb8;
	[tilespmem:$0x19000] =	vst v63  }
0xba: {  	_ =	swait.ge [sflag:s20], $0x8000  }
0xbb: {  	s0 =	sld [smem:$0x7FB]  }
0xbc: {  	[sflag:s20] =	ssyncset.done $0x0  }
0xbd: {  	s11 =	simm.s32 $0x1000;
	[sflag:s20] =	ssyncadd.s32 $0xFFFF8000  }
0xbe: {  	[hbm4b:s0+s3] =	stream.linear.scatter [tilespmem:s11], [sflag:$0x4], $0x8000, $0x38;
	[tilespmem:$0x19000] =	vst v63  }
0xbf: {  	_ =	swait.ge [sflag:s21], $0x8000  }
0xc0: {  	[sflag:s21] =	ssyncset.done $0x0  }
0xc1: {  	[sflag:s21] =	ssyncadd.s32 $0xFFFF8000  }
0xc2: {  	v3 =	vld [tilespmem:$0x180];
	_ =	sdelay $0x4  }
0xc3: {  	v62 =	vshll.u32 v3, $0x3  }
0xc4: {  	v3 =	vand.u32 $0x7, v3;
	v4 =	vand.u32 $0xFFFFFFC0, v62  }
0xc5: {  	v3 =	vor.u32 v3, v4  }
0xc6: {  	v4 =	vperm.xlane v3, v0;
	_ =	sdelay $0x1  }
0xc7: {  	v4 =	vadd.s32 v1, v4;
	_ =	sdelay $0x4  }
0xc8: {  	[tilespmem:s11], [sflag:$0x1] =	stream.indirect_vreg.gather [hbm4b:s2+s3], $0x80, v4, vm0, $0xb8;
	[tilespmem:$0x19000] =	vst v63  }
0xc9: {  	s17 =	simm.s32 $0x1800;
	v3 =	vperm.xlane v3, v2  }
0xca: {  	[tilespmem:s17], [sflag:$0x1] =	stream.indirect_vreg.gather [hbm4b:s6+s3], $0x80, v4, vm0, $0xb8;
	[tilespmem:$0x19000] =	vst v63  }
0xcb: {  	s1 =	simm.s32 $0x2000;
	v3 =	vadd.s32 v1, v3  }
0xcc: {  	[tilespmem:s1], [sflag:$0x1] =	stream.indirect_vreg.gather [hbm4b:s7+s3], $0x80, v4, vm0, $0xb8;
	[tilespmem:$0x19000] =	vst v63  }
0xcd: {  	s4 =	simm.s32 $0x2800  }
0xce: {  	[tilespmem:s4], [sflag:$0x1] =	stream.indirect_vreg.gather [hbm4b:s8+s3], $0x80, v4, vm0, $0xb8;
	[tilespmem:$0x19000] =	vst v63  }
0xcf: {  	s5 =	simm.s32 $0x3000  }
0xd0: {  	[tilespmem:s5], [sflag:$0x1] =	stream.indirect_vreg.gather [hbm4b:s2+s3], $0x80, v3, vm0, $0xb8;
	[tilespmem:$0x19000] =	vst v63  }
0xd1: {  	s9 =	simm.s32 $0x3800  }
0xd2: {  	[tilespmem:s9], [sflag:$0x1] =	stream.indirect_vreg.gather [hbm4b:s6+s3], $0x80, v3, vm0, $0xb8;
	[tilespmem:$0x19000] =	vst v63  }
0xd3: {  	s10 =	simm.s32 $0x4000  }
0xd4: {  	[tilespmem:s10], [sflag:$0x1] =	stream.indirect_vreg.gather [hbm4b:s7+s3], $0x80, v3, vm0, $0xb8;
	[tilespmem:$0x19000] =	vst v63  }
0xd5: {  	s18 =	simm.s32 $0x4800  }
0xd6: {  	[tilespmem:s18], [sflag:$0x1] =	stream.indirect_vreg.gather [hbm4b:s8+s3], $0x80, v3, vm0, $0xb8;
	[tilespmem:$0x19000] =	vst v63  }
0xd7: {  	v3 =	vld [tilespmem:$0x190];
	_ =	sdelay $0x4  }
0xd8: {  	v63 =	vshll.u32 v3, $0x3  }
0xd9: {  	v3 =	vand.u32 $0x7, v3;
	v4 =	vand.u32 $0xFFFFFFC0, v63  }
0xda: {  	v3 =	vor.u32 v3, v4  }
0xdb: {  	v4 =	vperm.xlane v3, v0;
	_ =	sdelay $0x1  }
0xdc: {  	v4 =	vadd.s32 v1, v4;
	_ =	sdelay $0x3  }
0xdd: {  	s19 =	simm.s32 $0x5000  }
0xde: {  	[tilespmem:s19], [sflag:$0x1] =	stream.indirect_vreg.gather [hbm4b:s2+s3], $0x80, v4, vm0, $0xb8;
	[tilespmem:$0x19000] =	vst v63  }
0xdf: {  	s31 =	simm.s32 $0x5800;
	v3 =	vperm.xlane v3, v2  }
0xe0: {  	[tilespmem:s31], [sflag:$0x1] =	stream.indirect_vreg.gather [hbm4b:s6+s3], $0x80, v4, vm0, $0xb8;
	[tilespmem:$0x19000] =	vst v63  }
0xe1: {  	s12 =	simm.s32 $0x6000;
	v3 =	vadd.s32 v1, v3  }
0xe2: {  	[tilespmem:s12], [sflag:$0x1] =	stream.indirect_vreg.gather [hbm4b:s7+s3], $0x80, v4, vm0, $0xb8;
	[tilespmem:$0x19000] =	vst v63  }
0xe3: {  	s13 =	simm.s32 $0x6800  }
0xe4: {  	[tilespmem:s13], [sflag:$0x1] =	stream.indirect_vreg.gather [hbm4b:s8+s3], $0x80, v4, vm0, $0xb8;
	[tilespmem:$0x19000] =	vst v63  }
0xe5: {  	s14 =	simm.s32 $0x7000  }
0xe6: {  	[tilespmem:s14], [sflag:$0x1] =	stream.indirect_vreg.gather [hbm4b:s2+s3], $0x80, v3, vm0, $0xb8;
	[tilespmem:$0x19000] =	vst v63  }
0xe7: {  	s15 =	simm.s32 $0x7800  }
0xe8: {  	[tilespmem:s15], [sflag:$0x1] =	stream.indirect_vreg.gather [hbm4b:s6+s3], $0x80, v3, vm0, $0xb8;
	[tilespmem:$0x19000] =	vst v63  }
0xe9: {  	s16 =	simm.s32 $0x8000  }
0xea: {  	[tilespmem:s16], [sflag:$0x1] =	stream.indirect_vreg.gather [hbm4b:s7+s3], $0x80, v3, vm0, $0xb8;
	[tilespmem:$0x19000] =	vst v63  }
0xeb: {  	s4 =	simm.s32 $0x8800  }
0xec: {  	[tilespmem:s4], [sflag:$0x1] =	stream.indirect_vreg.gather [hbm4b:s8+s3], $0x80, v3, vm0, $0xb8;
	[tilespmem:$0x19000] =	vst v63  }
0xed: {  	_ =	swait.ge [sflag:s22], $0x8000  }
0xee: {  	[sflag:s22] =	ssyncset.done $0x0  }
0xef: {  	s19 =	simm.s32 $0x9000;
	s18 =	rddreg [dreg:$0x5];
	[sflag:s22] =	ssyncadd.s32 $0xFFFF8000  }
0xf0: {  	[hbm4b:s18+s3] =	stream.linear.scatter [tilespmem:s19], [sflag:$0x5], $0x8000, $0x38;
	[tilespmem:$0x19000] =	vst v63  }
0xf1: {  	_ =	swait.ge [sflag:s23], $0x8000  }
0xf2: {  	[sflag:s23] =	ssyncset.done $0x0  }
0xf3: {  	[sflag:s23] =	ssyncadd.s32 $0xFFFF8000  }
0xf4: {  	v3 =	vld [tilespmem:$0x200];
	_ =	sdelay $0x4  }
0xf5: {  	v8 =	vshll.u32 v3, $0x3  }
0xf6: {  	v3 =	vand.u32 $0x7, v3;
	v4 =	vand.u32 $0xFFFFFFC0, v8  }
0xf7: {  	v3 =	vor.u32 v3, v4  }
0xf8: {  	v4 =	vperm.xlane v3, v0;
	_ =	sdelay $0x1  }
0xf9: {  	v4 =	vadd.s32 v1, v4;
	_ =	sdelay $0x4  }
0xfa: {  	[tilespmem:s19], [sflag:$0x2] =	stream.indirect_vreg.gather [hbm4b:s2+s3], $0x80, v4, vm0, $0xb8;
	[tilespmem:$0x19000] =	vst v63  }
0xfb: {  	s15 =	simm.s32 $0x9800;
	v3 =	vperm.xlane v3, v2  }
0xfc: {  	[tilespmem:s15], [sflag:$0x2] =	stream.indirect_vreg.gather [hbm4b:s6+s3], $0x80, v4, vm0, $0xb8;
	[tilespmem:$0x19000] =	vst v63  }
0xfd: {  	s11 =	simm.s32 $0xA000;
	v3 =	vadd.s32 v1, v3  }
0xfe: {  	[tilespmem:s11], [sflag:$0x2] =	stream.indirect_vreg.gather [hbm4b:s7+s3], $0x80, v4, vm0, $0xb8;
	[tilespmem:$0x19000] =	vst v63  }
0xff: {  	s1 =	simm.s32 $0xA800  }
0x100: {  	[tilespmem:s1], [sflag:$0x2] =	stream.indirect_vreg.gather [hbm4b:s8+s3], $0x80, v4, vm0, $0xb8;
	[tilespmem:$0x19000] =	vst v63  }
0x101: {  	s29 =	simm.s32 $0xB000  }
0x102: {  	[tilespmem:s29], [sflag:$0x2] =	stream.indirect_vreg.gather [hbm4b:s2+s3], $0x80, v3, vm0, $0xb8;
	[tilespmem:$0x19000] =	vst v63  }
0x103: {  	s5 =	simm.s32 $0xB800  }
0x104: {  	[tilespmem:s5], [sflag:$0x2] =	stream.indirect_vreg.gather [hbm4b:s6+s3], $0x80, v3, vm0, $0xb8;
	[tilespmem:$0x19000] =	vst v63  }
0x105: {  	s9 =	simm.s32 $0xC000  }
0x106: {  	[tilespmem:s9], [sflag:$0x2] =	stream.indirect_vreg.gather [hbm4b:s7+s3], $0x80, v3, vm0, $0xb8;
	[tilespmem:$0x19000] =	vst v63  }
0x107: {  	s16 =	simm.s32 $0xC800  }
0x108: {  	[tilespmem:s16], [sflag:$0x2] =	stream.indirect_vreg.gather [hbm4b:s8+s3], $0x80, v3, vm0, $0xb8;
	[tilespmem:$0x19000] =	vst v63  }
0x109: {  	v3 =	vld [tilespmem:$0x210];
	_ =	sdelay $0x4  }
0x10a: {  	v9 =	vshll.u32 v3, $0x3  }
0x10b: {  	v3 =	vand.u32 $0x7, v3;
	v4 =	vand.u32 $0xFFFFFFC0, v9  }
0x10c: {  	v3 =	vor.u32 v3, v4  }
0x10d: {  	v4 =	vperm.xlane v3, v0;
	_ =	sdelay $0x1  }
0x10e: {  	v4 =	vadd.s32 v1, v4;
	_ =	sdelay $0x3  }
0x10f: {  	s17 =	simm.s32 $0xD000  }
0x110: {  	[tilespmem:s17], [sflag:$0x2] =	stream.indirect_vreg.gather [hbm4b:s2+s3], $0x80, v4, vm0, $0xb8;
	[tilespmem:$0x19000] =	vst v63  }
0x111: {  	s18 =	simm.s32 $0xD800;
	v3 =	vperm.xlane v3, v2  }
0x112: {  	[tilespmem:s18], [sflag:$0x2] =	stream.indirect_vreg.gather [hbm4b:s6+s3], $0x80, v4, vm0, $0xb8;
	[tilespmem:$0x19000] =	vst v63  }
0x113: {  	s10 =	simm.s32 $0xE000;
	v3 =	vadd.s32 v1, v3  }
0x114: {  	[tilespmem:s10], [sflag:$0x2] =	stream.indirect_vreg.gather [hbm4b:s7+s3], $0x80, v4, vm0, $0xb8;
	[tilespmem:$0x19000] =	vst v63  }
0x115: {  	s12 =	simm.s32 $0xE800  }
0x116: {  	[tilespmem:s12], [sflag:$0x2] =	stream.indirect_vreg.gather [hbm4b:s8+s3], $0x80, v4, vm0, $0xb8;
	[tilespmem:$0x19000] =	vst v63  }
0x117: {  	s13 =	simm.s32 $0xF000  }
0x118: {  	[tilespmem:s13], [sflag:$0x2] =	stream.indirect_vreg.gather [hbm4b:s2+s3], $0x80, v3, vm0, $0xb8;
	[tilespmem:$0x19000] =	vst v63  }
0x119: {  	s14 =	simm.s32 $0xF800  }
0x11a: {  	[tilespmem:s14], [sflag:$0x2] =	stream.indirect_vreg.gather [hbm4b:s6+s3], $0x80, v3, vm0, $0xb8;
	[tilespmem:$0x19000] =	vst v63  }
0x11b: {  	s31 =	simm.s32 $0x10000  }
0x11c: {  	[tilespmem:s31], [sflag:$0x2] =	stream.indirect_vreg.gather [hbm4b:s7+s3], $0x80, v3, vm0, $0xb8;
	[tilespmem:$0x19000] =	vst v63  }
0x11d: {  	s19 =	simm.s32 $0x10800  }
0x11e: {  	[tilespmem:s19], [sflag:$0x2] =	stream.indirect_vreg.gather [hbm4b:s8+s3], $0x80, v3, vm0, $0xb8;
	[tilespmem:$0x19000] =	vst v63  }
0x11f: {  	_ =	swait.ge [sflag:s24], $0x8000  }
0x120: {  	[sflag:s24] =	ssyncset.done $0x0  }
0x121: {  	s0 =	simm.s32 $0x11000;
	s26 =	rddreg [dreg:$0x6];
	[sflag:s24] =	ssyncadd.s32 $0xFFFF8000  }
0x122: {  	[hbm4b:s26+s3] =	stream.linear.scatter [tilespmem:s0], [sflag:$0x6], $0x8000, $0x38;
	[tilespmem:$0x19000] =	vst v63  }
0x123: {  	_ =	swait.ge [sflag:s25], $0x8000  }
0x124: {  	[sflag:s25] =	ssyncset.done $0x0  }
0x125: {  	[sflag:s25] =	ssyncadd.s32 $0xFFFF8000  }
0x126: {  	v3 =	vld [tilespmem:$0x280];
	_ =	sdelay $0x4  }
0x127: {  	v10 =	vshll.u32 v3, $0x3  }
0x128: {  	v3 =	vand.u32 $0x7, v3;
	v4 =	vand.u32 $0xFFFFFFC0, v10  }
0x129: {  	v3 =	vor.u32 v3, v4  }
0x12a: {  	v4 =	vperm.xlane v3, v0;
	_ =	sdelay $0x1  }
0x12b: {  	v4 =	vadd.s32 v1, v4;
	_ =	sdelay $0x4  }
0x12c: {  	[tilespmem:s0], [sflag:$0x3] =	stream.indirect_vreg.gather [hbm4b:s2+s3], $0x80, v4, vm0, $0xb8;
	[tilespmem:$0x19000] =	vst v63  }
0x12d: {  	s28 =	simm.s32 $0x11800;
	v3 =	vperm.xlane v3, v2  }
0x12e: {  	[tilespmem:s28], [sflag:$0x3] =	stream.indirect_vreg.gather [hbm4b:s6+s3], $0x80, v4, vm0, $0xb8;
	[tilespmem:$0x19000] =	vst v63  }
0x12f: {  	v3 =	vadd.s32 v1, v3;
	s28 =	simm.s32 $0x12000  }
0x130: {  	[tilespmem:s28], [sflag:$0x3] =	stream.indirect_vreg.gather [hbm4b:s7+s3], $0x80, v4, vm0, $0xb8;
	[tilespmem:$0x19000] =	vst v63  }
0x131: {  	s26 =	simm.s32 $0x12800  }
0x132: {  	[tilespmem:s26], [sflag:$0x3] =	stream.indirect_vreg.gather [hbm4b:s8+s3], $0x80, v4, vm0, $0xb8;
	[tilespmem:$0x19000] =	vst v63  }
0x133: {  	s26 =	simm.s32 $0x13000  }
0x134: {  	[tilespmem:s26], [sflag:$0x3] =	stream.indirect_vreg.gather [hbm4b:s2+s3], $0x80, v3, vm0, $0xb8;
	[tilespmem:$0x19000] =	vst v63  }
0x135: {  	s26 =	simm.s32 $0x13800  }
0x136: {  	[tilespmem:s26], [sflag:$0x3] =	stream.indirect_vreg.gather [hbm4b:s6+s3], $0x80, v3, vm0, $0xb8;
	[tilespmem:$0x19000] =	vst v63  }
0x137: {  	s26 =	simm.s32 $0x14000  }
0x138: {  	[tilespmem:s26], [sflag:$0x3] =	stream.indirect_vreg.gather [hbm4b:s7+s3], $0x80, v3, vm0, $0xb8;
	[tilespmem:$0x19000] =	vst v63  }
0x139: {  	s30 =	simm.s32 $0x14800  }
0x13a: {  	[tilespmem:s30], [sflag:$0x3] =	stream.indirect_vreg.gather [hbm4b:s8+s3], $0x80, v3, vm0, $0xb8;
	[tilespmem:$0x19000] =	vst v63  }
0x13b: {  	v3 =	vld [tilespmem:$0x290];
	_ =	sdelay $0x4  }
0x13c: {  	v11 =	vshll.u32 v3, $0x3  }
0x13d: {  	v3 =	vand.u32 $0x7, v3;
	v4 =	vand.u32 $0xFFFFFFC0, v11  }
0x13e: {  	v3 =	vor.u32 v3, v4  }
0x13f: {  	v4 =	vperm.xlane v3, v0;
	_ =	sdelay $0x1  }
0x140: {  	v4 =	vadd.s32 v1, v4;
	_ =	sdelay $0x3  }
0x141: {  	s30 =	simm.s32 $0x15000  }
0x142: {  	[tilespmem:s30], [sflag:$0x3] =	stream.indirect_vreg.gather [hbm4b:s2+s3], $0x80, v4, vm0, $0xb8;
	[tilespmem:$0x19000] =	vst v63  }
0x143: {  	s26 =	simm.s32 $0x15800;
	v3 =	vperm.xlane v3, v2  }
0x144: {  	[tilespmem:s26], [sflag:$0x3] =	stream.indirect_vreg.gather [hbm4b:s6+s3], $0x80, v4, vm0, $0xb8;
	[tilespmem:$0x19000] =	vst v63  }
0x145: {  	v3 =	vadd.s32 v1, v3;
	s30 =	simm.s32 $0x16000  }
0x146: {  	[tilespmem:s30], [sflag:$0x3] =	stream.indirect_vreg.gather [hbm4b:s7+s3], $0x80, v4, vm0, $0xb8;
	[tilespmem:$0x19000] =	vst v63  }
0x147: {  	s30 =	simm.s32 $0x16800  }
0x148: {  	[tilespmem:s30], [sflag:$0x3] =	stream.indirect_vreg.gather [hbm4b:s8+s3], $0x80, v4, vm0, $0xb8;
	[tilespmem:$0x19000] =	vst v63  }
0x149: {  	s26 =	simm.s32 $0x17000  }
0x14a: {  	[tilespmem:s26], [sflag:$0x3] =	stream.indirect_vreg.gather [hbm4b:s2+s3], $0x80, v3, vm0, $0xb8;
	[tilespmem:$0x19000] =	vst v63  }
0x14b: {  	s26 =	simm.s32 $0x17800  }
0x14c: {  	[tilespmem:s26], [sflag:$0x3] =	stream.indirect_vreg.gather [hbm4b:s6+s3], $0x80, v3, vm0, $0xb8;
	[tilespmem:$0x19000] =	vst v63  }
0x14d: {  	s26 =	simm.s32 $0x18000  }
0x14e: {  	[tilespmem:s26], [sflag:$0x3] =	stream.indirect_vreg.gather [hbm4b:s7+s3], $0x80, v3, vm0, $0xb8;
	[tilespmem:$0x19000] =	vst v63  }
0x14f: {  	s26 =	simm.s32 $0x18800  }
0x150: {  	[tilespmem:s26], [sflag:$0x3] =	stream.indirect_vreg.gather [hbm4b:s8+s3], $0x80, v3, vm0, $0xb8;
	[tilespmem:$0x19000] =	vst v63  }
0x151: {  	_ =	swait.ge [sflag:s20], $0x8000  }
0x152: {  	[sflag:s20] =	ssyncset.done $0x0  }
0x153: {  	s0 =	simm.s32 $0x1000;
	s26 =	rddreg [dreg:$0x7];
	[sflag:s20] =	ssyncadd.s32 $0xFFFF8000  }
0x154: {  	[hbm4b:s26+s3] =	stream.linear.scatter [tilespmem:s0], [sflag:$0x4], $0x8000, $0x38;
	[tilespmem:$0x19000] =	vst v63  }
0x155: {  	_ =	swait.ge [sflag:s21], $0x8000  }
0x156: {  	[sflag:s21] =	ssyncset.done $0x0  }
0x157: {  	[sflag:s21] =	ssyncadd.s32 $0xFFFF8000  }
0x158: {  	v3 =	vld [tilespmem:$0x300];
	_ =	sdelay $0x4  }
0x159: {  	v12 =	vshll.u32 v3, $0x3  }
0x15a: {  	v3 =	vand.u32 $0x7, v3;
	v4 =	vand.u32 $0xFFFFFFC0, v12  }
0x15b: {  	v3 =	vor.u32 v3, v4  }
0x15c: {  	v4 =	vperm.xlane v3, v0;
	_ =	sdelay $0x1  }
0x15d: {  	v4 =	vadd.s32 v1, v4;
	_ =	sdelay $0x4  }
0x15e: {  	[tilespmem:s0], [sflag:$0x1] =	stream.indirect_vreg.gather [hbm4b:s2+s3], $0x80, v4, vm0, $0xb8;
	[tilespmem:$0x19000] =	vst v63  }
0x15f: {  	s26 =	simm.s32 $0x1800;
	v3 =	vperm.xlane v3, v2  }
0x160: {  	[tilespmem:s26], [sflag:$0x1] =	stream.indirect_vreg.gather [hbm4b:s6+s3], $0x80, v4, vm0, $0xb8;
	[tilespmem:$0x19000] =	vst v63  }
0x161: {  	v3 =	vadd.s32 v1, v3;
	s26 =	simm.s32 $0x2000  }
0x162: {  	[tilespmem:s26], [sflag:$0x1] =	stream.indirect_vreg.gather [hbm4b:s7+s3], $0x80, v4, vm0, $0xb8;
	[tilespmem:$0x19000] =	vst v63  }
0x163: {  	s26 =	simm.s32 $0x2800  }
0x164: {  	[tilespmem:s26], [sflag:$0x1] =	stream.indirect_vreg.gather [hbm4b:s8+s3], $0x80, v4, vm0, $0xb8;
	[tilespmem:$0x19000] =	vst v63  }
0x165: {  	s26 =	simm.s32 $0x3000  }
0x166: {  	[tilespmem:s26], [sflag:$0x1] =	stream.indirect_vreg.gather [hbm4b:s2+s3], $0x80, v3, vm0, $0xb8;
	[tilespmem:$0x19000] =	vst v63  }
0x167: {  	s26 =	simm.s32 $0x3800  }
0x168: {  	[tilespmem:s26], [sflag:$0x1] =	stream.indirect_vreg.gather [hbm4b:s6+s3], $0x80, v3, vm0, $0xb8;
	[tilespmem:$0x19000] =	vst v63  }
0x169: {  	s26 =	simm.s32 $0x4000  }
0x16a: {  	[tilespmem:s26], [sflag:$0x1] =	stream.indirect_vreg.gather [hbm4b:s7+s3], $0x80, v3, vm0, $0xb8;
	[tilespmem:$0x19000] =	vst v63  }
0x16b: {  	s26 =	simm.s32 $0x4800  }
0x16c: {  	[tilespmem:s26], [sflag:$0x1] =	stream.indirect_vreg.gather [hbm4b:s8+s3], $0x80, v3, vm0, $0xb8;
	[tilespmem:$0x19000] =	vst v63  }
0x16d: {  	v3 =	vld [tilespmem:$0x310];
	_ =	sdelay $0x4  }
0x16e: {  	v13 =	vshll.u32 v3, $0x3  }
0x16f: {  	v3 =	vand.u32 $0x7, v3;
	v4 =	vand.u32 $0xFFFFFFC0, v13  }
0x170: {  	v3 =	vor.u32 v3, v4  }
0x171: {  	v4 =	vperm.xlane v3, v0;
	_ =	sdelay $0x1  }
0x172: {  	v4 =	vadd.s32 v1, v4;
	_ =	sdelay $0x3  }
0x173: {  	s26 =	simm.s32 $0x5000  }
0x174: {  	[tilespmem:s26], [sflag:$0x1] =	stream.indirect_vreg.gather [hbm4b:s2+s3], $0x80, v4, vm0, $0xb8;
	[tilespmem:$0x19000] =	vst v63  }
0x175: {  	v3 =	vperm.xlane v3, v2;
	s26 =	simm.s32 $0x5800  }
0x176: {  	[tilespmem:s26], [sflag:$0x1] =	stream.indirect_vreg.gather [hbm4b:s6+s3], $0x80, v4, vm0, $0xb8;
	[tilespmem:$0x19000] =	vst v63  }
0x177: {  	v3 =	vadd.s32 v1, v3;
	s26 =	simm.s32 $0x6000  }
0x178: {  	[tilespmem:s26], [sflag:$0x1] =	stream.indirect_vreg.gather [hbm4b:s7+s3], $0x80, v4, vm0, $0xb8;
	[tilespmem:$0x19000] =	vst v63  }
0x179: {  	s26 =	simm.s32 $0x6800  }
0x17a: {  	[tilespmem:s26], [sflag:$0x1] =	stream.indirect_vreg.gather [hbm4b:s8+s3], $0x80, v4, vm0, $0xb8;
	[tilespmem:$0x19000] =	vst v63  }
0x17b: {  	s26 =	simm.s32 $0x7000  }
0x17c: {  	[tilespmem:s26], [sflag:$0x1] =	stream.indirect_vreg.gather [hbm4b:s2+s3], $0x80, v3, vm0, $0xb8;
	[tilespmem:$0x19000] =	vst v63  }
0x17d: {  	s26 =	simm.s32 $0x7800  }
0x17e: {  	[tilespmem:s26], [sflag:$0x1] =	stream.indirect_vreg.gather [hbm4b:s6+s3], $0x80, v3, vm0, $0xb8;
	[tilespmem:$0x19000] =	vst v63  }
0x17f: {  	s26 =	simm.s32 $0x8000  }
0x180: {  	[tilespmem:s26], [sflag:$0x1] =	stream.indirect_vreg.gather [hbm4b:s7+s3], $0x80, v3, vm0, $0xb8;
	[tilespmem:$0x19000] =	vst v63  }
0x181: {  	_ = 	snop  }
0x182: {  	[tilespmem:s4], [sflag:$0x1] =	stream.indirect_vreg.gather [hbm4b:s8+s3], $0x80, v3, vm0, $0xb8;
	[tilespmem:$0x19000] =	vst v63  }
0x183: {  	_ =	swait.ge [sflag:s22], $0x8000  }
0x184: {  	[sflag:s22] =	ssyncset.done $0x0  }
0x185: {  	s0 =	simm.s32 $0x9000;
	s26 =	rddreg [dreg:$0x8];
	[sflag:s22] =	ssyncadd.s32 $0xFFFF8000  }
0x186: {  	[hbm4b:s26+s3] =	stream.linear.scatter [tilespmem:s0], [sflag:$0x5], $0x8000, $0x38;
	[tilespmem:$0x19000] =	vst v63  }
0x187: {  	_ =	swait.ge [sflag:s23], $0x8000  }
0x188: {  	[sflag:s23] =	ssyncset.done $0x0  }
0x189: {  	[sflag:s23] =	ssyncadd.s32 $0xFFFF8000  }
0x18a: {  	v3 =	vld [tilespmem:$0x380];
	_ =	sdelay $0x4  }
0x18b: {  	v14 =	vshll.u32 v3, $0x3  }
0x18c: {  	v3 =	vand.u32 $0x7, v3;
	v4 =	vand.u32 $0xFFFFFFC0, v14  }
0x18d: {  	v3 =	vor.u32 v3, v4  }
0x18e: {  	v4 =	vperm.xlane v3, v0;
	_ =	sdelay $0x1  }
0x18f: {  	v4 =	vadd.s32 v1, v4;
	_ =	sdelay $0x4  }
0x190: {  	[tilespmem:s0], [sflag:$0x2] =	stream.indirect_vreg.gather [hbm4b:s2+s3], $0x80, v4, vm0, $0xb8;
	[tilespmem:$0x19000] =	vst v63  }
0x191: {  	v3 =	vperm.xlane v3, v2  }
0x192: {  	[tilespmem:s15], [sflag:$0x2] =	stream.indirect_vreg.gather [hbm4b:s6+s3], $0x80, v4, vm0, $0xb8;
	[tilespmem:$0x19000] =	vst v63  }
0x193: {  	v3 =	vadd.s32 v1, v3  }
0x194: {  	[tilespmem:s11], [sflag:$0x2] =	stream.indirect_vreg.gather [hbm4b:s7+s3], $0x80, v4, vm0, $0xb8;
	[tilespmem:$0x19000] =	vst v63  }
0x195: {  	_ = 	snop  }
0x196: {  	[tilespmem:s1], [sflag:$0x2] =	stream.indirect_vreg.gather [hbm4b:s8+s3], $0x80, v4, vm0, $0xb8;
	[tilespmem:$0x19000] =	vst v63  }
0x197: {  	_ = 	snop  }
0x198: {  	[tilespmem:s29], [sflag:$0x2] =	stream.indirect_vreg.gather [hbm4b:s2+s3], $0x80, v3, vm0, $0xb8;
	[tilespmem:$0x19000] =	vst v63  }
0x199: {  	_ = 	snop  }
0x19a: {  	[tilespmem:s5], [sflag:$0x2] =	stream.indirect_vreg.gather [hbm4b:s6+s3], $0x80, v3, vm0, $0xb8;
	[tilespmem:$0x19000] =	vst v63  }
0x19b: {  	_ = 	snop  }
0x19c: {  	[tilespmem:s9], [sflag:$0x2] =	stream.indirect_vreg.gather [hbm4b:s7+s3], $0x80, v3, vm0, $0xb8;
	[tilespmem:$0x19000] =	vst v63  }
0x19d: {  	_ = 	snop  }
0x19e: {  	[tilespmem:s16], [sflag:$0x2] =	stream.indirect_vreg.gather [hbm4b:s8+s3], $0x80, v3, vm0, $0xb8;
	[tilespmem:$0x19000] =	vst v63  }
0x19f: {  	v3 =	vld [tilespmem:$0x390];
	_ =	sdelay $0x4  }
0x1a0: {  	v15 =	vshll.u32 v3, $0x3  }
0x1a1: {  	v3 =	vand.u32 $0x7, v3;
	v4 =	vand.u32 $0xFFFFFFC0, v15  }
0x1a2: {  	v3 =	vor.u32 v3, v4  }
0x1a3: {  	v4 =	vperm.xlane v3, v0;
	_ =	sdelay $0x1  }
0x1a4: {  	v4 =	vadd.s32 v1, v4;
	_ =	sdelay $0x4  }
0x1a5: {  	[tilespmem:s17], [sflag:$0x2] =	stream.indirect_vreg.gather [hbm4b:s2+s3], $0x80, v4, vm0, $0xb8;
	[tilespmem:$0x19000] =	vst v63  }
0x1a6: {  	v3 =	vperm.xlane v3, v2  }
0x1a7: {  	[tilespmem:s18], [sflag:$0x2] =	stream.indirect_vreg.gather [hbm4b:s6+s3], $0x80, v4, vm0, $0xb8;
	[tilespmem:$0x19000] =	vst v63  }
0x1a8: {  	v3 =	vadd.s32 v1, v3  }
0x1a9: {  	[tilespmem:s10], [sflag:$0x2] =	stream.indirect_vreg.gather [hbm4b:s7+s3], $0x80, v4, vm0, $0xb8;
	[tilespmem:$0x19000] =	vst v63  }
0x1aa: {  	_ = 	snop  }
0x1ab: {  	[tilespmem:s12], [sflag:$0x2] =	stream.indirect_vreg.gather [hbm4b:s8+s3], $0x80, v4, vm0, $0xb8;
	[tilespmem:$0x19000] =	vst v63  }
0x1ac: {  	_ = 	snop  }
0x1ad: {  	[tilespmem:s13], [sflag:$0x2] =	stream.indirect_vreg.gather [hbm4b:s2+s3], $0x80, v3, vm0, $0xb8;
	[tilespmem:$0x19000] =	vst v63  }
0x1ae: {  	_ = 	snop  }
0x1af: {  	[tilespmem:s14], [sflag:$0x2] =	stream.indirect_vreg.gather [hbm4b:s6+s3], $0x80, v3, vm0, $0xb8;
	[tilespmem:$0x19000] =	vst v63  }
0x1b0: {  	_ = 	snop  }
0x1b1: {  	[tilespmem:s31], [sflag:$0x2] =	stream.indirect_vreg.gather [hbm4b:s7+s3], $0x80, v3, vm0, $0xb8;
	[tilespmem:$0x19000] =	vst v63  }
0x1b2: {  	_ = 	snop  }
0x1b3: {  	[tilespmem:s19], [sflag:$0x2] =	stream.indirect_vreg.gather [hbm4b:s8+s3], $0x80, v3, vm0, $0xb8;
	[tilespmem:$0x19000] =	vst v63  }
0x1b4: {  	_ =	swait.ge [sflag:s24], $0x8000  }
0x1b5: {  	[sflag:s24] =	ssyncset.done $0x0  }
0x1b6: {  	s10 =	simm.s32 $0x11000;
	s9 =	rddreg [dreg:$0x9];
	[sflag:s24] =	ssyncadd.s32 $0xFFFF8000  }
0x1b7: {  	[hbm4b:s9+s3] =	stream.linear.scatter [tilespmem:s10], [sflag:$0x6], $0x8000, $0x38;
	[tilespmem:$0x19000] =	vst v63  }
0x1b8: {  	_ =	swait.ge [sflag:s25], $0x8000  }
0x1b9: {  	[sflag:s25] =	ssyncset.done $0x0  }
0x1ba: {  	[sflag:s25] =	ssyncadd.s32 $0xFFFF8000  }
0x1bb: {  	v3 =	vld [tilespmem:$0x400];
	_ =	sdelay $0x4  }
0x1bc: {  	v16 =	vshll.u32 v3, $0x3  }
0x1bd: {  	v3 =	vand.u32 $0x7, v3;
	v4 =	vand.u32 $0xFFFFFFC0, v16  }
0x1be: {  	v3 =	vor.u32 v3, v4  }
0x1bf: {  	v4 =	vperm.xlane v3, v0;
	_ =	sdelay $0x1  }
0x1c0: {  	v4 =	vadd.s32 v1, v4;
	_ =	sdelay $0x4  }
0x1c1: {  	[tilespmem:s10], [sflag:$0x3] =	stream.indirect_vreg.gather [hbm4b:s2+s3], $0x80, v4, vm0, $0xb8;
	[tilespmem:$0x19000] =	vst v63  }
0x1c2: {  	s11 =	simm.s32 $0x11800;
	v3 =	vperm.xlane v3, v2  }
0x1c3: {  	[tilespmem:s11], [sflag:$0x3] =	stream.indirect_vreg.gather [hbm4b:s6+s3], $0x80, v4, vm0, $0xb8;
	[tilespmem:$0x19000] =	vst v63  }
0x1c4: {  	v3 =	vadd.s32 v1, v3  }
0x1c5: {  	[tilespmem:s28], [sflag:$0x3] =	stream.indirect_vreg.gather [hbm4b:s7+s3], $0x80, v4, vm0, $0xb8;
	[tilespmem:$0x19000] =	vst v63  }
0x1c6: {  	s19 =	simm.s32 $0x12800  }
0x1c7: {  	[tilespmem:s19], [sflag:$0x3] =	stream.indirect_vreg.gather [hbm4b:s8+s3], $0x80, v4, vm0, $0xb8;
	[tilespmem:$0x19000] =	vst v63  }
0x1c8: {  	s28 =	simm.s32 $0x13000  }
0x1c9: {  	[tilespmem:s28], [sflag:$0x3] =	stream.indirect_vreg.gather [hbm4b:s2+s3], $0x80, v3, vm0, $0xb8;
	[tilespmem:$0x19000] =	vst v63  }
0x1ca: {  	s29 =	simm.s32 $0x13800  }
0x1cb: {  	[tilespmem:s29], [sflag:$0x3] =	stream.indirect_vreg.gather [hbm4b:s6+s3], $0x80, v3, vm0, $0xb8;
	[tilespmem:$0x19000] =	vst v63  }
0x1cc: {  	s31 =	simm.s32 $0x14000  }
0x1cd: {  	[tilespmem:s31], [sflag:$0x3] =	stream.indirect_vreg.gather [hbm4b:s7+s3], $0x80, v3, vm0, $0xb8;
	[tilespmem:$0x19000] =	vst v63  }
0x1ce: {  	s12 =	simm.s32 $0x14800  }
0x1cf: {  	[tilespmem:s12], [sflag:$0x3] =	stream.indirect_vreg.gather [hbm4b:s8+s3], $0x80, v3, vm0, $0xb8;
	[tilespmem:$0x19000] =	vst v63  }
0x1d0: {  	v3 =	vld [tilespmem:$0x410];
	_ =	sdelay $0x4  }
0x1d1: {  	v17 =	vshll.u32 v3, $0x3  }
0x1d2: {  	v3 =	vand.u32 $0x7, v3;
	v4 =	vand.u32 $0xFFFFFFC0, v17  }
0x1d3: {  	v3 =	vor.u32 v3, v4  }
0x1d4: {  	v4 =	vperm.xlane v3, v0;
	_ =	sdelay $0x1  }
0x1d5: {  	v4 =	vadd.s32 v1, v4;
	_ =	sdelay $0x3  }
0x1d6: {  	s13 =	simm.s32 $0x15000  }
0x1d7: {  	[tilespmem:s13], [sflag:$0x3] =	stream.indirect_vreg.gather [hbm4b:s2+s3], $0x80, v4, vm0, $0xb8;
	[tilespmem:$0x19000] =	vst v63  }
0x1d8: {  	s14 =	simm.s32 $0x15800;
	v3 =	vperm.xlane v3, v2  }
0x1d9: {  	[tilespmem:s14], [sflag:$0x3] =	stream.indirect_vreg.gather [hbm4b:s6+s3], $0x80, v4, vm0, $0xb8;
	[tilespmem:$0x19000] =	vst v63  }
0x1da: {  	s18 =	simm.s32 $0x16000;
	v3 =	vadd.s32 v1, v3  }
0x1db: {  	[tilespmem:s18], [sflag:$0x3] =	stream.indirect_vreg.gather [hbm4b:s7+s3], $0x80, v4, vm0, $0xb8;
	[tilespmem:$0x19000] =	vst v63  }
0x1dc: {  	_ = 	snop  }
0x1dd: {  	[tilespmem:s30], [sflag:$0x3] =	stream.indirect_vreg.gather [hbm4b:s8+s3], $0x80, v4, vm0, $0xb8;
	[tilespmem:$0x19000] =	vst v63  }
0x1de: {  	s26 =	simm.s32 $0x17000  }
0x1df: {  	[tilespmem:s26], [sflag:$0x3] =	stream.indirect_vreg.gather [hbm4b:s2+s3], $0x80, v3, vm0, $0xb8;
	[tilespmem:$0x19000] =	vst v63  }
0x1e0: {  	s30 =	simm.s32 $0x17800  }
0x1e1: {  	[tilespmem:s30], [sflag:$0x3] =	stream.indirect_vreg.gather [hbm4b:s6+s3], $0x80, v3, vm0, $0xb8;
	[tilespmem:$0x19000] =	vst v63  }
0x1e2: {  	s1 =	simm.s32 $0x18000  }
0x1e3: {  	[tilespmem:s1], [sflag:$0x3] =	stream.indirect_vreg.gather [hbm4b:s7+s3], $0x80, v3, vm0, $0xb8;
	[tilespmem:$0x19000] =	vst v63  }
0x1e4: {  	s5 =	simm.s32 $0x18800  }
0x1e5: {  	[tilespmem:s5], [sflag:$0x3] =	stream.indirect_vreg.gather [hbm4b:s8+s3], $0x80, v3, vm0, $0xb8;
	[tilespmem:$0x19000] =	vst v63  }
0x1e6: {  	_ =	swait.ge [sflag:s20], $0x8000  }
0x1e7: {  	[sflag:s20] =	ssyncset.done $0x0  }
0x1e8: {  	s10 =	simm.s32 $0x1000;
	s9 =	rddreg [dreg:$0xa];
	[sflag:s20] =	ssyncadd.s32 $0xFFFF8000  }
0x1e9: {  	[hbm4b:s9+s3] =	stream.linear.scatter [tilespmem:s10], [sflag:$0x4], $0x8000, $0x38;
	[tilespmem:$0x19000] =	vst v63  }
0x1ea: {  	_ =	swait.ge [sflag:s21], $0x8000  }
0x1eb: {  	[sflag:s21] =	ssyncset.done $0x0  }
0x1ec: {  	[sflag:s21] =	ssyncadd.s32 $0xFFFF8000  }
0x1ed: {  	v3 =	vld [tilespmem:$0x480];
	_ =	sdelay $0x4  }
0x1ee: {  	v18 =	vshll.u32 v3, $0x3  }
0x1ef: {  	v3 =	vand.u32 $0x7, v3;
	v4 =	vand.u32 $0xFFFFFFC0, v18  }
0x1f0: {  	v3 =	vor.u32 v3, v4  }
0x1f1: {  	v4 =	vperm.xlane v3, v0;
	_ =	sdelay $0x1  }
0x1f2: {  	v4 =	vadd.s32 v1, v4;
	_ =	sdelay $0x4  }
0x1f3: {  	[tilespmem:s10], [sflag:$0x1] =	stream.indirect_vreg.gather [hbm4b:s2+s3], $0x80, v4, vm0, $0xb8;
	[tilespmem:$0x19000] =	vst v63  }
0x1f4: {  	s11 =	simm.s32 $0x1800;
	v3 =	vperm.xlane v3, v2  }
0x1f5: {  	[tilespmem:s11], [sflag:$0x1] =	stream.indirect_vreg.gather [hbm4b:s6+s3], $0x80, v4, vm0, $0xb8;
	[tilespmem:$0x19000] =	vst v63  }
0x1f6: {  	s5 =	simm.s32 $0x2000;
	v3 =	vadd.s32 v1, v3  }
0x1f7: {  	[tilespmem:s5], [sflag:$0x1] =	stream.indirect_vreg.gather [hbm4b:s7+s3], $0x80, v4, vm0, $0xb8;
	[tilespmem:$0x19000] =	vst v63  }
0x1f8: {  	s9 =	simm.s32 $0x2800  }
0x1f9: {  	[tilespmem:s9], [sflag:$0x1] =	stream.indirect_vreg.gather [hbm4b:s8+s3], $0x80, v4, vm0, $0xb8;
	[tilespmem:$0x19000] =	vst v63  }
0x1fa: {  	s12 =	simm.s32 $0x3000  }
0x1fb: {  	[tilespmem:s12], [sflag:$0x1] =	stream.indirect_vreg.gather [hbm4b:s2+s3], $0x80, v3, vm0, $0xb8;
	[tilespmem:$0x19000] =	vst v63  }
0x1fc: {  	s13 =	simm.s32 $0x3800  }
0x1fd: {  	[tilespmem:s13], [sflag:$0x1] =	stream.indirect_vreg.gather [hbm4b:s6+s3], $0x80, v3, vm0, $0xb8;
	[tilespmem:$0x19000] =	vst v63  }
0x1fe: {  	s14 =	simm.s32 $0x4000  }
0x1ff: {  	[tilespmem:s14], [sflag:$0x1] =	stream.indirect_vreg.gather [hbm4b:s7+s3], $0x80, v3, vm0, $0xb8;
	[tilespmem:$0x19000] =	vst v63  }
0x200: {  	s18 =	simm.s32 $0x4800  }
0x201: {  	[tilespmem:s18], [sflag:$0x1] =	stream.indirect_vreg.gather [hbm4b:s8+s3], $0x80, v3, vm0, $0xb8;
	[tilespmem:$0x19000] =	vst v63  }
0x202: {  	v3 =	vld [tilespmem:$0x490];
	_ =	sdelay $0x4  }
0x203: {  	v19 =	vshll.u32 v3, $0x3  }
0x204: {  	v3 =	vand.u32 $0x7, v3;
	v4 =	vand.u32 $0xFFFFFFC0, v19  }
0x205: {  	v3 =	vor.u32 v3, v4  }
0x206: {  	v4 =	vperm.xlane v3, v0;
	_ =	sdelay $0x1  }
0x207: {  	v4 =	vadd.s32 v1, v4;
	_ =	sdelay $0x3  }
0x208: {  	s26 =	simm.s32 $0x5000  }
0x209: {  	[tilespmem:s26], [sflag:$0x1] =	stream.indirect_vreg.gather [hbm4b:s2+s3], $0x80, v4, vm0, $0xb8;
	[tilespmem:$0x19000] =	vst v63  }
0x20a: {  	s30 =	simm.s32 $0x5800;
	v3 =	vperm.xlane v3, v2  }
0x20b: {  	[tilespmem:s30], [sflag:$0x1] =	stream.indirect_vreg.gather [hbm4b:s6+s3], $0x80, v4, vm0, $0xb8;
	[tilespmem:$0x19000] =	vst v63  }
0x20c: {  	s1 =	simm.s32 $0x6000;
	v3 =	vadd.s32 v1, v3  }
0x20d: {  	[tilespmem:s1], [sflag:$0x1] =	stream.indirect_vreg.gather [hbm4b:s7+s3], $0x80, v4, vm0, $0xb8;
	[tilespmem:$0x19000] =	vst v63  }
0x20e: {  	s10 =	simm.s32 $0x6800  }
0x20f: {  	[tilespmem:s10], [sflag:$0x1] =	stream.indirect_vreg.gather [hbm4b:s8+s3], $0x80, v4, vm0, $0xb8;
	[tilespmem:$0x19000] =	vst v63  }
0x210: {  	s11 =	simm.s32 $0x7000  }
0x211: {  	[tilespmem:s11], [sflag:$0x1] =	stream.indirect_vreg.gather [hbm4b:s2+s3], $0x80, v3, vm0, $0xb8;
	[tilespmem:$0x19000] =	vst v63  }
0x212: {  	s12 =	simm.s32 $0x7800  }
0x213: {  	[tilespmem:s12], [sflag:$0x1] =	stream.indirect_vreg.gather [hbm4b:s6+s3], $0x80, v3, vm0, $0xb8;
	[tilespmem:$0x19000] =	vst v63  }
0x214: {  	s13 =	simm.s32 $0x8000  }
0x215: {  	[tilespmem:s13], [sflag:$0x1] =	stream.indirect_vreg.gather [hbm4b:s7+s3], $0x80, v3, vm0, $0xb8;
	[tilespmem:$0x19000] =	vst v63  }
0x216: {  	s4 =	simm.s32 $0x8800  }
0x217: {  	[tilespmem:s4], [sflag:$0x1] =	stream.indirect_vreg.gather [hbm4b:s8+s3], $0x80, v3, vm0, $0xb8;
	[tilespmem:$0x19000] =	vst v63  }
0x218: {  	_ =	swait.ge [sflag:s22], $0x8000  }
0x219: {  	[sflag:s22] =	ssyncset.done $0x0  }
0x21a: {  	s18 =	simm.s32 $0x9000;
	s14 =	rddreg [dreg:$0xb];
	[sflag:s22] =	ssyncadd.s32 $0xFFFF8000  }
0x21b: {  	[hbm4b:s14+s3] =	stream.linear.scatter [tilespmem:s18], [sflag:$0x5], $0x8000, $0x38;
	[tilespmem:$0x19000] =	vst v63  }
0x21c: {  	_ =	swait.ge [sflag:s23], $0x8000  }
0x21d: {  	[sflag:s23] =	ssyncset.done $0x0  }
0x21e: {  	[sflag:s23] =	ssyncadd.s32 $0xFFFF8000  }
0x21f: {  	v3 =	vld [tilespmem:$0x500];
	_ =	sdelay $0x4  }
0x220: {  	v20 =	vshll.u32 v3, $0x3  }
0x221: {  	v3 =	vand.u32 $0x7, v3;
	v4 =	vand.u32 $0xFFFFFFC0, v20  }
0x222: {  	v3 =	vor.u32 v3, v4  }
0x223: {  	v4 =	vperm.xlane v3, v0;
	_ =	sdelay $0x1  }
0x224: {  	v4 =	vadd.s32 v1, v4;
	_ =	sdelay $0x4  }
0x225: {  	[tilespmem:s18], [sflag:$0x2] =	stream.indirect_vreg.gather [hbm4b:s2+s3], $0x80, v4, vm0, $0xb8;
	[tilespmem:$0x19000] =	vst v63  }
0x226: {  	s15 =	simm.s32 $0x9800;
	v3 =	vperm.xlane v3, v2  }
0x227: {  	[tilespmem:s15], [sflag:$0x2] =	stream.indirect_vreg.gather [hbm4b:s6+s3], $0x80, v4, vm0, $0xb8;
	[tilespmem:$0x19000] =	vst v63  }
0x228: {  	s30 =	simm.s32 $0xA000;
	v3 =	vadd.s32 v1, v3  }
0x229: {  	[tilespmem:s30], [sflag:$0x2] =	stream.indirect_vreg.gather [hbm4b:s7+s3], $0x80, v4, vm0, $0xb8;
	[tilespmem:$0x19000] =	vst v63  }
0x22a: {  	s10 =	simm.s32 $0xA800  }
0x22b: {  	[tilespmem:s10], [sflag:$0x2] =	stream.indirect_vreg.gather [hbm4b:s8+s3], $0x80, v4, vm0, $0xb8;
	[tilespmem:$0x19000] =	vst v63  }
0x22c: {  	s11 =	simm.s32 $0xB000  }
0x22d: {  	[tilespmem:s11], [sflag:$0x2] =	stream.indirect_vreg.gather [hbm4b:s2+s3], $0x80, v3, vm0, $0xb8;
	[tilespmem:$0x19000] =	vst v63  }
0x22e: {  	s12 =	simm.s32 $0xB800  }
0x22f: {  	[tilespmem:s12], [sflag:$0x2] =	stream.indirect_vreg.gather [hbm4b:s6+s3], $0x80, v3, vm0, $0xb8;
	[tilespmem:$0x19000] =	vst v63  }
0x230: {  	s13 =	simm.s32 $0xC000  }
0x231: {  	[tilespmem:s13], [sflag:$0x2] =	stream.indirect_vreg.gather [hbm4b:s7+s3], $0x80, v3, vm0, $0xb8;
	[tilespmem:$0x19000] =	vst v63  }
0x232: {  	s16 =	simm.s32 $0xC800  }
0x233: {  	[tilespmem:s16], [sflag:$0x2] =	stream.indirect_vreg.gather [hbm4b:s8+s3], $0x80, v3, vm0, $0xb8;
	[tilespmem:$0x19000] =	vst v63  }
0x234: {  	v3 =	vld [tilespmem:$0x510];
	_ =	sdelay $0x4  }
0x235: {  	v21 =	vshll.u32 v3, $0x3  }
0x236: {  	v3 =	vand.u32 $0x7, v3;
	v4 =	vand.u32 $0xFFFFFFC0, v21  }
0x237: {  	v3 =	vor.u32 v3, v4  }
0x238: {  	v4 =	vperm.xlane v3, v0;
	_ =	sdelay $0x1  }
0x239: {  	v4 =	vadd.s32 v1, v4;
	_ =	sdelay $0x3  }
0x23a: {  	s17 =	simm.s32 $0xD000  }
0x23b: {  	[tilespmem:s17], [sflag:$0x2] =	stream.indirect_vreg.gather [hbm4b:s2+s3], $0x80, v4, vm0, $0xb8;
	[tilespmem:$0x19000] =	vst v63  }
0x23c: {  	s18 =	simm.s32 $0xD800;
	v3 =	vperm.xlane v3, v2  }
0x23d: {  	[tilespmem:s18], [sflag:$0x2] =	stream.indirect_vreg.gather [hbm4b:s6+s3], $0x80, v4, vm0, $0xb8;
	[tilespmem:$0x19000] =	vst v63  }
0x23e: {  	s14 =	simm.s32 $0xE000;
	v3 =	vadd.s32 v1, v3  }
0x23f: {  	[tilespmem:s14], [sflag:$0x2] =	stream.indirect_vreg.gather [hbm4b:s7+s3], $0x80, v4, vm0, $0xb8;
	[tilespmem:$0x19000] =	vst v63  }
0x240: {  	s15 =	simm.s32 $0xE800  }
0x241: {  	[tilespmem:s15], [sflag:$0x2] =	stream.indirect_vreg.gather [hbm4b:s8+s3], $0x80, v4, vm0, $0xb8;
	[tilespmem:$0x19000] =	vst v63  }
0x242: {  	s16 =	simm.s32 $0xF000  }
0x243: {  	[tilespmem:s16], [sflag:$0x2] =	stream.indirect_vreg.gather [hbm4b:s2+s3], $0x80, v3, vm0, $0xb8;
	[tilespmem:$0x19000] =	vst v63  }
0x244: {  	s17 =	simm.s32 $0xF800  }
0x245: {  	[tilespmem:s17], [sflag:$0x2] =	stream.indirect_vreg.gather [hbm4b:s6+s3], $0x80, v3, vm0, $0xb8;
	[tilespmem:$0x19000] =	vst v63  }
0x246: {  	s30 =	simm.s32 $0x10000  }
0x247: {  	[tilespmem:s30], [sflag:$0x2] =	stream.indirect_vreg.gather [hbm4b:s7+s3], $0x80, v3, vm0, $0xb8;
	[tilespmem:$0x19000] =	vst v63  }
0x248: {  	s4 =	simm.s32 $0x10800  }
0x249: {  	[tilespmem:s4], [sflag:$0x2] =	stream.indirect_vreg.gather [hbm4b:s8+s3], $0x80, v3, vm0, $0xb8;
	[tilespmem:$0x19000] =	vst v63  }
0x24a: {  	_ =	swait.ge [sflag:s24], $0x8000  }
0x24b: {  	[sflag:s24] =	ssyncset.done $0x0  }
0x24c: {  	s1 =	simm.s32 $0x11000;
	s0 =	rddreg [dreg:$0xc];
	[sflag:s24] =	ssyncadd.s32 $0xFFFF8000  }
0x24d: {  	[hbm4b:s0+s3] =	stream.linear.scatter [tilespmem:s1], [sflag:$0x6], $0x8000, $0x38;
	[tilespmem:$0x19000] =	vst v63  }
0x24e: {  	_ =	swait.ge [sflag:s25], $0x8000  }
0x24f: {  	[sflag:s25] =	ssyncset.done $0x0  }
0x250: {  	[sflag:s25] =	ssyncadd.s32 $0xFFFF8000  }
0x251: {  	v3 =	vld [tilespmem:$0x580];
	_ =	sdelay $0x4  }
0x252: {  	v22 =	vshll.u32 v3, $0x3  }
0x253: {  	v3 =	vand.u32 $0x7, v3;
	v4 =	vand.u32 $0xFFFFFFC0, v22  }
0x254: {  	v3 =	vor.u32 v3, v4  }
0x255: {  	v4 =	vperm.xlane v3, v0;
	_ =	sdelay $0x1  }
0x256: {  	v4 =	vadd.s32 v1, v4;
	_ =	sdelay $0x4  }
0x257: {  	[tilespmem:s1], [sflag:$0x3] =	stream.indirect_vreg.gather [hbm4b:s2+s3], $0x80, v4, vm0, $0xb8;
	[tilespmem:$0x19000] =	vst v63  }
0x258: {  	s26 =	simm.s32 $0x11800;
	v3 =	vperm.xlane v3, v2  }
0x259: {  	[tilespmem:s26], [sflag:$0x3] =	stream.indirect_vreg.gather [hbm4b:s6+s3], $0x80, v4, vm0, $0xb8;
	[tilespmem:$0x19000] =	vst v63  }
0x25a: {  	v3 =	vadd.s32 v1, v3;
	s1 =	simm.s32 $0x12000  }
0x25b: {  	[tilespmem:s1], [sflag:$0x3] =	stream.indirect_vreg.gather [hbm4b:s7+s3], $0x80, v4, vm0, $0xb8;
	[tilespmem:$0x19000] =	vst v63  }
0x25c: {  	_ = 	snop  }
0x25d: {  	[tilespmem:s19], [sflag:$0x3] =	stream.indirect_vreg.gather [hbm4b:s8+s3], $0x80, v4, vm0, $0xb8;
	[tilespmem:$0x19000] =	vst v63  }
0x25e: {  	_ = 	snop  }
0x25f: {  	[tilespmem:s28], [sflag:$0x3] =	stream.indirect_vreg.gather [hbm4b:s2+s3], $0x80, v3, vm0, $0xb8;
	[tilespmem:$0x19000] =	vst v63  }
0x260: {  	_ = 	snop  }
0x261: {  	[tilespmem:s29], [sflag:$0x3] =	stream.indirect_vreg.gather [hbm4b:s6+s3], $0x80, v3, vm0, $0xb8;
	[tilespmem:$0x19000] =	vst v63  }
0x262: {  	_ = 	snop  }
0x263: {  	[tilespmem:s31], [sflag:$0x3] =	stream.indirect_vreg.gather [hbm4b:s7+s3], $0x80, v3, vm0, $0xb8;
	[tilespmem:$0x19000] =	vst v63  }
0x264: {  	s0 =	simm.s32 $0x14800  }
0x265: {  	[tilespmem:s0], [sflag:$0x3] =	stream.indirect_vreg.gather [hbm4b:s8+s3], $0x80, v3, vm0, $0xb8;
	[tilespmem:$0x19000] =	vst v63  }
0x266: {  	v3 =	vld [tilespmem:$0x590];
	_ =	sdelay $0x4  }
0x267: {  	v23 =	vshll.u32 v3, $0x3  }
0x268: {  	v3 =	vand.u32 $0x7, v3;
	v4 =	vand.u32 $0xFFFFFFC0, v23  }
0x269: {  	v3 =	vor.u32 v3, v4  }
0x26a: {  	v4 =	vperm.xlane v3, v0;
	_ =	sdelay $0x1  }
0x26b: {  	v4 =	vadd.s32 v1, v4;
	_ =	sdelay $0x3  }
0x26c: {  	s26 =	simm.s32 $0x15000  }
0x26d: {  	[tilespmem:s26], [sflag:$0x3] =	stream.indirect_vreg.gather [hbm4b:s2+s3], $0x80, v4, vm0, $0xb8;
	[tilespmem:$0x19000] =	vst v63  }
0x26e: {  	s28 =	simm.s32 $0x15800;
	v3 =	vperm.xlane v3, v2  }
0x26f: {  	[tilespmem:s28], [sflag:$0x3] =	stream.indirect_vreg.gather [hbm4b:s6+s3], $0x80, v4, vm0, $0xb8;
	[tilespmem:$0x19000] =	vst v63  }
0x270: {  	s29 =	simm.s32 $0x16000;
	v3 =	vadd.s32 v1, v3  }
0x271: {  	[tilespmem:s29], [sflag:$0x3] =	stream.indirect_vreg.gather [hbm4b:s7+s3], $0x80, v4, vm0, $0xb8;
	[tilespmem:$0x19000] =	vst v63  }
0x272: {  	s31 =	simm.s32 $0x16800  }
0x273: {  	[tilespmem:s31], [sflag:$0x3] =	stream.indirect_vreg.gather [hbm4b:s8+s3], $0x80, v4, vm0, $0xb8;
	[tilespmem:$0x19000] =	vst v63  }
0x274: {  	s19 =	simm.s32 $0x17000  }
0x275: {  	[tilespmem:s19], [sflag:$0x3] =	stream.indirect_vreg.gather [hbm4b:s2+s3], $0x80, v3, vm0, $0xb8;
	[tilespmem:$0x19000] =	vst v63  }
0x276: {  	s26 =	simm.s32 $0x17800  }
0x277: {  	[tilespmem:s26], [sflag:$0x3] =	stream.indirect_vreg.gather [hbm4b:s6+s3], $0x80, v3, vm0, $0xb8;
	[tilespmem:$0x19000] =	vst v63  }
0x278: {  	s28 =	simm.s32 $0x18000  }
0x279: {  	[tilespmem:s28], [sflag:$0x3] =	stream.indirect_vreg.gather [hbm4b:s7+s3], $0x80, v3, vm0, $0xb8;
	[tilespmem:$0x19000] =	vst v63  }
0x27a: {  	s29 =	simm.s32 $0x18800  }
0x27b: {  	[tilespmem:s29], [sflag:$0x3] =	stream.indirect_vreg.gather [hbm4b:s8+s3], $0x80, v3, vm0, $0xb8;
	[tilespmem:$0x19000] =	vst v63  }
0x27c: {  	_ =	swait.ge [sflag:s20], $0x8000  }
0x27d: {  	[sflag:s20] =	ssyncset.done $0x0  }
0x27e: {  	s1 =	simm.s32 $0x1000;
	s31 =	rddreg [dreg:$0xd];
	[sflag:s20] =	ssyncadd.s32 $0xFFFF8000  }
0x27f: {  	[hbm4b:s31+s3] =	stream.linear.scatter [tilespmem:s1], [sflag:$0x4], $0x8000, $0x38;
	[tilespmem:$0x19000] =	vst v63  }
0x280: {  	_ =	swait.ge [sflag:s21], $0x8000  }
0x281: {  	[sflag:s21] =	ssyncset.done $0x0  }
0x282: {  	[sflag:s21] =	ssyncadd.s32 $0xFFFF8000  }
0x283: {  	v3 =	vld [tilespmem:$0x600];
	_ =	sdelay $0x4  }
0x284: {  	v24 =	vshll.u32 v3, $0x3  }
0x285: {  	v3 =	vand.u32 $0x7, v3;
	v4 =	vand.u32 $0xFFFFFFC0, v24  }
0x286: {  	v3 =	vor.u32 v3, v4  }
0x287: {  	v4 =	vperm.xlane v3, v0;
	_ =	sdelay $0x1  }
0x288: {  	v4 =	vadd.s32 v1, v4;
	_ =	sdelay $0x4  }
0x289: {  	[tilespmem:s1], [sflag:$0x1] =	stream.indirect_vreg.gather [hbm4b:s2+s3], $0x80, v4, vm0, $0xb8;
	[tilespmem:$0x19000] =	vst v63  }
0x28a: {  	s28 =	simm.s32 $0x1800;
	v3 =	vperm.xlane v3, v2  }
0x28b: {  	[tilespmem:s28], [sflag:$0x1] =	stream.indirect_vreg.gather [hbm4b:s6+s3], $0x80, v4, vm0, $0xb8;
	[tilespmem:$0x19000] =	vst v63  }
0x28c: {  	v3 =	vadd.s32 v1, v3  }
0x28d: {  	[tilespmem:s5], [sflag:$0x1] =	stream.indirect_vreg.gather [hbm4b:s7+s3], $0x80, v4, vm0, $0xb8;
	[tilespmem:$0x19000] =	vst v63  }
0x28e: {  	_ = 	snop  }
0x28f: {  	[tilespmem:s9], [sflag:$0x1] =	stream.indirect_vreg.gather [hbm4b:s8+s3], $0x80, v4, vm0, $0xb8;
	[tilespmem:$0x19000] =	vst v63  }
0x290: {  	s29 =	simm.s32 $0x3000  }
0x291: {  	[tilespmem:s29], [sflag:$0x1] =	stream.indirect_vreg.gather [hbm4b:s2+s3], $0x80, v3, vm0, $0xb8;
	[tilespmem:$0x19000] =	vst v63  }
0x292: {  	s5 =	simm.s32 $0x3800  }
0x293: {  	[tilespmem:s5], [sflag:$0x1] =	stream.indirect_vreg.gather [hbm4b:s6+s3], $0x80, v3, vm0, $0xb8;
	[tilespmem:$0x19000] =	vst v63  }
0x294: {  	s9 =	simm.s32 $0x4000  }
0x295: {  	[tilespmem:s9], [sflag:$0x1] =	stream.indirect_vreg.gather [hbm4b:s7+s3], $0x80, v3, vm0, $0xb8;
	[tilespmem:$0x19000] =	vst v63  }
0x296: {  	s19 =	simm.s32 $0x4800  }
0x297: {  	[tilespmem:s19], [sflag:$0x1] =	stream.indirect_vreg.gather [hbm4b:s8+s3], $0x80, v3, vm0, $0xb8;
	[tilespmem:$0x19000] =	vst v63  }
0x298: {  	v3 =	vld [tilespmem:$0x610];
	_ =	sdelay $0x4  }
0x299: {  	v25 =	vshll.u32 v3, $0x3  }
0x29a: {  	v3 =	vand.u32 $0x7, v3;
	v4 =	vand.u32 $0xFFFFFFC0, v25  }
0x29b: {  	v3 =	vor.u32 v3, v4  }
0x29c: {  	v4 =	vperm.xlane v3, v0;
	_ =	sdelay $0x1  }
0x29d: {  	v4 =	vadd.s32 v1, v4;
	_ =	sdelay $0x3  }
0x29e: {  	s26 =	simm.s32 $0x5000  }
0x29f: {  	[tilespmem:s26], [sflag:$0x1] =	stream.indirect_vreg.gather [hbm4b:s2+s3], $0x80, v4, vm0, $0xb8;
	[tilespmem:$0x19000] =	vst v63  }
0x2a0: {  	s28 =	simm.s32 $0x5800;
	v3 =	vperm.xlane v3, v2  }
0x2a1: {  	[tilespmem:s28], [sflag:$0x1] =	stream.indirect_vreg.gather [hbm4b:s6+s3], $0x80, v4, vm0, $0xb8;
	[tilespmem:$0x19000] =	vst v63  }
0x2a2: {  	s29 =	simm.s32 $0x6000;
	v3 =	vadd.s32 v1, v3  }
0x2a3: {  	[tilespmem:s29], [sflag:$0x1] =	stream.indirect_vreg.gather [hbm4b:s7+s3], $0x80, v4, vm0, $0xb8;
	[tilespmem:$0x19000] =	vst v63  }
0x2a4: {  	s5 =	simm.s32 $0x6800  }
0x2a5: {  	[tilespmem:s5], [sflag:$0x1] =	stream.indirect_vreg.gather [hbm4b:s8+s3], $0x80, v4, vm0, $0xb8;
	[tilespmem:$0x19000] =	vst v63  }
0x2a6: {  	s9 =	simm.s32 $0x7000  }
0x2a7: {  	[tilespmem:s9], [sflag:$0x1] =	stream.indirect_vreg.gather [hbm4b:s2+s3], $0x80, v3, vm0, $0xb8;
	[tilespmem:$0x19000] =	vst v63  }
0x2a8: {  	s19 =	simm.s32 $0x7800  }
0x2a9: {  	[tilespmem:s19], [sflag:$0x1] =	stream.indirect_vreg.gather [hbm4b:s6+s3], $0x80, v3, vm0, $0xb8;
	[tilespmem:$0x19000] =	vst v63  }
0x2aa: {  	s26 =	simm.s32 $0x8000  }
0x2ab: {  	[tilespmem:s26], [sflag:$0x1] =	stream.indirect_vreg.gather [hbm4b:s7+s3], $0x80, v3, vm0, $0xb8;
	[tilespmem:$0x19000] =	vst v63  }
0x2ac: {  	s1 =	simm.s32 $0x8800  }
0x2ad: {  	[tilespmem:s1], [sflag:$0x1] =	stream.indirect_vreg.gather [hbm4b:s8+s3], $0x80, v3, vm0, $0xb8;
	[tilespmem:$0x19000] =	vst v63  }
0x2ae: {  	_ =	swait.ge [sflag:s22], $0x8000  }
0x2af: {  	[sflag:s22] =	ssyncset.done $0x0  }
0x2b0: {  	s29 =	simm.s32 $0x9000;
	s28 =	rddreg [dreg:$0xe];
	[sflag:s22] =	ssyncadd.s32 $0xFFFF8000  }
0x2b1: {  	[hbm4b:s28+s3] =	stream.linear.scatter [tilespmem:s29], [sflag:$0x5], $0x8000, $0x38;
	[tilespmem:$0x19000] =	vst v63  }
0x2b2: {  	_ =	swait.ge [sflag:s23], $0x8000  }
0x2b3: {  	[sflag:s23] =	ssyncset.done $0x0  }
0x2b4: {  	[sflag:s23] =	ssyncadd.s32 $0xFFFF8000  }
0x2b5: {  	v3 =	vld [tilespmem:$0x680];
	_ =	sdelay $0x4  }
0x2b6: {  	v26 =	vshll.u32 v3, $0x3  }
0x2b7: {  	v3 =	vand.u32 $0x7, v3;
	v4 =	vand.u32 $0xFFFFFFC0, v26  }
0x2b8: {  	v3 =	vor.u32 v3, v4  }
0x2b9: {  	v4 =	vperm.xlane v3, v0;
	_ =	sdelay $0x1  }
0x2ba: {  	v4 =	vadd.s32 v1, v4;
	_ =	sdelay $0x4  }
0x2bb: {  	[tilespmem:s29], [sflag:$0x2] =	stream.indirect_vreg.gather [hbm4b:s2+s3], $0x80, v4, vm0, $0xb8;
	[tilespmem:$0x19000] =	vst v63  }
0x2bc: {  	s19 =	simm.s32 $0x9800;
	v3 =	vperm.xlane v3, v2  }
0x2bd: {  	[tilespmem:s19], [sflag:$0x2] =	stream.indirect_vreg.gather [hbm4b:s6+s3], $0x80, v4, vm0, $0xb8;
	[tilespmem:$0x19000] =	vst v63  }
0x2be: {  	s9 =	simm.s32 $0xA000;
	v3 =	vadd.s32 v1, v3  }
0x2bf: {  	[tilespmem:s9], [sflag:$0x2] =	stream.indirect_vreg.gather [hbm4b:s7+s3], $0x80, v4, vm0, $0xb8;
	[tilespmem:$0x19000] =	vst v63  }
0x2c0: {  	_ = 	snop  }
0x2c1: {  	[tilespmem:s10], [sflag:$0x2] =	stream.indirect_vreg.gather [hbm4b:s8+s3], $0x80, v4, vm0, $0xb8;
	[tilespmem:$0x19000] =	vst v63  }
0x2c2: {  	_ = 	snop  }
0x2c3: {  	[tilespmem:s11], [sflag:$0x2] =	stream.indirect_vreg.gather [hbm4b:s2+s3], $0x80, v3, vm0, $0xb8;
	[tilespmem:$0x19000] =	vst v63  }
0x2c4: {  	_ = 	snop  }
0x2c5: {  	[tilespmem:s12], [sflag:$0x2] =	stream.indirect_vreg.gather [hbm4b:s6+s3], $0x80, v3, vm0, $0xb8;
	[tilespmem:$0x19000] =	vst v63  }
0x2c6: {  	_ = 	snop  }
0x2c7: {  	[tilespmem:s13], [sflag:$0x2] =	stream.indirect_vreg.gather [hbm4b:s7+s3], $0x80, v3, vm0, $0xb8;
	[tilespmem:$0x19000] =	vst v63  }
0x2c8: {  	s13 =	simm.s32 $0xC800  }
0x2c9: {  	[tilespmem:s13], [sflag:$0x2] =	stream.indirect_vreg.gather [hbm4b:s8+s3], $0x80, v3, vm0, $0xb8;
	[tilespmem:$0x19000] =	vst v63  }
0x2ca: {  	v3 =	vld [tilespmem:$0x690];
	_ =	sdelay $0x4  }
0x2cb: {  	v27 =	vshll.u32 v3, $0x3  }
0x2cc: {  	v3 =	vand.u32 $0x7, v3;
	v4 =	vand.u32 $0xFFFFFFC0, v27  }
0x2cd: {  	v3 =	vor.u32 v3, v4  }
0x2ce: {  	v4 =	vperm.xlane v3, v0;
	_ =	sdelay $0x1  }
0x2cf: {  	v4 =	vadd.s32 v1, v4;
	_ =	sdelay $0x3  }
0x2d0: {  	s28 =	simm.s32 $0xD000  }
0x2d1: {  	[tilespmem:s28], [sflag:$0x2] =	stream.indirect_vreg.gather [hbm4b:s2+s3], $0x80, v4, vm0, $0xb8;
	[tilespmem:$0x19000] =	vst v63  }
0x2d2: {  	v3 =	vperm.xlane v3, v2  }
0x2d3: {  	[tilespmem:s18], [sflag:$0x2] =	stream.indirect_vreg.gather [hbm4b:s6+s3], $0x80, v4, vm0, $0xb8;
	[tilespmem:$0x19000] =	vst v63  }
0x2d4: {  	v3 =	vadd.s32 v1, v3  }
0x2d5: {  	[tilespmem:s14], [sflag:$0x2] =	stream.indirect_vreg.gather [hbm4b:s7+s3], $0x80, v4, vm0, $0xb8;
	[tilespmem:$0x19000] =	vst v63  }
0x2d6: {  	_ = 	snop  }
0x2d7: {  	[tilespmem:s15], [sflag:$0x2] =	stream.indirect_vreg.gather [hbm4b:s8+s3], $0x80, v4, vm0, $0xb8;
	[tilespmem:$0x19000] =	vst v63  }
0x2d8: {  	_ = 	snop  }
0x2d9: {  	[tilespmem:s16], [sflag:$0x2] =	stream.indirect_vreg.gather [hbm4b:s2+s3], $0x80, v3, vm0, $0xb8;
	[tilespmem:$0x19000] =	vst v63  }
0x2da: {  	_ = 	snop  }
0x2db: {  	[tilespmem:s17], [sflag:$0x2] =	stream.indirect_vreg.gather [hbm4b:s6+s3], $0x80, v3, vm0, $0xb8;
	[tilespmem:$0x19000] =	vst v63  }
0x2dc: {  	_ = 	snop  }
0x2dd: {  	[tilespmem:s30], [sflag:$0x2] =	stream.indirect_vreg.gather [hbm4b:s7+s3], $0x80, v3, vm0, $0xb8;
	[tilespmem:$0x19000] =	vst v63  }
0x2de: {  	_ = 	snop  }
0x2df: {  	[tilespmem:s4], [sflag:$0x2] =	stream.indirect_vreg.gather [hbm4b:s8+s3], $0x80, v3, vm0, $0xb8;
	[tilespmem:$0x19000] =	vst v63  }
0x2e0: {  	_ =	swait.ge [sflag:s24], $0x8000  }
0x2e1: {  	[sflag:s24] =	ssyncset.done $0x0  }
0x2e2: {  	s17 =	simm.s32 $0x11000;
	s16 =	rddreg [dreg:$0xf];
	[sflag:s24] =	ssyncadd.s32 $0xFFFF8000  }
0x2e3: {  	[hbm4b:s16+s3] =	stream.linear.scatter [tilespmem:s17], [sflag:$0x6], $0x8000, $0x38;
	[tilespmem:$0x19000] =	vst v63  }
0x2e4: {  	_ =	swait.ge [sflag:s25], $0x8000  }
0x2e5: {  	[sflag:s25] =	ssyncset.done $0x0  }
0x2e6: {  	[sflag:s25] =	ssyncadd.s32 $0xFFFF8000  }
0x2e7: {  	v3 =	vld [tilespmem:$0x700];
	_ =	sdelay $0x4  }
0x2e8: {  	v28 =	vshll.u32 v3, $0x3  }
0x2e9: {  	v3 =	vand.u32 $0x7, v3;
	v4 =	vand.u32 $0xFFFFFFC0, v28  }
0x2ea: {  	v3 =	vor.u32 v3, v4  }
0x2eb: {  	v4 =	vperm.xlane v3, v0;
	_ =	sdelay $0x1  }
0x2ec: {  	v4 =	vadd.s32 v1, v4;
	_ =	sdelay $0x4  }
0x2ed: {  	[tilespmem:s17], [sflag:$0x3] =	stream.indirect_vreg.gather [hbm4b:s2+s3], $0x80, v4, vm0, $0xb8;
	[tilespmem:$0x19000] =	vst v63  }
0x2ee: {  	s18 =	simm.s32 $0x11800;
	v3 =	vperm.xlane v3, v2  }
0x2ef: {  	[tilespmem:s18], [sflag:$0x3] =	stream.indirect_vreg.gather [hbm4b:s6+s3], $0x80, v4, vm0, $0xb8;
	[tilespmem:$0x19000] =	vst v63  }
0x2f0: {  	s14 =	simm.s32 $0x12000;
	v3 =	vadd.s32 v1, v3  }
0x2f1: {  	[tilespmem:s14], [sflag:$0x3] =	stream.indirect_vreg.gather [hbm4b:s7+s3], $0x80, v4, vm0, $0xb8;
	[tilespmem:$0x19000] =	vst v63  }
0x2f2: {  	s17 =	simm.s32 $0x12800  }
0x2f3: {  	[tilespmem:s17], [sflag:$0x3] =	stream.indirect_vreg.gather [hbm4b:s8+s3], $0x80, v4, vm0, $0xb8;
	[tilespmem:$0x19000] =	vst v63  }
0x2f4: {  	s15 =	simm.s32 $0x13000  }
0x2f5: {  	[tilespmem:s15], [sflag:$0x3] =	stream.indirect_vreg.gather [hbm4b:s2+s3], $0x80, v3, vm0, $0xb8;
	[tilespmem:$0x19000] =	vst v63  }
0x2f6: {  	s16 =	simm.s32 $0x13800  }
0x2f7: {  	[tilespmem:s16], [sflag:$0x3] =	stream.indirect_vreg.gather [hbm4b:s6+s3], $0x80, v3, vm0, $0xb8;
	[tilespmem:$0x19000] =	vst v63  }
0x2f8: {  	s18 =	simm.s32 $0x14000  }
0x2f9: {  	[tilespmem:s18], [sflag:$0x3] =	stream.indirect_vreg.gather [hbm4b:s7+s3], $0x80, v3, vm0, $0xb8;
	[tilespmem:$0x19000] =	vst v63  }
0x2fa: {  	_ = 	snop  }
0x2fb: {  	[tilespmem:s0], [sflag:$0x3] =	stream.indirect_vreg.gather [hbm4b:s8+s3], $0x80, v3, vm0, $0xb8;
	[tilespmem:$0x19000] =	vst v63  }
0x2fc: {  	v3 =	vld [tilespmem:$0x710];
	_ =	sdelay $0x4  }
0x2fd: {  	v29 =	vshll.u32 v3, $0x3  }
0x2fe: {  	v3 =	vand.u32 $0x7, v3;
	v4 =	vand.u32 $0xFFFFFFC0, v29  }
0x2ff: {  	v3 =	vor.u32 v3, v4  }
0x300: {  	v4 =	vperm.xlane v3, v0;
	_ =	sdelay $0x1  }
0x301: {  	v4 =	vadd.s32 v1, v4;
	_ =	sdelay $0x3  }
0x302: {  	s11 =	simm.s32 $0x15000  }
0x303: {  	[tilespmem:s11], [sflag:$0x3] =	stream.indirect_vreg.gather [hbm4b:s2+s3], $0x80, v4, vm0, $0xb8;
	[tilespmem:$0x19000] =	vst v63  }
0x304: {  	s12 =	simm.s32 $0x15800;
	v3 =	vperm.xlane v3, v2  }
0x305: {  	[tilespmem:s12], [sflag:$0x3] =	stream.indirect_vreg.gather [hbm4b:s6+s3], $0x80, v4, vm0, $0xb8;
	[tilespmem:$0x19000] =	vst v63  }
0x306: {  	s29 =	simm.s32 $0x16000;
	v3 =	vadd.s32 v1, v3  }
0x307: {  	[tilespmem:s29], [sflag:$0x3] =	stream.indirect_vreg.gather [hbm4b:s7+s3], $0x80, v4, vm0, $0xb8;
	[tilespmem:$0x19000] =	vst v63  }
0x308: {  	s26 =	simm.s32 $0x16800  }
0x309: {  	[tilespmem:s26], [sflag:$0x3] =	stream.indirect_vreg.gather [hbm4b:s8+s3], $0x80, v4, vm0, $0xb8;
	[tilespmem:$0x19000] =	vst v63  }
0x30a: {  	s30 =	simm.s32 $0x17000  }
0x30b: {  	[tilespmem:s30], [sflag:$0x3] =	stream.indirect_vreg.gather [hbm4b:s2+s3], $0x80, v3, vm0, $0xb8;
	[tilespmem:$0x19000] =	vst v63  }
0x30c: {  	s5 =	simm.s32 $0x17800  }
0x30d: {  	[tilespmem:s5], [sflag:$0x3] =	stream.indirect_vreg.gather [hbm4b:s6+s3], $0x80, v3, vm0, $0xb8;
	[tilespmem:$0x19000] =	vst v63  }
0x30e: {  	s9 =	simm.s32 $0x18000  }
0x30f: {  	[tilespmem:s9], [sflag:$0x3] =	stream.indirect_vreg.gather [hbm4b:s7+s3], $0x80, v3, vm0, $0xb8;
	[tilespmem:$0x19000] =	vst v63  }
0x310: {  	s10 =	simm.s32 $0x18800  }
0x311: {  	[tilespmem:s10], [sflag:$0x3] =	stream.indirect_vreg.gather [hbm4b:s8+s3], $0x80, v3, vm0, $0xb8;
	[tilespmem:$0x19000] =	vst v63  }
0x312: {  	_ =	swait.ge [sflag:s20], $0x8000  }
0x313: {  	[sflag:s20] =	ssyncset.done $0x0  }
0x314: {  	s0 =	simm.s32 $0x1000;
	s4 =	rddreg [dreg:$0x10];
	[sflag:s20] =	ssyncadd.s32 $0xFFFF8000  }
0x315: {  	[hbm4b:s4+s3] =	stream.linear.scatter [tilespmem:s0], [sflag:$0x4], $0x8000, $0x38;
	[tilespmem:$0x19000] =	vst v63  }
0x316: {  	_ =	swait.ge [sflag:s21], $0x8000  }
0x317: {  	[sflag:s21] =	ssyncset.done $0x0  }
0x318: {  	[sflag:s21] =	ssyncadd.s32 $0xFFFF8000  }
0x319: {  	v3 =	vld [tilespmem:$0x780];
	_ =	sdelay $0x4  }
0x31a: {  	v30 =	vshll.u32 v3, $0x3  }
0x31b: {  	v3 =	vand.u32 $0x7, v3;
	v4 =	vand.u32 $0xFFFFFFC0, v30  }
0x31c: {  	v3 =	vor.u32 v3, v4  }
0x31d: {  	v4 =	vperm.xlane v3, v0;
	_ =	sdelay $0x1  }
0x31e: {  	v4 =	vadd.s32 v1, v4;
	_ =	sdelay $0x4  }
0x31f: {  	[tilespmem:s0], [sflag:$0x1] =	stream.indirect_vreg.gather [hbm4b:s2+s3], $0x80, v4, vm0, $0xb8;
	[tilespmem:$0x19000] =	vst v63  }
0x320: {  	s4 =	simm.s32 $0x1800;
	v3 =	vperm.xlane v3, v2  }
0x321: {  	[tilespmem:s4], [sflag:$0x1] =	stream.indirect_vreg.gather [hbm4b:s6+s3], $0x80, v4, vm0, $0xb8;
	[tilespmem:$0x19000] =	vst v63  }
0x322: {  	s31 =	simm.s32 $0x2000;
	v3 =	vadd.s32 v1, v3  }
0x323: {  	[tilespmem:s31], [sflag:$0x1] =	stream.indirect_vreg.gather [hbm4b:s7+s3], $0x80, v4, vm0, $0xb8;
	[tilespmem:$0x19000] =	vst v63  }
0x324: {  	s4 =	simm.s32 $0x2800  }
0x325: {  	[tilespmem:s4], [sflag:$0x1] =	stream.indirect_vreg.gather [hbm4b:s8+s3], $0x80, v4, vm0, $0xb8;
	[tilespmem:$0x19000] =	vst v63  }
0x326: {  	s26 =	simm.s32 $0x3000  }
0x327: {  	[tilespmem:s26], [sflag:$0x1] =	stream.indirect_vreg.gather [hbm4b:s2+s3], $0x80, v3, vm0, $0xb8;
	[tilespmem:$0x19000] =	vst v63  }
0x328: {  	s30 =	simm.s32 $0x3800  }
0x329: {  	[tilespmem:s30], [sflag:$0x1] =	stream.indirect_vreg.gather [hbm4b:s6+s3], $0x80, v3, vm0, $0xb8;
	[tilespmem:$0x19000] =	vst v63  }
0x32a: {  	s31 =	simm.s32 $0x4000  }
0x32b: {  	[tilespmem:s31], [sflag:$0x1] =	stream.indirect_vreg.gather [hbm4b:s7+s3], $0x80, v3, vm0, $0xb8;
	[tilespmem:$0x19000] =	vst v63  }
0x32c: {  	s26 =	simm.s32 $0x4800  }
0x32d: {  	[tilespmem:s26], [sflag:$0x1] =	stream.indirect_vreg.gather [hbm4b:s8+s3], $0x80, v3, vm0, $0xb8;
	[tilespmem:$0x19000] =	vst v63  }
0x32e: {  	v3 =	vld [tilespmem:$0x790];
	_ =	sdelay $0x4  }
0x32f: {  	v31 =	vshll.u32 v3, $0x3  }
0x330: {  	v3 =	vand.u32 $0x7, v3;
	v4 =	vand.u32 $0xFFFFFFC0, v31  }
0x331: {  	v3 =	vor.u32 v3, v4  }
0x332: {  	v4 =	vperm.xlane v3, v0;
	_ =	sdelay $0x1  }
0x333: {  	v4 =	vadd.s32 v1, v4;
	_ =	sdelay $0x3  }
0x334: {  	s30 =	simm.s32 $0x5000  }
0x335: {  	[tilespmem:s30], [sflag:$0x1] =	stream.indirect_vreg.gather [hbm4b:s2+s3], $0x80, v4, vm0, $0xb8;
	[tilespmem:$0x19000] =	vst v63  }
0x336: {  	s31 =	simm.s32 $0x5800;
	v3 =	vperm.xlane v3, v2  }
0x337: {  	[tilespmem:s31], [sflag:$0x1] =	stream.indirect_vreg.gather [hbm4b:s6+s3], $0x80, v4, vm0, $0xb8;
	[tilespmem:$0x19000] =	vst v63  }
0x338: {  	s26 =	simm.s32 $0x6000;
	v3 =	vadd.s32 v1, v3  }
0x339: {  	[tilespmem:s26], [sflag:$0x1] =	stream.indirect_vreg.gather [hbm4b:s7+s3], $0x80, v4, vm0, $0xb8;
	[tilespmem:$0x19000] =	vst v63  }
0x33a: {  	s30 =	simm.s32 $0x6800  }
0x33b: {  	[tilespmem:s30], [sflag:$0x1] =	stream.indirect_vreg.gather [hbm4b:s8+s3], $0x80, v4, vm0, $0xb8;
	[tilespmem:$0x19000] =	vst v63  }
0x33c: {  	s31 =	simm.s32 $0x7000  }
0x33d: {  	[tilespmem:s31], [sflag:$0x1] =	stream.indirect_vreg.gather [hbm4b:s2+s3], $0x80, v3, vm0, $0xb8;
	[tilespmem:$0x19000] =	vst v63  }
0x33e: {  	s26 =	simm.s32 $0x7800  }
0x33f: {  	[tilespmem:s26], [sflag:$0x1] =	stream.indirect_vreg.gather [hbm4b:s6+s3], $0x80, v3, vm0, $0xb8;
	[tilespmem:$0x19000] =	vst v63  }
0x340: {  	s30 =	simm.s32 $0x8000  }
0x341: {  	[tilespmem:s30], [sflag:$0x1] =	stream.indirect_vreg.gather [hbm4b:s7+s3], $0x80, v3, vm0, $0xb8;
	[tilespmem:$0x19000] =	vst v63  }
0x342: {  	_ = 	snop  }
0x343: {  	[tilespmem:s1], [sflag:$0x1] =	stream.indirect_vreg.gather [hbm4b:s8+s3], $0x80, v3, vm0, $0xb8;
	[tilespmem:$0x19000] =	vst v63  }
0x344: {  	_ =	swait.ge [sflag:s22], $0x8000  }
0x345: {  	[sflag:s22] =	ssyncset.done $0x0  }
0x346: {  	s0 =	simm.s32 $0x9000;
	s31 =	rddreg [dreg:$0x11];
	[sflag:s22] =	ssyncadd.s32 $0xFFFF8000  }
0x347: {  	[hbm4b:s31+s3] =	stream.linear.scatter [tilespmem:s0], [sflag:$0x5], $0x8000, $0x38;
	[tilespmem:$0x19000] =	vst v63  }
0x348: {  	_ =	swait.ge [sflag:s23], $0x8000  }
0x349: {  	[sflag:s23] =	ssyncset.done $0x0  }
0x34a: {  	[sflag:s23] =	ssyncadd.s32 $0xFFFF8000  }
0x34b: {  	v3 =	vld [tilespmem:$0x800];
	_ =	sdelay $0x4  }
0x34c: {  	v32 =	vshll.u32 v3, $0x3  }
0x34d: {  	v3 =	vand.u32 $0x7, v3;
	v4 =	vand.u32 $0xFFFFFFC0, v32  }
0x34e: {  	v3 =	vor.u32 v3, v4  }
0x34f: {  	v4 =	vperm.xlane v3, v0;
	_ =	sdelay $0x1  }
0x350: {  	v4 =	vadd.s32 v1, v4;
	_ =	sdelay $0x4  }
0x351: {  	[tilespmem:s0], [sflag:$0x2] =	stream.indirect_vreg.gather [hbm4b:s2+s3], $0x80, v4, vm0, $0xb8;
	[tilespmem:$0x19000] =	vst v63  }
0x352: {  	v3 =	vperm.xlane v3, v2  }
0x353: {  	[tilespmem:s19], [sflag:$0x2] =	stream.indirect_vreg.gather [hbm4b:s6+s3], $0x80, v4, vm0, $0xb8;
	[tilespmem:$0x19000] =	vst v63  }
0x354: {  	s1 =	simm.s32 $0xA000;
	v3 =	vadd.s32 v1, v3  }
0x355: {  	[tilespmem:s1], [sflag:$0x2] =	stream.indirect_vreg.gather [hbm4b:s7+s3], $0x80, v4, vm0, $0xb8;
	[tilespmem:$0x19000] =	vst v63  }
0x356: {  	s19 =	simm.s32 $0xA800  }
0x357: {  	[tilespmem:s19], [sflag:$0x2] =	stream.indirect_vreg.gather [hbm4b:s8+s3], $0x80, v4, vm0, $0xb8;
	[tilespmem:$0x19000] =	vst v63  }
0x358: {  	s30 =	simm.s32 $0xB000  }
0x359: {  	[tilespmem:s30], [sflag:$0x2] =	stream.indirect_vreg.gather [hbm4b:s2+s3], $0x80, v3, vm0, $0xb8;
	[tilespmem:$0x19000] =	vst v63  }
0x35a: {  	s31 =	simm.s32 $0xB800  }
0x35b: {  	[tilespmem:s31], [sflag:$0x2] =	stream.indirect_vreg.gather [hbm4b:s6+s3], $0x80, v3, vm0, $0xb8;
	[tilespmem:$0x19000] =	vst v63  }
0x35c: {  	s26 =	simm.s32 $0xC000  }
0x35d: {  	[tilespmem:s26], [sflag:$0x2] =	stream.indirect_vreg.gather [hbm4b:s7+s3], $0x80, v3, vm0, $0xb8;
	[tilespmem:$0x19000] =	vst v63  }
0x35e: {  	_ = 	snop  }
0x35f: {  	[tilespmem:s13], [sflag:$0x2] =	stream.indirect_vreg.gather [hbm4b:s8+s3], $0x80, v3, vm0, $0xb8;
	[tilespmem:$0x19000] =	vst v63  }
0x360: {  	v3 =	vld [tilespmem:$0x810];
	_ =	sdelay $0x4  }
0x361: {  	v33 =	vshll.u32 v3, $0x3  }
0x362: {  	v3 =	vand.u32 $0x7, v3;
	v4 =	vand.u32 $0xFFFFFFC0, v33  }
0x363: {  	v3 =	vor.u32 v3, v4  }
0x364: {  	v4 =	vperm.xlane v3, v0;
	_ =	sdelay $0x1  }
0x365: {  	v4 =	vadd.s32 v1, v4;
	_ =	sdelay $0x4  }
0x366: {  	[tilespmem:s28], [sflag:$0x2] =	stream.indirect_vreg.gather [hbm4b:s2+s3], $0x80, v4, vm0, $0xb8;
	[tilespmem:$0x19000] =	vst v63  }
0x367: {  	s13 =	simm.s32 $0xD800;
	v3 =	vperm.xlane v3, v2  }
0x368: {  	[tilespmem:s13], [sflag:$0x2] =	stream.indirect_vreg.gather [hbm4b:s6+s3], $0x80, v4, vm0, $0xb8;
	[tilespmem:$0x19000] =	vst v63  }
0x369: {  	v3 =	vadd.s32 v1, v3;
	s28 =	simm.s32 $0xE000  }
0x36a: {  	[tilespmem:s28], [sflag:$0x2] =	stream.indirect_vreg.gather [hbm4b:s7+s3], $0x80, v4, vm0, $0xb8;
	[tilespmem:$0x19000] =	vst v63  }
0x36b: {  	s13 =	simm.s32 $0xE800  }
0x36c: {  	[tilespmem:s13], [sflag:$0x2] =	stream.indirect_vreg.gather [hbm4b:s8+s3], $0x80, v4, vm0, $0xb8;
	[tilespmem:$0x19000] =	vst v63  }
0x36d: {  	s26 =	simm.s32 $0xF000  }
0x36e: {  	[tilespmem:s26], [sflag:$0x2] =	stream.indirect_vreg.gather [hbm4b:s2+s3], $0x80, v3, vm0, $0xb8;
	[tilespmem:$0x19000] =	vst v63  }
0x36f: {  	s26 =	simm.s32 $0xF800  }
0x370: {  	[tilespmem:s26], [sflag:$0x2] =	stream.indirect_vreg.gather [hbm4b:s6+s3], $0x80, v3, vm0, $0xb8;
	[tilespmem:$0x19000] =	vst v63  }
0x371: {  	s26 =	simm.s32 $0x10000  }
0x372: {  	[tilespmem:s26], [sflag:$0x2] =	stream.indirect_vreg.gather [hbm4b:s7+s3], $0x80, v3, vm0, $0xb8;
	[tilespmem:$0x19000] =	vst v63  }
0x373: {  	s26 =	simm.s32 $0x10800  }
0x374: {  	[tilespmem:s26], [sflag:$0x2] =	stream.indirect_vreg.gather [hbm4b:s8+s3], $0x80, v3, vm0, $0xb8;
	[tilespmem:$0x19000] =	vst v63  }
0x375: {  	_ =	swait.ge [sflag:s24], $0x8000  }
0x376: {  	[sflag:s24] =	ssyncset.done $0x0  }
0x377: {  	s0 =	simm.s32 $0x11000;
	s26 =	rddreg [dreg:$0x12];
	[sflag:s24] =	ssyncadd.s32 $0xFFFF8000  }
0x378: {  	[hbm4b:s26+s3] =	stream.linear.scatter [tilespmem:s0], [sflag:$0x6], $0x8000, $0x38;
	[tilespmem:$0x19000] =	vst v63  }
0x379: {  	_ =	swait.ge [sflag:s25], $0x8000  }
0x37a: {  	[sflag:s25] =	ssyncset.done $0x0  }
0x37b: {  	[sflag:s25] =	ssyncadd.s32 $0xFFFF8000  }
0x37c: {  	v3 =	vld [tilespmem:$0x880];
	_ =	sdelay $0x4  }
0x37d: {  	v34 =	vshll.u32 v3, $0x3  }
0x37e: {  	v3 =	vand.u32 $0x7, v3;
	v4 =	vand.u32 $0xFFFFFFC0, v34  }
0x37f: {  	v3 =	vor.u32 v3, v4  }
0x380: {  	v4 =	vperm.xlane v3, v0;
	_ =	sdelay $0x1  }
0x381: {  	v4 =	vadd.s32 v1, v4;
	_ =	sdelay $0x4  }
0x382: {  	[tilespmem:s0], [sflag:$0x3] =	stream.indirect_vreg.gather [hbm4b:s2+s3], $0x80, v4, vm0, $0xb8;
	[tilespmem:$0x19000] =	vst v63  }
0x383: {  	s26 =	simm.s32 $0x11800;
	v3 =	vperm.xlane v3, v2  }
0x384: {  	[tilespmem:s26], [sflag:$0x3] =	stream.indirect_vreg.gather [hbm4b:s6+s3], $0x80, v4, vm0, $0xb8;
	[tilespmem:$0x19000] =	vst v63  }
0x385: {  	v3 =	vadd.s32 v1, v3  }
0x386: {  	[tilespmem:s14], [sflag:$0x3] =	stream.indirect_vreg.gather [hbm4b:s7+s3], $0x80, v4, vm0, $0xb8;
	[tilespmem:$0x19000] =	vst v63  }
0x387: {  	_ = 	snop  }
0x388: {  	[tilespmem:s17], [sflag:$0x3] =	stream.indirect_vreg.gather [hbm4b:s8+s3], $0x80, v4, vm0, $0xb8;
	[tilespmem:$0x19000] =	vst v63  }
0x389: {  	_ = 	snop  }
0x38a: {  	[tilespmem:s15], [sflag:$0x3] =	stream.indirect_vreg.gather [hbm4b:s2+s3], $0x80, v3, vm0, $0xb8;
	[tilespmem:$0x19000] =	vst v63  }
0x38b: {  	_ = 	snop  }
0x38c: {  	[tilespmem:s16], [sflag:$0x3] =	stream.indirect_vreg.gather [hbm4b:s6+s3], $0x80, v3, vm0, $0xb8;
	[tilespmem:$0x19000] =	vst v63  }
0x38d: {  	_ = 	snop  }
0x38e: {  	[tilespmem:s18], [sflag:$0x3] =	stream.indirect_vreg.gather [hbm4b:s7+s3], $0x80, v3, vm0, $0xb8;
	[tilespmem:$0x19000] =	vst v63  }
0x38f: {  	s18 =	simm.s32 $0x14800  }
0x390: {  	[tilespmem:s18], [sflag:$0x3] =	stream.indirect_vreg.gather [hbm4b:s8+s3], $0x80, v3, vm0, $0xb8;
	[tilespmem:$0x19000] =	vst v63  }
0x391: {  	v3 =	vld [tilespmem:$0x890];
	_ =	sdelay $0x4  }
0x392: {  	v35 =	vshll.u32 v3, $0x3  }
0x393: {  	v3 =	vand.u32 $0x7, v3;
	v4 =	vand.u32 $0xFFFFFFC0, v35  }
0x394: {  	v3 =	vor.u32 v3, v4  }
0x395: {  	v4 =	vperm.xlane v3, v0;
	_ =	sdelay $0x1  }
0x396: {  	v4 =	vadd.s32 v1, v4;
	_ =	sdelay $0x4  }
0x397: {  	[tilespmem:s11], [sflag:$0x3] =	stream.indirect_vreg.gather [hbm4b:s2+s3], $0x80, v4, vm0, $0xb8;
	[tilespmem:$0x19000] =	vst v63  }
0x398: {  	v3 =	vperm.xlane v3, v2  }
0x399: {  	[tilespmem:s12], [sflag:$0x3] =	stream.indirect_vreg.gather [hbm4b:s6+s3], $0x80, v4, vm0, $0xb8;
	[tilespmem:$0x19000] =	vst v63  }
0x39a: {  	v3 =	vadd.s32 v1, v3  }
0x39b: {  	[tilespmem:s29], [sflag:$0x3] =	stream.indirect_vreg.gather [hbm4b:s7+s3], $0x80, v4, vm0, $0xb8;
	[tilespmem:$0x19000] =	vst v63  }
0x39c: {  	s26 =	simm.s32 $0x16800  }
0x39d: {  	[tilespmem:s26], [sflag:$0x3] =	stream.indirect_vreg.gather [hbm4b:s8+s3], $0x80, v4, vm0, $0xb8;
	[tilespmem:$0x19000] =	vst v63  }
0x39e: {  	s29 =	simm.s32 $0x17000  }
0x39f: {  	[tilespmem:s29], [sflag:$0x3] =	stream.indirect_vreg.gather [hbm4b:s2+s3], $0x80, v3, vm0, $0xb8;
	[tilespmem:$0x19000] =	vst v63  }
0x3a0: {  	_ = 	snop  }
0x3a1: {  	[tilespmem:s5], [sflag:$0x3] =	stream.indirect_vreg.gather [hbm4b:s6+s3], $0x80, v3, vm0, $0xb8;
	[tilespmem:$0x19000] =	vst v63  }
0x3a2: {  	_ = 	snop  }
0x3a3: {  	[tilespmem:s9], [sflag:$0x3] =	stream.indirect_vreg.gather [hbm4b:s7+s3], $0x80, v3, vm0, $0xb8;
	[tilespmem:$0x19000] =	vst v63  }
0x3a4: {  	_ = 	snop  }
0x3a5: {  	[tilespmem:s10], [sflag:$0x3] =	stream.indirect_vreg.gather [hbm4b:s8+s3], $0x80, v3, vm0, $0xb8;
	[tilespmem:$0x19000] =	vst v63  }
0x3a6: {  	_ =	swait.ge [sflag:s20], $0x8000  }
0x3a7: {  	[sflag:s20] =	ssyncset.done $0x0  }
0x3a8: {  	s5 =	simm.s32 $0x1000;
	s0 =	rddreg [dreg:$0x13];
	[sflag:s20] =	ssyncadd.s32 $0xFFFF8000  }
0x3a9: {  	[hbm4b:s0+s3] =	stream.linear.scatter [tilespmem:s5], [sflag:$0x4], $0x8000, $0x38;
	[tilespmem:$0x19000] =	vst v63  }
0x3aa: {  	_ =	swait.ge [sflag:s21], $0x8000  }
0x3ab: {  	[sflag:s21] =	ssyncset.done $0x0  }
0x3ac: {  	[sflag:s21] =	ssyncadd.s32 $0xFFFF8000  }
0x3ad: {  	v3 =	vld [tilespmem:$0x900];
	_ =	sdelay $0x4  }
0x3ae: {  	v36 =	vshll.u32 v3, $0x3  }
0x3af: {  	v3 =	vand.u32 $0x7, v3;
	v4 =	vand.u32 $0xFFFFFFC0, v36  }
0x3b0: {  	v3 =	vor.u32 v3, v4  }
0x3b1: {  	v4 =	vperm.xlane v3, v0;
	_ =	sdelay $0x1  }
0x3b2: {  	v4 =	vadd.s32 v1, v4;
	_ =	sdelay $0x4  }
0x3b3: {  	[tilespmem:s5], [sflag:$0x1] =	stream.indirect_vreg.gather [hbm4b:s2+s3], $0x80, v4, vm0, $0xb8;
	[tilespmem:$0x19000] =	vst v63  }
0x3b4: {  	s9 =	simm.s32 $0x1800;
	v3 =	vperm.xlane v3, v2  }
0x3b5: {  	[tilespmem:s9], [sflag:$0x1] =	stream.indirect_vreg.gather [hbm4b:s6+s3], $0x80, v4, vm0, $0xb8;
	[tilespmem:$0x19000] =	vst v63  }
0x3b6: {  	s14 =	simm.s32 $0x2000;
	v3 =	vadd.s32 v1, v3  }
0x3b7: {  	[tilespmem:s14], [sflag:$0x1] =	stream.indirect_vreg.gather [hbm4b:s7+s3], $0x80, v4, vm0, $0xb8;
	[tilespmem:$0x19000] =	vst v63  }
0x3b8: {  	_ = 	snop  }
0x3b9: {  	[tilespmem:s4], [sflag:$0x1] =	stream.indirect_vreg.gather [hbm4b:s8+s3], $0x80, v4, vm0, $0xb8;
	[tilespmem:$0x19000] =	vst v63  }
0x3ba: {  	s10 =	simm.s32 $0x3000  }
0x3bb: {  	[tilespmem:s10], [sflag:$0x1] =	stream.indirect_vreg.gather [hbm4b:s2+s3], $0x80, v3, vm0, $0xb8;
	[tilespmem:$0x19000] =	vst v63  }
0x3bc: {  	s11 =	simm.s32 $0x3800  }
0x3bd: {  	[tilespmem:s11], [sflag:$0x1] =	stream.indirect_vreg.gather [hbm4b:s6+s3], $0x80, v3, vm0, $0xb8;
	[tilespmem:$0x19000] =	vst v63  }
0x3be: {  	s16 =	simm.s32 $0x4000  }
0x3bf: {  	[tilespmem:s16], [sflag:$0x1] =	stream.indirect_vreg.gather [hbm4b:s7+s3], $0x80, v3, vm0, $0xb8;
	[tilespmem:$0x19000] =	vst v63  }
0x3c0: {  	s17 =	simm.s32 $0x4800  }
0x3c1: {  	[tilespmem:s17], [sflag:$0x1] =	stream.indirect_vreg.gather [hbm4b:s8+s3], $0x80, v3, vm0, $0xb8;
	[tilespmem:$0x19000] =	vst v63  }
0x3c2: {  	v3 =	vld [tilespmem:$0x910];
	_ =	sdelay $0x4  }
0x3c3: {  	v37 =	vshll.u32 v3, $0x3  }
0x3c4: {  	v3 =	vand.u32 $0x7, v3;
	v4 =	vand.u32 $0xFFFFFFC0, v37  }
0x3c5: {  	v3 =	vor.u32 v3, v4  }
0x3c6: {  	v4 =	vperm.xlane v3, v0;
	_ =	sdelay $0x1  }
0x3c7: {  	v4 =	vadd.s32 v1, v4;
	_ =	sdelay $0x3  }
0x3c8: {  	s18 =	simm.s32 $0x5000  }
0x3c9: {  	[tilespmem:s18], [sflag:$0x1] =	stream.indirect_vreg.gather [hbm4b:s2+s3], $0x80, v4, vm0, $0xb8;
	[tilespmem:$0x19000] =	vst v63  }
0x3ca: {  	s26 =	simm.s32 $0x5800;
	v3 =	vperm.xlane v3, v2  }
0x3cb: {  	[tilespmem:s26], [sflag:$0x1] =	stream.indirect_vreg.gather [hbm4b:s6+s3], $0x80, v4, vm0, $0xb8;
	[tilespmem:$0x19000] =	vst v63  }
0x3cc: {  	s4 =	simm.s32 $0x6000;
	v3 =	vadd.s32 v1, v3  }
0x3cd: {  	[tilespmem:s4], [sflag:$0x1] =	stream.indirect_vreg.gather [hbm4b:s7+s3], $0x80, v4, vm0, $0xb8;
	[tilespmem:$0x19000] =	vst v63  }
0x3ce: {  	s5 =	simm.s32 $0x6800  }
0x3cf: {  	[tilespmem:s5], [sflag:$0x1] =	stream.indirect_vreg.gather [hbm4b:s8+s3], $0x80, v4, vm0, $0xb8;
	[tilespmem:$0x19000] =	vst v63  }
0x3d0: {  	s9 =	simm.s32 $0x7000  }
0x3d1: {  	[tilespmem:s9], [sflag:$0x1] =	stream.indirect_vreg.gather [hbm4b:s2+s3], $0x80, v3, vm0, $0xb8;
	[tilespmem:$0x19000] =	vst v63  }
0x3d2: {  	s10 =	simm.s32 $0x7800  }
0x3d3: {  	[tilespmem:s10], [sflag:$0x1] =	stream.indirect_vreg.gather [hbm4b:s6+s3], $0x80, v3, vm0, $0xb8;
	[tilespmem:$0x19000] =	vst v63  }
0x3d4: {  	s11 =	simm.s32 $0x8000  }
0x3d5: {  	[tilespmem:s11], [sflag:$0x1] =	stream.indirect_vreg.gather [hbm4b:s7+s3], $0x80, v3, vm0, $0xb8;
	[tilespmem:$0x19000] =	vst v63  }
0x3d6: {  	s16 =	simm.s32 $0x8800  }
0x3d7: {  	[tilespmem:s16], [sflag:$0x1] =	stream.indirect_vreg.gather [hbm4b:s8+s3], $0x80, v3, vm0, $0xb8;
	[tilespmem:$0x19000] =	vst v63  }
0x3d8: {  	_ =	swait.ge [sflag:s22], $0x8000  }
0x3d9: {  	[sflag:s22] =	ssyncset.done $0x0  }
0x3da: {  	s18 =	simm.s32 $0x9000;
	s17 =	rddreg [dreg:$0x14];
	[sflag:s22] =	ssyncadd.s32 $0xFFFF8000  }
0x3db: {  	[hbm4b:s17+s3] =	stream.linear.scatter [tilespmem:s18], [sflag:$0x5], $0x8000, $0x38;
	[tilespmem:$0x19000] =	vst v63  }
0x3dc: {  	_ =	swait.ge [sflag:s23], $0x8000  }
0x3dd: {  	[sflag:s23] =	ssyncset.done $0x0  }
0x3de: {  	[sflag:s23] =	ssyncadd.s32 $0xFFFF8000  }
0x3df: {  	v3 =	vld [tilespmem:$0x980];
	_ =	sdelay $0x4  }
0x3e0: {  	v38 =	vshll.u32 v3, $0x3  }
0x3e1: {  	v3 =	vand.u32 $0x7, v3;
	v4 =	vand.u32 $0xFFFFFFC0, v38  }
0x3e2: {  	v3 =	vor.u32 v3, v4  }
0x3e3: {  	v4 =	vperm.xlane v3, v0;
	_ =	sdelay $0x1  }
0x3e4: {  	v4 =	vadd.s32 v1, v4;
	_ =	sdelay $0x4  }
0x3e5: {  	[tilespmem:s18], [sflag:$0x2] =	stream.indirect_vreg.gather [hbm4b:s2+s3], $0x80, v4, vm0, $0xb8;
	[tilespmem:$0x19000] =	vst v63  }
0x3e6: {  	s9 =	simm.s32 $0x9800;
	v3 =	vperm.xlane v3, v2  }
0x3e7: {  	[tilespmem:s9], [sflag:$0x2] =	stream.indirect_vreg.gather [hbm4b:s6+s3], $0x80, v4, vm0, $0xb8;
	[tilespmem:$0x19000] =	vst v63  }
0x3e8: {  	v3 =	vadd.s32 v1, v3  }
0x3e9: {  	[tilespmem:s1], [sflag:$0x2] =	stream.indirect_vreg.gather [hbm4b:s7+s3], $0x80, v4, vm0, $0xb8;
	[tilespmem:$0x19000] =	vst v63  }
0x3ea: {  	_ = 	snop  }
0x3eb: {  	[tilespmem:s19], [sflag:$0x2] =	stream.indirect_vreg.gather [hbm4b:s8+s3], $0x80, v4, vm0, $0xb8;
	[tilespmem:$0x19000] =	vst v63  }
0x3ec: {  	_ = 	snop  }
0x3ed: {  	[tilespmem:s30], [sflag:$0x2] =	stream.indirect_vreg.gather [hbm4b:s2+s3], $0x80, v3, vm0, $0xb8;
	[tilespmem:$0x19000] =	vst v63  }
0x3ee: {  	_ = 	snop  }
0x3ef: {  	[tilespmem:s31], [sflag:$0x2] =	stream.indirect_vreg.gather [hbm4b:s6+s3], $0x80, v3, vm0, $0xb8;
	[tilespmem:$0x19000] =	vst v63  }
0x3f0: {  	s4 =	simm.s32 $0xC000  }
0x3f1: {  	[tilespmem:s4], [sflag:$0x2] =	stream.indirect_vreg.gather [hbm4b:s7+s3], $0x80, v3, vm0, $0xb8;
	[tilespmem:$0x19000] =	vst v63  }
0x3f2: {  	s10 =	simm.s32 $0xC800  }
0x3f3: {  	[tilespmem:s10], [sflag:$0x2] =	stream.indirect_vreg.gather [hbm4b:s8+s3], $0x80, v3, vm0, $0xb8;
	[tilespmem:$0x19000] =	vst v63  }
0x3f4: {  	v3 =	vld [tilespmem:$0x990];
	_ =	sdelay $0x4  }
0x3f5: {  	v39 =	vshll.u32 v3, $0x3  }
0x3f6: {  	v3 =	vand.u32 $0x7, v3;
	v4 =	vand.u32 $0xFFFFFFC0, v39  }
0x3f7: {  	v3 =	vor.u32 v3, v4  }
0x3f8: {  	v4 =	vperm.xlane v3, v0;
	_ =	sdelay $0x1  }
0x3f9: {  	v4 =	vadd.s32 v1, v4;
	_ =	sdelay $0x3  }
0x3fa: {  	s11 =	simm.s32 $0xD000  }
0x3fb: {  	[tilespmem:s11], [sflag:$0x2] =	stream.indirect_vreg.gather [hbm4b:s2+s3], $0x80, v4, vm0, $0xb8;
	[tilespmem:$0x19000] =	vst v63  }
0x3fc: {  	s5 =	simm.s32 $0xD800;
	v3 =	vperm.xlane v3, v2  }
0x3fd: {  	[tilespmem:s5], [sflag:$0x2] =	stream.indirect_vreg.gather [hbm4b:s6+s3], $0x80, v4, vm0, $0xb8;
	[tilespmem:$0x19000] =	vst v63  }
0x3fe: {  	v3 =	vadd.s32 v1, v3  }
0x3ff: {  	[tilespmem:s28], [sflag:$0x2] =	stream.indirect_vreg.gather [hbm4b:s7+s3], $0x80, v4, vm0, $0xb8;
	[tilespmem:$0x19000] =	vst v63  }
0x400: {  	_ = 	snop  }
0x401: {  	[tilespmem:s13], [sflag:$0x2] =	stream.indirect_vreg.gather [hbm4b:s8+s3], $0x80, v4, vm0, $0xb8;
	[tilespmem:$0x19000] =	vst v63  }
0x402: {  	s16 =	simm.s32 $0xF000  }
0x403: {  	[tilespmem:s16], [sflag:$0x2] =	stream.indirect_vreg.gather [hbm4b:s2+s3], $0x80, v3, vm0, $0xb8;
	[tilespmem:$0x19000] =	vst v63  }
0x404: {  	s17 =	simm.s32 $0xF800  }
0x405: {  	[tilespmem:s17], [sflag:$0x2] =	stream.indirect_vreg.gather [hbm4b:s6+s3], $0x80, v3, vm0, $0xb8;
	[tilespmem:$0x19000] =	vst v63  }
0x406: {  	s26 =	simm.s32 $0x10000  }
0x407: {  	[tilespmem:s26], [sflag:$0x2] =	stream.indirect_vreg.gather [hbm4b:s7+s3], $0x80, v3, vm0, $0xb8;
	[tilespmem:$0x19000] =	vst v63  }
0x408: {  	s28 =	simm.s32 $0x10800  }
0x409: {  	[tilespmem:s28], [sflag:$0x2] =	stream.indirect_vreg.gather [hbm4b:s8+s3], $0x80, v3, vm0, $0xb8;
	[tilespmem:$0x19000] =	vst v63  }
0x40a: {  	_ =	swait.ge [sflag:s24], $0x8000  }
0x40b: {  	[sflag:s24] =	ssyncset.done $0x0  }
0x40c: {  	s31 =	simm.s32 $0x11000;
	s30 =	rddreg [dreg:$0x15];
	[sflag:s24] =	ssyncadd.s32 $0xFFFF8000  }
0x40d: {  	[hbm4b:s30+s3] =	stream.linear.scatter [tilespmem:s31], [sflag:$0x6], $0x8000, $0x38;
	[tilespmem:$0x19000] =	vst v63  }
0x40e: {  	_ =	swait.ge [sflag:s25], $0x8000  }
0x40f: {  	[sflag:s25] =	ssyncset.done $0x0  }
0x410: {  	[sflag:s25] =	ssyncadd.s32 $0xFFFF8000  }
0x411: {  	v3 =	vld [tilespmem:$0xA00];
	_ =	sdelay $0x4  }
0x412: {  	v40 =	vshll.u32 v3, $0x3  }
0x413: {  	v3 =	vand.u32 $0x7, v3;
	v4 =	vand.u32 $0xFFFFFFC0, v40  }
0x414: {  	v3 =	vor.u32 v3, v4  }
0x415: {  	v4 =	vperm.xlane v3, v0;
	_ =	sdelay $0x1  }
0x416: {  	v4 =	vadd.s32 v1, v4;
	_ =	sdelay $0x4  }
0x417: {  	[tilespmem:s31], [sflag:$0x3] =	stream.indirect_vreg.gather [hbm4b:s2+s3], $0x80, v4, vm0, $0xb8;
	[tilespmem:$0x19000] =	vst v63  }
0x418: {  	s30 =	simm.s32 $0x11800;
	v3 =	vperm.xlane v3, v2  }
0x419: {  	[tilespmem:s30], [sflag:$0x3] =	stream.indirect_vreg.gather [hbm4b:s6+s3], $0x80, v4, vm0, $0xb8;
	[tilespmem:$0x19000] =	vst v63  }
0x41a: {  	s5 =	simm.s32 $0x12000;
	v3 =	vadd.s32 v1, v3  }
0x41b: {  	[tilespmem:s5], [sflag:$0x3] =	stream.indirect_vreg.gather [hbm4b:s7+s3], $0x80, v4, vm0, $0xb8;
	[tilespmem:$0x19000] =	vst v63  }
0x41c: {  	s16 =	simm.s32 $0x12800  }
0x41d: {  	[tilespmem:s16], [sflag:$0x3] =	stream.indirect_vreg.gather [hbm4b:s8+s3], $0x80, v4, vm0, $0xb8;
	[tilespmem:$0x19000] =	vst v63  }
0x41e: {  	s17 =	simm.s32 $0x13000  }
0x41f: {  	[tilespmem:s17], [sflag:$0x3] =	stream.indirect_vreg.gather [hbm4b:s2+s3], $0x80, v3, vm0, $0xb8;
	[tilespmem:$0x19000] =	vst v63  }
0x420: {  	s4 =	simm.s32 $0x13800  }
0x421: {  	[tilespmem:s4], [sflag:$0x3] =	stream.indirect_vreg.gather [hbm4b:s6+s3], $0x80, v3, vm0, $0xb8;
	[tilespmem:$0x19000] =	vst v63  }
0x422: {  	s13 =	simm.s32 $0x14000  }
0x423: {  	[tilespmem:s13], [sflag:$0x3] =	stream.indirect_vreg.gather [hbm4b:s7+s3], $0x80, v3, vm0, $0xb8;
	[tilespmem:$0x19000] =	vst v63  }
0x424: {  	s26 =	simm.s32 $0x14800  }
0x425: {  	[tilespmem:s26], [sflag:$0x3] =	stream.indirect_vreg.gather [hbm4b:s8+s3], $0x80, v3, vm0, $0xb8;
	[tilespmem:$0x19000] =	vst v63  }
0x426: {  	v3 =	vld [tilespmem:$0xA10];
	_ =	sdelay $0x4  }
0x427: {  	v41 =	vshll.u32 v3, $0x3  }
0x428: {  	v3 =	vand.u32 $0x7, v3;
	v4 =	vand.u32 $0xFFFFFFC0, v41  }
0x429: {  	v3 =	vor.u32 v3, v4  }
0x42a: {  	v4 =	vperm.xlane v3, v0;
	_ =	sdelay $0x1  }
0x42b: {  	v4 =	vadd.s32 v1, v4;
	_ =	sdelay $0x3  }
0x42c: {  	s15 =	simm.s32 $0x15000  }
0x42d: {  	[tilespmem:s15], [sflag:$0x3] =	stream.indirect_vreg.gather [hbm4b:s2+s3], $0x80, v4, vm0, $0xb8;
	[tilespmem:$0x19000] =	vst v63  }
0x42e: {  	v3 =	vperm.xlane v3, v2;
	s15 =	simm.s32 $0x15800  }
0x42f: {  	[tilespmem:s15], [sflag:$0x3] =	stream.indirect_vreg.gather [hbm4b:s6+s3], $0x80, v4, vm0, $0xb8;
	[tilespmem:$0x19000] =	vst v63  }
0x430: {  	s28 =	simm.s32 $0x16000;
	v3 =	vadd.s32 v1, v3  }
0x431: {  	[tilespmem:s28], [sflag:$0x3] =	stream.indirect_vreg.gather [hbm4b:s7+s3], $0x80, v4, vm0, $0xb8;
	[tilespmem:$0x19000] =	vst v63  }
0x432: {  	s13 =	simm.s32 $0x16800  }
0x433: {  	[tilespmem:s13], [sflag:$0x3] =	stream.indirect_vreg.gather [hbm4b:s8+s3], $0x80, v4, vm0, $0xb8;
	[tilespmem:$0x19000] =	vst v63  }
0x434: {  	s12 =	simm.s32 $0x17000  }
0x435: {  	[tilespmem:s12], [sflag:$0x3] =	stream.indirect_vreg.gather [hbm4b:s2+s3], $0x80, v3, vm0, $0xb8;
	[tilespmem:$0x19000] =	vst v63  }
0x436: {  	s29 =	simm.s32 $0x17800  }
0x437: {  	[tilespmem:s29], [sflag:$0x3] =	stream.indirect_vreg.gather [hbm4b:s6+s3], $0x80, v3, vm0, $0xb8;
	[tilespmem:$0x19000] =	vst v63  }
0x438: {  	s4 =	simm.s32 $0x18000  }
0x439: {  	[tilespmem:s4], [sflag:$0x3] =	stream.indirect_vreg.gather [hbm4b:s7+s3], $0x80, v3, vm0, $0xb8;
	[tilespmem:$0x19000] =	vst v63  }
0x43a: {  	s29 =	simm.s32 $0x18800  }
0x43b: {  	[tilespmem:s29], [sflag:$0x3] =	stream.indirect_vreg.gather [hbm4b:s8+s3], $0x80, v3, vm0, $0xb8;
	[tilespmem:$0x19000] =	vst v63  }
0x43c: {  	_ =	swait.ge [sflag:s20], $0x8000  }
0x43d: {  	[sflag:s20] =	ssyncset.done $0x0  }
0x43e: {  	s0 =	simm.s32 $0x1000;
	s31 =	rddreg [dreg:$0x16];
	[sflag:s20] =	ssyncadd.s32 $0xFFFF8000  }
0x43f: {  	[hbm4b:s31+s3] =	stream.linear.scatter [tilespmem:s0], [sflag:$0x4], $0x8000, $0x38;
	[tilespmem:$0x19000] =	vst v63  }
0x440: {  	_ =	swait.ge [sflag:s21], $0x8000  }
0x441: {  	[sflag:s21] =	ssyncset.done $0x0  }
0x442: {  	[sflag:s21] =	ssyncadd.s32 $0xFFFF8000  }
0x443: {  	v3 =	vld [tilespmem:$0xA80];
	_ =	sdelay $0x4  }
0x444: {  	v42 =	vshll.u32 v3, $0x3  }
0x445: {  	v3 =	vand.u32 $0x7, v3;
	v4 =	vand.u32 $0xFFFFFFC0, v42  }
0x446: {  	v3 =	vor.u32 v3, v4  }
0x447: {  	v4 =	vperm.xlane v3, v0;
	_ =	sdelay $0x1  }
0x448: {  	v4 =	vadd.s32 v1, v4;
	_ =	sdelay $0x4  }
0x449: {  	[tilespmem:s0], [sflag:$0x1] =	stream.indirect_vreg.gather [hbm4b:s2+s3], $0x80, v4, vm0, $0xb8;
	[tilespmem:$0x19000] =	vst v63  }
0x44a: {  	s28 =	simm.s32 $0x1800;
	v3 =	vperm.xlane v3, v2  }
0x44b: {  	[tilespmem:s28], [sflag:$0x1] =	stream.indirect_vreg.gather [hbm4b:s6+s3], $0x80, v4, vm0, $0xb8;
	[tilespmem:$0x19000] =	vst v63  }
0x44c: {  	v3 =	vadd.s32 v1, v3  }
0x44d: {  	[tilespmem:s14], [sflag:$0x1] =	stream.indirect_vreg.gather [hbm4b:s7+s3], $0x80, v4, vm0, $0xb8;
	[tilespmem:$0x19000] =	vst v63  }
0x44e: {  	s31 =	simm.s32 $0x2800  }
0x44f: {  	[tilespmem:s31], [sflag:$0x1] =	stream.indirect_vreg.gather [hbm4b:s8+s3], $0x80, v4, vm0, $0xb8;
	[tilespmem:$0x19000] =	vst v63  }
0x450: {  	s12 =	simm.s32 $0x3000  }
0x451: {  	[tilespmem:s12], [sflag:$0x1] =	stream.indirect_vreg.gather [hbm4b:s2+s3], $0x80, v3, vm0, $0xb8;
	[tilespmem:$0x19000] =	vst v63  }
0x452: {  	s14 =	simm.s32 $0x3800  }
0x453: {  	[tilespmem:s14], [sflag:$0x1] =	stream.indirect_vreg.gather [hbm4b:s6+s3], $0x80, v3, vm0, $0xb8;
	[tilespmem:$0x19000] =	vst v63  }
0x454: {  	s26 =	simm.s32 $0x4000  }
0x455: {  	[tilespmem:s26], [sflag:$0x1] =	stream.indirect_vreg.gather [hbm4b:s7+s3], $0x80, v3, vm0, $0xb8;
	[tilespmem:$0x19000] =	vst v63  }
0x456: {  	s28 =	simm.s32 $0x4800  }
0x457: {  	[tilespmem:s28], [sflag:$0x1] =	stream.indirect_vreg.gather [hbm4b:s8+s3], $0x80, v3, vm0, $0xb8;
	[tilespmem:$0x19000] =	vst v63  }
0x458: {  	v3 =	vld [tilespmem:$0xA90];
	_ =	sdelay $0x4  }
0x459: {  	v43 =	vshll.u32 v3, $0x3  }
0x45a: {  	v3 =	vand.u32 $0x7, v3;
	v4 =	vand.u32 $0xFFFFFFC0, v43  }
0x45b: {  	v3 =	vor.u32 v3, v4  }
0x45c: {  	v4 =	vperm.xlane v3, v0;
	_ =	sdelay $0x1  }
0x45d: {  	v4 =	vadd.s32 v1, v4;
	_ =	sdelay $0x3  }
0x45e: {  	s31 =	simm.s32 $0x5000  }
0x45f: {  	[tilespmem:s31], [sflag:$0x1] =	stream.indirect_vreg.gather [hbm4b:s2+s3], $0x80, v4, vm0, $0xb8;
	[tilespmem:$0x19000] =	vst v63  }
0x460: {  	s12 =	simm.s32 $0x5800;
	v3 =	vperm.xlane v3, v2  }
0x461: {  	[tilespmem:s12], [sflag:$0x1] =	stream.indirect_vreg.gather [hbm4b:s6+s3], $0x80, v4, vm0, $0xb8;
	[tilespmem:$0x19000] =	vst v63  }
0x462: {  	s14 =	simm.s32 $0x6000;
	v3 =	vadd.s32 v1, v3  }
0x463: {  	[tilespmem:s14], [sflag:$0x1] =	stream.indirect_vreg.gather [hbm4b:s7+s3], $0x80, v4, vm0, $0xb8;
	[tilespmem:$0x19000] =	vst v63  }
0x464: {  	s26 =	simm.s32 $0x6800  }
0x465: {  	[tilespmem:s26], [sflag:$0x1] =	stream.indirect_vreg.gather [hbm4b:s8+s3], $0x80, v4, vm0, $0xb8;
	[tilespmem:$0x19000] =	vst v63  }
0x466: {  	s28 =	simm.s32 $0x7000  }
0x467: {  	[tilespmem:s28], [sflag:$0x1] =	stream.indirect_vreg.gather [hbm4b:s2+s3], $0x80, v3, vm0, $0xb8;
	[tilespmem:$0x19000] =	vst v63  }
0x468: {  	s31 =	simm.s32 $0x7800  }
0x469: {  	[tilespmem:s31], [sflag:$0x1] =	stream.indirect_vreg.gather [hbm4b:s6+s3], $0x80, v3, vm0, $0xb8;
	[tilespmem:$0x19000] =	vst v63  }
0x46a: {  	s12 =	simm.s32 $0x8000  }
0x46b: {  	[tilespmem:s12], [sflag:$0x1] =	stream.indirect_vreg.gather [hbm4b:s7+s3], $0x80, v3, vm0, $0xb8;
	[tilespmem:$0x19000] =	vst v63  }
0x46c: {  	s12 =	simm.s32 $0x8800  }
0x46d: {  	[tilespmem:s12], [sflag:$0x1] =	stream.indirect_vreg.gather [hbm4b:s8+s3], $0x80, v3, vm0, $0xb8;
	[tilespmem:$0x19000] =	vst v63  }
0x46e: {  	_ =	swait.ge [sflag:s22], $0x8000  }
0x46f: {  	[sflag:s22] =	ssyncset.done $0x0  }
0x470: {  	s28 =	simm.s32 $0x9000;
	s14 =	rddreg [dreg:$0x17];
	[sflag:s22] =	ssyncadd.s32 $0xFFFF8000  }
0x471: {  	[hbm4b:s14+s3] =	stream.linear.scatter [tilespmem:s28], [sflag:$0x5], $0x8000, $0x38;
	[tilespmem:$0x19000] =	vst v63  }
0x472: {  	_ =	swait.ge [sflag:s23], $0x8000  }
0x473: {  	[sflag:s23] =	ssyncset.done $0x0  }
0x474: {  	[sflag:s23] =	ssyncadd.s32 $0xFFFF8000  }
0x475: {  	v3 =	vld [tilespmem:$0xB00];
	_ =	sdelay $0x4  }
0x476: {  	v44 =	vshll.u32 v3, $0x3  }
0x477: {  	v3 =	vand.u32 $0x7, v3;
	v4 =	vand.u32 $0xFFFFFFC0, v44  }
0x478: {  	v3 =	vor.u32 v3, v4  }
0x479: {  	v4 =	vperm.xlane v3, v0;
	_ =	sdelay $0x1  }
0x47a: {  	v4 =	vadd.s32 v1, v4;
	_ =	sdelay $0x4  }
0x47b: {  	[tilespmem:s28], [sflag:$0x2] =	stream.indirect_vreg.gather [hbm4b:s2+s3], $0x80, v4, vm0, $0xb8;
	[tilespmem:$0x19000] =	vst v63  }
0x47c: {  	v3 =	vperm.xlane v3, v2  }
0x47d: {  	[tilespmem:s9], [sflag:$0x2] =	stream.indirect_vreg.gather [hbm4b:s6+s3], $0x80, v4, vm0, $0xb8;
	[tilespmem:$0x19000] =	vst v63  }
0x47e: {  	v3 =	vadd.s32 v1, v3;
	s9 =	simm.s32 $0xA000  }
0x47f: {  	[tilespmem:s9], [sflag:$0x2] =	stream.indirect_vreg.gather [hbm4b:s7+s3], $0x80, v4, vm0, $0xb8;
	[tilespmem:$0x19000] =	vst v63  }
0x480: {  	s14 =	simm.s32 $0xA800  }
0x481: {  	[tilespmem:s14], [sflag:$0x2] =	stream.indirect_vreg.gather [hbm4b:s8+s3], $0x80, v4, vm0, $0xb8;
	[tilespmem:$0x19000] =	vst v63  }
0x482: {  	s1 =	simm.s32 $0xB000  }
0x483: {  	[tilespmem:s1], [sflag:$0x2] =	stream.indirect_vreg.gather [hbm4b:s2+s3], $0x80, v3, vm0, $0xb8;
	[tilespmem:$0x19000] =	vst v63  }
0x484: {  	s18 =	simm.s32 $0xB800  }
0x485: {  	[tilespmem:s18], [sflag:$0x2] =	stream.indirect_vreg.gather [hbm4b:s6+s3], $0x80, v3, vm0, $0xb8;
	[tilespmem:$0x19000] =	vst v63  }
0x486: {  	s1 =	simm.s32 $0xC000  }
0x487: {  	[tilespmem:s1], [sflag:$0x2] =	stream.indirect_vreg.gather [hbm4b:s7+s3], $0x80, v3, vm0, $0xb8;
	[tilespmem:$0x19000] =	vst v63  }
0x488: {  	_ = 	snop  }
0x489: {  	[tilespmem:s10], [sflag:$0x2] =	stream.indirect_vreg.gather [hbm4b:s8+s3], $0x80, v3, vm0, $0xb8;
	[tilespmem:$0x19000] =	vst v63  }
0x48a: {  	v3 =	vld [tilespmem:$0xB10];
	_ =	sdelay $0x4  }
0x48b: {  	v45 =	vshll.u32 v3, $0x3  }
0x48c: {  	v3 =	vand.u32 $0x7, v3;
	v4 =	vand.u32 $0xFFFFFFC0, v45  }
0x48d: {  	v3 =	vor.u32 v3, v4  }
0x48e: {  	v4 =	vperm.xlane v3, v0;
	_ =	sdelay $0x1  }
0x48f: {  	v4 =	vadd.s32 v1, v4;
	_ =	sdelay $0x4  }
0x490: {  	[tilespmem:s11], [sflag:$0x2] =	stream.indirect_vreg.gather [hbm4b:s2+s3], $0x80, v4, vm0, $0xb8;
	[tilespmem:$0x19000] =	vst v63  }
0x491: {  	s19 =	simm.s32 $0xD800;
	v3 =	vperm.xlane v3, v2  }
0x492: {  	[tilespmem:s19], [sflag:$0x2] =	stream.indirect_vreg.gather [hbm4b:s6+s3], $0x80, v4, vm0, $0xb8;
	[tilespmem:$0x19000] =	vst v63  }
0x493: {  	s10 =	simm.s32 $0xE000;
	v3 =	vadd.s32 v1, v3  }
0x494: {  	[tilespmem:s10], [sflag:$0x2] =	stream.indirect_vreg.gather [hbm4b:s7+s3], $0x80, v4, vm0, $0xb8;
	[tilespmem:$0x19000] =	vst v63  }
0x495: {  	s11 =	simm.s32 $0xE800  }
0x496: {  	[tilespmem:s11], [sflag:$0x2] =	stream.indirect_vreg.gather [hbm4b:s8+s3], $0x80, v4, vm0, $0xb8;
	[tilespmem:$0x19000] =	vst v63  }
0x497: {  	s18 =	simm.s32 $0xF000  }
0x498: {  	[tilespmem:s18], [sflag:$0x2] =	stream.indirect_vreg.gather [hbm4b:s2+s3], $0x80, v3, vm0, $0xb8;
	[tilespmem:$0x19000] =	vst v63  }
0x499: {  	s19 =	simm.s32 $0xF800  }
0x49a: {  	[tilespmem:s19], [sflag:$0x2] =	stream.indirect_vreg.gather [hbm4b:s6+s3], $0x80, v3, vm0, $0xb8;
	[tilespmem:$0x19000] =	vst v63  }
0x49b: {  	s28 =	simm.s32 $0x10000  }
0x49c: {  	[tilespmem:s28], [sflag:$0x2] =	stream.indirect_vreg.gather [hbm4b:s7+s3], $0x80, v3, vm0, $0xb8;
	[tilespmem:$0x19000] =	vst v63  }
0x49d: {  	s31 =	simm.s32 $0x10800  }
0x49e: {  	[tilespmem:s31], [sflag:$0x2] =	stream.indirect_vreg.gather [hbm4b:s8+s3], $0x80, v3, vm0, $0xb8;
	[tilespmem:$0x19000] =	vst v63  }
0x49f: {  	_ =	swait.ge [sflag:s24], $0x8000  }
0x4a0: {  	[sflag:s24] =	ssyncset.done $0x0  }
0x4a1: {  	s0 =	simm.s32 $0x11000;
	s26 =	rddreg [dreg:$0x18];
	[sflag:s24] =	ssyncadd.s32 $0xFFFF8000  }
0x4a2: {  	[hbm4b:s26+s3] =	stream.linear.scatter [tilespmem:s0], [sflag:$0x6], $0x8000, $0x38;
	[tilespmem:$0x19000] =	vst v63  }
0x4a3: {  	_ =	swait.ge [sflag:s25], $0x8000  }
0x4a4: {  	[sflag:s25] =	ssyncset.done $0x0  }
0x4a5: {  	[sflag:s25] =	ssyncadd.s32 $0xFFFF8000  }
0x4a6: {  	v3 =	vld [tilespmem:$0xB80];
	_ =	sdelay $0x4  }
0x4a7: {  	v46 =	vshll.u32 v3, $0x3  }
0x4a8: {  	v3 =	vand.u32 $0x7, v3;
	v4 =	vand.u32 $0xFFFFFFC0, v46  }
0x4a9: {  	v3 =	vor.u32 v3, v4  }
0x4aa: {  	v4 =	vperm.xlane v3, v0;
	_ =	sdelay $0x1  }
0x4ab: {  	v4 =	vadd.s32 v1, v4;
	_ =	sdelay $0x4  }
0x4ac: {  	[tilespmem:s0], [sflag:$0x3] =	stream.indirect_vreg.gather [hbm4b:s2+s3], $0x80, v4, vm0, $0xb8;
	[tilespmem:$0x19000] =	vst v63  }
0x4ad: {  	v3 =	vperm.xlane v3, v2  }
0x4ae: {  	[tilespmem:s30], [sflag:$0x3] =	stream.indirect_vreg.gather [hbm4b:s6+s3], $0x80, v4, vm0, $0xb8;
	[tilespmem:$0x19000] =	vst v63  }
0x4af: {  	v3 =	vadd.s32 v1, v3  }
0x4b0: {  	[tilespmem:s5], [sflag:$0x3] =	stream.indirect_vreg.gather [hbm4b:s7+s3], $0x80, v4, vm0, $0xb8;
	[tilespmem:$0x19000] =	vst v63  }
0x4b1: {  	_ = 	snop  }
0x4b2: {  	[tilespmem:s16], [sflag:$0x3] =	stream.indirect_vreg.gather [hbm4b:s8+s3], $0x80, v4, vm0, $0xb8;
	[tilespmem:$0x19000] =	vst v63  }
0x4b3: {  	_ = 	snop  }
0x4b4: {  	[tilespmem:s17], [sflag:$0x3] =	stream.indirect_vreg.gather [hbm4b:s2+s3], $0x80, v3, vm0, $0xb8;
	[tilespmem:$0x19000] =	vst v63  }
0x4b5: {  	s17 =	simm.s32 $0x13800  }
0x4b6: {  	[tilespmem:s17], [sflag:$0x3] =	stream.indirect_vreg.gather [hbm4b:s6+s3], $0x80, v3, vm0, $0xb8;
	[tilespmem:$0x19000] =	vst v63  }
0x4b7: {  	s30 =	simm.s32 $0x14000  }
0x4b8: {  	[tilespmem:s30], [sflag:$0x3] =	stream.indirect_vreg.gather [hbm4b:s7+s3], $0x80, v3, vm0, $0xb8;
	[tilespmem:$0x19000] =	vst v63  }
0x4b9: {  	s5 =	simm.s32 $0x14800  }
0x4ba: {  	[tilespmem:s5], [sflag:$0x3] =	stream.indirect_vreg.gather [hbm4b:s8+s3], $0x80, v3, vm0, $0xb8;
	[tilespmem:$0x19000] =	vst v63  }
0x4bb: {  	v3 =	vld [tilespmem:$0xB90];
	_ =	sdelay $0x4  }
0x4bc: {  	v47 =	vshll.u32 v3, $0x3  }
0x4bd: {  	v3 =	vand.u32 $0x7, v3;
	v4 =	vand.u32 $0xFFFFFFC0, v47  }
0x4be: {  	v3 =	vor.u32 v3, v4  }
0x4bf: {  	v4 =	vperm.xlane v3, v0;
	_ =	sdelay $0x1  }
0x4c0: {  	v4 =	vadd.s32 v1, v4;
	_ =	sdelay $0x3  }
0x4c1: {  	s16 =	simm.s32 $0x15000  }
0x4c2: {  	[tilespmem:s16], [sflag:$0x3] =	stream.indirect_vreg.gather [hbm4b:s2+s3], $0x80, v4, vm0, $0xb8;
	[tilespmem:$0x19000] =	vst v63  }
0x4c3: {  	v3 =	vperm.xlane v3, v2  }
0x4c4: {  	[tilespmem:s15], [sflag:$0x3] =	stream.indirect_vreg.gather [hbm4b:s6+s3], $0x80, v4, vm0, $0xb8;
	[tilespmem:$0x19000] =	vst v63  }
0x4c5: {  	s26 =	simm.s32 $0x16000;
	v3 =	vadd.s32 v1, v3  }
0x4c6: {  	[tilespmem:s26], [sflag:$0x3] =	stream.indirect_vreg.gather [hbm4b:s7+s3], $0x80, v4, vm0, $0xb8;
	[tilespmem:$0x19000] =	vst v63  }
0x4c7: {  	_ = 	snop  }
0x4c8: {  	[tilespmem:s13], [sflag:$0x3] =	stream.indirect_vreg.gather [hbm4b:s8+s3], $0x80, v4, vm0, $0xb8;
	[tilespmem:$0x19000] =	vst v63  }
0x4c9: {  	s5 =	simm.s32 $0x17000  }
0x4ca: {  	[tilespmem:s5], [sflag:$0x3] =	stream.indirect_vreg.gather [hbm4b:s2+s3], $0x80, v3, vm0, $0xb8;
	[tilespmem:$0x19000] =	vst v63  }
0x4cb: {  	s30 =	simm.s32 $0x17800  }
0x4cc: {  	[tilespmem:s30], [sflag:$0x3] =	stream.indirect_vreg.gather [hbm4b:s6+s3], $0x80, v3, vm0, $0xb8;
	[tilespmem:$0x19000] =	vst v63  }
0x4cd: {  	_ = 	snop  }
0x4ce: {  	[tilespmem:s4], [sflag:$0x3] =	stream.indirect_vreg.gather [hbm4b:s7+s3], $0x80, v3, vm0, $0xb8;
	[tilespmem:$0x19000] =	vst v63  }
0x4cf: {  	_ = 	snop  }
0x4d0: {  	[tilespmem:s29], [sflag:$0x3] =	stream.indirect_vreg.gather [hbm4b:s8+s3], $0x80, v3, vm0, $0xb8;
	[tilespmem:$0x19000] =	vst v63  }
0x4d1: {  	_ =	swait.ge [sflag:s20], $0x8000  }
0x4d2: {  	[sflag:s20] =	ssyncset.done $0x0  }
0x4d3: {  	s13 =	simm.s32 $0x1000;
	s4 =	rddreg [dreg:$0x19];
	[sflag:s20] =	ssyncadd.s32 $0xFFFF8000  }
0x4d4: {  	[hbm4b:s4+s3] =	stream.linear.scatter [tilespmem:s13], [sflag:$0x4], $0x8000, $0x38;
	[tilespmem:$0x19000] =	vst v63  }
0x4d5: {  	_ =	swait.ge [sflag:s21], $0x8000  }
0x4d6: {  	[sflag:s21] =	ssyncset.done $0x0  }
0x4d7: {  	[sflag:s21] =	ssyncadd.s32 $0xFFFF8000  }
0x4d8: {  	v3 =	vld [tilespmem:$0xC00];
	_ =	sdelay $0x4  }
0x4d9: {  	v48 =	vshll.u32 v3, $0x3  }
0x4da: {  	v3 =	vand.u32 $0x7, v3;
	v4 =	vand.u32 $0xFFFFFFC0, v48  }
0x4db: {  	v3 =	vor.u32 v3, v4  }
0x4dc: {  	v4 =	vperm.xlane v3, v0;
	_ =	sdelay $0x1  }
0x4dd: {  	v4 =	vadd.s32 v1, v4;
	_ =	sdelay $0x4  }
0x4de: {  	[tilespmem:s13], [sflag:$0x1] =	stream.indirect_vreg.gather [hbm4b:s2+s3], $0x80, v4, vm0, $0xb8;
	[tilespmem:$0x19000] =	vst v63  }
0x4df: {  	s15 =	simm.s32 $0x1800;
	v3 =	vperm.xlane v3, v2  }
0x4e0: {  	[tilespmem:s15], [sflag:$0x1] =	stream.indirect_vreg.gather [hbm4b:s6+s3], $0x80, v4, vm0, $0xb8;
	[tilespmem:$0x19000] =	vst v63  }
0x4e1: {  	s16 =	simm.s32 $0x2000;
	v3 =	vadd.s32 v1, v3  }
0x4e2: {  	[tilespmem:s16], [sflag:$0x1] =	stream.indirect_vreg.gather [hbm4b:s7+s3], $0x80, v4, vm0, $0xb8;
	[tilespmem:$0x19000] =	vst v63  }
0x4e3: {  	s26 =	simm.s32 $0x2800  }
0x4e4: {  	[tilespmem:s26], [sflag:$0x1] =	stream.indirect_vreg.gather [hbm4b:s8+s3], $0x80, v4, vm0, $0xb8;
	[tilespmem:$0x19000] =	vst v63  }
0x4e5: {  	s13 =	simm.s32 $0x3000  }
0x4e6: {  	[tilespmem:s13], [sflag:$0x1] =	stream.indirect_vreg.gather [hbm4b:s2+s3], $0x80, v3, vm0, $0xb8;
	[tilespmem:$0x19000] =	vst v63  }
0x4e7: {  	s15 =	simm.s32 $0x3800  }
0x4e8: {  	[tilespmem:s15], [sflag:$0x1] =	stream.indirect_vreg.gather [hbm4b:s6+s3], $0x80, v3, vm0, $0xb8;
	[tilespmem:$0x19000] =	vst v63  }
0x4e9: {  	s16 =	simm.s32 $0x4000  }
0x4ea: {  	[tilespmem:s16], [sflag:$0x1] =	stream.indirect_vreg.gather [hbm4b:s7+s3], $0x80, v3, vm0, $0xb8;
	[tilespmem:$0x19000] =	vst v63  }
0x4eb: {  	s29 =	simm.s32 $0x4800  }
0x4ec: {  	[tilespmem:s29], [sflag:$0x1] =	stream.indirect_vreg.gather [hbm4b:s8+s3], $0x80, v3, vm0, $0xb8;
	[tilespmem:$0x19000] =	vst v63  }
0x4ed: {  	v3 =	vld [tilespmem:$0xC10];
	_ =	sdelay $0x4  }
0x4ee: {  	v49 =	vshll.u32 v3, $0x3  }
0x4ef: {  	v3 =	vand.u32 $0x7, v3;
	v4 =	vand.u32 $0xFFFFFFC0, v49  }
0x4f0: {  	v3 =	vor.u32 v3, v4  }
0x4f1: {  	v4 =	vperm.xlane v3, v0;
	_ =	sdelay $0x1  }
0x4f2: {  	v4 =	vadd.s32 v1, v4;
	_ =	sdelay $0x3  }
0x4f3: {  	s30 =	simm.s32 $0x5000  }
0x4f4: {  	[tilespmem:s30], [sflag:$0x1] =	stream.indirect_vreg.gather [hbm4b:s2+s3], $0x80, v4, vm0, $0xb8;
	[tilespmem:$0x19000] =	vst v63  }
0x4f5: {  	s4 =	simm.s32 $0x5800;
	v3 =	vperm.xlane v3, v2  }
0x4f6: {  	[tilespmem:s4], [sflag:$0x1] =	stream.indirect_vreg.gather [hbm4b:s6+s3], $0x80, v4, vm0, $0xb8;
	[tilespmem:$0x19000] =	vst v63  }
0x4f7: {  	s29 =	simm.s32 $0x6000;
	v3 =	vadd.s32 v1, v3  }
0x4f8: {  	[tilespmem:s29], [sflag:$0x1] =	stream.indirect_vreg.gather [hbm4b:s7+s3], $0x80, v4, vm0, $0xb8;
	[tilespmem:$0x19000] =	vst v63  }
0x4f9: {  	s30 =	simm.s32 $0x6800  }
0x4fa: {  	[tilespmem:s30], [sflag:$0x1] =	stream.indirect_vreg.gather [hbm4b:s8+s3], $0x80, v4, vm0, $0xb8;
	[tilespmem:$0x19000] =	vst v63  }
0x4fb: {  	s26 =	simm.s32 $0x7000  }
0x4fc: {  	[tilespmem:s26], [sflag:$0x1] =	stream.indirect_vreg.gather [hbm4b:s2+s3], $0x80, v3, vm0, $0xb8;
	[tilespmem:$0x19000] =	vst v63  }
0x4fd: {  	s4 =	simm.s32 $0x7800  }
0x4fe: {  	[tilespmem:s4], [sflag:$0x1] =	stream.indirect_vreg.gather [hbm4b:s6+s3], $0x80, v3, vm0, $0xb8;
	[tilespmem:$0x19000] =	vst v63  }
0x4ff: {  	s26 =	simm.s32 $0x8000  }
0x500: {  	[tilespmem:s26], [sflag:$0x1] =	stream.indirect_vreg.gather [hbm4b:s7+s3], $0x80, v3, vm0, $0xb8;
	[tilespmem:$0x19000] =	vst v63  }
0x501: {  	_ = 	snop  }
0x502: {  	[tilespmem:s12], [sflag:$0x1] =	stream.indirect_vreg.gather [hbm4b:s8+s3], $0x80, v3, vm0, $0xb8;
	[tilespmem:$0x19000] =	vst v63  }
0x503: {  	_ =	swait.ge [sflag:s22], $0x8000  }
0x504: {  	[sflag:s22] =	ssyncset.done $0x0  }
0x505: {  	s12 =	simm.s32 $0x9000;
	s4 =	rddreg [dreg:$0x1a];
	[sflag:s22] =	ssyncadd.s32 $0xFFFF8000  }
0x506: {  	[hbm4b:s4+s3] =	stream.linear.scatter [tilespmem:s12], [sflag:$0x5], $0x8000, $0x38;
	[tilespmem:$0x19000] =	vst v63  }
0x507: {  	_ =	swait.ge [sflag:s23], $0x8000  }
0x508: {  	[sflag:s23] =	ssyncset.done $0x0  }
0x509: {  	[sflag:s23] =	ssyncadd.s32 $0xFFFF8000  }
0x50a: {  	v3 =	vld [tilespmem:$0xC80];
	_ =	sdelay $0x4  }
0x50b: {  	v50 =	vshll.u32 v3, $0x3  }
0x50c: {  	v3 =	vand.u32 $0x7, v3;
	v4 =	vand.u32 $0xFFFFFFC0, v50  }
0x50d: {  	v3 =	vor.u32 v3, v4  }
0x50e: {  	v4 =	vperm.xlane v3, v0;
	_ =	sdelay $0x1  }
0x50f: {  	v4 =	vadd.s32 v1, v4;
	_ =	sdelay $0x4  }
0x510: {  	[tilespmem:s12], [sflag:$0x2] =	stream.indirect_vreg.gather [hbm4b:s2+s3], $0x80, v4, vm0, $0xb8;
	[tilespmem:$0x19000] =	vst v63  }
0x511: {  	v3 =	vperm.xlane v3, v2;
	s12 =	simm.s32 $0x9800  }
0x512: {  	[tilespmem:s12], [sflag:$0x2] =	stream.indirect_vreg.gather [hbm4b:s6+s3], $0x80, v4, vm0, $0xb8;
	[tilespmem:$0x19000] =	vst v63  }
0x513: {  	v3 =	vadd.s32 v1, v3  }
0x514: {  	[tilespmem:s9], [sflag:$0x2] =	stream.indirect_vreg.gather [hbm4b:s7+s3], $0x80, v4, vm0, $0xb8;
	[tilespmem:$0x19000] =	vst v63  }
0x515: {  	_ = 	snop  }
0x516: {  	[tilespmem:s14], [sflag:$0x2] =	stream.indirect_vreg.gather [hbm4b:s8+s3], $0x80, v4, vm0, $0xb8;
	[tilespmem:$0x19000] =	vst v63  }
0x517: {  	s4 =	simm.s32 $0xB000  }
0x518: {  	[tilespmem:s4], [sflag:$0x2] =	stream.indirect_vreg.gather [hbm4b:s2+s3], $0x80, v3, vm0, $0xb8;
	[tilespmem:$0x19000] =	vst v63  }
0x519: {  	s14 =	simm.s32 $0xB800  }
0x51a: {  	[tilespmem:s14], [sflag:$0x2] =	stream.indirect_vreg.gather [hbm4b:s6+s3], $0x80, v3, vm0, $0xb8;
	[tilespmem:$0x19000] =	vst v63  }
0x51b: {  	_ = 	snop  }
0x51c: {  	[tilespmem:s1], [sflag:$0x2] =	stream.indirect_vreg.gather [hbm4b:s7+s3], $0x80, v3, vm0, $0xb8;
	[tilespmem:$0x19000] =	vst v63  }
0x51d: {  	s1 =	simm.s32 $0xC800  }
0x51e: {  	[tilespmem:s1], [sflag:$0x2] =	stream.indirect_vreg.gather [hbm4b:s8+s3], $0x80, v3, vm0, $0xb8;
	[tilespmem:$0x19000] =	vst v63  }
0x51f: {  	v3 =	vld [tilespmem:$0xC90];
	_ =	sdelay $0x4  }
0x520: {  	v51 =	vshll.u32 v3, $0x3  }
0x521: {  	v3 =	vand.u32 $0x7, v3;
	v4 =	vand.u32 $0xFFFFFFC0, v51  }
0x522: {  	v3 =	vor.u32 v3, v4  }
0x523: {  	v4 =	vperm.xlane v3, v0;
	_ =	sdelay $0x1  }
0x524: {  	v4 =	vadd.s32 v1, v4;
	_ =	sdelay $0x3  }
0x525: {  	s26 =	simm.s32 $0xD000  }
0x526: {  	[tilespmem:s26], [sflag:$0x2] =	stream.indirect_vreg.gather [hbm4b:s2+s3], $0x80, v4, vm0, $0xb8;
	[tilespmem:$0x19000] =	vst v63  }
0x527: {  	v3 =	vperm.xlane v3, v2;
	s26 =	simm.s32 $0xD800  }
0x528: {  	[tilespmem:s26], [sflag:$0x2] =	stream.indirect_vreg.gather [hbm4b:s6+s3], $0x80, v4, vm0, $0xb8;
	[tilespmem:$0x19000] =	vst v63  }
0x529: {  	v3 =	vadd.s32 v1, v3  }
0x52a: {  	[tilespmem:s10], [sflag:$0x2] =	stream.indirect_vreg.gather [hbm4b:s7+s3], $0x80, v4, vm0, $0xb8;
	[tilespmem:$0x19000] =	vst v63  }
0x52b: {  	_ = 	snop  }
0x52c: {  	[tilespmem:s11], [sflag:$0x2] =	stream.indirect_vreg.gather [hbm4b:s8+s3], $0x80, v4, vm0, $0xb8;
	[tilespmem:$0x19000] =	vst v63  }
0x52d: {  	_ = 	snop  }
0x52e: {  	[tilespmem:s18], [sflag:$0x2] =	stream.indirect_vreg.gather [hbm4b:s2+s3], $0x80, v3, vm0, $0xb8;
	[tilespmem:$0x19000] =	vst v63  }
0x52f: {  	_ = 	snop  }
0x530: {  	[tilespmem:s19], [sflag:$0x2] =	stream.indirect_vreg.gather [hbm4b:s6+s3], $0x80, v3, vm0, $0xb8;
	[tilespmem:$0x19000] =	vst v63  }
0x531: {  	_ = 	snop  }
0x532: {  	[tilespmem:s28], [sflag:$0x2] =	stream.indirect_vreg.gather [hbm4b:s7+s3], $0x80, v3, vm0, $0xb8;
	[tilespmem:$0x19000] =	vst v63  }
0x533: {  	_ = 	snop  }
0x534: {  	[tilespmem:s31], [sflag:$0x2] =	stream.indirect_vreg.gather [hbm4b:s8+s3], $0x80, v3, vm0, $0xb8;
	[tilespmem:$0x19000] =	vst v63  }
0x535: {  	_ =	swait.ge [sflag:s24], $0x8000  }
0x536: {  	[sflag:s24] =	ssyncset.done $0x0  }
0x537: {  	s31 =	simm.s32 $0x11000;
	s28 =	rddreg [dreg:$0x1b];
	[sflag:s24] =	ssyncadd.s32 $0xFFFF8000  }
0x538: {  	[hbm4b:s28+s3] =	stream.linear.scatter [tilespmem:s31], [sflag:$0x6], $0x8000, $0x38;
	[tilespmem:$0x19000] =	vst v63  }
0x539: {  	_ =	swait.ge [sflag:s25], $0x8000  }
0x53a: {  	[sflag:s25] =	ssyncset.done $0x0  }
0x53b: {  	[sflag:s25] =	ssyncadd.s32 $0xFFFF8000  }
0x53c: {  	v3 =	vld [tilespmem:$0xD00];
	_ =	sdelay $0x4  }
0x53d: {  	v52 =	vshll.u32 v3, $0x3  }
0x53e: {  	v3 =	vand.u32 $0x7, v3;
	v4 =	vand.u32 $0xFFFFFFC0, v52  }
0x53f: {  	v3 =	vor.u32 v3, v4  }
0x540: {  	v4 =	vperm.xlane v3, v0;
	_ =	sdelay $0x1  }
0x541: {  	v4 =	vadd.s32 v1, v4;
	_ =	sdelay $0x4  }
0x542: {  	[tilespmem:s31], [sflag:$0x3] =	stream.indirect_vreg.gather [hbm4b:s2+s3], $0x80, v4, vm0, $0xb8;
	[tilespmem:$0x19000] =	vst v63  }
0x543: {  	s10 =	simm.s32 $0x11800;
	v3 =	vperm.xlane v3, v2  }
0x544: {  	[tilespmem:s10], [sflag:$0x3] =	stream.indirect_vreg.gather [hbm4b:s6+s3], $0x80, v4, vm0, $0xb8;
	[tilespmem:$0x19000] =	vst v63  }
0x545: {  	s18 =	simm.s32 $0x12000;
	v3 =	vadd.s32 v1, v3  }
0x546: {  	[tilespmem:s18], [sflag:$0x3] =	stream.indirect_vreg.gather [hbm4b:s7+s3], $0x80, v4, vm0, $0xb8;
	[tilespmem:$0x19000] =	vst v63  }
0x547: {  	s19 =	simm.s32 $0x12800  }
0x548: {  	[tilespmem:s19], [sflag:$0x3] =	stream.indirect_vreg.gather [hbm4b:s8+s3], $0x80, v4, vm0, $0xb8;
	[tilespmem:$0x19000] =	vst v63  }
0x549: {  	s26 =	simm.s32 $0x13000  }
0x54a: {  	[tilespmem:s26], [sflag:$0x3] =	stream.indirect_vreg.gather [hbm4b:s2+s3], $0x80, v3, vm0, $0xb8;
	[tilespmem:$0x19000] =	vst v63  }
0x54b: {  	_ = 	snop  }
0x54c: {  	[tilespmem:s17], [sflag:$0x3] =	stream.indirect_vreg.gather [hbm4b:s6+s3], $0x80, v3, vm0, $0xb8;
	[tilespmem:$0x19000] =	vst v63  }
0x54d: {  	s28 =	simm.s32 $0x14000  }
0x54e: {  	[tilespmem:s28], [sflag:$0x3] =	stream.indirect_vreg.gather [hbm4b:s7+s3], $0x80, v3, vm0, $0xb8;
	[tilespmem:$0x19000] =	vst v63  }
0x54f: {  	s31 =	simm.s32 $0x14800  }
0x550: {  	[tilespmem:s31], [sflag:$0x3] =	stream.indirect_vreg.gather [hbm4b:s8+s3], $0x80, v3, vm0, $0xb8;
	[tilespmem:$0x19000] =	vst v63  }
0x551: {  	v3 =	vld [tilespmem:$0xD10];
	_ =	sdelay $0x4  }
0x552: {  	v53 =	vshll.u32 v3, $0x3  }
0x553: {  	v3 =	vand.u32 $0x7, v3;
	v4 =	vand.u32 $0xFFFFFFC0, v53  }
0x554: {  	v3 =	vor.u32 v3, v4  }
0x555: {  	v4 =	vperm.xlane v3, v0;
	_ =	sdelay $0x1  }
0x556: {  	v4 =	vadd.s32 v1, v4;
	_ =	sdelay $0x3  }
0x557: {  	s10 =	simm.s32 $0x15000  }
0x558: {  	[tilespmem:s10], [sflag:$0x3] =	stream.indirect_vreg.gather [hbm4b:s2+s3], $0x80, v4, vm0, $0xb8;
	[tilespmem:$0x19000] =	vst v63  }
0x559: {  	s17 =	simm.s32 $0x15800;
	v3 =	vperm.xlane v3, v2  }
0x55a: {  	[tilespmem:s17], [sflag:$0x3] =	stream.indirect_vreg.gather [hbm4b:s6+s3], $0x80, v4, vm0, $0xb8;
	[tilespmem:$0x19000] =	vst v63  }
0x55b: {  	s18 =	simm.s32 $0x16000;
	v3 =	vadd.s32 v1, v3  }
0x55c: {  	[tilespmem:s18], [sflag:$0x3] =	stream.indirect_vreg.gather [hbm4b:s7+s3], $0x80, v4, vm0, $0xb8;
	[tilespmem:$0x19000] =	vst v63  }
0x55d: {  	s26 =	simm.s32 $0x16800  }
0x55e: {  	[tilespmem:s26], [sflag:$0x3] =	stream.indirect_vreg.gather [hbm4b:s8+s3], $0x80, v4, vm0, $0xb8;
	[tilespmem:$0x19000] =	vst v63  }
0x55f: {  	_ = 	snop  }
0x560: {  	[tilespmem:s5], [sflag:$0x3] =	stream.indirect_vreg.gather [hbm4b:s2+s3], $0x80, v3, vm0, $0xb8;
	[tilespmem:$0x19000] =	vst v63  }
0x561: {  	s28 =	simm.s32 $0x17800  }
0x562: {  	[tilespmem:s28], [sflag:$0x3] =	stream.indirect_vreg.gather [hbm4b:s6+s3], $0x80, v3, vm0, $0xb8;
	[tilespmem:$0x19000] =	vst v63  }
0x563: {  	s9 =	simm.s32 $0x18000  }
0x564: {  	[tilespmem:s9], [sflag:$0x3] =	stream.indirect_vreg.gather [hbm4b:s7+s3], $0x80, v3, vm0, $0xb8;
	[tilespmem:$0x19000] =	vst v63  }
0x565: {  	s31 =	simm.s32 $0x18800  }
0x566: {  	[tilespmem:s31], [sflag:$0x3] =	stream.indirect_vreg.gather [hbm4b:s8+s3], $0x80, v3, vm0, $0xb8;
	[tilespmem:$0x19000] =	vst v63  }
0x567: {  	_ =	swait.ge [sflag:s20], $0x8000  }
0x568: {  	[sflag:s20] =	ssyncset.done $0x0  }
0x569: {  	s17 =	simm.s32 $0x1000;
	s10 =	rddreg [dreg:$0x1c];
	[sflag:s20] =	ssyncadd.s32 $0xFFFF8000  }
0x56a: {  	[hbm4b:s10+s3] =	stream.linear.scatter [tilespmem:s17], [sflag:$0x4], $0x8000, $0x38;
	[tilespmem:$0x19000] =	vst v63  }
0x56b: {  	_ =	swait.ge [sflag:s21], $0x8000  }
0x56c: {  	[sflag:s21] =	ssyncset.done $0x0  }
0x56d: {  	[sflag:s21] =	ssyncadd.s32 $0xFFFF8000  }
0x56e: {  	v3 =	vld [tilespmem:$0xD80];
	_ =	sdelay $0x4  }
0x56f: {  	v54 =	vshll.u32 v3, $0x3  }
0x570: {  	v3 =	vand.u32 $0x7, v3;
	v4 =	vand.u32 $0xFFFFFFC0, v54  }
0x571: {  	v3 =	vor.u32 v3, v4  }
0x572: {  	v4 =	vperm.xlane v3, v0;
	_ =	sdelay $0x1  }
0x573: {  	v4 =	vadd.s32 v1, v4;
	_ =	sdelay $0x4  }
0x574: {  	[tilespmem:s17], [sflag:$0x1] =	stream.indirect_vreg.gather [hbm4b:s2+s3], $0x80, v4, vm0, $0xb8;
	[tilespmem:$0x19000] =	vst v63  }
0x575: {  	s26 =	simm.s32 $0x1800;
	v3 =	vperm.xlane v3, v2  }
0x576: {  	[tilespmem:s26], [sflag:$0x1] =	stream.indirect_vreg.gather [hbm4b:s6+s3], $0x80, v4, vm0, $0xb8;
	[tilespmem:$0x19000] =	vst v63  }
0x577: {  	s28 =	simm.s32 $0x2000;
	v3 =	vadd.s32 v1, v3  }
0x578: {  	[tilespmem:s28], [sflag:$0x1] =	stream.indirect_vreg.gather [hbm4b:s7+s3], $0x80, v4, vm0, $0xb8;
	[tilespmem:$0x19000] =	vst v63  }
0x579: {  	s31 =	simm.s32 $0x2800  }
0x57a: {  	[tilespmem:s31], [sflag:$0x1] =	stream.indirect_vreg.gather [hbm4b:s8+s3], $0x80, v4, vm0, $0xb8;
	[tilespmem:$0x19000] =	vst v63  }
0x57b: {  	_ = 	snop  }
0x57c: {  	[tilespmem:s13], [sflag:$0x1] =	stream.indirect_vreg.gather [hbm4b:s2+s3], $0x80, v3, vm0, $0xb8;
	[tilespmem:$0x19000] =	vst v63  }
0x57d: {  	_ = 	snop  }
0x57e: {  	[tilespmem:s15], [sflag:$0x1] =	stream.indirect_vreg.gather [hbm4b:s6+s3], $0x80, v3, vm0, $0xb8;
	[tilespmem:$0x19000] =	vst v63  }
0x57f: {  	_ = 	snop  }
0x580: {  	[tilespmem:s16], [sflag:$0x1] =	stream.indirect_vreg.gather [hbm4b:s7+s3], $0x80, v3, vm0, $0xb8;
	[tilespmem:$0x19000] =	vst v63  }
0x581: {  	s16 =	simm.s32 $0x4800  }
0x582: {  	[tilespmem:s16], [sflag:$0x1] =	stream.indirect_vreg.gather [hbm4b:s8+s3], $0x80, v3, vm0, $0xb8;
	[tilespmem:$0x19000] =	vst v63  }
0x583: {  	v3 =	vld [tilespmem:$0xD90];
	_ =	sdelay $0x4  }
0x584: {  	v55 =	vshll.u32 v3, $0x3  }
0x585: {  	v3 =	vand.u32 $0x7, v3;
	v4 =	vand.u32 $0xFFFFFFC0, v55  }
0x586: {  	v3 =	vor.u32 v3, v4  }
0x587: {  	v4 =	vperm.xlane v3, v0;
	_ =	sdelay $0x1  }
0x588: {  	v4 =	vadd.s32 v1, v4;
	_ =	sdelay $0x3  }
0x589: {  	s17 =	simm.s32 $0x5000  }
0x58a: {  	[tilespmem:s17], [sflag:$0x1] =	stream.indirect_vreg.gather [hbm4b:s2+s3], $0x80, v4, vm0, $0xb8;
	[tilespmem:$0x19000] =	vst v63  }
0x58b: {  	s26 =	simm.s32 $0x5800;
	v3 =	vperm.xlane v3, v2  }
0x58c: {  	[tilespmem:s26], [sflag:$0x1] =	stream.indirect_vreg.gather [hbm4b:s6+s3], $0x80, v4, vm0, $0xb8;
	[tilespmem:$0x19000] =	vst v63  }
0x58d: {  	v3 =	vadd.s32 v1, v3  }
0x58e: {  	[tilespmem:s29], [sflag:$0x1] =	stream.indirect_vreg.gather [hbm4b:s7+s3], $0x80, v4, vm0, $0xb8;
	[tilespmem:$0x19000] =	vst v63  }
0x58f: {  	_ = 	snop  }
0x590: {  	[tilespmem:s30], [sflag:$0x1] =	stream.indirect_vreg.gather [hbm4b:s8+s3], $0x80, v4, vm0, $0xb8;
	[tilespmem:$0x19000] =	vst v63  }
0x591: {  	s29 =	simm.s32 $0x7000  }
0x592: {  	[tilespmem:s29], [sflag:$0x1] =	stream.indirect_vreg.gather [hbm4b:s2+s3], $0x80, v3, vm0, $0xb8;
	[tilespmem:$0x19000] =	vst v63  }
0x593: {  	s30 =	simm.s32 $0x7800  }
0x594: {  	[tilespmem:s30], [sflag:$0x1] =	stream.indirect_vreg.gather [hbm4b:s6+s3], $0x80, v3, vm0, $0xb8;
	[tilespmem:$0x19000] =	vst v63  }
0x595: {  	s31 =	simm.s32 $0x8000  }
0x596: {  	[tilespmem:s31], [sflag:$0x1] =	stream.indirect_vreg.gather [hbm4b:s7+s3], $0x80, v3, vm0, $0xb8;
	[tilespmem:$0x19000] =	vst v63  }
0x597: {  	s5 =	simm.s32 $0x8800  }
0x598: {  	[tilespmem:s5], [sflag:$0x1] =	stream.indirect_vreg.gather [hbm4b:s8+s3], $0x80, v3, vm0, $0xb8;
	[tilespmem:$0x19000] =	vst v63  }
0x599: {  	_ =	swait.ge [sflag:s22], $0x8000  }
0x59a: {  	[sflag:s22] =	ssyncset.done $0x0  }
0x59b: {  	s0 =	simm.s32 $0x9000;
	s26 =	rddreg [dreg:$0x1d];
	[sflag:s22] =	ssyncadd.s32 $0xFFFF8000  }
0x59c: {  	[hbm4b:s26+s3] =	stream.linear.scatter [tilespmem:s0], [sflag:$0x5], $0x8000, $0x38;
	[tilespmem:$0x19000] =	vst v63  }
0x59d: {  	_ =	swait.ge [sflag:s23], $0x8000  }
0x59e: {  	[sflag:s23] =	ssyncset.done $0x0  }
0x59f: {  	[sflag:s23] =	ssyncadd.s32 $0xFFFF8000  }
0x5a0: {  	v3 =	vld [tilespmem:$0xE00];
	_ =	sdelay $0x4  }
0x5a1: {  	v56 =	vshll.u32 v3, $0x3  }
0x5a2: {  	v3 =	vand.u32 $0x7, v3;
	v4 =	vand.u32 $0xFFFFFFC0, v56  }
0x5a3: {  	v3 =	vor.u32 v3, v4  }
0x5a4: {  	v4 =	vperm.xlane v3, v0;
	_ =	sdelay $0x1  }
0x5a5: {  	v4 =	vadd.s32 v1, v4;
	_ =	sdelay $0x4  }
0x5a6: {  	[tilespmem:s0], [sflag:$0x2] =	stream.indirect_vreg.gather [hbm4b:s2+s3], $0x80, v4, vm0, $0xb8;
	[tilespmem:$0x19000] =	vst v63  }
0x5a7: {  	v3 =	vperm.xlane v3, v2  }
0x5a8: {  	[tilespmem:s12], [sflag:$0x2] =	stream.indirect_vreg.gather [hbm4b:s6+s3], $0x80, v4, vm0, $0xb8;
	[tilespmem:$0x19000] =	vst v63  }
0x5a9: {  	s26 =	simm.s32 $0xA000;
	v3 =	vadd.s32 v1, v3  }
0x5aa: {  	[tilespmem:s26], [sflag:$0x2] =	stream.indirect_vreg.gather [hbm4b:s7+s3], $0x80, v4, vm0, $0xb8;
	[tilespmem:$0x19000] =	vst v63  }
0x5ab: {  	s0 =	simm.s32 $0xA800  }
0x5ac: {  	[tilespmem:s0], [sflag:$0x2] =	stream.indirect_vreg.gather [hbm4b:s8+s3], $0x80, v4, vm0, $0xb8;
	[tilespmem:$0x19000] =	vst v63  }
0x5ad: {  	_ = 	snop  }
0x5ae: {  	[tilespmem:s4], [sflag:$0x2] =	stream.indirect_vreg.gather [hbm4b:s2+s3], $0x80, v3, vm0, $0xb8;
	[tilespmem:$0x19000] =	vst v63  }
0x5af: {  	_ = 	snop  }
0x5b0: {  	[tilespmem:s14], [sflag:$0x2] =	stream.indirect_vreg.gather [hbm4b:s6+s3], $0x80, v3, vm0, $0xb8;
	[tilespmem:$0x19000] =	vst v63  }
0x5b1: {  	s26 =	simm.s32 $0xC000  }
0x5b2: {  	[tilespmem:s26], [sflag:$0x2] =	stream.indirect_vreg.gather [hbm4b:s7+s3], $0x80, v3, vm0, $0xb8;
	[tilespmem:$0x19000] =	vst v63  }
0x5b3: {  	_ = 	snop  }
0x5b4: {  	[tilespmem:s1], [sflag:$0x2] =	stream.indirect_vreg.gather [hbm4b:s8+s3], $0x80, v3, vm0, $0xb8;
	[tilespmem:$0x19000] =	vst v63  }
0x5b5: {  	v3 =	vld [tilespmem:$0xE10];
	_ =	sdelay $0x4  }
0x5b6: {  	v57 =	vshll.u32 v3, $0x3  }
0x5b7: {  	v3 =	vand.u32 $0x7, v3;
	v4 =	vand.u32 $0xFFFFFFC0, v57  }
0x5b8: {  	v3 =	vor.u32 v3, v4  }
0x5b9: {  	v4 =	vperm.xlane v3, v0;
	_ =	sdelay $0x1  }
0x5ba: {  	v4 =	vadd.s32 v1, v4;
	_ =	sdelay $0x3  }
0x5bb: {  	s26 =	simm.s32 $0xD000  }
0x5bc: {  	[tilespmem:s26], [sflag:$0x2] =	stream.indirect_vreg.gather [hbm4b:s2+s3], $0x80, v4, vm0, $0xb8;
	[tilespmem:$0x19000] =	vst v63  }
0x5bd: {  	v3 =	vperm.xlane v3, v2;
	s26 =	simm.s32 $0xD800  }
0x5be: {  	[tilespmem:s26], [sflag:$0x2] =	stream.indirect_vreg.gather [hbm4b:s6+s3], $0x80, v4, vm0, $0xb8;
	[tilespmem:$0x19000] =	vst v63  }
0x5bf: {  	v3 =	vadd.s32 v1, v3;
	s26 =	simm.s32 $0xE000  }
0x5c0: {  	[tilespmem:s26], [sflag:$0x2] =	stream.indirect_vreg.gather [hbm4b:s7+s3], $0x80, v4, vm0, $0xb8;
	[tilespmem:$0x19000] =	vst v63  }
0x5c1: {  	s26 =	simm.s32 $0xE800  }
0x5c2: {  	[tilespmem:s26], [sflag:$0x2] =	stream.indirect_vreg.gather [hbm4b:s8+s3], $0x80, v4, vm0, $0xb8;
	[tilespmem:$0x19000] =	vst v63  }
0x5c3: {  	s26 =	simm.s32 $0xF000  }
0x5c4: {  	[tilespmem:s26], [sflag:$0x2] =	stream.indirect_vreg.gather [hbm4b:s2+s3], $0x80, v3, vm0, $0xb8;
	[tilespmem:$0x19000] =	vst v63  }
0x5c5: {  	s26 =	simm.s32 $0xF800  }
0x5c6: {  	[tilespmem:s26], [sflag:$0x2] =	stream.indirect_vreg.gather [hbm4b:s6+s3], $0x80, v3, vm0, $0xb8;
	[tilespmem:$0x19000] =	vst v63  }
0x5c7: {  	s26 =	simm.s32 $0x10000  }
0x5c8: {  	[tilespmem:s26], [sflag:$0x2] =	stream.indirect_vreg.gather [hbm4b:s7+s3], $0x80, v3, vm0, $0xb8;
	[tilespmem:$0x19000] =	vst v63  }
0x5c9: {  	s26 =	simm.s32 $0x10800  }
0x5ca: {  	[tilespmem:s26], [sflag:$0x2] =	stream.indirect_vreg.gather [hbm4b:s8+s3], $0x80, v3, vm0, $0xb8;
	[tilespmem:$0x19000] =	vst v63  }
0x5cb: {  	_ =	swait.ge [sflag:s24], $0x8000  }
0x5cc: {  	[sflag:s24] =	ssyncset.done $0x0  }
0x5cd: {  	s11 =	simm.s32 $0x11000;
	s1 =	rddreg [dreg:$0x1e];
	[sflag:s24] =	ssyncadd.s32 $0xFFFF8000  }
0x5ce: {  	[hbm4b:s1+s3] =	stream.linear.scatter [tilespmem:s11], [sflag:$0x6], $0x8000, $0x38;
	[tilespmem:$0x19000] =	vst v63  }
0x5cf: {  	_ =	swait.ge [sflag:s25], $0x8000  }
0x5d0: {  	[sflag:s25] =	ssyncset.done $0x0  }
0x5d1: {  	[sflag:s25] =	ssyncadd.s32 $0xFFFF8000  }
0x5d2: {  	v3 =	vld [tilespmem:$0xE80];
	_ =	sdelay $0x4  }
0x5d3: {  	v58 =	vshll.u32 v3, $0x3  }
0x5d4: {  	v3 =	vand.u32 $0x7, v3;
	v4 =	vand.u32 $0xFFFFFFC0, v58  }
0x5d5: {  	v3 =	vor.u32 v3, v4  }
0x5d6: {  	v4 =	vperm.xlane v3, v0;
	_ =	sdelay $0x1  }
0x5d7: {  	v4 =	vadd.s32 v1, v4;
	_ =	sdelay $0x4  }
0x5d8: {  	[tilespmem:s11], [sflag:$0x3] =	stream.indirect_vreg.gather [hbm4b:s2+s3], $0x80, v4, vm0, $0xb8;
	[tilespmem:$0x19000] =	vst v63  }
0x5d9: {  	s26 =	simm.s32 $0x11800;
	v3 =	vperm.xlane v3, v2  }
0x5da: {  	[tilespmem:s26], [sflag:$0x3] =	stream.indirect_vreg.gather [hbm4b:s6+s3], $0x80, v4, vm0, $0xb8;
	[tilespmem:$0x19000] =	vst v63  }
0x5db: {  	v3 =	vadd.s32 v1, v3;
	s26 =	simm.s32 $0x12000  }
0x5dc: {  	[tilespmem:s26], [sflag:$0x3] =	stream.indirect_vreg.gather [hbm4b:s7+s3], $0x80, v4, vm0, $0xb8;
	[tilespmem:$0x19000] =	vst v63  }
0x5dd: {  	s26 =	simm.s32 $0x12800  }
0x5de: {  	[tilespmem:s26], [sflag:$0x3] =	stream.indirect_vreg.gather [hbm4b:s8+s3], $0x80, v4, vm0, $0xb8;
	[tilespmem:$0x19000] =	vst v63  }
0x5df: {  	s26 =	simm.s32 $0x13000  }
0x5e0: {  	[tilespmem:s26], [sflag:$0x3] =	stream.indirect_vreg.gather [hbm4b:s2+s3], $0x80, v3, vm0, $0xb8;
	[tilespmem:$0x19000] =	vst v63  }
0x5e1: {  	s19 =	simm.s32 $0x13800  }
0x5e2: {  	[tilespmem:s19], [sflag:$0x3] =	stream.indirect_vreg.gather [hbm4b:s6+s3], $0x80, v3, vm0, $0xb8;
	[tilespmem:$0x19000] =	vst v63  }
0x5e3: {  	s19 =	simm.s32 $0x14000  }
0x5e4: {  	[tilespmem:s19], [sflag:$0x3] =	stream.indirect_vreg.gather [hbm4b:s7+s3], $0x80, v3, vm0, $0xb8;
	[tilespmem:$0x19000] =	vst v63  }
0x5e5: {  	s26 =	simm.s32 $0x14800  }
0x5e6: {  	[tilespmem:s26], [sflag:$0x3] =	stream.indirect_vreg.gather [hbm4b:s8+s3], $0x80, v3, vm0, $0xb8;
	[tilespmem:$0x19000] =	vst v63  }
0x5e7: {  	v3 =	vld [tilespmem:$0xE90];
	_ =	sdelay $0x4  }
0x5e8: {  	v59 =	vshll.u32 v3, $0x3  }
0x5e9: {  	v3 =	vand.u32 $0x7, v3;
	v4 =	vand.u32 $0xFFFFFFC0, v59  }
0x5ea: {  	v3 =	vor.u32 v3, v4  }
0x5eb: {  	v4 =	vperm.xlane v3, v0;
	_ =	sdelay $0x1  }
0x5ec: {  	v4 =	vadd.s32 v1, v4;
	_ =	sdelay $0x3  }
0x5ed: {  	s19 =	simm.s32 $0x15000  }
0x5ee: {  	[tilespmem:s19], [sflag:$0x3] =	stream.indirect_vreg.gather [hbm4b:s2+s3], $0x80, v4, vm0, $0xb8;
	[tilespmem:$0x19000] =	vst v63  }
0x5ef: {  	s26 =	simm.s32 $0x15800;
	v3 =	vperm.xlane v3, v2  }
0x5f0: {  	[tilespmem:s26], [sflag:$0x3] =	stream.indirect_vreg.gather [hbm4b:s6+s3], $0x80, v4, vm0, $0xb8;
	[tilespmem:$0x19000] =	vst v63  }
0x5f1: {  	s18 =	simm.s32 $0x16000;
	v3 =	vadd.s32 v1, v3  }
0x5f2: {  	[tilespmem:s18], [sflag:$0x3] =	stream.indirect_vreg.gather [hbm4b:s7+s3], $0x80, v4, vm0, $0xb8;
	[tilespmem:$0x19000] =	vst v63  }
0x5f3: {  	s18 =	simm.s32 $0x16800  }
0x5f4: {  	[tilespmem:s18], [sflag:$0x3] =	stream.indirect_vreg.gather [hbm4b:s8+s3], $0x80, v4, vm0, $0xb8;
	[tilespmem:$0x19000] =	vst v63  }
0x5f5: {  	s19 =	simm.s32 $0x17000  }
0x5f6: {  	[tilespmem:s19], [sflag:$0x3] =	stream.indirect_vreg.gather [hbm4b:s2+s3], $0x80, v3, vm0, $0xb8;
	[tilespmem:$0x19000] =	vst v63  }
0x5f7: {  	s26 =	simm.s32 $0x17800  }
0x5f8: {  	[tilespmem:s26], [sflag:$0x3] =	stream.indirect_vreg.gather [hbm4b:s6+s3], $0x80, v3, vm0, $0xb8;
	[tilespmem:$0x19000] =	vst v63  }
0x5f9: {  	_ = 	snop  }
0x5fa: {  	[tilespmem:s9], [sflag:$0x3] =	stream.indirect_vreg.gather [hbm4b:s7+s3], $0x80, v3, vm0, $0xb8;
	[tilespmem:$0x19000] =	vst v63  }
0x5fb: {  	s18 =	simm.s32 $0x18800  }
0x5fc: {  	[tilespmem:s18], [sflag:$0x3] =	stream.indirect_vreg.gather [hbm4b:s8+s3], $0x80, v3, vm0, $0xb8;
	[tilespmem:$0x19000] =	vst v63  }
0x5fd: {  	_ =	swait.ge [sflag:s20], $0x8000  }
0x5fe: {  	[sflag:s20] =	ssyncset.done $0x0  }
0x5ff: {  	s10 =	simm.s32 $0x1000;
	s19 =	rddreg [dreg:$0x1f];
	[sflag:s20] =	ssyncadd.s32 $0xFFFF8000  }
0x600: {  	[hbm4b:s19+s3] =	stream.linear.scatter [tilespmem:s10], [sflag:$0x4], $0x8000, $0x38;
	[tilespmem:$0x19000] =	vst v63  }
0x601: {  	_ =	swait.ge [sflag:s21], $0x8000  }
0x602: {  	[sflag:s21] =	ssyncset.done $0x0  }
0x603: {  	[sflag:s21] =	ssyncadd.s32 $0xFFFF8000  }
0x604: {  	v3 =	vld [tilespmem:$0xF00];
	_ =	sdelay $0x4  }
0x605: {  	v60 =	vshll.u32 v3, $0x3  }
0x606: {  	v3 =	vand.u32 $0x7, v3;
	v4 =	vand.u32 $0xFFFFFFC0, v60  }
0x607: {  	v3 =	vor.u32 v3, v4  }
0x608: {  	v4 =	vperm.xlane v3, v0;
	_ =	sdelay $0x1  }
0x609: {  	v4 =	vadd.s32 v1, v4;
	_ =	sdelay $0x4  }
0x60a: {  	[tilespmem:s10], [sflag:$0x1] =	stream.indirect_vreg.gather [hbm4b:s2+s3], $0x80, v4, vm0, $0xb8;
	[tilespmem:$0x19000] =	vst v63  }
0x60b: {  	s26 =	simm.s32 $0x1800;
	v3 =	vperm.xlane v3, v2  }
0x60c: {  	[tilespmem:s26], [sflag:$0x1] =	stream.indirect_vreg.gather [hbm4b:s6+s3], $0x80, v4, vm0, $0xb8;
	[tilespmem:$0x19000] =	vst v63  }
0x60d: {  	s9 =	simm.s32 $0x2000;
	v3 =	vadd.s32 v1, v3  }
0x60e: {  	[tilespmem:s9], [sflag:$0x1] =	stream.indirect_vreg.gather [hbm4b:s7+s3], $0x80, v4, vm0, $0xb8;
	[tilespmem:$0x19000] =	vst v63  }
0x60f: {  	s28 =	simm.s32 $0x2800  }
0x610: {  	[tilespmem:s28], [sflag:$0x1] =	stream.indirect_vreg.gather [hbm4b:s8+s3], $0x80, v4, vm0, $0xb8;
	[tilespmem:$0x19000] =	vst v63  }
0x611: {  	s18 =	simm.s32 $0x3000  }
0x612: {  	[tilespmem:s18], [sflag:$0x1] =	stream.indirect_vreg.gather [hbm4b:s2+s3], $0x80, v3, vm0, $0xb8;
	[tilespmem:$0x19000] =	vst v63  }
0x613: {  	s13 =	simm.s32 $0x3800  }
0x614: {  	[tilespmem:s13], [sflag:$0x1] =	stream.indirect_vreg.gather [hbm4b:s6+s3], $0x80, v3, vm0, $0xb8;
	[tilespmem:$0x19000] =	vst v63  }
0x615: {  	s15 =	simm.s32 $0x4000  }
0x616: {  	[tilespmem:s15], [sflag:$0x1] =	stream.indirect_vreg.gather [hbm4b:s7+s3], $0x80, v3, vm0, $0xb8;
	[tilespmem:$0x19000] =	vst v63  }
0x617: {  	s19 =	simm.s32 $0x4800  }
0x618: {  	[tilespmem:s19], [sflag:$0x1] =	stream.indirect_vreg.gather [hbm4b:s8+s3], $0x80, v3, vm0, $0xb8;
	[tilespmem:$0x19000] =	vst v63  }
0x619: {  	v3 =	vld [tilespmem:$0xF10];
	_ =	sdelay $0x4  }
0x61a: {  	v61 =	vshll.u32 v3, $0x3  }
0x61b: {  	v3 =	vand.u32 $0x7, v3;
	v4 =	vand.u32 $0xFFFFFFC0, v61  }
0x61c: {  	v3 =	vor.u32 v3, v4  }
0x61d: {  	v4 =	vperm.xlane v3, v0;
	_ =	sdelay $0x1  }
0x61e: {  	v4 =	vadd.s32 v1, v4;
	_ =	sdelay $0x3  }
0x61f: {  	s26 =	simm.s32 $0x5000  }
0x620: {  	[tilespmem:s26], [sflag:$0x1] =	stream.indirect_vreg.gather [hbm4b:s2+s3], $0x80, v4, vm0, $0xb8;
	[tilespmem:$0x19000] =	vst v63  }
0x621: {  	s28 =	simm.s32 $0x5800;
	v3 =	vperm.xlane v3, v2  }
0x622: {  	[tilespmem:s28], [sflag:$0x1] =	stream.indirect_vreg.gather [hbm4b:s6+s3], $0x80, v4, vm0, $0xb8;
	[tilespmem:$0x19000] =	vst v63  }
0x623: {  	s16 =	simm.s32 $0x6000;
	v3 =	vadd.s32 v1, v3  }
0x624: {  	[tilespmem:s16], [sflag:$0x1] =	stream.indirect_vreg.gather [hbm4b:s7+s3], $0x80, v4, vm0, $0xb8;
	[tilespmem:$0x19000] =	vst v63  }
0x625: {  	s17 =	simm.s32 $0x6800  }
0x626: {  	[tilespmem:s17], [sflag:$0x1] =	stream.indirect_vreg.gather [hbm4b:s8+s3], $0x80, v4, vm0, $0xb8;
	[tilespmem:$0x19000] =	vst v63  }
0x627: {  	s29 =	simm.s32 $0x7000  }
0x628: {  	[tilespmem:s29], [sflag:$0x1] =	stream.indirect_vreg.gather [hbm4b:s2+s3], $0x80, v3, vm0, $0xb8;
	[tilespmem:$0x19000] =	vst v63  }
0x629: {  	s30 =	simm.s32 $0x7800  }
0x62a: {  	[tilespmem:s30], [sflag:$0x1] =	stream.indirect_vreg.gather [hbm4b:s6+s3], $0x80, v3, vm0, $0xb8;
	[tilespmem:$0x19000] =	vst v63  }
0x62b: {  	s31 =	simm.s32 $0x8000  }
0x62c: {  	[tilespmem:s31], [sflag:$0x1] =	stream.indirect_vreg.gather [hbm4b:s7+s3], $0x80, v3, vm0, $0xb8;
	[tilespmem:$0x19000] =	vst v63  }
0x62d: {  	_ = 	snop  }
0x62e: {  	[tilespmem:s5], [sflag:$0x1] =	stream.indirect_vreg.gather [hbm4b:s8+s3], $0x80, v3, vm0, $0xb8;
	[tilespmem:$0x19000] =	vst v63  }
0x62f: {  	_ =	swait.ge [sflag:s22], $0x8000  }
0x630: {  	s29 =	sld [smem:$0x7F8]  }
0x631: {  	[sflag:s22] =	ssyncset.done $0x0  }
0x632: {  	s30 =	simm.s32 $0x9000;
	[sflag:s22] =	ssyncadd.s32 $0xFFFF8000  }
0x633: {  	[hbm4b:s29+s3] =	stream.linear.scatter [tilespmem:s30], [sflag:$0x5], $0x8000, $0x38;
	[tilespmem:$0x19000] =	vst v63  }
0x634: {  	_ =	swait.ge [sflag:s23], $0x8000  }
0x635: {  	[sflag:s23] =	ssyncset.done $0x0  }
0x636: {  	[sflag:s23] =	ssyncadd.s32 $0xFFFF8000  }
0x637: {  	v3 =	vld [tilespmem:$0xF80];
	_ =	sdelay $0x4  }
0x638: {  	v62 =	vshll.u32 v3, $0x3  }
0x639: {  	v3 =	vand.u32 $0x7, v3;
	v4 =	vand.u32 $0xFFFFFFC0, v62  }
0x63a: {  	v3 =	vor.u32 v3, v4  }
0x63b: {  	v4 =	vperm.xlane v3, v0;
	_ =	sdelay $0x1  }
0x63c: {  	v4 =	vadd.s32 v1, v4;
	_ =	sdelay $0x4  }
0x63d: {  	[tilespmem:s30], [sflag:$0x2] =	stream.indirect_vreg.gather [hbm4b:s2+s3], $0x80, v4, vm0, $0xb8;
	[tilespmem:$0x19000] =	vst v63  }
0x63e: {  	s12 =	simm.s32 $0x9800;
	v3 =	vperm.xlane v3, v2  }
0x63f: {  	[tilespmem:s12], [sflag:$0x2] =	stream.indirect_vreg.gather [hbm4b:s6+s3], $0x80, v4, vm0, $0xb8;
	[tilespmem:$0x19000] =	vst v63  }
0x640: {  	s31 =	simm.s32 $0xA000;
	v3 =	vadd.s32 v1, v3  }
0x641: {  	[tilespmem:s31], [sflag:$0x2] =	stream.indirect_vreg.gather [hbm4b:s7+s3], $0x80, v4, vm0, $0xb8;
	[tilespmem:$0x19000] =	vst v63  }
0x642: {  	_ = 	snop  }
0x643: {  	[tilespmem:s0], [sflag:$0x2] =	stream.indirect_vreg.gather [hbm4b:s8+s3], $0x80, v4, vm0, $0xb8;
	[tilespmem:$0x19000] =	vst v63  }
0x644: {  	s4 =	simm.s32 $0xB000  }
0x645: {  	[tilespmem:s4], [sflag:$0x2] =	stream.indirect_vreg.gather [hbm4b:s2+s3], $0x80, v3, vm0, $0xb8;
	[tilespmem:$0x19000] =	vst v63  }
0x646: {  	s14 =	simm.s32 $0xB800  }
0x647: {  	[tilespmem:s14], [sflag:$0x2] =	stream.indirect_vreg.gather [hbm4b:s6+s3], $0x80, v3, vm0, $0xb8;
	[tilespmem:$0x19000] =	vst v63  }
0x648: {  	s12 =	simm.s32 $0xC000  }
0x649: {  	[tilespmem:s12], [sflag:$0x2] =	stream.indirect_vreg.gather [hbm4b:s7+s3], $0x80, v3, vm0, $0xb8;
	[tilespmem:$0x19000] =	vst v63  }
0x64a: {  	s13 =	simm.s32 $0xC800  }
0x64b: {  	[tilespmem:s13], [sflag:$0x2] =	stream.indirect_vreg.gather [hbm4b:s8+s3], $0x80, v3, vm0, $0xb8;
	[tilespmem:$0x19000] =	vst v63  }
0x64c: {  	v3 =	vld [tilespmem:$0xF90];
	_ =	sdelay $0x4  }
0x64d: {  	v63 =	vshll.u32 v3, $0x3  }
0x64e: {  	v3 =	vand.u32 $0x7, v3;
	v4 =	vand.u32 $0xFFFFFFC0, v63  }
0x64f: {  	v3 =	vor.u32 v3, v4  }
0x650: {  	v4 =	vperm.xlane v3, v0;
	_ =	sdelay $0x1  }
0x651: {  	v4 =	vadd.s32 v1, v4;
	_ =	sdelay $0x3  }
0x652: {  	s14 =	simm.s32 $0xD000  }
0x653: {  	[tilespmem:s14], [sflag:$0x2] =	stream.indirect_vreg.gather [hbm4b:s2+s3], $0x80, v4, vm0, $0xb8;
	[tilespmem:$0x19000] =	vst v63  }
0x654: {  	s15 =	simm.s32 $0xD800;
	v3 =	vperm.xlane v3, v2  }
0x655: {  	[tilespmem:s15], [sflag:$0x2] =	stream.indirect_vreg.gather [hbm4b:s6+s3], $0x80, v4, vm0, $0xb8;
	[tilespmem:$0x19000] =	vst v63  }
0x656: {  	s16 =	simm.s32 $0xE000;
	v3 =	vadd.s32 v1, v3  }
0x657: {  	[tilespmem:s16], [sflag:$0x2] =	stream.indirect_vreg.gather [hbm4b:s7+s3], $0x80, v4, vm0, $0xb8;
	[tilespmem:$0x19000] =	vst v63  }
0x658: {  	s17 =	simm.s32 $0xE800  }
0x659: {  	[tilespmem:s17], [sflag:$0x2] =	stream.indirect_vreg.gather [hbm4b:s8+s3], $0x80, v4, vm0, $0xb8;
	[tilespmem:$0x19000] =	vst v63  }
0x65a: {  	s18 =	simm.s32 $0xF000  }
0x65b: {  	[tilespmem:s18], [sflag:$0x2] =	stream.indirect_vreg.gather [hbm4b:s2+s3], $0x80, v3, vm0, $0xb8;
	[tilespmem:$0x19000] =	vst v63  }
0x65c: {  	s19 =	simm.s32 $0xF800  }
0x65d: {  	[tilespmem:s19], [sflag:$0x2] =	stream.indirect_vreg.gather [hbm4b:s6+s3], $0x80, v3, vm0, $0xb8;
	[tilespmem:$0x19000] =	vst v63  }
0x65e: {  	s26 =	simm.s32 $0x10000  }
0x65f: {  	[tilespmem:s26], [sflag:$0x2] =	stream.indirect_vreg.gather [hbm4b:s7+s3], $0x80, v3, vm0, $0xb8;
	[tilespmem:$0x19000] =	vst v63  }
0x660: {  	s28 =	simm.s32 $0x10800  }
0x661: {  	[tilespmem:s28], [sflag:$0x2] =	stream.indirect_vreg.gather [hbm4b:s8+s3], $0x80, v3, vm0, $0xb8;
	[tilespmem:$0x19000] =	vst v63  }
0x662: {  	s9 =	sld [smem:$0x7F6];
	_ =	swait.ge [sflag:s24], $0x8000  }
0x663: {  	s29 =	sld [smem:$0x7F9]  }
0x664: {  	[sflag:s24] =	ssyncset.done $0x0  }
0x665: {  	[sflag:s24] =	ssyncadd.s32 $0xFFFF8000  }
0x666: {  	[hbm4b:s29+s3] =	stream.linear.scatter [tilespmem:s11], [sflag:$0x6], $0x8000, $0x38;
	[tilespmem:$0x19000] =	vst v63  }
0x667: {  	_ =	swait.ge [sflag:s20], $0x8000  }
0x668: {  	s30 =	sld [smem:$0x7FA]  }
0x669: {  	[sflag:s20] =	ssyncset.done $0x0  }
0x66a: {  	[sflag:s20] =	ssyncadd.s32 $0xFFFF8000  }
0x66b: {  	[hbm4b:s30+s3] =	stream.linear.scatter [tilespmem:s10], [sflag:$0x4], $0x8000, $0x38;
	[tilespmem:$0x19000] =	vst v63  }
0x66c: {  	_ =	swait.ge [sflag:s22], $0x8000  }
0x66d: {  	s31 =	sld [smem:$0x7FC]  }
0x66e: {  	[sflag:s22] =	ssyncset.done $0x0  }
0x66f: {  	s5 =	simm.s32 $0x9000;
	[sflag:s22] =	ssyncadd.s32 $0xFFFF8000  }
0x670: {  	[hbm4b:s31+s3] =	stream.linear.scatter [tilespmem:s5], [sflag:$0x5], $0x8000, $0x38;
	[tilespmem:$0x19000] =	vst v63  }
0x671: {  	_ =	swait.ge [sflag:s21], $0x8000  }
0x672: {  	[sflag:s21] =	ssyncset.done $0x0  }
0x673: {  	[sflag:s21] =	ssyncadd.s32 $0xFFFF8000  }
0x674: {  	p0 =	sne.s32 s9, $0x1;
	_ =	swait.ge [sflag:s23], $0x8000  }
.Ltmp0:
0x675: {  	[sflag:s23] =	ssyncset.done $0x0;
	(pc) =	sbr.rel @p0 .LBB2_1-.Ltmp0, $4  }
0x676: {  	[sflag:s23] =	ssyncadd.s32 $0xFFFF8000  }
0x677: {  	_ =	swait.ge [sflag:s25], $0x8000  }
0x678: {  	[sflag:s25] =	ssyncset.done $0x0  }
0x679: {  	s1 =	sadd.s32 $0xFFFFFFFF, s9;
	[sflag:s25] =	ssyncadd.s32 $0xFFFF8000  }
0x67a: {  	_ =	sfence.sel $0x180000  }
0x67b: {  	[bflag:$0x0] =	sbarrier.arrive $0xFFFF  }
0x67c: {  	_ =	strace $0x90000047  }
0x67d: {  	s0 =	stileid.u32;
	[bflag:$0x2] =	sbarrier.arrive $0xFFFF  }
0x67e: {  	p0 =	sne.s32 s0, $0x0;
	s0 =	rddreg [dreg:$0x3]  }
0x67f: {  	s0 =	sadd.s32 @!p0 $0x100000, s0  }
0x680: {  	[sflag:s0] =	ssyncadd.tile.s32 @!p0 $0x1;
	_ =	shalt  }
.Lfunc_end2:
_tile_overlayer_lowered:
.L_overlay_start_2:
0x681: {  	(tag) =	ssettag $0x2  }
0x682: {  	s0 =	rddreg [dreg:$0x0];
	s2 =	stileid.u32  }
0x683: {  	s1 =	rddreg [dreg:$0x1];
	p0 =	sne.s32 s2, $0x0  }
0x684: {  	s3 =	rddreg [dreg:$0x2];
	[bflag:$0x3] =	sbarrier.arrive $0xFFFF;
	s2 =	simm.s32 @!p0 $0x1C07  }
0x685: {  	[timem:s3], [sflag:s2] =	dma.local @!p0 [hbm:s0], s1  }
0x686: {  	s0 =	simm.s32 @!p0 $0x7  }
0x687: {  	_ =	swait.ge @!p0 [sflag:s0], s1  }
0x688: {  	s1 =	ssub.s32 @!p0 $0x0, s1;
	[sflag:s0] =	ssyncset.done @!p0 $0x0  }
0x689: {  	[sflag:s0] =	ssyncadd.s32 @!p0 s1  }
0x68a: {  	[bflag:$0x3] =	sbarrier.arrive $0xFFFF  }
0x68b: {  	_ =	shalt  }

</sc_bundles>
